<compile_context>
chip_gen: v7x
topology: tpu7x:2x2x1
jax: 0.10.2.dev20260603
libtpu: 0.0.44.dev20260713+nightly
codegen_flags: <defaults>
</compile_context>

<pallas_src>
import functools

import jax
import jax.numpy as jnp
from jax import lax
from jax.experimental import pallas as pl
from jax.experimental.pallas import tpu as pltpu
from jax.experimental.pallas import tpu_sc as plsc

B = 32
T = 512
N = 128
H = 256
C = 27
STEPS = 64


def _sc_gather(table, idx):
    info = plsc.get_sparse_core_info()
    nw = info.num_cores * info.num_subcores
    total = idx.shape[0]
    per_w = total // nw
    chunk = 256
    n_chunks = per_w // chunk
    h = table.shape[1]
    mesh = plsc.VectorSubcoreMesh(core_axis_name="c", subcore_axis_name="s")

    @functools.partial(
        pl.kernel,
        mesh=mesh,
        out_type=jax.ShapeDtypeStruct((total, h), jnp.float32),
        scratch_types=[
            pltpu.VMEM((chunk,), jnp.int32),
            pltpu.VMEM((chunk, h), jnp.float32),
            pltpu.SemaphoreType.DMA,
        ],
    )
    def k(table_hbm, idx_hbm, out_hbm, idx_v, rows_v, sem):
        wid = lax.axis_index("s") * info.num_cores + lax.axis_index("c")
        base = wid * per_w

        def body(i, carry):
            off = base + i * chunk
            pltpu.sync_copy(idx_hbm.at[pl.ds(off, chunk)], idx_v)
            pltpu.async_copy(table_hbm.at[idx_v], rows_v, sem).wait()
            pltpu.sync_copy(rows_v, out_hbm.at[pl.ds(off, chunk)])
            return carry

        lax.fori_loop(0, n_chunks, body, 0)

    return k(table, idx)


def _dot(a, b):
    return jnp.dot(a, b, preferred_element_type=jnp.float32)


def _bdot(a, b):
    return jnp.dot(a.astype(jnp.bfloat16), b.astype(jnp.bfloat16),
                   preferred_element_type=jnp.float32)


def _fused_body(msl_ref, te_ref, st_ref, en_ref, sl_ref, exr_ref,
                ti_ref, fi_ref, wit_ref, bh_ref,
                wht_ref, wbt1_ref, bb_ref, wot_ref, bo_ref, out_ref):
    bf16 = jnp.bfloat16
    BN = B * N

    post = lax.broadcasted_iota(jnp.int32, (T, N), 0)
    witb = wit_ref[...].astype(bf16)
    xparts = []
    for b in range(B):
        s_row = st_ref[b]
        e_row = en_ref[b]
        maskt = jnp.where((post >= s_row) & (post <= e_row),
                          1.0, 0.0).astype(bf16)
        cnt = jnp.maximum(e_row - s_row + 1, 1).astype(jnp.float32)
        node_t = lax.dot_general(
            te_ref[b].astype(bf16), maskt, (((0,), (0,)), ((), ())),
            preferred_element_type=jnp.float32,
        ) / cnt
        xparts.append(
            jnp.dot(witb, node_t.astype(bf16),
                    preferred_element_type=jnp.float32))
    x_int = jnp.concatenate(xparts, axis=1) + bh_ref[...]
    sl_row = sl_ref[...]
    wht = wht_ref[...].astype(bf16)
    wbt1 = wbt1_ref[...].astype(bf16)
    bb = bb_ref[...]

    lanes = lax.broadcasted_iota(jnp.int32, (N, N), 1)
    subl = lax.broadcasted_iota(jnp.int32, (N, N), 0)
    ident = jnp.where(lanes == subl, 1.0, 0.0)
    ohts = [jnp.where(lanes == ti_ref[b], 1.0, 0.0) for b in range(B)]
    ohfs = [jnp.where(lanes == fi_ref[b], 1.0, 0.0) for b in range(B)]

    lane_mod = lax.broadcasted_iota(jnp.int32, (1, BN), 1) % N
    p0 = jnp.where(lane_mod == 0, 1.0, 0.0)
    h0 = jnp.zeros((H, BN), bf16)
    ones_row = jnp.ones((1, BN), jnp.float32)

    def step(t, carry):
        p, htb = carry
        ht_new = jnp.tanh(x_int + jnp.dot(
            wht, htb, preferred_element_type=jnp.float32))
        ht1b = jnp.concatenate([ht_new, ones_row], axis=0).astype(bf16)
        lgt = jnp.dot(wbt1, ht1b, preferred_element_type=jnp.float32) + bb
        mx = jnp.max(lgt, axis=0, keepdims=True)
        elg = jnp.exp(lgt - mx)
        den = jnp.sum(elg, axis=0, keepdims=True)
        pt = p * (elg[0:1, :] / den)
        pf = p * (elg[1:2, :] / den)
        parts = []
        for b in range(B):
            s = slice(b * N, (b + 1) * N)
            ptc = jnp.sum(ident * pt[:, s], axis=1, keepdims=True)
            pfc = jnp.sum(ident * pf[:, s], axis=1, keepdims=True)
            m = (ohts[b] * ptc + ohfs[b] * pfc).astype(bf16)
            parts.append(jnp.dot(ht1b[:, s], m,
                                 preferred_element_type=jnp.float32))
        r = jnp.concatenate(parts, axis=1)
        p_next = r[H:H + 1, :]
        h_next = r[0:H, :] / jnp.maximum(p_next, 1e-6)
        act = t < sl_row
        p = jnp.where(act, p_next, p)
        htb = jnp.where(act, h_next.astype(bf16), htb)
        return (p, htb)

    msl = msl_ref[0]
    p, htb = lax.fori_loop(0, msl, step, (p0, h0))

    hx = htb.astype(jnp.float32) * exr_ref[...]
    cols = [jnp.sum(hx[:, b * N:(b + 1) * N], axis=1, keepdims=True)
            for b in range(B)]
    hsel = jnp.concatenate(cols, axis=1)
    out_ref[...] = _dot(wot_ref[...], hsel) + bo_ref[...]


def _tc_main(tok_emb, starts, ends, tidx, fidx, step_limit, exit_index,
             w_in, w_h, b_h, w_branch, b_branch, w_out, b_out):
    row = lambda a: a.reshape(B, 1, N)
    BN = B * N

    sl_row = jnp.repeat(step_limit, N).reshape(1, BN)
    exr = (jnp.arange(N, dtype=jnp.int32)[None, :]
           == exit_index[:, None]).astype(jnp.float32).reshape(1, BN)
    msl = jnp.max(step_limit).reshape(1)

    grid_spec = pltpu.PrefetchScalarGridSpec(
        num_scalar_prefetch=1,
        grid=(1,),
        in_specs=[
            pl.BlockSpec((B, T, H), lambda g, msl_r: (0, 0, 0)),
            pl.BlockSpec((B, 1, N), lambda g, msl_r: (0, 0, 0)),
            pl.BlockSpec((B, 1, N), lambda g, msl_r: (0, 0, 0)),
            pl.BlockSpec((1, BN), lambda g, msl_r: (0, 0)),
            pl.BlockSpec((1, BN), lambda g, msl_r: (0, 0)),
            pl.BlockSpec((B, N, 1), lambda g, msl_r: (0, 0, 0)),
            pl.BlockSpec((B, N, 1), lambda g, msl_r: (0, 0, 0)),
            pl.BlockSpec((H, H), lambda g, msl_r: (0, 0)),
            pl.BlockSpec((H, 1), lambda g, msl_r: (0, 0)),
            pl.BlockSpec((H, H), lambda g, msl_r: (0, 0)),
            pl.BlockSpec((2, H + 1), lambda g, msl_r: (0, 0)),
            pl.BlockSpec((2, 1), lambda g, msl_r: (0, 0)),
            pl.BlockSpec((C, H), lambda g, msl_r: (0, 0)),
            pl.BlockSpec((C, 1), lambda g, msl_r: (0, 0)),
        ],
        out_specs=pl.BlockSpec((C, B), lambda g, msl_r: (0, 0)),
    )
    out = pl.pallas_call(
        _fused_body,
        grid_spec=grid_spec,
        out_shape=jax.ShapeDtypeStruct((C, B), jnp.float32),
    )(
        msl, tok_emb, row(starts), row(ends), sl_row, exr,
        tidx.reshape(B, N, 1), fidx.reshape(B, N, 1),
        w_in.T, b_h.reshape(H, 1),
        w_h.T,
        jnp.concatenate([w_branch.T, jnp.zeros((2, 1), jnp.float32)], axis=1),
        b_branch.reshape(2, 1),
        w_out.T, b_out.reshape(C, 1),
    )
    return out.T


def kernel(tokens, node_token_span_starts, node_token_span_ends,
           edge_sources, edge_dests, edge_types, true_branch_nodes,
           false_branch_nodes, exit_index, step_limit, embed, W_in, W_h,
           b_h, W_branch, b_branch, W_out, b_out):
    i32 = jnp.int32
    tokens = tokens.astype(i32)
    tok_emb = _sc_gather(embed, tokens.reshape(-1)).reshape(B, T, H)
    return _tc_main(
        tok_emb,
        node_token_span_starts.astype(i32),
        node_token_span_ends.astype(i32),
        true_branch_nodes.astype(i32),
        false_branch_nodes.astype(i32),
        step_limit.astype(i32),
        exit_index.astype(i32),
        W_in, W_h, b_h, W_branch, b_branch, W_out, b_out,
    )

# --- scband reference (transcript-rebuilt; emitter-appended) ---
"""Pipeline reference for scband-ipagnn-32942399160671 (READ-ONLY COPY).

The authoritative reference and input builder live on the scoring server;
editing this copy changes nothing except your own understanding.
"""

import jax, jax.numpy as jnp
import numpy as np

B = 32; T = 512; N = 128; E = 256; STEPS = 64; H = 256; V = 30000; C = 27

def setup_inputs(seed: int = 0):
    key = jax.random.key(seed)
    ks = jax.random.split(key, 18)
    inp = {}
    inp['tokens'] = jax.random.randint(ks[0], (B, T), 0, V)
    inp['node_token_span_starts'] = jax.random.randint(ks[1], (B, N), 0, T)
    inp['node_token_span_ends'] = jax.random.randint(ks[2], (B, N), 0, T)
    inp['edge_sources'] = jax.random.randint(ks[3], (B, E), 0, N)
    inp['edge_dests'] = jax.random.randint(ks[4], (B, E), 0, N)
    inp['edge_types'] = jax.random.randint(ks[5], (B, E), 0, 6)
    inp['true_branch_nodes'] = jax.random.randint(ks[6], (B, N), 0, N)
    inp['false_branch_nodes'] = jax.random.randint(ks[7], (B, N), 0, N)
    inp['exit_index'] = jax.random.randint(ks[8], (B,), 0, N)
    inp['step_limit'] = jax.random.randint(ks[9], (B,), 1, STEPS + 1)
    inp['embed'] = jax.random.normal(ks[10], (V, H), dtype=jnp.float32) * 0.02
    inp['W_in'] = jax.random.normal(ks[11], (H, H), dtype=jnp.float32) * 0.05
    inp['W_h'] = jax.random.normal(ks[12], (H, H), dtype=jnp.float32) * 0.05
    inp['b_h'] = jnp.zeros((H,), dtype=jnp.float32)
    inp['W_branch'] = jax.random.normal(ks[13], (H, 2), dtype=jnp.float32) * 0.05
    inp['b_branch'] = jnp.zeros((2,), dtype=jnp.float32)
    inp['W_out'] = jax.random.normal(ks[14], (H, C), dtype=jnp.float32) * 0.05
    inp['b_out'] = jnp.zeros((C,), dtype=jnp.float32)
    return inp

def _forward(tokens, starts, ends, true_idx, false_idx, exit_index, step_limit, embed, W_in, W_h, b_h, W_branch, b_branch, W_out, b_out):
    # NodeSpanEncoder: embed tokens, mean-pool each node's token span
    tok_emb = jnp.take(embed, tokens, axis=0)  # [B, T, H]
    pos = jnp.arange(T)
    mask = ((pos[None, None, :] >= starts[:, :, None]) & (pos[None, None, :] <= ends[:, :, None])).astype(jnp.float32)  # [B, N, T]
    counts = jnp.maximum(mask.sum(-1), 1.0)
    node_emb = jnp.einsum('bnt,bth->bnh', mask, tok_emb) / counts[..., None]

    # IPAGNNModule: soft instruction pointer execution over the CFG
    p0 = jnp.zeros((B, N), jnp.float32).at[:, 0].set(1.0)
    h0 = jnp.zeros((B, N, H), jnp.float32)

    def scat(pt, pf, it, ifx, hn):
        pn = jnp.zeros((N,), jnp.float32).at[it].add(pt).at[ifx].add(pf)
        hnum = jnp.zeros((N, H), jnp.float32).at[it].add(pt[:, None] * hn).at[ifx].add(pf[:, None] * hn)
        return pn, hnum

    def step(carry, t):
        p, h = carry
        h_new = jnp.tanh(node_emb @ W_in + h @ W_h + b_h)  # per-node RNN execute
        branch = jax.nn.softmax(h_new @ W_branch + b_branch, axis=-1)  # [B, N, 2]
        pt = p * branch[..., 0]
        pf = p * branch[..., 1]
        p_next, h_num = jax.vmap(scat)(pt, pf, true_idx, false_idx, h_new)
        h_next = h_num / jnp.maximum(p_next, 1e-6)[..., None]
        act = (t < step_limit).astype(jnp.float32)
        p = act[:, None] * p_next + (1.0 - act)[:, None] * p
        h = act[:, None, None] * h_next + (1.0 - act)[:, None, None] * h
        return (p, h), None

    (p, h), _ = jax.lax.scan(step, (p0, h0), jnp.arange(STEPS))
    bidx = jnp.arange(B)
    exit_node_embeddings = h[bidx, exit_index]  # [B, H]
    logits = exit_node_embeddings @ W_out + b_out  # [B, C]
    # NOTE: the original code's `logits.at[:, NO_DATA].set(-inf)` discards the
    # returned array (a no-op in JAX), so the faithful translation returns logits as-is.
    return logits

def reference(tokens, node_token_span_starts, node_token_span_ends, edge_sources, edge_dests, edge_types, true_branch_nodes, false_branch_nodes, exit_index, step_limit, embed, W_in, W_h, b_h, W_branch, b_branch, W_out, b_out):
    return _forward(tokens, node_token_span_starts, node_token_span_ends, true_branch_nodes, false_branch_nodes, exit_index, step_limit, embed, W_in, W_h, b_h, W_branch, b_branch, W_out, b_out)

if __name__ == "__main__":
    import jax
    _d = setup_inputs()
    print(jax.jit(kernel)(*tuple(_d.values())))

</pallas_src>

<mosaic_0001>
#map = affine_map<(d0, d1) -> (0, 0)>
#map1 = affine_map<(d0, d1) -> (0)>
module attributes {stable_mosaic.version = 14 : i64} {
  func.func @k(%arg0: i32, %arg1: i32, %arg2: memref<30000x256xf32, #tpu.memory_space<hbm>>, %arg3: memref<16384xi32, #tpu.memory_space<hbm>>, %arg4: memref<16384x256xf32, #tpu.memory_space<hbm>>, %arg5: memref<256xi32, #tpu.memory_space<vmem>>, %arg6: memref<256x256xf32, #tpu.memory_space<vmem>>, %arg7: memref<!tpu.dma_semaphore, #tpu.memory_space<semaphore_mem>>) attributes {dimension_semantics = [#tpu.dimension_semantics<core_parallel>, #tpu.dimension_semantics<subcore_parallel>], iteration_bounds = array<i64: 2, 16>, scalar_prefetch = 0 : i64, scratch_operands = 3 : i64, tpu.core_type = #tpu.core_type<sc_vector_subcore>, window_params = [{transform_indices = #map}, {transform_indices = #map1}, {transform_indices = #map}]} {
    %mul3A = arith.constant 2 : i32
    %mul3A_0 = arith.muli %arg1, %mul3A : i32
    %add3A = arith.addi %mul3A_0, %arg0 : i32
    %mul3A_1 = arith.constant 512 : i32
    %mul3A_2 = arith.muli %add3A, %mul3A_1 : i32
    %scan3A = arith.constant 0 : i32
    %scan3A_3 = arith.constant 0 : i32
    %scan3A_4 = arith.constant 2 : i32
    %scan3A_5 = arith.addi %scan3A_3, %scan3A_4 : i32
    %scan3A_6 = arith.constant 1 : i32
    scf.for %scan3A_8 = %scan3A_3 to %scan3A_5 step %scan3A_6  : i32 {
      %mul3A_9 = arith.constant 256 : i32
      %mul3A_10 = arith.muli %scan3A_8, %mul3A_9 : i32
      %add3A_11 = arith.addi %mul3A_2, %mul3A_10 : i32
      "tpu.region"() ({
        %run_scoped3A = tpu.sem_alloc : memref<!tpu.dma_semaphore, #tpu.memory_space<semaphore_mem>>
        %dma_start3A_16 = tpu.memref_slice %arg3[%add3A_11] : memref<16384xi32, #tpu.memory_space<hbm>> -> memref<256xi32, #tpu.memory_space<hbm>>
        %dma_start3A_17 = tpu.memref_slice %arg3[%add3A_11] : memref<16384xi32, #tpu.memory_space<hbm>> -> memref<256xi32, #tpu.memory_space<hbm>>
        tpu.enqueue_dma source(%dma_start3A_17 : memref<256xi32, #tpu.memory_space<hbm>>) target(%arg5 : memref<256xi32, #tpu.memory_space<vmem>>) target_semaphore(%run_scoped3A : memref<!tpu.dma_semaphore, #tpu.memory_space<semaphore_mem>>)
        %dma_wait3A_18 = tpu.memref_slice %arg3[%add3A_11] : memref<16384xi32, #tpu.memory_space<hbm>> -> memref<256xi32, #tpu.memory_space<hbm>>
        %dma_wait3A_19 = tpu.memref_slice %arg3[%add3A_11] : memref<16384xi32, #tpu.memory_space<hbm>> -> memref<256xi32, #tpu.memory_space<hbm>>
        tpu.wait_dma2 semaphore(%run_scoped3A : memref<!tpu.dma_semaphore, #tpu.memory_space<semaphore_mem>>) src(%dma_wait3A_19 : memref<256xi32, #tpu.memory_space<hbm>>) dst(%arg5 : memref<256xi32, #tpu.memory_space<vmem>>)
        tpu.yield
      }) : () -> ()
      %dma_start3A = arith.constant 0 : i32
      %dma_start3A_12 = arith.constant 0 : i32
      %dma_start3A_13 = tpu.memref_slice %arg2[%dma_start3A, %dma_start3A_12] : memref<30000x256xf32, #tpu.memory_space<hbm>> -> memref<30000x256xf32, #tpu.memory_space<hbm>>
      tpu.enqueue_indirect_dma source(%dma_start3A_13 : memref<30000x256xf32, #tpu.memory_space<hbm>>) target(%arg6 : memref<256x256xf32, #tpu.memory_space<vmem>>) offsets(%arg5 : memref<256xi32, #tpu.memory_space<vmem>>) semaphore(%arg7 : memref<!tpu.dma_semaphore, #tpu.memory_space<semaphore_mem>>)
      %dma_wait3A = arith.constant 0 : i32
      %dma_wait3A_14 = arith.constant 0 : i32
      %dma_wait3A_15 = tpu.memref_slice %arg2[%dma_wait3A, %dma_wait3A_14] : memref<30000x256xf32, #tpu.memory_space<hbm>> -> memref<30000x256xf32, #tpu.memory_space<hbm>>
      tpu.wait_indirect_dma semaphore(%arg7 : memref<!tpu.dma_semaphore, #tpu.memory_space<semaphore_mem>>) src(%dma_wait3A_15 : memref<30000x256xf32, #tpu.memory_space<hbm>>) dst(%arg6 : memref<256x256xf32, #tpu.memory_space<vmem>>)
      "tpu.region"() ({
        %run_scoped3A = tpu.sem_alloc : memref<!tpu.dma_semaphore, #tpu.memory_space<semaphore_mem>>
        %dma_start3A_16 = arith.constant 0 : i32
        %dma_start3A_17 = tpu.memref_slice %arg4[%add3A_11, %dma_start3A_16] : memref<16384x256xf32, #tpu.memory_space<hbm>> -> memref<256x256xf32, #tpu.memory_space<hbm>>
        %dma_start3A_18 = arith.constant 0 : i32
        %dma_start3A_19 = tpu.memref_slice %arg4[%add3A_11, %dma_start3A_18] : memref<16384x256xf32, #tpu.memory_space<hbm>> -> memref<256x256xf32, #tpu.memory_space<hbm>>
        tpu.enqueue_dma source(%arg6 : memref<256x256xf32, #tpu.memory_space<vmem>>) target(%dma_start3A_19 : memref<256x256xf32, #tpu.memory_space<hbm>>) target_semaphore(%run_scoped3A : memref<!tpu.dma_semaphore, #tpu.memory_space<semaphore_mem>>)
        %dma_wait3A_20 = arith.constant 0 : i32
        %dma_wait3A_21 = tpu.memref_slice %arg4[%add3A_11, %dma_wait3A_20] : memref<16384x256xf32, #tpu.memory_space<hbm>> -> memref<256x256xf32, #tpu.memory_space<hbm>>
        %dma_wait3A_22 = arith.constant 0 : i32
        %dma_wait3A_23 = tpu.memref_slice %arg4[%add3A_11, %dma_wait3A_22] : memref<16384x256xf32, #tpu.memory_space<hbm>> -> memref<256x256xf32, #tpu.memory_space<hbm>>
        tpu.wait_dma2 semaphore(%run_scoped3A : memref<!tpu.dma_semaphore, #tpu.memory_space<semaphore_mem>>) src(%arg6 : memref<256x256xf32, #tpu.memory_space<vmem>>) dst(%dma_wait3A_23 : memref<256x256xf32, #tpu.memory_space<hbm>>)
        tpu.yield
      }) : () -> ()
    }
    %scan3A_7 = arith.constant 2 : i32
    return
  }
}

module attributes {stable_mosaic.version = 14 : i64} {
  func.func @_fused_body(%arg0: i32, %arg1: memref<1xi32, #tpu.memory_space<smem>>, %arg2: memref<32x512x256xf32, #tpu.memory_space<vmem>>, %arg3: memref<32x1x128xi32, #tpu.memory_space<vmem>>, %arg4: memref<32x1x128xi32, #tpu.memory_space<vmem>>, %arg5: memref<1x4096xi32, #tpu.memory_space<vmem>>, %arg6: memref<1x4096xf32, #tpu.memory_space<vmem>>, %arg7: memref<32x128x1xi32, #tpu.memory_space<vmem>>, %arg8: memref<32x128x1xi32, #tpu.memory_space<vmem>>, %arg9: memref<256x256xf32, #tpu.memory_space<vmem>>, %arg10: memref<256x1xf32, #tpu.memory_space<vmem>>, %arg11: memref<256x256xf32, #tpu.memory_space<vmem>>, %arg12: memref<2x257xf32, #tpu.memory_space<vmem>>, %arg13: memref<2x1xf32, #tpu.memory_space<vmem>>, %arg14: memref<27x256xf32, #tpu.memory_space<vmem>>, %arg15: memref<27x1xf32, #tpu.memory_space<vmem>>, %arg16: memref<27x32xf32, #tpu.memory_space<vmem>>) attributes {dimension_semantics = [#tpu.dimension_semantics<arbitrary>], iteration_bounds = array<i64: 1>, scalar_prefetch = 1 : i64, scratch_operands = 0 : i64, tpu.core_type = #tpu.core_type<tc>, window_params = [{pipeline_mode = #tpu.pipeline_mode<synchronous>, transform_indices = @transform_0, window_bounds = array<i64: 32, 512, 256>}, {pipeline_mode = #tpu.pipeline_mode<synchronous>, transform_indices = @transform_1, window_bounds = array<i64: 32, 1, 128>}, {pipeline_mode = #tpu.pipeline_mode<synchronous>, transform_indices = @transform_2, window_bounds = array<i64: 32, 1, 128>}, {pipeline_mode = #tpu.pipeline_mode<synchronous>, transform_indices = @transform_3, window_bounds = array<i64: 1, 4096>}, {pipeline_mode = #tpu.pipeline_mode<synchronous>, transform_indices = @transform_4, window_bounds = array<i64: 1, 4096>}, {pipeline_mode = #tpu.pipeline_mode<synchronous>, transform_indices = @transform_5, window_bounds = array<i64: 32, 128, 1>}, {pipeline_mode = #tpu.pipeline_mode<synchronous>, transform_indices = @transform_6, window_bounds = array<i64: 32, 128, 1>}, {pipeline_mode = #tpu.pipeline_mode<synchronous>, transform_indices = @transform_7, window_bounds = array<i64: 256, 256>}, {pipeline_mode = #tpu.pipeline_mode<synchronous>, transform_indices = @transform_8, window_bounds = array<i64: 256, 1>}, {pipeline_mode = #tpu.pipeline_mode<synchronous>, transform_indices = @transform_9, window_bounds = array<i64: 256, 256>}, {pipeline_mode = #tpu.pipeline_mode<synchronous>, transform_indices = @transform_10, window_bounds = array<i64: 2, 257>}, {pipeline_mode = #tpu.pipeline_mode<synchronous>, transform_indices = @transform_11, window_bounds = array<i64: 2, 1>}, {pipeline_mode = #tpu.pipeline_mode<synchronous>, transform_indices = @transform_12, window_bounds = array<i64: 27, 256>}, {pipeline_mode = #tpu.pipeline_mode<synchronous>, transform_indices = @transform_13, window_bounds = array<i64: 27, 1>}, {pipeline_mode = #tpu.pipeline_mode<synchronous>, transform_indices = @transform_14, window_bounds = array<i64: 27, 32>}]} {
    %iota3A = tpu.iota {dimensions = array<i32: 0>} : vector<512x128xi32>
    %get3A = arith.constant 0 : index
    %get3A_0 = arith.constant 0 : index
    %get3A_1 = vector.load %arg9[%get3A, %get3A_0] : memref<256x256xf32, #tpu.memory_space<vmem>>, vector<256x256xf32>
    %convert_element_type3A = arith.truncf %get3A_1 : vector<256x256xf32> to vector<256x256xbf16>
    %get3A_2 = arith.constant 0 : index
    %get3A_3 = arith.constant 0 : index
    %get3A_4 = arith.constant 0 : index
    %get3A_5 = vector.load %arg3[%get3A_2, %get3A_3, %get3A_4] : memref<32x1x128xi32, #tpu.memory_space<vmem>>, vector<1x1x128xi32>
    %get3A_6 = vector.shape_cast %get3A_5 : vector<1x1x128xi32> to vector<1x128xi32>
    %get3A_7 = arith.constant 0 : index
    %get3A_8 = arith.constant 0 : index
    %get3A_9 = arith.constant 0 : index
    %get3A_10 = vector.load %arg4[%get3A_7, %get3A_8, %get3A_9] : memref<32x1x128xi32, #tpu.memory_space<vmem>>, vector<1x1x128xi32>
    %get3A_11 = vector.shape_cast %get3A_10 : vector<1x1x128xi32> to vector<1x128xi32>
    %ge3A = vector.broadcast %get3A_6 : vector<1x128xi32> to vector<512x128xi32>
    %ge3A_12 = arith.cmpi sge, %iota3A, %ge3A : vector<512x128xi32>
    %le3A = vector.broadcast %get3A_11 : vector<1x128xi32> to vector<512x128xi32>
    %le3A_13 = arith.cmpi sle, %iota3A, %le3A : vector<512x128xi32>
    %and3A = arith.andi %ge3A_12, %le3A_13 : vector<512x128xi1>
    %jit3A = arith.constant 1.000000e+00 : f32
    %jit3A_14 = arith.constant 0.000000e+00 : f32
    %broadcast_in_dim3A = vector.broadcast %jit3A : f32 to vector<512x128xf32>
    %broadcast_in_dim3A_15 = vector.broadcast %jit3A_14 : f32 to vector<512x128xf32>
    %select_n3A = arith.select %and3A, %broadcast_in_dim3A, %broadcast_in_dim3A_15 : vector<512x128xi1>, vector<512x128xf32>
    %convert_element_type3A_16 = arith.truncf %select_n3A : vector<512x128xf32> to vector<512x128xbf16>
    %sub3A = arith.subi %get3A_11, %get3A_6 : vector<1x128xi32>
    %add3A = arith.constant 1 : i32
    %add3A_17 = vector.broadcast %add3A : i32 to vector<1x128xi32>
    %add3A_18 = arith.addi %sub3A, %add3A_17 : vector<1x128xi32>
    %max3A = arith.constant 1 : i32
    %max3A_19 = vector.broadcast %max3A : i32 to vector<1x128xi32>
    %max3A_20 = arith.maxsi %add3A_18, %max3A_19 : vector<1x128xi32>
    %convert_element_type3A_21 = arith.sitofp %max3A_20 : vector<1x128xi32> to vector<1x128xf32>
    %get3A_22 = arith.constant 0 : index
    %get3A_23 = arith.constant 0 : index
    %get3A_24 = arith.constant 0 : index
    %get3A_25 = vector.load %arg2[%get3A_22, %get3A_23, %get3A_24] : memref<32x512x256xf32, #tpu.memory_space<vmem>>, vector<1x512x256xf32>
    %get3A_26 = vector.shape_cast %get3A_25 : vector<1x512x256xf32> to vector<512x256xf32>
    %convert_element_type3A_27 = arith.truncf %get3A_26 : vector<512x256xf32> to vector<512x256xbf16>
    %dot_general3A = arith.constant dense<0.000000e+00> : vector<256x128xf32>
    %dot_general3A_28 = tpu.matmul %convert_element_type3A_27, %convert_element_type3A_16, %dot_general3A {dimension_numbers = #tpu.dot_dimension_numbers<[0], [0], [1], [1], [0, 1, 1, 1], [], []>, transpose_lhs_hint = false} : vector<512x256xbf16>, vector<512x128xbf16>, vector<256x128xf32> -> vector<256x128xf32>
    %div3A = vector.broadcast %convert_element_type3A_21 : vector<1x128xf32> to vector<256x128xf32>
    %div3A_29 = arith.divf %dot_general3A_28, %div3A : vector<256x128xf32>
    %convert_element_type3A_30 = arith.truncf %div3A_29 : vector<256x128xf32> to vector<256x128xbf16>
    %dot_general3A_31 = arith.constant dense<0.000000e+00> : vector<256x128xf32>
    %dot_general3A_32 = tpu.matmul %convert_element_type3A, %convert_element_type3A_30, %dot_general3A_31 {dimension_numbers = #tpu.dot_dimension_numbers<[1], [0], [0], [1], [0, 0, 1, 1], [], []>, transpose_lhs_hint = false} : vector<256x256xbf16>, vector<256x128xbf16>, vector<256x128xf32> -> vector<256x128xf32>
    %get3A_33 = arith.constant 1 : index
    %get3A_34 = arith.constant 0 : index
    %get3A_35 = arith.constant 0 : index
    %get3A_36 = vector.load %arg3[%get3A_33, %get3A_34, %get3A_35] : memref<32x1x128xi32, #tpu.memory_space<vmem>>, vector<1x1x128xi32>
    %get3A_37 = vector.shape_cast %get3A_36 : vector<1x1x128xi32> to vector<1x128xi32>
    %get3A_38 = arith.constant 1 : index
    %get3A_39 = arith.constant 0 : index
    %get3A_40 = arith.constant 0 : index
    %get3A_41 = vector.load %arg4[%get3A_38, %get3A_39, %get3A_40] : memref<32x1x128xi32, #tpu.memory_space<vmem>>, vector<1x1x128xi32>
    %get3A_42 = vector.shape_cast %get3A_41 : vector<1x1x128xi32> to vector<1x128xi32>
    %ge3A_43 = vector.broadcast %get3A_37 : vector<1x128xi32> to vector<512x128xi32>
    %ge3A_44 = arith.cmpi sge, %iota3A, %ge3A_43 : vector<512x128xi32>
    %le3A_45 = vector.broadcast %get3A_42 : vector<1x128xi32> to vector<512x128xi32>
    %le3A_46 = arith.cmpi sle, %iota3A, %le3A_45 : vector<512x128xi32>
    %and3A_47 = arith.andi %ge3A_44, %le3A_46 : vector<512x128xi1>
    %jit3A_48 = arith.constant 1.000000e+00 : f32
    %jit3A_49 = arith.constant 0.000000e+00 : f32
    %broadcast_in_dim3A_50 = vector.broadcast %jit3A_48 : f32 to vector<512x128xf32>
    %broadcast_in_dim3A_51 = vector.broadcast %jit3A_49 : f32 to vector<512x128xf32>
    %select_n3A_52 = arith.select %and3A_47, %broadcast_in_dim3A_50, %broadcast_in_dim3A_51 : vector<512x128xi1>, vector<512x128xf32>
    %convert_element_type3A_53 = arith.truncf %select_n3A_52 : vector<512x128xf32> to vector<512x128xbf16>
    %sub3A_54 = arith.subi %get3A_42, %get3A_37 : vector<1x128xi32>
    %add3A_55 = arith.constant 1 : i32
    %add3A_56 = vector.broadcast %add3A_55 : i32 to vector<1x128xi32>
    %add3A_57 = arith.addi %sub3A_54, %add3A_56 : vector<1x128xi32>
    %max3A_58 = arith.constant 1 : i32
    %max3A_59 = vector.broadcast %max3A_58 : i32 to vector<1x128xi32>
    %max3A_60 = arith.maxsi %add3A_57, %max3A_59 : vector<1x128xi32>
    %convert_element_type3A_61 = arith.sitofp %max3A_60 : vector<1x128xi32> to vector<1x128xf32>
    %get3A_62 = arith.constant 1 : index
    %get3A_63 = arith.constant 0 : index
    %get3A_64 = arith.constant 0 : index
    %get3A_65 = vector.load %arg2[%get3A_62, %get3A_63, %get3A_64] : memref<32x512x256xf32, #tpu.memory_space<vmem>>, vector<1x512x256xf32>
    %get3A_66 = vector.shape_cast %get3A_65 : vector<1x512x256xf32> to vector<512x256xf32>
    %convert_element_type3A_67 = arith.truncf %get3A_66 : vector<512x256xf32> to vector<512x256xbf16>
    %dot_general3A_68 = arith.constant dense<0.000000e+00> : vector<256x128xf32>
    %dot_general3A_69 = tpu.matmul %convert_element_type3A_67, %convert_element_type3A_53, %dot_general3A_68 {dimension_numbers = #tpu.dot_dimension_numbers<[0], [0], [1], [1], [0, 1, 1, 1], [], []>, transpose_lhs_hint = false} : vector<512x256xbf16>, vector<512x128xbf16>, vector<256x128xf32> -> vector<256x128xf32>
    %div3A_70 = vector.broadcast %convert_element_type3A_61 : vector<1x128xf32> to vector<256x128xf32>
    %div3A_71 = arith.divf %dot_general3A_69, %div3A_70 : vector<256x128xf32>
    %convert_element_type3A_72 = arith.truncf %div3A_71 : vector<256x128xf32> to vector<256x128xbf16>
    %dot_general3A_73 = arith.constant dense<0.000000e+00> : vector<256x128xf32>
    %dot_general3A_74 = tpu.matmul %convert_element_type3A, %convert_element_type3A_72, %dot_general3A_73 {dimension_numbers = #tpu.dot_dimension_numbers<[1], [0], [0], [1], [0, 0, 1, 1], [], []>, transpose_lhs_hint = false} : vector<256x256xbf16>, vector<256x128xbf16>, vector<256x128xf32> -> vector<256x128xf32>
    %get3A_75 = arith.constant 2 : index
    %get3A_76 = arith.constant 0 : index
    %get3A_77 = arith.constant 0 : index
    %get3A_78 = vector.load %arg3[%get3A_75, %get3A_76, %get3A_77] : memref<32x1x128xi32, #tpu.memory_space<vmem>>, vector<1x1x128xi32>
    %get3A_79 = vector.shape_cast %get3A_78 : vector<1x1x128xi32> to vector<1x128xi32>
    %get3A_80 = arith.constant 2 : index
    %get3A_81 = arith.constant 0 : index
    %get3A_82 = arith.constant 0 : index
    %get3A_83 = vector.load %arg4[%get3A_80, %get3A_81, %get3A_82] : memref<32x1x128xi32, #tpu.memory_space<vmem>>, vector<1x1x128xi32>
    %get3A_84 = vector.shape_cast %get3A_83 : vector<1x1x128xi32> to vector<1x128xi32>
    %ge3A_85 = vector.broadcast %get3A_79 : vector<1x128xi32> to vector<512x128xi32>
    %ge3A_86 = arith.cmpi sge, %iota3A, %ge3A_85 : vector<512x128xi32>
    %le3A_87 = vector.broadcast %get3A_84 : vector<1x128xi32> to vector<512x128xi32>
    %le3A_88 = arith.cmpi sle, %iota3A, %le3A_87 : vector<512x128xi32>
    %and3A_89 = arith.andi %ge3A_86, %le3A_88 : vector<512x128xi1>
    %jit3A_90 = arith.constant 1.000000e+00 : f32
    %jit3A_91 = arith.constant 0.000000e+00 : f32
    %broadcast_in_dim3A_92 = vector.broadcast %jit3A_90 : f32 to vector<512x128xf32>
    %broadcast_in_dim3A_93 = vector.broadcast %jit3A_91 : f32 to vector<512x128xf32>
    %select_n3A_94 = arith.select %and3A_89, %broadcast_in_dim3A_92, %broadcast_in_dim3A_93 : vector<512x128xi1>, vector<512x128xf32>
    %convert_element_type3A_95 = arith.truncf %select_n3A_94 : vector<512x128xf32> to vector<512x128xbf16>
    %sub3A_96 = arith.subi %get3A_84, %get3A_79 : vector<1x128xi32>
    %add3A_97 = arith.constant 1 : i32
    %add3A_98 = vector.broadcast %add3A_97 : i32 to vector<1x128xi32>
    %add3A_99 = arith.addi %sub3A_96, %add3A_98 : vector<1x128xi32>
    %max3A_100 = arith.constant 1 : i32
    %max3A_101 = vector.broadcast %max3A_100 : i32 to vector<1x128xi32>
    %max3A_102 = arith.maxsi %add3A_99, %max3A_101 : vector<1x128xi32>
    %convert_element_type3A_103 = arith.sitofp %max3A_102 : vector<1x128xi32> to vector<1x128xf32>
    %get3A_104 = arith.constant 2 : index
    %get3A_105 = arith.constant 0 : index
    %get3A_106 = arith.constant 0 : index
    %get3A_107 = vector.load %arg2[%get3A_104, %get3A_105, %get3A_106] : memref<32x512x256xf32, #tpu.memory_space<vmem>>, vector<1x512x256xf32>
    %get3A_108 = vector.shape_cast %get3A_107 : vector<1x512x256xf32> to vector<512x256xf32>
    %convert_element_type3A_109 = arith.truncf %get3A_108 : vector<512x256xf32> to vector<512x256xbf16>
    %dot_general3A_110 = arith.constant dense<0.000000e+00> : vector<256x128xf32>
    %dot_general3A_111 = tpu.matmul %convert_element_type3A_109, %convert_element_type3A_95, %dot_general3A_110 {dimension_numbers = #tpu.dot_dimension_numbers<[0], [0], [1], [1], [0, 1, 1, 1], [], []>, transpose_lhs_hint = false} : vector<512x256xbf16>, vector<512x128xbf16>, vector<256x128xf32> -> vector<256x128xf32>
    %div3A_112 = vector.broadcast %convert_element_type3A_103 : vector<1x128xf32> to vector<256x128xf32>
    %div3A_113 = arith.divf %dot_general3A_111, %div3A_112 : vector<256x128xf32>
    %convert_element_type3A_114 = arith.truncf %div3A_113 : vector<256x128xf32> to vector<256x128xbf16>
    %dot_general3A_115 = arith.constant dense<0.000000e+00> : vector<256x128xf32>
    %dot_general3A_116 = tpu.matmul %convert_element_type3A, %convert_element_type3A_114, %dot_general3A_115 {dimension_numbers = #tpu.dot_dimension_numbers<[1], [0], [0], [1], [0, 0, 1, 1], [], []>, transpose_lhs_hint = false} : vector<256x256xbf16>, vector<256x128xbf16>, vector<256x128xf32> -> vector<256x128xf32>
    %get3A_117 = arith.constant 3 : index
    %get3A_118 = arith.constant 0 : index
    %get3A_119 = arith.constant 0 : index
    %get3A_120 = vector.load %arg3[%get3A_117, %get3A_118, %get3A_119] : memref<32x1x128xi32, #tpu.memory_space<vmem>>, vector<1x1x128xi32>
    %get3A_121 = vector.shape_cast %get3A_120 : vector<1x1x128xi32> to vector<1x128xi32>
    %get3A_122 = arith.constant 3 : index
    %get3A_123 = arith.constant 0 : index
    %get3A_124 = arith.constant 0 : index
    %get3A_125 = vector.load %arg4[%get3A_122, %get3A_123, %get3A_124] : memref<32x1x128xi32, #tpu.memory_space<vmem>>, vector<1x1x128xi32>
    %get3A_126 = vector.shape_cast %get3A_125 : vector<1x1x128xi32> to vector<1x128xi32>
    %ge3A_127 = vector.broadcast %get3A_121 : vector<1x128xi32> to vector<512x128xi32>
    %ge3A_128 = arith.cmpi sge, %iota3A, %ge3A_127 : vector<512x128xi32>
    %le3A_129 = vector.broadcast %get3A_126 : vector<1x128xi32> to vector<512x128xi32>
    %le3A_130 = arith.cmpi sle, %iota3A, %le3A_129 : vector<512x128xi32>
    %and3A_131 = arith.andi %ge3A_128, %le3A_130 : vector<512x128xi1>
    %jit3A_132 = arith.constant 1.000000e+00 : f32
    %jit3A_133 = arith.constant 0.000000e+00 : f32
    %broadcast_in_dim3A_134 = vector.broadcast %jit3A_132 : f32 to vector<512x128xf32>
    %broadcast_in_dim3A_135 = vector.broadcast %jit3A_133 : f32 to vector<512x128xf32>
    %select_n3A_136 = arith.select %and3A_131, %broadcast_in_dim3A_134, %broadcast_in_dim3A_135 : vector<512x128xi1>, vector<512x128xf32>
    %convert_element_type3A_137 = arith.truncf %select_n3A_136 : vector<512x128xf32> to vector<512x128xbf16>
    %sub3A_138 = arith.subi %get3A_126, %get3A_121 : vector<1x128xi32>
    %add3A_139 = arith.constant 1 : i32
    %add3A_140 = vector.broadcast %add3A_139 : i32 to vector<1x128xi32>
    %add3A_141 = arith.addi %sub3A_138, %add3A_140 : vector<1x128xi32>
    %max3A_142 = arith.constant 1 : i32
    %max3A_143 = vector.broadcast %max3A_142 : i32 to vector<1x128xi32>
    %max3A_144 = arith.maxsi %add3A_141, %max3A_143 : vector<1x128xi32>
    %convert_element_type3A_145 = arith.sitofp %max3A_144 : vector<1x128xi32> to vector<1x128xf32>
    %get3A_146 = arith.constant 3 : index
    %get3A_147 = arith.constant 0 : index
    %get3A_148 = arith.constant 0 : index
    %get3A_149 = vector.load %arg2[%get3A_146, %get3A_147, %get3A_148] : memref<32x512x256xf32, #tpu.memory_space<vmem>>, vector<1x512x256xf32>
    %get3A_150 = vector.shape_cast %get3A_149 : vector<1x512x256xf32> to vector<512x256xf32>
    %convert_element_type3A_151 = arith.truncf %get3A_150 : vector<512x256xf32> to vector<512x256xbf16>
    %dot_general3A_152 = arith.constant dense<0.000000e+00> : vector<256x128xf32>
    %dot_general3A_153 = tpu.matmul %convert_element_type3A_151, %convert_element_type3A_137, %dot_general3A_152 {dimension_numbers = #tpu.dot_dimension_numbers<[0], [0], [1], [1], [0, 1, 1, 1], [], []>, transpose_lhs_hint = false} : vector<512x256xbf16>, vector<512x128xbf16>, vector<256x128xf32> -> vector<256x128xf32>
    %div3A_154 = vector.broadcast %convert_element_type3A_145 : vector<1x128xf32> to vector<256x128xf32>
    %div3A_155 = arith.divf %dot_general3A_153, %div3A_154 : vector<256x128xf32>
    %convert_element_type3A_156 = arith.truncf %div3A_155 : vector<256x128xf32> to vector<256x128xbf16>
    %dot_general3A_157 = arith.constant dense<0.000000e+00> : vector<256x128xf32>
    %dot_general3A_158 = tpu.matmul %convert_element_type3A, %convert_element_type3A_156, %dot_general3A_157 {dimension_numbers = #tpu.dot_dimension_numbers<[1], [0], [0], [1], [0, 0, 1, 1], [], []>, transpose_lhs_hint = false} : vector<256x256xbf16>, vector<256x128xbf16>, vector<256x128xf32> -> vector<256x128xf32>
    %get3A_159 = arith.constant 4 : index
    %get3A_160 = arith.constant 0 : index
    %get3A_161 = arith.constant 0 : index
    %get3A_162 = vector.load %arg3[%get3A_159, %get3A_160, %get3A_161] : memref<32x1x128xi32, #tpu.memory_space<vmem>>, vector<1x1x128xi32>
    %get3A_163 = vector.shape_cast %get3A_162 : vector<1x1x128xi32> to vector<1x128xi32>
    %get3A_164 = arith.constant 4 : index
    %get3A_165 = arith.constant 0 : index
    %get3A_166 = arith.constant 0 : index
    %get3A_167 = vector.load %arg4[%get3A_164, %get3A_165, %get3A_166] : memref<32x1x128xi32, #tpu.memory_space<vmem>>, vector<1x1x128xi32>
    %get3A_168 = vector.shape_cast %get3A_167 : vector<1x1x128xi32> to vector<1x128xi32>
    %ge3A_169 = vector.broadcast %get3A_163 : vector<1x128xi32> to vector<512x128xi32>
    %ge3A_170 = arith.cmpi sge, %iota3A, %ge3A_169 : vector<512x128xi32>
    %le3A_171 = vector.broadcast %get3A_168 : vector<1x128xi32> to vector<512x128xi32>
    %le3A_172 = arith.cmpi sle, %iota3A, %le3A_171 : vector<512x128xi32>
    %and3A_173 = arith.andi %ge3A_170, %le3A_172 : vector<512x128xi1>
    %jit3A_174 = arith.constant 1.000000e+00 : f32
    %jit3A_175 = arith.constant 0.000000e+00 : f32
    %broadcast_in_dim3A_176 = vector.broadcast %jit3A_174 : f32 to vector<512x128xf32>
    %broadcast_in_dim3A_177 = vector.broadcast %jit3A_175 : f32 to vector<512x128xf32>
    %select_n3A_178 = arith.select %and3A_173, %broadcast_in_dim3A_176, %broadcast_in_dim3A_177 : vector<512x128xi1>, vector<512x128xf32>
    %convert_element_type3A_179 = arith.truncf %select_n3A_178 : vector<512x128xf32> to vector<512x128xbf16>
    %sub3A_180 = arith.subi %get3A_168, %get3A_163 : vector<1x128xi32>
    %add3A_181 = arith.constant 1 : i32
    %add3A_182 = vector.broadcast %add3A_181 : i32 to vector<1x128xi32>
    %add3A_183 = arith.addi %sub3A_180, %add3A_182 : vector<1x128xi32>
    %max3A_184 = arith.constant 1 : i32
    %max3A_185 = vector.broadcast %max3A_184 : i32 to vector<1x128xi32>
    %max3A_186 = arith.maxsi %add3A_183, %max3A_185 : vector<1x128xi32>
    %convert_element_type3A_187 = arith.sitofp %max3A_186 : vector<1x128xi32> to vector<1x128xf32>
    %get3A_188 = arith.constant 4 : index
    %get3A_189 = arith.constant 0 : index
    %get3A_190 = arith.constant 0 : index
    %get3A_191 = vector.load %arg2[%get3A_188, %get3A_189, %get3A_190] : memref<32x512x256xf32, #tpu.memory_space<vmem>>, vector<1x512x256xf32>
    %get3A_192 = vector.shape_cast %get3A_191 : vector<1x512x256xf32> to vector<512x256xf32>
    %convert_element_type3A_193 = arith.truncf %get3A_192 : vector<512x256xf32> to vector<512x256xbf16>
    %dot_general3A_194 = arith.constant dense<0.000000e+00> : vector<256x128xf32>
    %dot_general3A_195 = tpu.matmul %convert_element_type3A_193, %convert_element_type3A_179, %dot_general3A_194 {dimension_numbers = #tpu.dot_dimension_numbers<[0], [0], [1], [1], [0, 1, 1, 1], [], []>, transpose_lhs_hint = false} : vector<512x256xbf16>, vector<512x128xbf16>, vector<256x128xf32> -> vector<256x128xf32>
    %div3A_196 = vector.broadcast %convert_element_type3A_187 : vector<1x128xf32> to vector<256x128xf32>
    %div3A_197 = arith.divf %dot_general3A_195, %div3A_196 : vector<256x128xf32>
    %convert_element_type3A_198 = arith.truncf %div3A_197 : vector<256x128xf32> to vector<256x128xbf16>
    %dot_general3A_199 = arith.constant dense<0.000000e+00> : vector<256x128xf32>
    %dot_general3A_200 = tpu.matmul %convert_element_type3A, %convert_element_type3A_198, %dot_general3A_199 {dimension_numbers = #tpu.dot_dimension_numbers<[1], [0], [0], [1], [0, 0, 1, 1], [], []>, transpose_lhs_hint = false} : vector<256x256xbf16>, vector<256x128xbf16>, vector<256x128xf32> -> vector<256x128xf32>
    %get3A_201 = arith.constant 5 : index
    %get3A_202 = arith.constant 0 : index
    %get3A_203 = arith.constant 0 : index
    %get3A_204 = vector.load %arg3[%get3A_201, %get3A_202, %get3A_203] : memref<32x1x128xi32, #tpu.memory_space<vmem>>, vector<1x1x128xi32>
    %get3A_205 = vector.shape_cast %get3A_204 : vector<1x1x128xi32> to vector<1x128xi32>
    %get3A_206 = arith.constant 5 : index
    %get3A_207 = arith.constant 0 : index
    %get3A_208 = arith.constant 0 : index
    %get3A_209 = vector.load %arg4[%get3A_206, %get3A_207, %get3A_208] : memref<32x1x128xi32, #tpu.memory_space<vmem>>, vector<1x1x128xi32>
    %get3A_210 = vector.shape_cast %get3A_209 : vector<1x1x128xi32> to vector<1x128xi32>
    %ge3A_211 = vector.broadcast %get3A_205 : vector<1x128xi32> to vector<512x128xi32>
    %ge3A_212 = arith.cmpi sge, %iota3A, %ge3A_211 : vector<512x128xi32>
    %le3A_213 = vector.broadcast %get3A_210 : vector<1x128xi32> to vector<512x128xi32>
    %le3A_214 = arith.cmpi sle, %iota3A, %le3A_213 : vector<512x128xi32>
    %and3A_215 = arith.andi %ge3A_212, %le3A_214 : vector<512x128xi1>
    %jit3A_216 = arith.constant 1.000000e+00 : f32
    %jit3A_217 = arith.constant 0.000000e+00 : f32
    %broadcast_in_dim3A_218 = vector.broadcast %jit3A_216 : f32 to vector<512x128xf32>
    %broadcast_in_dim3A_219 = vector.broadcast %jit3A_217 : f32 to vector<512x128xf32>
    %select_n3A_220 = arith.select %and3A_215, %broadcast_in_dim3A_218, %broadcast_in_dim3A_219 : vector<512x128xi1>, vector<512x128xf32>
    %convert_element_type3A_221 = arith.truncf %select_n3A_220 : vector<512x128xf32> to vector<512x128xbf16>
    %sub3A_222 = arith.subi %get3A_210, %get3A_205 : vector<1x128xi32>
    %add3A_223 = arith.constant 1 : i32
    %add3A_224 = vector.broadcast %add3A_223 : i32 to vector<1x128xi32>
    %add3A_225 = arith.addi %sub3A_222, %add3A_224 : vector<1x128xi32>
    %max3A_226 = arith.constant 1 : i32
    %max3A_227 = vector.broadcast %max3A_226 : i32 to vector<1x128xi32>
    %max3A_228 = arith.maxsi %add3A_225, %max3A_227 : vector<1x128xi32>
    %convert_element_type3A_229 = arith.sitofp %max3A_228 : vector<1x128xi32> to vector<1x128xf32>
    %get3A_230 = arith.constant 5 : index
    %get3A_231 = arith.constant 0 : index
    %get3A_232 = arith.constant 0 : index
    %get3A_233 = vector.load %arg2[%get3A_230, %get3A_231, %get3A_232] : memref<32x512x256xf32, #tpu.memory_space<vmem>>, vector<1x512x256xf32>
    %get3A_234 = vector.shape_cast %get3A_233 : vector<1x512x256xf32> to vector<512x256xf32>
    %convert_element_type3A_235 = arith.truncf %get3A_234 : vector<512x256xf32> to vector<512x256xbf16>
    %dot_general3A_236 = arith.constant dense<0.000000e+00> : vector<256x128xf32>
    %dot_general3A_237 = tpu.matmul %convert_element_type3A_235, %convert_element_type3A_221, %dot_general3A_236 {dimension_numbers = #tpu.dot_dimension_numbers<[0], [0], [1], [1], [0, 1, 1, 1], [], []>, transpose_lhs_hint = false} : vector<512x256xbf16>, vector<512x128xbf16>, vector<256x128xf32> -> vector<256x128xf32>
    %div3A_238 = vector.broadcast %convert_element_type3A_229 : vector<1x128xf32> to vector<256x128xf32>
    %div3A_239 = arith.divf %dot_general3A_237, %div3A_238 : vector<256x128xf32>
    %convert_element_type3A_240 = arith.truncf %div3A_239 : vector<256x128xf32> to vector<256x128xbf16>
    %dot_general3A_241 = arith.constant dense<0.000000e+00> : vector<256x128xf32>
    %dot_general3A_242 = tpu.matmul %convert_element_type3A, %convert_element_type3A_240, %dot_general3A_241 {dimension_numbers = #tpu.dot_dimension_numbers<[1], [0], [0], [1], [0, 0, 1, 1], [], []>, transpose_lhs_hint = false} : vector<256x256xbf16>, vector<256x128xbf16>, vector<256x128xf32> -> vector<256x128xf32>
    %get3A_243 = arith.constant 6 : index
    %get3A_244 = arith.constant 0 : index
    %get3A_245 = arith.constant 0 : index
    %get3A_246 = vector.load %arg3[%get3A_243, %get3A_244, %get3A_245] : memref<32x1x128xi32, #tpu.memory_space<vmem>>, vector<1x1x128xi32>
    %get3A_247 = vector.shape_cast %get3A_246 : vector<1x1x128xi32> to vector<1x128xi32>
    %get3A_248 = arith.constant 6 : index
    %get3A_249 = arith.constant 0 : index
    %get3A_250 = arith.constant 0 : index
    %get3A_251 = vector.load %arg4[%get3A_248, %get3A_249, %get3A_250] : memref<32x1x128xi32, #tpu.memory_space<vmem>>, vector<1x1x128xi32>
    %get3A_252 = vector.shape_cast %get3A_251 : vector<1x1x128xi32> to vector<1x128xi32>
    %ge3A_253 = vector.broadcast %get3A_247 : vector<1x128xi32> to vector<512x128xi32>
    %ge3A_254 = arith.cmpi sge, %iota3A, %ge3A_253 : vector<512x128xi32>
    %le3A_255 = vector.broadcast %get3A_252 : vector<1x128xi32> to vector<512x128xi32>
    %le3A_256 = arith.cmpi sle, %iota3A, %le3A_255 : vector<512x128xi32>
    %and3A_257 = arith.andi %ge3A_254, %le3A_256 : vector<512x128xi1>
    %jit3A_258 = arith.constant 1.000000e+00 : f32
    %jit3A_259 = arith.constant 0.000000e+00 : f32
    %broadcast_in_dim3A_260 = vector.broadcast %jit3A_258 : f32 to vector<512x128xf32>
    %broadcast_in_dim3A_261 = vector.broadcast %jit3A_259 : f32 to vector<512x128xf32>
    %select_n3A_262 = arith.select %and3A_257, %broadcast_in_dim3A_260, %broadcast_in_dim3A_261 : vector<512x128xi1>, vector<512x128xf32>
    %convert_element_type3A_263 = arith.truncf %select_n3A_262 : vector<512x128xf32> to vector<512x128xbf16>
    %sub3A_264 = arith.subi %get3A_252, %get3A_247 : vector<1x128xi32>
    %add3A_265 = arith.constant 1 : i32
    %add3A_266 = vector.broadcast %add3A_265 : i32 to vector<1x128xi32>
    %add3A_267 = arith.addi %sub3A_264, %add3A_266 : vector<1x128xi32>
    %max3A_268 = arith.constant 1 : i32
    %max3A_269 = vector.broadcast %max3A_268 : i32 to vector<1x128xi32>
    %max3A_270 = arith.maxsi %add3A_267, %max3A_269 : vector<1x128xi32>
    %convert_element_type3A_271 = arith.sitofp %max3A_270 : vector<1x128xi32> to vector<1x128xf32>
    %get3A_272 = arith.constant 6 : index
    %get3A_273 = arith.constant 0 : index
    %get3A_274 = arith.constant 0 : index
    %get3A_275 = vector.load %arg2[%get3A_272, %get3A_273, %get3A_274] : memref<32x512x256xf32, #tpu.memory_space<vmem>>, vector<1x512x256xf32>
    %get3A_276 = vector.shape_cast %get3A_275 : vector<1x512x256xf32> to vector<512x256xf32>
    %convert_element_type3A_277 = arith.truncf %get3A_276 : vector<512x256xf32> to vector<512x256xbf16>
    %dot_general3A_278 = arith.constant dense<0.000000e+00> : vector<256x128xf32>
    %dot_general3A_279 = tpu.matmul %convert_element_type3A_277, %convert_element_type3A_263, %dot_general3A_278 {dimension_numbers = #tpu.dot_dimension_numbers<[0], [0], [1], [1], [0, 1, 1, 1], [], []>, transpose_lhs_hint = false} : vector<512x256xbf16>, vector<512x128xbf16>, vector<256x128xf32> -> vector<256x128xf32>
    %div3A_280 = vector.broadcast %convert_element_type3A_271 : vector<1x128xf32> to vector<256x128xf32>
    %div3A_281 = arith.divf %dot_general3A_279, %div3A_280 : vector<256x128xf32>
    %convert_element_type3A_282 = arith.truncf %div3A_281 : vector<256x128xf32> to vector<256x128xbf16>
    %dot_general3A_283 = arith.constant dense<0.000000e+00> : vector<256x128xf32>
    %dot_general3A_284 = tpu.matmul %convert_element_type3A, %convert_element_type3A_282, %dot_general3A_283 {dimension_numbers = #tpu.dot_dimension_numbers<[1], [0], [0], [1], [0, 0, 1, 1], [], []>, transpose_lhs_hint = false} : vector<256x256xbf16>, vector<256x128xbf16>, vector<256x128xf32> -> vector<256x128xf32>
    %get3A_285 = arith.constant 7 : index
    %get3A_286 = arith.constant 0 : index
    %get3A_287 = arith.constant 0 : index
    %get3A_288 = vector.load %arg3[%get3A_285, %get3A_286, %get3A_287] : memref<32x1x128xi32, #tpu.memory_space<vmem>>, vector<1x1x128xi32>
    %get3A_289 = vector.shape_cast %get3A_288 : vector<1x1x128xi32> to vector<1x128xi32>
    %get3A_290 = arith.constant 7 : index
    %get3A_291 = arith.constant 0 : index
    %get3A_292 = arith.constant 0 : index
    %get3A_293 = vector.load %arg4[%get3A_290, %get3A_291, %get3A_292] : memref<32x1x128xi32, #tpu.memory_space<vmem>>, vector<1x1x128xi32>
    %get3A_294 = vector.shape_cast %get3A_293 : vector<1x1x128xi32> to vector<1x128xi32>
    %ge3A_295 = vector.broadcast %get3A_289 : vector<1x128xi32> to vector<512x128xi32>
    %ge3A_296 = arith.cmpi sge, %iota3A, %ge3A_295 : vector<512x128xi32>
    %le3A_297 = vector.broadcast %get3A_294 : vector<1x128xi32> to vector<512x128xi32>
    %le3A_298 = arith.cmpi sle, %iota3A, %le3A_297 : vector<512x128xi32>
    %and3A_299 = arith.andi %ge3A_296, %le3A_298 : vector<512x128xi1>
    %jit3A_300 = arith.constant 1.000000e+00 : f32
    %jit3A_301 = arith.constant 0.000000e+00 : f32
    %broadcast_in_dim3A_302 = vector.broadcast %jit3A_300 : f32 to vector<512x128xf32>
    %broadcast_in_dim3A_303 = vector.broadcast %jit3A_301 : f32 to vector<512x128xf32>
    %select_n3A_304 = arith.select %and3A_299, %broadcast_in_dim3A_302, %broadcast_in_dim3A_303 : vector<512x128xi1>, vector<512x128xf32>
    %convert_element_type3A_305 = arith.truncf %select_n3A_304 : vector<512x128xf32> to vector<512x128xbf16>
    %sub3A_306 = arith.subi %get3A_294, %get3A_289 : vector<1x128xi32>
    %add3A_307 = arith.constant 1 : i32
    %add3A_308 = vector.broadcast %add3A_307 : i32 to vector<1x128xi32>
    %add3A_309 = arith.addi %sub3A_306, %add3A_308 : vector<1x128xi32>
    %max3A_310 = arith.constant 1 : i32
    %max3A_311 = vector.broadcast %max3A_310 : i32 to vector<1x128xi32>
    %max3A_312 = arith.maxsi %add3A_309, %max3A_311 : vector<1x128xi32>
    %convert_element_type3A_313 = arith.sitofp %max3A_312 : vector<1x128xi32> to vector<1x128xf32>
    %get3A_314 = arith.constant 7 : index
    %get3A_315 = arith.constant 0 : index
    %get3A_316 = arith.constant 0 : index
    %get3A_317 = vector.load %arg2[%get3A_314, %get3A_315, %get3A_316] : memref<32x512x256xf32, #tpu.memory_space<vmem>>, vector<1x512x256xf32>
    %get3A_318 = vector.shape_cast %get3A_317 : vector<1x512x256xf32> to vector<512x256xf32>
    %convert_element_type3A_319 = arith.truncf %get3A_318 : vector<512x256xf32> to vector<512x256xbf16>
    %dot_general3A_320 = arith.constant dense<0.000000e+00> : vector<256x128xf32>
    %dot_general3A_321 = tpu.matmul %convert_element_type3A_319, %convert_element_type3A_305, %dot_general3A_320 {dimension_numbers = #tpu.dot_dimension_numbers<[0], [0], [1], [1], [0, 1, 1, 1], [], []>, transpose_lhs_hint = false} : vector<512x256xbf16>, vector<512x128xbf16>, vector<256x128xf32> -> vector<256x128xf32>
    %div3A_322 = vector.broadcast %convert_element_type3A_313 : vector<1x128xf32> to vector<256x128xf32>
    %div3A_323 = arith.divf %dot_general3A_321, %div3A_322 : vector<256x128xf32>
    %convert_element_type3A_324 = arith.truncf %div3A_323 : vector<256x128xf32> to vector<256x128xbf16>
    %dot_general3A_325 = arith.constant dense<0.000000e+00> : vector<256x128xf32>
    %dot_general3A_326 = tpu.matmul %convert_element_type3A, %convert_element_type3A_324, %dot_general3A_325 {dimension_numbers = #tpu.dot_dimension_numbers<[1], [0], [0], [1], [0, 0, 1, 1], [], []>, transpose_lhs_hint = false} : vector<256x256xbf16>, vector<256x128xbf16>, vector<256x128xf32> -> vector<256x128xf32>
    %get3A_327 = arith.constant 8 : index
    %get3A_328 = arith.constant 0 : index
    %get3A_329 = arith.constant 0 : index
    %get3A_330 = vector.load %arg3[%get3A_327, %get3A_328, %get3A_329] : memref<32x1x128xi32, #tpu.memory_space<vmem>>, vector<1x1x128xi32>
    %get3A_331 = vector.shape_cast %get3A_330 : vector<1x1x128xi32> to vector<1x128xi32>
    %get3A_332 = arith.constant 8 : index
    %get3A_333 = arith.constant 0 : index
    %get3A_334 = arith.constant 0 : index
    %get3A_335 = vector.load %arg4[%get3A_332, %get3A_333, %get3A_334] : memref<32x1x128xi32, #tpu.memory_space<vmem>>, vector<1x1x128xi32>
    %get3A_336 = vector.shape_cast %get3A_335 : vector<1x1x128xi32> to vector<1x128xi32>
    %ge3A_337 = vector.broadcast %get3A_331 : vector<1x128xi32> to vector<512x128xi32>
    %ge3A_338 = arith.cmpi sge, %iota3A, %ge3A_337 : vector<512x128xi32>
    %le3A_339 = vector.broadcast %get3A_336 : vector<1x128xi32> to vector<512x128xi32>
    %le3A_340 = arith.cmpi sle, %iota3A, %le3A_339 : vector<512x128xi32>
    %and3A_341 = arith.andi %ge3A_338, %le3A_340 : vector<512x128xi1>
    %jit3A_342 = arith.constant 1.000000e+00 : f32
    %jit3A_343 = arith.constant 0.000000e+00 : f32
    %broadcast_in_dim3A_344 = vector.broadcast %jit3A_342 : f32 to vector<512x128xf32>
    %broadcast_in_dim3A_345 = vector.broadcast %jit3A_343 : f32 to vector<512x128xf32>
    %select_n3A_346 = arith.select %and3A_341, %broadcast_in_dim3A_344, %broadcast_in_dim3A_345 : vector<512x128xi1>, vector<512x128xf32>
    %convert_element_type3A_347 = arith.truncf %select_n3A_346 : vector<512x128xf32> to vector<512x128xbf16>
    %sub3A_348 = arith.subi %get3A_336, %get3A_331 : vector<1x128xi32>
    %add3A_349 = arith.constant 1 : i32
    %add3A_350 = vector.broadcast %add3A_349 : i32 to vector<1x128xi32>
    %add3A_351 = arith.addi %sub3A_348, %add3A_350 : vector<1x128xi32>
    %max3A_352 = arith.constant 1 : i32
    %max3A_353 = vector.broadcast %max3A_352 : i32 to vector<1x128xi32>
    %max3A_354 = arith.maxsi %add3A_351, %max3A_353 : vector<1x128xi32>
    %convert_element_type3A_355 = arith.sitofp %max3A_354 : vector<1x128xi32> to vector<1x128xf32>
    %get3A_356 = arith.constant 8 : index
    %get3A_357 = arith.constant 0 : index
    %get3A_358 = arith.constant 0 : index
    %get3A_359 = vector.load %arg2[%get3A_356, %get3A_357, %get3A_358] : memref<32x512x256xf32, #tpu.memory_space<vmem>>, vector<1x512x256xf32>
    %get3A_360 = vector.shape_cast %get3A_359 : vector<1x512x256xf32> to vector<512x256xf32>
    %convert_element_type3A_361 = arith.truncf %get3A_360 : vector<512x256xf32> to vector<512x256xbf16>
    %dot_general3A_362 = arith.constant dense<0.000000e+00> : vector<256x128xf32>
    %dot_general3A_363 = tpu.matmul %convert_element_type3A_361, %convert_element_type3A_347, %dot_general3A_362 {dimension_numbers = #tpu.dot_dimension_numbers<[0], [0], [1], [1], [0, 1, 1, 1], [], []>, transpose_lhs_hint = false} : vector<512x256xbf16>, vector<512x128xbf16>, vector<256x128xf32> -> vector<256x128xf32>
    %div3A_364 = vector.broadcast %convert_element_type3A_355 : vector<1x128xf32> to vector<256x128xf32>
    %div3A_365 = arith.divf %dot_general3A_363, %div3A_364 : vector<256x128xf32>
    %convert_element_type3A_366 = arith.truncf %div3A_365 : vector<256x128xf32> to vector<256x128xbf16>
    %dot_general3A_367 = arith.constant dense<0.000000e+00> : vector<256x128xf32>
    %dot_general3A_368 = tpu.matmul %convert_element_type3A, %convert_element_type3A_366, %dot_general3A_367 {dimension_numbers = #tpu.dot_dimension_numbers<[1], [0], [0], [1], [0, 0, 1, 1], [], []>, transpose_lhs_hint = false} : vector<256x256xbf16>, vector<256x128xbf16>, vector<256x128xf32> -> vector<256x128xf32>
    %get3A_369 = arith.constant 9 : index
    %get3A_370 = arith.constant 0 : index
    %get3A_371 = arith.constant 0 : index
    %get3A_372 = vector.load %arg3[%get3A_369, %get3A_370, %get3A_371] : memref<32x1x128xi32, #tpu.memory_space<vmem>>, vector<1x1x128xi32>
    %get3A_373 = vector.shape_cast %get3A_372 : vector<1x1x128xi32> to vector<1x128xi32>
    %get3A_374 = arith.constant 9 : index
    %get3A_375 = arith.constant 0 : index
    %get3A_376 = arith.constant 0 : index
    %get3A_377 = vector.load %arg4[%get3A_374, %get3A_375, %get3A_376] : memref<32x1x128xi32, #tpu.memory_space<vmem>>, vector<1x1x128xi32>
    %get3A_378 = vector.shape_cast %get3A_377 : vector<1x1x128xi32> to vector<1x128xi32>
    %ge3A_379 = vector.broadcast %get3A_373 : vector<1x128xi32> to vector<512x128xi32>
    %ge3A_380 = arith.cmpi sge, %iota3A, %ge3A_379 : vector<512x128xi32>
    %le3A_381 = vector.broadcast %get3A_378 : vector<1x128xi32> to vector<512x128xi32>
    %le3A_382 = arith.cmpi sle, %iota3A, %le3A_381 : vector<512x128xi32>
    %and3A_383 = arith.andi %ge3A_380, %le3A_382 : vector<512x128xi1>
    %jit3A_384 = arith.constant 1.000000e+00 : f32
    %jit3A_385 = arith.constant 0.000000e+00 : f32
    %broadcast_in_dim3A_386 = vector.broadcast %jit3A_384 : f32 to vector<512x128xf32>
    %broadcast_in_dim3A_387 = vector.broadcast %jit3A_385 : f32 to vector<512x128xf32>
    %select_n3A_388 = arith.select %and3A_383, %broadcast_in_dim3A_386, %broadcast_in_dim3A_387 : vector<512x128xi1>, vector<512x128xf32>
    %convert_element_type3A_389 = arith.truncf %select_n3A_388 : vector<512x128xf32> to vector<512x128xbf16>
    %sub3A_390 = arith.subi %get3A_378, %get3A_373 : vector<1x128xi32>
    %add3A_391 = arith.constant 1 : i32
    %add3A_392 = vector.broadcast %add3A_391 : i32 to vector<1x128xi32>
    %add3A_393 = arith.addi %sub3A_390, %add3A_392 : vector<1x128xi32>
    %max3A_394 = arith.constant 1 : i32
    %max3A_395 = vector.broadcast %max3A_394 : i32 to vector<1x128xi32>
    %max3A_396 = arith.maxsi %add3A_393, %max3A_395 : vector<1x128xi32>
    %convert_element_type3A_397 = arith.sitofp %max3A_396 : vector<1x128xi32> to vector<1x128xf32>
    %get3A_398 = arith.constant 9 : index
    %get3A_399 = arith.constant 0 : index
    %get3A_400 = arith.constant 0 : index
    %get3A_401 = vector.load %arg2[%get3A_398, %get3A_399, %get3A_400] : memref<32x512x256xf32, #tpu.memory_space<vmem>>, vector<1x512x256xf32>
    %get3A_402 = vector.shape_cast %get3A_401 : vector<1x512x256xf32> to vector<512x256xf32>
    %convert_element_type3A_403 = arith.truncf %get3A_402 : vector<512x256xf32> to vector<512x256xbf16>
    %dot_general3A_404 = arith.constant dense<0.000000e+00> : vector<256x128xf32>
    %dot_general3A_405 = tpu.matmul %convert_element_type3A_403, %convert_element_type3A_389, %dot_general3A_404 {dimension_numbers = #tpu.dot_dimension_numbers<[0], [0], [1], [1], [0, 1, 1, 1], [], []>, transpose_lhs_hint = false} : vector<512x256xbf16>, vector<512x128xbf16>, vector<256x128xf32> -> vector<256x128xf32>
    %div3A_406 = vector.broadcast %convert_element_type3A_397 : vector<1x128xf32> to vector<256x128xf32>
    %div3A_407 = arith.divf %dot_general3A_405, %div3A_406 : vector<256x128xf32>
    %convert_element_type3A_408 = arith.truncf %div3A_407 : vector<256x128xf32> to vector<256x128xbf16>
    %dot_general3A_409 = arith.constant dense<0.000000e+00> : vector<256x128xf32>
    %dot_general3A_410 = tpu.matmul %convert_element_type3A, %convert_element_type3A_408, %dot_general3A_409 {dimension_numbers = #tpu.dot_dimension_numbers<[1], [0], [0], [1], [0, 0, 1, 1], [], []>, transpose_lhs_hint = false} : vector<256x256xbf16>, vector<256x128xbf16>, vector<256x128xf32> -> vector<256x128xf32>
    %get3A_411 = arith.constant 10 : index
    %get3A_412 = arith.constant 0 : index
    %get3A_413 = arith.constant 0 : index
    %get3A_414 = vector.load %arg3[%get3A_411, %get3A_412, %get3A_413] : memref<32x1x128xi32, #tpu.memory_space<vmem>>, vector<1x1x128xi32>
    %get3A_415 = vector.shape_cast %get3A_414 : vector<1x1x128xi32> to vector<1x128xi32>
    %get3A_416 = arith.constant 10 : index
    %get3A_417 = arith.constant 0 : index
    %get3A_418 = arith.constant 0 : index
    %get3A_419 = vector.load %arg4[%get3A_416, %get3A_417, %get3A_418] : memref<32x1x128xi32, #tpu.memory_space<vmem>>, vector<1x1x128xi32>
    %get3A_420 = vector.shape_cast %get3A_419 : vector<1x1x128xi32> to vector<1x128xi32>
    %ge3A_421 = vector.broadcast %get3A_415 : vector<1x128xi32> to vector<512x128xi32>
    %ge3A_422 = arith.cmpi sge, %iota3A, %ge3A_421 : vector<512x128xi32>
    %le3A_423 = vector.broadcast %get3A_420 : vector<1x128xi32> to vector<512x128xi32>
    %le3A_424 = arith.cmpi sle, %iota3A, %le3A_423 : vector<512x128xi32>
    %and3A_425 = arith.andi %ge3A_422, %le3A_424 : vector<512x128xi1>
    %jit3A_426 = arith.constant 1.000000e+00 : f32
    %jit3A_427 = arith.constant 0.000000e+00 : f32
    %broadcast_in_dim3A_428 = vector.broadcast %jit3A_426 : f32 to vector<512x128xf32>
    %broadcast_in_dim3A_429 = vector.broadcast %jit3A_427 : f32 to vector<512x128xf32>
    %select_n3A_430 = arith.select %and3A_425, %broadcast_in_dim3A_428, %broadcast_in_dim3A_429 : vector<512x128xi1>, vector<512x128xf32>
    %convert_element_type3A_431 = arith.truncf %select_n3A_430 : vector<512x128xf32> to vector<512x128xbf16>
    %sub3A_432 = arith.subi %get3A_420, %get3A_415 : vector<1x128xi32>
    %add3A_433 = arith.constant 1 : i32
    %add3A_434 = vector.broadcast %add3A_433 : i32 to vector<1x128xi32>
    %add3A_435 = arith.addi %sub3A_432, %add3A_434 : vector<1x128xi32>
    %max3A_436 = arith.constant 1 : i32
    %max3A_437 = vector.broadcast %max3A_436 : i32 to vector<1x128xi32>
    %max3A_438 = arith.maxsi %add3A_435, %max3A_437 : vector<1x128xi32>
    %convert_element_type3A_439 = arith.sitofp %max3A_438 : vector<1x128xi32> to vector<1x128xf32>
    %get3A_440 = arith.constant 10 : index
    %get3A_441 = arith.constant 0 : index
    %get3A_442 = arith.constant 0 : index
    %get3A_443 = vector.load %arg2[%get3A_440, %get3A_441, %get3A_442] : memref<32x512x256xf32, #tpu.memory_space<vmem>>, vector<1x512x256xf32>
    %get3A_444 = vector.shape_cast %get3A_443 : vector<1x512x256xf32> to vector<512x256xf32>
    %convert_element_type3A_445 = arith.truncf %get3A_444 : vector<512x256xf32> to vector<512x256xbf16>
    %dot_general3A_446 = arith.constant dense<0.000000e+00> : vector<256x128xf32>
    %dot_general3A_447 = tpu.matmul %convert_element_type3A_445, %convert_element_type3A_431, %dot_general3A_446 {dimension_numbers = #tpu.dot_dimension_numbers<[0], [0], [1], [1], [0, 1, 1, 1], [], []>, transpose_lhs_hint = false} : vector<512x256xbf16>, vector<512x128xbf16>, vector<256x128xf32> -> vector<256x128xf32>
    %div3A_448 = vector.broadcast %convert_element_type3A_439 : vector<1x128xf32> to vector<256x128xf32>
    %div3A_449 = arith.divf %dot_general3A_447, %div3A_448 : vector<256x128xf32>
    %convert_element_type3A_450 = arith.truncf %div3A_449 : vector<256x128xf32> to vector<256x128xbf16>
    %dot_general3A_451 = arith.constant dense<0.000000e+00> : vector<256x128xf32>
    %dot_general3A_452 = tpu.matmul %convert_element_type3A, %convert_element_type3A_450, %dot_general3A_451 {dimension_numbers = #tpu.dot_dimension_numbers<[1], [0], [0], [1], [0, 0, 1, 1], [], []>, transpose_lhs_hint = false} : vector<256x256xbf16>, vector<256x128xbf16>, vector<256x128xf32> -> vector<256x128xf32>
    %get3A_453 = arith.constant 11 : index
    %get3A_454 = arith.constant 0 : index
    %get3A_455 = arith.constant 0 : index
    %get3A_456 = vector.load %arg3[%get3A_453, %get3A_454, %get3A_455] : memref<32x1x128xi32, #tpu.memory_space<vmem>>, vector<1x1x128xi32>
    %get3A_457 = vector.shape_cast %get3A_456 : vector<1x1x128xi32> to vector<1x128xi32>
    %get3A_458 = arith.constant 11 : index
    %get3A_459 = arith.constant 0 : index
    %get3A_460 = arith.constant 0 : index
    %get3A_461 = vector.load %arg4[%get3A_458, %get3A_459, %get3A_460] : memref<32x1x128xi32, #tpu.memory_space<vmem>>, vector<1x1x128xi32>
    %get3A_462 = vector.shape_cast %get3A_461 : vector<1x1x128xi32> to vector<1x128xi32>
    %ge3A_463 = vector.broadcast %get3A_457 : vector<1x128xi32> to vector<512x128xi32>
    %ge3A_464 = arith.cmpi sge, %iota3A, %ge3A_463 : vector<512x128xi32>
    %le3A_465 = vector.broadcast %get3A_462 : vector<1x128xi32> to vector<512x128xi32>
    %le3A_466 = arith.cmpi sle, %iota3A, %le3A_465 : vector<512x128xi32>
    %and3A_467 = arith.andi %ge3A_464, %le3A_466 : vector<512x128xi1>
    %jit3A_468 = arith.constant 1.000000e+00 : f32
    %jit3A_469 = arith.constant 0.000000e+00 : f32
    %broadcast_in_dim3A_470 = vector.broadcast %jit3A_468 : f32 to vector<512x128xf32>
    %broadcast_in_dim3A_471 = vector.broadcast %jit3A_469 : f32 to vector<512x128xf32>
    %select_n3A_472 = arith.select %and3A_467, %broadcast_in_dim3A_470, %broadcast_in_dim3A_471 : vector<512x128xi1>, vector<512x128xf32>
    %convert_element_type3A_473 = arith.truncf %select_n3A_472 : vector<512x128xf32> to vector<512x128xbf16>
    %sub3A_474 = arith.subi %get3A_462, %get3A_457 : vector<1x128xi32>
    %add3A_475 = arith.constant 1 : i32
    %add3A_476 = vector.broadcast %add3A_475 : i32 to vector<1x128xi32>
    %add3A_477 = arith.addi %sub3A_474, %add3A_476 : vector<1x128xi32>
    %max3A_478 = arith.constant 1 : i32
    %max3A_479 = vector.broadcast %max3A_478 : i32 to vector<1x128xi32>
    %max3A_480 = arith.maxsi %add3A_477, %max3A_479 : vector<1x128xi32>
    %convert_element_type3A_481 = arith.sitofp %max3A_480 : vector<1x128xi32> to vector<1x128xf32>
    %get3A_482 = arith.constant 11 : index
    %get3A_483 = arith.constant 0 : index
    %get3A_484 = arith.constant 0 : index
    %get3A_485 = vector.load %arg2[%get3A_482, %get3A_483, %get3A_484] : memref<32x512x256xf32, #tpu.memory_space<vmem>>, vector<1x512x256xf32>
    %get3A_486 = vector.shape_cast %get3A_485 : vector<1x512x256xf32> to vector<512x256xf32>
    %convert_element_type3A_487 = arith.truncf %get3A_486 : vector<512x256xf32> to vector<512x256xbf16>
    %dot_general3A_488 = arith.constant dense<0.000000e+00> : vector<256x128xf32>
    %dot_general3A_489 = tpu.matmul %convert_element_type3A_487, %convert_element_type3A_473, %dot_general3A_488 {dimension_numbers = #tpu.dot_dimension_numbers<[0], [0], [1], [1], [0, 1, 1, 1], [], []>, transpose_lhs_hint = false} : vector<512x256xbf16>, vector<512x128xbf16>, vector<256x128xf32> -> vector<256x128xf32>
    %div3A_490 = vector.broadcast %convert_element_type3A_481 : vector<1x128xf32> to vector<256x128xf32>
    %div3A_491 = arith.divf %dot_general3A_489, %div3A_490 : vector<256x128xf32>
    %convert_element_type3A_492 = arith.truncf %div3A_491 : vector<256x128xf32> to vector<256x128xbf16>
    %dot_general3A_493 = arith.constant dense<0.000000e+00> : vector<256x128xf32>
    %dot_general3A_494 = tpu.matmul %convert_element_type3A, %convert_element_type3A_492, %dot_general3A_493 {dimension_numbers = #tpu.dot_dimension_numbers<[1], [0], [0], [1], [0, 0, 1, 1], [], []>, transpose_lhs_hint = false} : vector<256x256xbf16>, vector<256x128xbf16>, vector<256x128xf32> -> vector<256x128xf32>
    %get3A_495 = arith.constant 12 : index
    %get3A_496 = arith.constant 0 : index
    %get3A_497 = arith.constant 0 : index
    %get3A_498 = vector.load %arg3[%get3A_495, %get3A_496, %get3A_497] : memref<32x1x128xi32, #tpu.memory_space<vmem>>, vector<1x1x128xi32>
    %get3A_499 = vector.shape_cast %get3A_498 : vector<1x1x128xi32> to vector<1x128xi32>
    %get3A_500 = arith.constant 12 : index
    %get3A_501 = arith.constant 0 : index
    %get3A_502 = arith.constant 0 : index
    %get3A_503 = vector.load %arg4[%get3A_500, %get3A_501, %get3A_502] : memref<32x1x128xi32, #tpu.memory_space<vmem>>, vector<1x1x128xi32>
    %get3A_504 = vector.shape_cast %get3A_503 : vector<1x1x128xi32> to vector<1x128xi32>
    %ge3A_505 = vector.broadcast %get3A_499 : vector<1x128xi32> to vector<512x128xi32>
    %ge3A_506 = arith.cmpi sge, %iota3A, %ge3A_505 : vector<512x128xi32>
    %le3A_507 = vector.broadcast %get3A_504 : vector<1x128xi32> to vector<512x128xi32>
    %le3A_508 = arith.cmpi sle, %iota3A, %le3A_507 : vector<512x128xi32>
    %and3A_509 = arith.andi %ge3A_506, %le3A_508 : vector<512x128xi1>
    %jit3A_510 = arith.constant 1.000000e+00 : f32
    %jit3A_511 = arith.constant 0.000000e+00 : f32
    %broadcast_in_dim3A_512 = vector.broadcast %jit3A_510 : f32 to vector<512x128xf32>
    %broadcast_in_dim3A_513 = vector.broadcast %jit3A_511 : f32 to vector<512x128xf32>
    %select_n3A_514 = arith.select %and3A_509, %broadcast_in_dim3A_512, %broadcast_in_dim3A_513 : vector<512x128xi1>, vector<512x128xf32>
    %convert_element_type3A_515 = arith.truncf %select_n3A_514 : vector<512x128xf32> to vector<512x128xbf16>
    %sub3A_516 = arith.subi %get3A_504, %get3A_499 : vector<1x128xi32>
    %add3A_517 = arith.constant 1 : i32
    %add3A_518 = vector.broadcast %add3A_517 : i32 to vector<1x128xi32>
    %add3A_519 = arith.addi %sub3A_516, %add3A_518 : vector<1x128xi32>
    %max3A_520 = arith.constant 1 : i32
    %max3A_521 = vector.broadcast %max3A_520 : i32 to vector<1x128xi32>
    %max3A_522 = arith.maxsi %add3A_519, %max3A_521 : vector<1x128xi32>
    %convert_element_type3A_523 = arith.sitofp %max3A_522 : vector<1x128xi32> to vector<1x128xf32>
    %get3A_524 = arith.constant 12 : index
    %get3A_525 = arith.constant 0 : index
    %get3A_526 = arith.constant 0 : index
    %get3A_527 = vector.load %arg2[%get3A_524, %get3A_525, %get3A_526] : memref<32x512x256xf32, #tpu.memory_space<vmem>>, vector<1x512x256xf32>
    %get3A_528 = vector.shape_cast %get3A_527 : vector<1x512x256xf32> to vector<512x256xf32>
    %convert_element_type3A_529 = arith.truncf %get3A_528 : vector<512x256xf32> to vector<512x256xbf16>
    %dot_general3A_530 = arith.constant dense<0.000000e+00> : vector<256x128xf32>
    %dot_general3A_531 = tpu.matmul %convert_element_type3A_529, %convert_element_type3A_515, %dot_general3A_530 {dimension_numbers = #tpu.dot_dimension_numbers<[0], [0], [1], [1], [0, 1, 1, 1], [], []>, transpose_lhs_hint = false} : vector<512x256xbf16>, vector<512x128xbf16>, vector<256x128xf32> -> vector<256x128xf32>
    %div3A_532 = vector.broadcast %convert_element_type3A_523 : vector<1x128xf32> to vector<256x128xf32>
    %div3A_533 = arith.divf %dot_general3A_531, %div3A_532 : vector<256x128xf32>
    %convert_element_type3A_534 = arith.truncf %div3A_533 : vector<256x128xf32> to vector<256x128xbf16>
    %dot_general3A_535 = arith.constant dense<0.000000e+00> : vector<256x128xf32>
    %dot_general3A_536 = tpu.matmul %convert_element_type3A, %convert_element_type3A_534, %dot_general3A_535 {dimension_numbers = #tpu.dot_dimension_numbers<[1], [0], [0], [1], [0, 0, 1, 1], [], []>, transpose_lhs_hint = false} : vector<256x256xbf16>, vector<256x128xbf16>, vector<256x128xf32> -> vector<256x128xf32>
    %get3A_537 = arith.constant 13 : index
    %get3A_538 = arith.constant 0 : index
    %get3A_539 = arith.constant 0 : index
    %get3A_540 = vector.load %arg3[%get3A_537, %get3A_538, %get3A_539] : memref<32x1x128xi32, #tpu.memory_space<vmem>>, vector<1x1x128xi32>
    %get3A_541 = vector.shape_cast %get3A_540 : vector<1x1x128xi32> to vector<1x128xi32>
    %get3A_542 = arith.constant 13 : index
    %get3A_543 = arith.constant 0 : index
    %get3A_544 = arith.constant 0 : index
    %get3A_545 = vector.load %arg4[%get3A_542, %get3A_543, %get3A_544] : memref<32x1x128xi32, #tpu.memory_space<vmem>>, vector<1x1x128xi32>
    %get3A_546 = vector.shape_cast %get3A_545 : vector<1x1x128xi32> to vector<1x128xi32>
    %ge3A_547 = vector.broadcast %get3A_541 : vector<1x128xi32> to vector<512x128xi32>
    %ge3A_548 = arith.cmpi sge, %iota3A, %ge3A_547 : vector<512x128xi32>
    %le3A_549 = vector.broadcast %get3A_546 : vector<1x128xi32> to vector<512x128xi32>
    %le3A_550 = arith.cmpi sle, %iota3A, %le3A_549 : vector<512x128xi32>
    %and3A_551 = arith.andi %ge3A_548, %le3A_550 : vector<512x128xi1>
    %jit3A_552 = arith.constant 1.000000e+00 : f32
    %jit3A_553 = arith.constant 0.000000e+00 : f32
    %broadcast_in_dim3A_554 = vector.broadcast %jit3A_552 : f32 to vector<512x128xf32>
    %broadcast_in_dim3A_555 = vector.broadcast %jit3A_553 : f32 to vector<512x128xf32>
    %select_n3A_556 = arith.select %and3A_551, %broadcast_in_dim3A_554, %broadcast_in_dim3A_555 : vector<512x128xi1>, vector<512x128xf32>
    %convert_element_type3A_557 = arith.truncf %select_n3A_556 : vector<512x128xf32> to vector<512x128xbf16>
    %sub3A_558 = arith.subi %get3A_546, %get3A_541 : vector<1x128xi32>
    %add3A_559 = arith.constant 1 : i32
    %add3A_560 = vector.broadcast %add3A_559 : i32 to vector<1x128xi32>
    %add3A_561 = arith.addi %sub3A_558, %add3A_560 : vector<1x128xi32>
    %max3A_562 = arith.constant 1 : i32
    %max3A_563 = vector.broadcast %max3A_562 : i32 to vector<1x128xi32>
    %max3A_564 = arith.maxsi %add3A_561, %max3A_563 : vector<1x128xi32>
    %convert_element_type3A_565 = arith.sitofp %max3A_564 : vector<1x128xi32> to vector<1x128xf32>
    %get3A_566 = arith.constant 13 : index
    %get3A_567 = arith.constant 0 : index
    %get3A_568 = arith.constant 0 : index
    %get3A_569 = vector.load %arg2[%get3A_566, %get3A_567, %get3A_568] : memref<32x512x256xf32, #tpu.memory_space<vmem>>, vector<1x512x256xf32>
    %get3A_570 = vector.shape_cast %get3A_569 : vector<1x512x256xf32> to vector<512x256xf32>
    %convert_element_type3A_571 = arith.truncf %get3A_570 : vector<512x256xf32> to vector<512x256xbf16>
    %dot_general3A_572 = arith.constant dense<0.000000e+00> : vector<256x128xf32>
    %dot_general3A_573 = tpu.matmul %convert_element_type3A_571, %convert_element_type3A_557, %dot_general3A_572 {dimension_numbers = #tpu.dot_dimension_numbers<[0], [0], [1], [1], [0, 1, 1, 1], [], []>, transpose_lhs_hint = false} : vector<512x256xbf16>, vector<512x128xbf16>, vector<256x128xf32> -> vector<256x128xf32>
    %div3A_574 = vector.broadcast %convert_element_type3A_565 : vector<1x128xf32> to vector<256x128xf32>
    %div3A_575 = arith.divf %dot_general3A_573, %div3A_574 : vector<256x128xf32>
    %convert_element_type3A_576 = arith.truncf %div3A_575 : vector<256x128xf32> to vector<256x128xbf16>
    %dot_general3A_577 = arith.constant dense<0.000000e+00> : vector<256x128xf32>
    %dot_general3A_578 = tpu.matmul %convert_element_type3A, %convert_element_type3A_576, %dot_general3A_577 {dimension_numbers = #tpu.dot_dimension_numbers<[1], [0], [0], [1], [0, 0, 1, 1], [], []>, transpose_lhs_hint = false} : vector<256x256xbf16>, vector<256x128xbf16>, vector<256x128xf32> -> vector<256x128xf32>
    %get3A_579 = arith.constant 14 : index
    %get3A_580 = arith.constant 0 : index
    %get3A_581 = arith.constant 0 : index
    %get3A_582 = vector.load %arg3[%get3A_579, %get3A_580, %get3A_581] : memref<32x1x128xi32, #tpu.memory_space<vmem>>, vector<1x1x128xi32>
    %get3A_583 = vector.shape_cast %get3A_582 : vector<1x1x128xi32> to vector<1x128xi32>
    %get3A_584 = arith.constant 14 : index
    %get3A_585 = arith.constant 0 : index
    %get3A_586 = arith.constant 0 : index
    %get3A_587 = vector.load %arg4[%get3A_584, %get3A_585, %get3A_586] : memref<32x1x128xi32, #tpu.memory_space<vmem>>, vector<1x1x128xi32>
    %get3A_588 = vector.shape_cast %get3A_587 : vector<1x1x128xi32> to vector<1x128xi32>
    %ge3A_589 = vector.broadcast %get3A_583 : vector<1x128xi32> to vector<512x128xi32>
    %ge3A_590 = arith.cmpi sge, %iota3A, %ge3A_589 : vector<512x128xi32>
    %le3A_591 = vector.broadcast %get3A_588 : vector<1x128xi32> to vector<512x128xi32>
    %le3A_592 = arith.cmpi sle, %iota3A, %le3A_591 : vector<512x128xi32>
    %and3A_593 = arith.andi %ge3A_590, %le3A_592 : vector<512x128xi1>
    %jit3A_594 = arith.constant 1.000000e+00 : f32
    %jit3A_595 = arith.constant 0.000000e+00 : f32
    %broadcast_in_dim3A_596 = vector.broadcast %jit3A_594 : f32 to vector<512x128xf32>
    %broadcast_in_dim3A_597 = vector.broadcast %jit3A_595 : f32 to vector<512x128xf32>
    %select_n3A_598 = arith.select %and3A_593, %broadcast_in_dim3A_596, %broadcast_in_dim3A_597 : vector<512x128xi1>, vector<512x128xf32>
    %convert_element_type3A_599 = arith.truncf %select_n3A_598 : vector<512x128xf32> to vector<512x128xbf16>
    %sub3A_600 = arith.subi %get3A_588, %get3A_583 : vector<1x128xi32>
    %add3A_601 = arith.constant 1 : i32
    %add3A_602 = vector.broadcast %add3A_601 : i32 to vector<1x128xi32>
    %add3A_603 = arith.addi %sub3A_600, %add3A_602 : vector<1x128xi32>
    %max3A_604 = arith.constant 1 : i32
    %max3A_605 = vector.broadcast %max3A_604 : i32 to vector<1x128xi32>
    %max3A_606 = arith.maxsi %add3A_603, %max3A_605 : vector<1x128xi32>
    %convert_element_type3A_607 = arith.sitofp %max3A_606 : vector<1x128xi32> to vector<1x128xf32>
    %get3A_608 = arith.constant 14 : index
    %get3A_609 = arith.constant 0 : index
    %get3A_610 = arith.constant 0 : index
    %get3A_611 = vector.load %arg2[%get3A_608, %get3A_609, %get3A_610] : memref<32x512x256xf32, #tpu.memory_space<vmem>>, vector<1x512x256xf32>
    %get3A_612 = vector.shape_cast %get3A_611 : vector<1x512x256xf32> to vector<512x256xf32>
    %convert_element_type3A_613 = arith.truncf %get3A_612 : vector<512x256xf32> to vector<512x256xbf16>
    %dot_general3A_614 = arith.constant dense<0.000000e+00> : vector<256x128xf32>
    %dot_general3A_615 = tpu.matmul %convert_element_type3A_613, %convert_element_type3A_599, %dot_general3A_614 {dimension_numbers = #tpu.dot_dimension_numbers<[0], [0], [1], [1], [0, 1, 1, 1], [], []>, transpose_lhs_hint = false} : vector<512x256xbf16>, vector<512x128xbf16>, vector<256x128xf32> -> vector<256x128xf32>
    %div3A_616 = vector.broadcast %convert_element_type3A_607 : vector<1x128xf32> to vector<256x128xf32>
    %div3A_617 = arith.divf %dot_general3A_615, %div3A_616 : vector<256x128xf32>
    %convert_element_type3A_618 = arith.truncf %div3A_617 : vector<256x128xf32> to vector<256x128xbf16>
    %dot_general3A_619 = arith.constant dense<0.000000e+00> : vector<256x128xf32>
    %dot_general3A_620 = tpu.matmul %convert_element_type3A, %convert_element_type3A_618, %dot_general3A_619 {dimension_numbers = #tpu.dot_dimension_numbers<[1], [0], [0], [1], [0, 0, 1, 1], [], []>, transpose_lhs_hint = false} : vector<256x256xbf16>, vector<256x128xbf16>, vector<256x128xf32> -> vector<256x128xf32>
    %get3A_621 = arith.constant 15 : index
    %get3A_622 = arith.constant 0 : index
    %get3A_623 = arith.constant 0 : index
    %get3A_624 = vector.load %arg3[%get3A_621, %get3A_622, %get3A_623] : memref<32x1x128xi32, #tpu.memory_space<vmem>>, vector<1x1x128xi32>
    %get3A_625 = vector.shape_cast %get3A_624 : vector<1x1x128xi32> to vector<1x128xi32>
    %get3A_626 = arith.constant 15 : index
    %get3A_627 = arith.constant 0 : index
    %get3A_628 = arith.constant 0 : index
    %get3A_629 = vector.load %arg4[%get3A_626, %get3A_627, %get3A_628] : memref<32x1x128xi32, #tpu.memory_space<vmem>>, vector<1x1x128xi32>
    %get3A_630 = vector.shape_cast %get3A_629 : vector<1x1x128xi32> to vector<1x128xi32>
    %ge3A_631 = vector.broadcast %get3A_625 : vector<1x128xi32> to vector<512x128xi32>
    %ge3A_632 = arith.cmpi sge, %iota3A, %ge3A_631 : vector<512x128xi32>
    %le3A_633 = vector.broadcast %get3A_630 : vector<1x128xi32> to vector<512x128xi32>
    %le3A_634 = arith.cmpi sle, %iota3A, %le3A_633 : vector<512x128xi32>
    %and3A_635 = arith.andi %ge3A_632, %le3A_634 : vector<512x128xi1>
    %jit3A_636 = arith.constant 1.000000e+00 : f32
    %jit3A_637 = arith.constant 0.000000e+00 : f32
    %broadcast_in_dim3A_638 = vector.broadcast %jit3A_636 : f32 to vector<512x128xf32>
    %broadcast_in_dim3A_639 = vector.broadcast %jit3A_637 : f32 to vector<512x128xf32>
    %select_n3A_640 = arith.select %and3A_635, %broadcast_in_dim3A_638, %broadcast_in_dim3A_639 : vector<512x128xi1>, vector<512x128xf32>
    %convert_element_type3A_641 = arith.truncf %select_n3A_640 : vector<512x128xf32> to vector<512x128xbf16>
    %sub3A_642 = arith.subi %get3A_630, %get3A_625 : vector<1x128xi32>
    %add3A_643 = arith.constant 1 : i32
    %add3A_644 = vector.broadcast %add3A_643 : i32 to vector<1x128xi32>
    %add3A_645 = arith.addi %sub3A_642, %add3A_644 : vector<1x128xi32>
    %max3A_646 = arith.constant 1 : i32
    %max3A_647 = vector.broadcast %max3A_646 : i32 to vector<1x128xi32>
    %max3A_648 = arith.maxsi %add3A_645, %max3A_647 : vector<1x128xi32>
    %convert_element_type3A_649 = arith.sitofp %max3A_648 : vector<1x128xi32> to vector<1x128xf32>
    %get3A_650 = arith.constant 15 : index
    %get3A_651 = arith.constant 0 : index
    %get3A_652 = arith.constant 0 : index
    %get3A_653 = vector.load %arg2[%get3A_650, %get3A_651, %get3A_652] : memref<32x512x256xf32, #tpu.memory_space<vmem>>, vector<1x512x256xf32>
    %get3A_654 = vector.shape_cast %get3A_653 : vector<1x512x256xf32> to vector<512x256xf32>
    %convert_element_type3A_655 = arith.truncf %get3A_654 : vector<512x256xf32> to vector<512x256xbf16>
    %dot_general3A_656 = arith.constant dense<0.000000e+00> : vector<256x128xf32>
    %dot_general3A_657 = tpu.matmul %convert_element_type3A_655, %convert_element_type3A_641, %dot_general3A_656 {dimension_numbers = #tpu.dot_dimension_numbers<[0], [0], [1], [1], [0, 1, 1, 1], [], []>, transpose_lhs_hint = false} : vector<512x256xbf16>, vector<512x128xbf16>, vector<256x128xf32> -> vector<256x128xf32>
    %div3A_658 = vector.broadcast %convert_element_type3A_649 : vector<1x128xf32> to vector<256x128xf32>
    %div3A_659 = arith.divf %dot_general3A_657, %div3A_658 : vector<256x128xf32>
    %convert_element_type3A_660 = arith.truncf %div3A_659 : vector<256x128xf32> to vector<256x128xbf16>
    %dot_general3A_661 = arith.constant dense<0.000000e+00> : vector<256x128xf32>
    %dot_general3A_662 = tpu.matmul %convert_element_type3A, %convert_element_type3A_660, %dot_general3A_661 {dimension_numbers = #tpu.dot_dimension_numbers<[1], [0], [0], [1], [0, 0, 1, 1], [], []>, transpose_lhs_hint = false} : vector<256x256xbf16>, vector<256x128xbf16>, vector<256x128xf32> -> vector<256x128xf32>
    %get3A_663 = arith.constant 16 : index
    %get3A_664 = arith.constant 0 : index
    %get3A_665 = arith.constant 0 : index
    %get3A_666 = vector.load %arg3[%get3A_663, %get3A_664, %get3A_665] : memref<32x1x128xi32, #tpu.memory_space<vmem>>, vector<1x1x128xi32>
    %get3A_667 = vector.shape_cast %get3A_666 : vector<1x1x128xi32> to vector<1x128xi32>
    %get3A_668 = arith.constant 16 : index
    %get3A_669 = arith.constant 0 : index
    %get3A_670 = arith.constant 0 : index
    %get3A_671 = vector.load %arg4[%get3A_668, %get3A_669, %get3A_670] : memref<32x1x128xi32, #tpu.memory_space<vmem>>, vector<1x1x128xi32>
    %get3A_672 = vector.shape_cast %get3A_671 : vector<1x1x128xi32> to vector<1x128xi32>
    %ge3A_673 = vector.broadcast %get3A_667 : vector<1x128xi32> to vector<512x128xi32>
    %ge3A_674 = arith.cmpi sge, %iota3A, %ge3A_673 : vector<512x128xi32>
    %le3A_675 = vector.broadcast %get3A_672 : vector<1x128xi32> to vector<512x128xi32>
    %le3A_676 = arith.cmpi sle, %iota3A, %le3A_675 : vector<512x128xi32>
    %and3A_677 = arith.andi %ge3A_674, %le3A_676 : vector<512x128xi1>
    %jit3A_678 = arith.constant 1.000000e+00 : f32
    %jit3A_679 = arith.constant 0.000000e+00 : f32
    %broadcast_in_dim3A_680 = vector.broadcast %jit3A_678 : f32 to vector<512x128xf32>
    %broadcast_in_dim3A_681 = vector.broadcast %jit3A_679 : f32 to vector<512x128xf32>
    %select_n3A_682 = arith.select %and3A_677, %broadcast_in_dim3A_680, %broadcast_in_dim3A_681 : vector<512x128xi1>, vector<512x128xf32>
    %convert_element_type3A_683 = arith.truncf %select_n3A_682 : vector<512x128xf32> to vector<512x128xbf16>
    %sub3A_684 = arith.subi %get3A_672, %get3A_667 : vector<1x128xi32>
    %add3A_685 = arith.constant 1 : i32
    %add3A_686 = vector.broadcast %add3A_685 : i32 to vector<1x128xi32>
    %add3A_687 = arith.addi %sub3A_684, %add3A_686 : vector<1x128xi32>
    %max3A_688 = arith.constant 1 : i32
    %max3A_689 = vector.broadcast %max3A_688 : i32 to vector<1x128xi32>
    %max3A_690 = arith.maxsi %add3A_687, %max3A_689 : vector<1x128xi32>
    %convert_element_type3A_691 = arith.sitofp %max3A_690 : vector<1x128xi32> to vector<1x128xf32>
    %get3A_692 = arith.constant 16 : index
    %get3A_693 = arith.constant 0 : index
    %get3A_694 = arith.constant 0 : index
    %get3A_695 = vector.load %arg2[%get3A_692, %get3A_693, %get3A_694] : memref<32x512x256xf32, #tpu.memory_space<vmem>>, vector<1x512x256xf32>
    %get3A_696 = vector.shape_cast %get3A_695 : vector<1x512x256xf32> to vector<512x256xf32>
    %convert_element_type3A_697 = arith.truncf %get3A_696 : vector<512x256xf32> to vector<512x256xbf16>
    %dot_general3A_698 = arith.constant dense<0.000000e+00> : vector<256x128xf32>
    %dot_general3A_699 = tpu.matmul %convert_element_type3A_697, %convert_element_type3A_683, %dot_general3A_698 {dimension_numbers = #tpu.dot_dimension_numbers<[0], [0], [1], [1], [0, 1, 1, 1], [], []>, transpose_lhs_hint = false} : vector<512x256xbf16>, vector<512x128xbf16>, vector<256x128xf32> -> vector<256x128xf32>
    %div3A_700 = vector.broadcast %convert_element_type3A_691 : vector<1x128xf32> to vector<256x128xf32>
    %div3A_701 = arith.divf %dot_general3A_699, %div3A_700 : vector<256x128xf32>
    %convert_element_type3A_702 = arith.truncf %div3A_701 : vector<256x128xf32> to vector<256x128xbf16>
    %dot_general3A_703 = arith.constant dense<0.000000e+00> : vector<256x128xf32>
    %dot_general3A_704 = tpu.matmul %convert_element_type3A, %convert_element_type3A_702, %dot_general3A_703 {dimension_numbers = #tpu.dot_dimension_numbers<[1], [0], [0], [1], [0, 0, 1, 1], [], []>, transpose_lhs_hint = false} : vector<256x256xbf16>, vector<256x128xbf16>, vector<256x128xf32> -> vector<256x128xf32>
    %get3A_705 = arith.constant 17 : index
    %get3A_706 = arith.constant 0 : index
    %get3A_707 = arith.constant 0 : index
    %get3A_708 = vector.load %arg3[%get3A_705, %get3A_706, %get3A_707] : memref<32x1x128xi32, #tpu.memory_space<vmem>>, vector<1x1x128xi32>
    %get3A_709 = vector.shape_cast %get3A_708 : vector<1x1x128xi32> to vector<1x128xi32>
    %get3A_710 = arith.constant 17 : index
    %get3A_711 = arith.constant 0 : index
    %get3A_712 = arith.constant 0 : index
    %get3A_713 = vector.load %arg4[%get3A_710, %get3A_711, %get3A_712] : memref<32x1x128xi32, #tpu.memory_space<vmem>>, vector<1x1x128xi32>
    %get3A_714 = vector.shape_cast %get3A_713 : vector<1x1x128xi32> to vector<1x128xi32>
    %ge3A_715 = vector.broadcast %get3A_709 : vector<1x128xi32> to vector<512x128xi32>
    %ge3A_716 = arith.cmpi sge, %iota3A, %ge3A_715 : vector<512x128xi32>
    %le3A_717 = vector.broadcast %get3A_714 : vector<1x128xi32> to vector<512x128xi32>
    %le3A_718 = arith.cmpi sle, %iota3A, %le3A_717 : vector<512x128xi32>
    %and3A_719 = arith.andi %ge3A_716, %le3A_718 : vector<512x128xi1>
    %jit3A_720 = arith.constant 1.000000e+00 : f32
    %jit3A_721 = arith.constant 0.000000e+00 : f32
    %broadcast_in_dim3A_722 = vector.broadcast %jit3A_720 : f32 to vector<512x128xf32>
    %broadcast_in_dim3A_723 = vector.broadcast %jit3A_721 : f32 to vector<512x128xf32>
    %select_n3A_724 = arith.select %and3A_719, %broadcast_in_dim3A_722, %broadcast_in_dim3A_723 : vector<512x128xi1>, vector<512x128xf32>
    %convert_element_type3A_725 = arith.truncf %select_n3A_724 : vector<512x128xf32> to vector<512x128xbf16>
    %sub3A_726 = arith.subi %get3A_714, %get3A_709 : vector<1x128xi32>
    %add3A_727 = arith.constant 1 : i32
    %add3A_728 = vector.broadcast %add3A_727 : i32 to vector<1x128xi32>
    %add3A_729 = arith.addi %sub3A_726, %add3A_728 : vector<1x128xi32>
    %max3A_730 = arith.constant 1 : i32
    %max3A_731 = vector.broadcast %max3A_730 : i32 to vector<1x128xi32>
    %max3A_732 = arith.maxsi %add3A_729, %max3A_731 : vector<1x128xi32>
    %convert_element_type3A_733 = arith.sitofp %max3A_732 : vector<1x128xi32> to vector<1x128xf32>
    %get3A_734 = arith.constant 17 : index
    %get3A_735 = arith.constant 0 : index
    %get3A_736 = arith.constant 0 : index
    %get3A_737 = vector.load %arg2[%get3A_734, %get3A_735, %get3A_736] : memref<32x512x256xf32, #tpu.memory_space<vmem>>, vector<1x512x256xf32>
    %get3A_738 = vector.shape_cast %get3A_737 : vector<1x512x256xf32> to vector<512x256xf32>
    %convert_element_type3A_739 = arith.truncf %get3A_738 : vector<512x256xf32> to vector<512x256xbf16>
    %dot_general3A_740 = arith.constant dense<0.000000e+00> : vector<256x128xf32>
    %dot_general3A_741 = tpu.matmul %convert_element_type3A_739, %convert_element_type3A_725, %dot_general3A_740 {dimension_numbers = #tpu.dot_dimension_numbers<[0], [0], [1], [1], [0, 1, 1, 1], [], []>, transpose_lhs_hint = false} : vector<512x256xbf16>, vector<512x128xbf16>, vector<256x128xf32> -> vector<256x128xf32>
    %div3A_742 = vector.broadcast %convert_element_type3A_733 : vector<1x128xf32> to vector<256x128xf32>
    %div3A_743 = arith.divf %dot_general3A_741, %div3A_742 : vector<256x128xf32>
    %convert_element_type3A_744 = arith.truncf %div3A_743 : vector<256x128xf32> to vector<256x128xbf16>
    %dot_general3A_745 = arith.constant dense<0.000000e+00> : vector<256x128xf32>
    %dot_general3A_746 = tpu.matmul %convert_element_type3A, %convert_element_type3A_744, %dot_general3A_745 {dimension_numbers = #tpu.dot_dimension_numbers<[1], [0], [0], [1], [0, 0, 1, 1], [], []>, transpose_lhs_hint = false} : vector<256x256xbf16>, vector<256x128xbf16>, vector<256x128xf32> -> vector<256x128xf32>
    %get3A_747 = arith.constant 18 : index
    %get3A_748 = arith.constant 0 : index
    %get3A_749 = arith.constant 0 : index
    %get3A_750 = vector.load %arg3[%get3A_747, %get3A_748, %get3A_749] : memref<32x1x128xi32, #tpu.memory_space<vmem>>, vector<1x1x128xi32>
    %get3A_751 = vector.shape_cast %get3A_750 : vector<1x1x128xi32> to vector<1x128xi32>
    %get3A_752 = arith.constant 18 : index
    %get3A_753 = arith.constant 0 : index
    %get3A_754 = arith.constant 0 : index
    %get3A_755 = vector.load %arg4[%get3A_752, %get3A_753, %get3A_754] : memref<32x1x128xi32, #tpu.memory_space<vmem>>, vector<1x1x128xi32>
    %get3A_756 = vector.shape_cast %get3A_755 : vector<1x1x128xi32> to vector<1x128xi32>
    %ge3A_757 = vector.broadcast %get3A_751 : vector<1x128xi32> to vector<512x128xi32>
    %ge3A_758 = arith.cmpi sge, %iota3A, %ge3A_757 : vector<512x128xi32>
    %le3A_759 = vector.broadcast %get3A_756 : vector<1x128xi32> to vector<512x128xi32>
    %le3A_760 = arith.cmpi sle, %iota3A, %le3A_759 : vector<512x128xi32>
    %and3A_761 = arith.andi %ge3A_758, %le3A_760 : vector<512x128xi1>
    %jit3A_762 = arith.constant 1.000000e+00 : f32
    %jit3A_763 = arith.constant 0.000000e+00 : f32
    %broadcast_in_dim3A_764 = vector.broadcast %jit3A_762 : f32 to vector<512x128xf32>
    %broadcast_in_dim3A_765 = vector.broadcast %jit3A_763 : f32 to vector<512x128xf32>
    %select_n3A_766 = arith.select %and3A_761, %broadcast_in_dim3A_764, %broadcast_in_dim3A_765 : vector<512x128xi1>, vector<512x128xf32>
    %convert_element_type3A_767 = arith.truncf %select_n3A_766 : vector<512x128xf32> to vector<512x128xbf16>
    %sub3A_768 = arith.subi %get3A_756, %get3A_751 : vector<1x128xi32>
    %add3A_769 = arith.constant 1 : i32
    %add3A_770 = vector.broadcast %add3A_769 : i32 to vector<1x128xi32>
    %add3A_771 = arith.addi %sub3A_768, %add3A_770 : vector<1x128xi32>
    %max3A_772 = arith.constant 1 : i32
    %max3A_773 = vector.broadcast %max3A_772 : i32 to vector<1x128xi32>
    %max3A_774 = arith.maxsi %add3A_771, %max3A_773 : vector<1x128xi32>
    %convert_element_type3A_775 = arith.sitofp %max3A_774 : vector<1x128xi32> to vector<1x128xf32>
    %get3A_776 = arith.constant 18 : index
    %get3A_777 = arith.constant 0 : index
    %get3A_778 = arith.constant 0 : index
    %get3A_779 = vector.load %arg2[%get3A_776, %get3A_777, %get3A_778] : memref<32x512x256xf32, #tpu.memory_space<vmem>>, vector<1x512x256xf32>
    %get3A_780 = vector.shape_cast %get3A_779 : vector<1x512x256xf32> to vector<512x256xf32>
    %convert_element_type3A_781 = arith.truncf %get3A_780 : vector<512x256xf32> to vector<512x256xbf16>
    %dot_general3A_782 = arith.constant dense<0.000000e+00> : vector<256x128xf32>
    %dot_general3A_783 = tpu.matmul %convert_element_type3A_781, %convert_element_type3A_767, %dot_general3A_782 {dimension_numbers = #tpu.dot_dimension_numbers<[0], [0], [1], [1], [0, 1, 1, 1], [], []>, transpose_lhs_hint = false} : vector<512x256xbf16>, vector<512x128xbf16>, vector<256x128xf32> -> vector<256x128xf32>
    %div3A_784 = vector.broadcast %convert_element_type3A_775 : vector<1x128xf32> to vector<256x128xf32>
    %div3A_785 = arith.divf %dot_general3A_783, %div3A_784 : vector<256x128xf32>
    %convert_element_type3A_786 = arith.truncf %div3A_785 : vector<256x128xf32> to vector<256x128xbf16>
    %dot_general3A_787 = arith.constant dense<0.000000e+00> : vector<256x128xf32>
    %dot_general3A_788 = tpu.matmul %convert_element_type3A, %convert_element_type3A_786, %dot_general3A_787 {dimension_numbers = #tpu.dot_dimension_numbers<[1], [0], [0], [1], [0, 0, 1, 1], [], []>, transpose_lhs_hint = false} : vector<256x256xbf16>, vector<256x128xbf16>, vector<256x128xf32> -> vector<256x128xf32>
    %get3A_789 = arith.constant 19 : index
    %get3A_790 = arith.constant 0 : index
    %get3A_791 = arith.constant 0 : index
    %get3A_792 = vector.load %arg3[%get3A_789, %get3A_790, %get3A_791] : memref<32x1x128xi32, #tpu.memory_space<vmem>>, vector<1x1x128xi32>
    %get3A_793 = vector.shape_cast %get3A_792 : vector<1x1x128xi32> to vector<1x128xi32>
    %get3A_794 = arith.constant 19 : index
    %get3A_795 = arith.constant 0 : index
    %get3A_796 = arith.constant 0 : index
    %get3A_797 = vector.load %arg4[%get3A_794, %get3A_795, %get3A_796] : memref<32x1x128xi32, #tpu.memory_space<vmem>>, vector<1x1x128xi32>
    %get3A_798 = vector.shape_cast %get3A_797 : vector<1x1x128xi32> to vector<1x128xi32>
    %ge3A_799 = vector.broadcast %get3A_793 : vector<1x128xi32> to vector<512x128xi32>
    %ge3A_800 = arith.cmpi sge, %iota3A, %ge3A_799 : vector<512x128xi32>
    %le3A_801 = vector.broadcast %get3A_798 : vector<1x128xi32> to vector<512x128xi32>
    %le3A_802 = arith.cmpi sle, %iota3A, %le3A_801 : vector<512x128xi32>
    %and3A_803 = arith.andi %ge3A_800, %le3A_802 : vector<512x128xi1>
    %jit3A_804 = arith.constant 1.000000e+00 : f32
    %jit3A_805 = arith.constant 0.000000e+00 : f32
    %broadcast_in_dim3A_806 = vector.broadcast %jit3A_804 : f32 to vector<512x128xf32>
    %broadcast_in_dim3A_807 = vector.broadcast %jit3A_805 : f32 to vector<512x128xf32>
    %select_n3A_808 = arith.select %and3A_803, %broadcast_in_dim3A_806, %broadcast_in_dim3A_807 : vector<512x128xi1>, vector<512x128xf32>
    %convert_element_type3A_809 = arith.truncf %select_n3A_808 : vector<512x128xf32> to vector<512x128xbf16>
    %sub3A_810 = arith.subi %get3A_798, %get3A_793 : vector<1x128xi32>
    %add3A_811 = arith.constant 1 : i32
    %add3A_812 = vector.broadcast %add3A_811 : i32 to vector<1x128xi32>
    %add3A_813 = arith.addi %sub3A_810, %add3A_812 : vector<1x128xi32>
    %max3A_814 = arith.constant 1 : i32
    %max3A_815 = vector.broadcast %max3A_814 : i32 to vector<1x128xi32>
    %max3A_816 = arith.maxsi %add3A_813, %max3A_815 : vector<1x128xi32>
    %convert_element_type3A_817 = arith.sitofp %max3A_816 : vector<1x128xi32> to vector<1x128xf32>
    %get3A_818 = arith.constant 19 : index
    %get3A_819 = arith.constant 0 : index
    %get3A_820 = arith.constant 0 : index
    %get3A_821 = vector.load %arg2[%get3A_818, %get3A_819, %get3A_820] : memref<32x512x256xf32, #tpu.memory_space<vmem>>, vector<1x512x256xf32>
    %get3A_822 = vector.shape_cast %get3A_821 : vector<1x512x256xf32> to vector<512x256xf32>
    %convert_element_type3A_823 = arith.truncf %get3A_822 : vector<512x256xf32> to vector<512x256xbf16>
    %dot_general3A_824 = arith.constant dense<0.000000e+00> : vector<256x128xf32>
    %dot_general3A_825 = tpu.matmul %convert_element_type3A_823, %convert_element_type3A_809, %dot_general3A_824 {dimension_numbers = #tpu.dot_dimension_numbers<[0], [0], [1], [1], [0, 1, 1, 1], [], []>, transpose_lhs_hint = false} : vector<512x256xbf16>, vector<512x128xbf16>, vector<256x128xf32> -> vector<256x128xf32>
    %div3A_826 = vector.broadcast %convert_element_type3A_817 : vector<1x128xf32> to vector<256x128xf32>
    %div3A_827 = arith.divf %dot_general3A_825, %div3A_826 : vector<256x128xf32>
    %convert_element_type3A_828 = arith.truncf %div3A_827 : vector<256x128xf32> to vector<256x128xbf16>
    %dot_general3A_829 = arith.constant dense<0.000000e+00> : vector<256x128xf32>
    %dot_general3A_830 = tpu.matmul %convert_element_type3A, %convert_element_type3A_828, %dot_general3A_829 {dimension_numbers = #tpu.dot_dimension_numbers<[1], [0], [0], [1], [0, 0, 1, 1], [], []>, transpose_lhs_hint = false} : vector<256x256xbf16>, vector<256x128xbf16>, vector<256x128xf32> -> vector<256x128xf32>
    %get3A_831 = arith.constant 20 : index
    %get3A_832 = arith.constant 0 : index
    %get3A_833 = arith.constant 0 : index
    %get3A_834 = vector.load %arg3[%get3A_831, %get3A_832, %get3A_833] : memref<32x1x128xi32, #tpu.memory_space<vmem>>, vector<1x1x128xi32>
    %get3A_835 = vector.shape_cast %get3A_834 : vector<1x1x128xi32> to vector<1x128xi32>
    %get3A_836 = arith.constant 20 : index
    %get3A_837 = arith.constant 0 : index
    %get3A_838 = arith.constant 0 : index
    %get3A_839 = vector.load %arg4[%get3A_836, %get3A_837, %get3A_838] : memref<32x1x128xi32, #tpu.memory_space<vmem>>, vector<1x1x128xi32>
    %get3A_840 = vector.shape_cast %get3A_839 : vector<1x1x128xi32> to vector<1x128xi32>
    %ge3A_841 = vector.broadcast %get3A_835 : vector<1x128xi32> to vector<512x128xi32>
    %ge3A_842 = arith.cmpi sge, %iota3A, %ge3A_841 : vector<512x128xi32>
    %le3A_843 = vector.broadcast %get3A_840 : vector<1x128xi32> to vector<512x128xi32>
    %le3A_844 = arith.cmpi sle, %iota3A, %le3A_843 : vector<512x128xi32>
    %and3A_845 = arith.andi %ge3A_842, %le3A_844 : vector<512x128xi1>
    %jit3A_846 = arith.constant 1.000000e+00 : f32
    %jit3A_847 = arith.constant 0.000000e+00 : f32
    %broadcast_in_dim3A_848 = vector.broadcast %jit3A_846 : f32 to vector<512x128xf32>
    %broadcast_in_dim3A_849 = vector.broadcast %jit3A_847 : f32 to vector<512x128xf32>
    %select_n3A_850 = arith.select %and3A_845, %broadcast_in_dim3A_848, %broadcast_in_dim3A_849 : vector<512x128xi1>, vector<512x128xf32>
    %convert_element_type3A_851 = arith.truncf %select_n3A_850 : vector<512x128xf32> to vector<512x128xbf16>
    %sub3A_852 = arith.subi %get3A_840, %get3A_835 : vector<1x128xi32>
    %add3A_853 = arith.constant 1 : i32
    %add3A_854 = vector.broadcast %add3A_853 : i32 to vector<1x128xi32>
    %add3A_855 = arith.addi %sub3A_852, %add3A_854 : vector<1x128xi32>
    %max3A_856 = arith.constant 1 : i32
    %max3A_857 = vector.broadcast %max3A_856 : i32 to vector<1x128xi32>
    %max3A_858 = arith.maxsi %add3A_855, %max3A_857 : vector<1x128xi32>
    %convert_element_type3A_859 = arith.sitofp %max3A_858 : vector<1x128xi32> to vector<1x128xf32>
    %get3A_860 = arith.constant 20 : index
    %get3A_861 = arith.constant 0 : index
    %get3A_862 = arith.constant 0 : index
    %get3A_863 = vector.load %arg2[%get3A_860, %get3A_861, %get3A_862] : memref<32x512x256xf32, #tpu.memory_space<vmem>>, vector<1x512x256xf32>
    %get3A_864 = vector.shape_cast %get3A_863 : vector<1x512x256xf32> to vector<512x256xf32>
    %convert_element_type3A_865 = arith.truncf %get3A_864 : vector<512x256xf32> to vector<512x256xbf16>
    %dot_general3A_866 = arith.constant dense<0.000000e+00> : vector<256x128xf32>
    %dot_general3A_867 = tpu.matmul %convert_element_type3A_865, %convert_element_type3A_851, %dot_general3A_866 {dimension_numbers = #tpu.dot_dimension_numbers<[0], [0], [1], [1], [0, 1, 1, 1], [], []>, transpose_lhs_hint = false} : vector<512x256xbf16>, vector<512x128xbf16>, vector<256x128xf32> -> vector<256x128xf32>
    %div3A_868 = vector.broadcast %convert_element_type3A_859 : vector<1x128xf32> to vector<256x128xf32>
    %div3A_869 = arith.divf %dot_general3A_867, %div3A_868 : vector<256x128xf32>
    %convert_element_type3A_870 = arith.truncf %div3A_869 : vector<256x128xf32> to vector<256x128xbf16>
    %dot_general3A_871 = arith.constant dense<0.000000e+00> : vector<256x128xf32>
    %dot_general3A_872 = tpu.matmul %convert_element_type3A, %convert_element_type3A_870, %dot_general3A_871 {dimension_numbers = #tpu.dot_dimension_numbers<[1], [0], [0], [1], [0, 0, 1, 1], [], []>, transpose_lhs_hint = false} : vector<256x256xbf16>, vector<256x128xbf16>, vector<256x128xf32> -> vector<256x128xf32>
    %get3A_873 = arith.constant 21 : index
    %get3A_874 = arith.constant 0 : index
    %get3A_875 = arith.constant 0 : index
    %get3A_876 = vector.load %arg3[%get3A_873, %get3A_874, %get3A_875] : memref<32x1x128xi32, #tpu.memory_space<vmem>>, vector<1x1x128xi32>
    %get3A_877 = vector.shape_cast %get3A_876 : vector<1x1x128xi32> to vector<1x128xi32>
    %get3A_878 = arith.constant 21 : index
    %get3A_879 = arith.constant 0 : index
    %get3A_880 = arith.constant 0 : index
    %get3A_881 = vector.load %arg4[%get3A_878, %get3A_879, %get3A_880] : memref<32x1x128xi32, #tpu.memory_space<vmem>>, vector<1x1x128xi32>
    %get3A_882 = vector.shape_cast %get3A_881 : vector<1x1x128xi32> to vector<1x128xi32>
    %ge3A_883 = vector.broadcast %get3A_877 : vector<1x128xi32> to vector<512x128xi32>
    %ge3A_884 = arith.cmpi sge, %iota3A, %ge3A_883 : vector<512x128xi32>
    %le3A_885 = vector.broadcast %get3A_882 : vector<1x128xi32> to vector<512x128xi32>
    %le3A_886 = arith.cmpi sle, %iota3A, %le3A_885 : vector<512x128xi32>
    %and3A_887 = arith.andi %ge3A_884, %le3A_886 : vector<512x128xi1>
    %jit3A_888 = arith.constant 1.000000e+00 : f32
    %jit3A_889 = arith.constant 0.000000e+00 : f32
    %broadcast_in_dim3A_890 = vector.broadcast %jit3A_888 : f32 to vector<512x128xf32>
    %broadcast_in_dim3A_891 = vector.broadcast %jit3A_889 : f32 to vector<512x128xf32>
    %select_n3A_892 = arith.select %and3A_887, %broadcast_in_dim3A_890, %broadcast_in_dim3A_891 : vector<512x128xi1>, vector<512x128xf32>
    %convert_element_type3A_893 = arith.truncf %select_n3A_892 : vector<512x128xf32> to vector<512x128xbf16>
    %sub3A_894 = arith.subi %get3A_882, %get3A_877 : vector<1x128xi32>
    %add3A_895 = arith.constant 1 : i32
    %add3A_896 = vector.broadcast %add3A_895 : i32 to vector<1x128xi32>
    %add3A_897 = arith.addi %sub3A_894, %add3A_896 : vector<1x128xi32>
    %max3A_898 = arith.constant 1 : i32
    %max3A_899 = vector.broadcast %max3A_898 : i32 to vector<1x128xi32>
    %max3A_900 = arith.maxsi %add3A_897, %max3A_899 : vector<1x128xi32>
    %convert_element_type3A_901 = arith.sitofp %max3A_900 : vector<1x128xi32> to vector<1x128xf32>
    %get3A_902 = arith.constant 21 : index
    %get3A_903 = arith.constant 0 : index
    %get3A_904 = arith.constant 0 : index
    %get3A_905 = vector.load %arg2[%get3A_902, %get3A_903, %get3A_904] : memref<32x512x256xf32, #tpu.memory_space<vmem>>, vector<1x512x256xf32>
    %get3A_906 = vector.shape_cast %get3A_905 : vector<1x512x256xf32> to vector<512x256xf32>
    %convert_element_type3A_907 = arith.truncf %get3A_906 : vector<512x256xf32> to vector<512x256xbf16>
    %dot_general3A_908 = arith.constant dense<0.000000e+00> : vector<256x128xf32>
    %dot_general3A_909 = tpu.matmul %convert_element_type3A_907, %convert_element_type3A_893, %dot_general3A_908 {dimension_numbers = #tpu.dot_dimension_numbers<[0], [0], [1], [1], [0, 1, 1, 1], [], []>, transpose_lhs_hint = false} : vector<512x256xbf16>, vector<512x128xbf16>, vector<256x128xf32> -> vector<256x128xf32>
    %div3A_910 = vector.broadcast %convert_element_type3A_901 : vector<1x128xf32> to vector<256x128xf32>
    %div3A_911 = arith.divf %dot_general3A_909, %div3A_910 : vector<256x128xf32>
    %convert_element_type3A_912 = arith.truncf %div3A_911 : vector<256x128xf32> to vector<256x128xbf16>
    %dot_general3A_913 = arith.constant dense<0.000000e+00> : vector<256x128xf32>
    %dot_general3A_914 = tpu.matmul %convert_element_type3A, %convert_element_type3A_912, %dot_general3A_913 {dimension_numbers = #tpu.dot_dimension_numbers<[1], [0], [0], [1], [0, 0, 1, 1], [], []>, transpose_lhs_hint = false} : vector<256x256xbf16>, vector<256x128xbf16>, vector<256x128xf32> -> vector<256x128xf32>
    %get3A_915 = arith.constant 22 : index
    %get3A_916 = arith.constant 0 : index
    %get3A_917 = arith.constant 0 : index
    %get3A_918 = vector.load %arg3[%get3A_915, %get3A_916, %get3A_917] : memref<32x1x128xi32, #tpu.memory_space<vmem>>, vector<1x1x128xi32>
    %get3A_919 = vector.shape_cast %get3A_918 : vector<1x1x128xi32> to vector<1x128xi32>
    %get3A_920 = arith.constant 22 : index
    %get3A_921 = arith.constant 0 : index
    %get3A_922 = arith.constant 0 : index
    %get3A_923 = vector.load %arg4[%get3A_920, %get3A_921, %get3A_922] : memref<32x1x128xi32, #tpu.memory_space<vmem>>, vector<1x1x128xi32>
    %get3A_924 = vector.shape_cast %get3A_923 : vector<1x1x128xi32> to vector<1x128xi32>
    %ge3A_925 = vector.broadcast %get3A_919 : vector<1x128xi32> to vector<512x128xi32>
    %ge3A_926 = arith.cmpi sge, %iota3A, %ge3A_925 : vector<512x128xi32>
    %le3A_927 = vector.broadcast %get3A_924 : vector<1x128xi32> to vector<512x128xi32>
    %le3A_928 = arith.cmpi sle, %iota3A, %le3A_927 : vector<512x128xi32>
    %and3A_929 = arith.andi %ge3A_926, %le3A_928 : vector<512x128xi1>
    %jit3A_930 = arith.constant 1.000000e+00 : f32
    %jit3A_931 = arith.constant 0.000000e+00 : f32
    %broadcast_in_dim3A_932 = vector.broadcast %jit3A_930 : f32 to vector<512x128xf32>
    %broadcast_in_dim3A_933 = vector.broadcast %jit3A_931 : f32 to vector<512x128xf32>
    %select_n3A_934 = arith.select %and3A_929, %broadcast_in_dim3A_932, %broadcast_in_dim3A_933 : vector<512x128xi1>, vector<512x128xf32>
    %convert_element_type3A_935 = arith.truncf %select_n3A_934 : vector<512x128xf32> to vector<512x128xbf16>
    %sub3A_936 = arith.subi %get3A_924, %get3A_919 : vector<1x128xi32>
    %add3A_937 = arith.constant 1 : i32
    %add3A_938 = vector.broadcast %add3A_937 : i32 to vector<1x128xi32>
    %add3A_939 = arith.addi %sub3A_936, %add3A_938 : vector<1x128xi32>
    %max3A_940 = arith.constant 1 : i32
    %max3A_941 = vector.broadcast %max3A_940 : i32 to vector<1x128xi32>
    %max3A_942 = arith.maxsi %add3A_939, %max3A_941 : vector<1x128xi32>
    %convert_element_type3A_943 = arith.sitofp %max3A_942 : vector<1x128xi32> to vector<1x128xf32>
    %get3A_944 = arith.constant 22 : index
    %get3A_945 = arith.constant 0 : index
    %get3A_946 = arith.constant 0 : index
    %get3A_947 = vector.load %arg2[%get3A_944, %get3A_945, %get3A_946] : memref<32x512x256xf32, #tpu.memory_space<vmem>>, vector<1x512x256xf32>
    %get3A_948 = vector.shape_cast %get3A_947 : vector<1x512x256xf32> to vector<512x256xf32>
    %convert_element_type3A_949 = arith.truncf %get3A_948 : vector<512x256xf32> to vector<512x256xbf16>
    %dot_general3A_950 = arith.constant dense<0.000000e+00> : vector<256x128xf32>
    %dot_general3A_951 = tpu.matmul %convert_element_type3A_949, %convert_element_type3A_935, %dot_general3A_950 {dimension_numbers = #tpu.dot_dimension_numbers<[0], [0], [1], [1], [0, 1, 1, 1], [], []>, transpose_lhs_hint = false} : vector<512x256xbf16>, vector<512x128xbf16>, vector<256x128xf32> -> vector<256x128xf32>
    %div3A_952 = vector.broadcast %convert_element_type3A_943 : vector<1x128xf32> to vector<256x128xf32>
    %div3A_953 = arith.divf %dot_general3A_951, %div3A_952 : vector<256x128xf32>
    %convert_element_type3A_954 = arith.truncf %div3A_953 : vector<256x128xf32> to vector<256x128xbf16>
    %dot_general3A_955 = arith.constant dense<0.000000e+00> : vector<256x128xf32>
    %dot_general3A_956 = tpu.matmul %convert_element_type3A, %convert_element_type3A_954, %dot_general3A_955 {dimension_numbers = #tpu.dot_dimension_numbers<[1], [0], [0], [1], [0, 0, 1, 1], [], []>, transpose_lhs_hint = false} : vector<256x256xbf16>, vector<256x128xbf16>, vector<256x128xf32> -> vector<256x128xf32>
    %get3A_957 = arith.constant 23 : index
    %get3A_958 = arith.constant 0 : index
    %get3A_959 = arith.constant 0 : index
    %get3A_960 = vector.load %arg3[%get3A_957, %get3A_958, %get3A_959] : memref<32x1x128xi32, #tpu.memory_space<vmem>>, vector<1x1x128xi32>
    %get3A_961 = vector.shape_cast %get3A_960 : vector<1x1x128xi32> to vector<1x128xi32>
    %get3A_962 = arith.constant 23 : index
    %get3A_963 = arith.constant 0 : index
    %get3A_964 = arith.constant 0 : index
    %get3A_965 = vector.load %arg4[%get3A_962, %get3A_963, %get3A_964] : memref<32x1x128xi32, #tpu.memory_space<vmem>>, vector<1x1x128xi32>
    %get3A_966 = vector.shape_cast %get3A_965 : vector<1x1x128xi32> to vector<1x128xi32>
    %ge3A_967 = vector.broadcast %get3A_961 : vector<1x128xi32> to vector<512x128xi32>
    %ge3A_968 = arith.cmpi sge, %iota3A, %ge3A_967 : vector<512x128xi32>
    %le3A_969 = vector.broadcast %get3A_966 : vector<1x128xi32> to vector<512x128xi32>
    %le3A_970 = arith.cmpi sle, %iota3A, %le3A_969 : vector<512x128xi32>
    %and3A_971 = arith.andi %ge3A_968, %le3A_970 : vector<512x128xi1>
    %jit3A_972 = arith.constant 1.000000e+00 : f32
    %jit3A_973 = arith.constant 0.000000e+00 : f32
    %broadcast_in_dim3A_974 = vector.broadcast %jit3A_972 : f32 to vector<512x128xf32>
    %broadcast_in_dim3A_975 = vector.broadcast %jit3A_973 : f32 to vector<512x128xf32>
    %select_n3A_976 = arith.select %and3A_971, %broadcast_in_dim3A_974, %broadcast_in_dim3A_975 : vector<512x128xi1>, vector<512x128xf32>
    %convert_element_type3A_977 = arith.truncf %select_n3A_976 : vector<512x128xf32> to vector<512x128xbf16>
    %sub3A_978 = arith.subi %get3A_966, %get3A_961 : vector<1x128xi32>
    %add3A_979 = arith.constant 1 : i32
    %add3A_980 = vector.broadcast %add3A_979 : i32 to vector<1x128xi32>
    %add3A_981 = arith.addi %sub3A_978, %add3A_980 : vector<1x128xi32>
    %max3A_982 = arith.constant 1 : i32
    %max3A_983 = vector.broadcast %max3A_982 : i32 to vector<1x128xi32>
    %max3A_984 = arith.maxsi %add3A_981, %max3A_983 : vector<1x128xi32>
    %convert_element_type3A_985 = arith.sitofp %max3A_984 : vector<1x128xi32> to vector<1x128xf32>
    %get3A_986 = arith.constant 23 : index
    %get3A_987 = arith.constant 0 : index
    %get3A_988 = arith.constant 0 : index
    %get3A_989 = vector.load %arg2[%get3A_986, %get3A_987, %get3A_988] : memref<32x512x256xf32, #tpu.memory_space<vmem>>, vector<1x512x256xf32>
    %get3A_990 = vector.shape_cast %get3A_989 : vector<1x512x256xf32> to vector<512x256xf32>
    %convert_element_type3A_991 = arith.truncf %get3A_990 : vector<512x256xf32> to vector<512x256xbf16>
    %dot_general3A_992 = arith.constant dense<0.000000e+00> : vector<256x128xf32>
    %dot_general3A_993 = tpu.matmul %convert_element_type3A_991, %convert_element_type3A_977, %dot_general3A_992 {dimension_numbers = #tpu.dot_dimension_numbers<[0], [0], [1], [1], [0, 1, 1, 1], [], []>, transpose_lhs_hint = false} : vector<512x256xbf16>, vector<512x128xbf16>, vector<256x128xf32> -> vector<256x128xf32>
    %div3A_994 = vector.broadcast %convert_element_type3A_985 : vector<1x128xf32> to vector<256x128xf32>
    %div3A_995 = arith.divf %dot_general3A_993, %div3A_994 : vector<256x128xf32>
    %convert_element_type3A_996 = arith.truncf %div3A_995 : vector<256x128xf32> to vector<256x128xbf16>
    %dot_general3A_997 = arith.constant dense<0.000000e+00> : vector<256x128xf32>
    %dot_general3A_998 = tpu.matmul %convert_element_type3A, %convert_element_type3A_996, %dot_general3A_997 {dimension_numbers = #tpu.dot_dimension_numbers<[1], [0], [0], [1], [0, 0, 1, 1], [], []>, transpose_lhs_hint = false} : vector<256x256xbf16>, vector<256x128xbf16>, vector<256x128xf32> -> vector<256x128xf32>
    %get3A_999 = arith.constant 24 : index
    %get3A_1000 = arith.constant 0 : index
    %get3A_1001 = arith.constant 0 : index
    %get3A_1002 = vector.load %arg3[%get3A_999, %get3A_1000, %get3A_1001] : memref<32x1x128xi32, #tpu.memory_space<vmem>>, vector<1x1x128xi32>
    %get3A_1003 = vector.shape_cast %get3A_1002 : vector<1x1x128xi32> to vector<1x128xi32>
    %get3A_1004 = arith.constant 24 : index
    %get3A_1005 = arith.constant 0 : index
    %get3A_1006 = arith.constant 0 : index
    %get3A_1007 = vector.load %arg4[%get3A_1004, %get3A_1005, %get3A_1006] : memref<32x1x128xi32, #tpu.memory_space<vmem>>, vector<1x1x128xi32>
    %get3A_1008 = vector.shape_cast %get3A_1007 : vector<1x1x128xi32> to vector<1x128xi32>
    %ge3A_1009 = vector.broadcast %get3A_1003 : vector<1x128xi32> to vector<512x128xi32>
    %ge3A_1010 = arith.cmpi sge, %iota3A, %ge3A_1009 : vector<512x128xi32>
    %le3A_1011 = vector.broadcast %get3A_1008 : vector<1x128xi32> to vector<512x128xi32>
    %le3A_1012 = arith.cmpi sle, %iota3A, %le3A_1011 : vector<512x128xi32>
    %and3A_1013 = arith.andi %ge3A_1010, %le3A_1012 : vector<512x128xi1>
    %jit3A_1014 = arith.constant 1.000000e+00 : f32
    %jit3A_1015 = arith.constant 0.000000e+00 : f32
    %broadcast_in_dim3A_1016 = vector.broadcast %jit3A_1014 : f32 to vector<512x128xf32>
    %broadcast_in_dim3A_1017 = vector.broadcast %jit3A_1015 : f32 to vector<512x128xf32>
    %select_n3A_1018 = arith.select %and3A_1013, %broadcast_in_dim3A_1016, %broadcast_in_dim3A_1017 : vector<512x128xi1>, vector<512x128xf32>
    %convert_element_type3A_1019 = arith.truncf %select_n3A_1018 : vector<512x128xf32> to vector<512x128xbf16>
    %sub3A_1020 = arith.subi %get3A_1008, %get3A_1003 : vector<1x128xi32>
    %add3A_1021 = arith.constant 1 : i32
    %add3A_1022 = vector.broadcast %add3A_1021 : i32 to vector<1x128xi32>
    %add3A_1023 = arith.addi %sub3A_1020, %add3A_1022 : vector<1x128xi32>
    %max3A_1024 = arith.constant 1 : i32
    %max3A_1025 = vector.broadcast %max3A_1024 : i32 to vector<1x128xi32>
    %max3A_1026 = arith.maxsi %add3A_1023, %max3A_1025 : vector<1x128xi32>
    %convert_element_type3A_1027 = arith.sitofp %max3A_1026 : vector<1x128xi32> to vector<1x128xf32>
    %get3A_1028 = arith.constant 24 : index
    %get3A_1029 = arith.constant 0 : index
    %get3A_1030 = arith.constant 0 : index
    %get3A_1031 = vector.load %arg2[%get3A_1028, %get3A_1029, %get3A_1030] : memref<32x512x256xf32, #tpu.memory_space<vmem>>, vector<1x512x256xf32>
    %get3A_1032 = vector.shape_cast %get3A_1031 : vector<1x512x256xf32> to vector<512x256xf32>
    %convert_element_type3A_1033 = arith.truncf %get3A_1032 : vector<512x256xf32> to vector<512x256xbf16>
    %dot_general3A_1034 = arith.constant dense<0.000000e+00> : vector<256x128xf32>
    %dot_general3A_1035 = tpu.matmul %convert_element_type3A_1033, %convert_element_type3A_1019, %dot_general3A_1034 {dimension_numbers = #tpu.dot_dimension_numbers<[0], [0], [1], [1], [0, 1, 1, 1], [], []>, transpose_lhs_hint = false} : vector<512x256xbf16>, vector<512x128xbf16>, vector<256x128xf32> -> vector<256x128xf32>
    %div3A_1036 = vector.broadcast %convert_element_type3A_1027 : vector<1x128xf32> to vector<256x128xf32>
    %div3A_1037 = arith.divf %dot_general3A_1035, %div3A_1036 : vector<256x128xf32>
    %convert_element_type3A_1038 = arith.truncf %div3A_1037 : vector<256x128xf32> to vector<256x128xbf16>
    %dot_general3A_1039 = arith.constant dense<0.000000e+00> : vector<256x128xf32>
    %dot_general3A_1040 = tpu.matmul %convert_element_type3A, %convert_element_type3A_1038, %dot_general3A_1039 {dimension_numbers = #tpu.dot_dimension_numbers<[1], [0], [0], [1], [0, 0, 1, 1], [], []>, transpose_lhs_hint = false} : vector<256x256xbf16>, vector<256x128xbf16>, vector<256x128xf32> -> vector<256x128xf32>
    %get3A_1041 = arith.constant 25 : index
    %get3A_1042 = arith.constant 0 : index
    %get3A_1043 = arith.constant 0 : index
    %get3A_1044 = vector.load %arg3[%get3A_1041, %get3A_1042, %get3A_1043] : memref<32x1x128xi32, #tpu.memory_space<vmem>>, vector<1x1x128xi32>
    %get3A_1045 = vector.shape_cast %get3A_1044 : vector<1x1x128xi32> to vector<1x128xi32>
    %get3A_1046 = arith.constant 25 : index
    %get3A_1047 = arith.constant 0 : index
    %get3A_1048 = arith.constant 0 : index
    %get3A_1049 = vector.load %arg4[%get3A_1046, %get3A_1047, %get3A_1048] : memref<32x1x128xi32, #tpu.memory_space<vmem>>, vector<1x1x128xi32>
    %get3A_1050 = vector.shape_cast %get3A_1049 : vector<1x1x128xi32> to vector<1x128xi32>
    %ge3A_1051 = vector.broadcast %get3A_1045 : vector<1x128xi32> to vector<512x128xi32>
    %ge3A_1052 = arith.cmpi sge, %iota3A, %ge3A_1051 : vector<512x128xi32>
    %le3A_1053 = vector.broadcast %get3A_1050 : vector<1x128xi32> to vector<512x128xi32>
    %le3A_1054 = arith.cmpi sle, %iota3A, %le3A_1053 : vector<512x128xi32>
    %and3A_1055 = arith.andi %ge3A_1052, %le3A_1054 : vector<512x128xi1>
    %jit3A_1056 = arith.constant 1.000000e+00 : f32
    %jit3A_1057 = arith.constant 0.000000e+00 : f32
    %broadcast_in_dim3A_1058 = vector.broadcast %jit3A_1056 : f32 to vector<512x128xf32>
    %broadcast_in_dim3A_1059 = vector.broadcast %jit3A_1057 : f32 to vector<512x128xf32>
    %select_n3A_1060 = arith.select %and3A_1055, %broadcast_in_dim3A_1058, %broadcast_in_dim3A_1059 : vector<512x128xi1>, vector<512x128xf32>
    %convert_element_type3A_1061 = arith.truncf %select_n3A_1060 : vector<512x128xf32> to vector<512x128xbf16>
    %sub3A_1062 = arith.subi %get3A_1050, %get3A_1045 : vector<1x128xi32>
    %add3A_1063 = arith.constant 1 : i32
    %add3A_1064 = vector.broadcast %add3A_1063 : i32 to vector<1x128xi32>
    %add3A_1065 = arith.addi %sub3A_1062, %add3A_1064 : vector<1x128xi32>
    %max3A_1066 = arith.constant 1 : i32
    %max3A_1067 = vector.broadcast %max3A_1066 : i32 to vector<1x128xi32>
    %max3A_1068 = arith.maxsi %add3A_1065, %max3A_1067 : vector<1x128xi32>
    %convert_element_type3A_1069 = arith.sitofp %max3A_1068 : vector<1x128xi32> to vector<1x128xf32>
    %get3A_1070 = arith.constant 25 : index
    %get3A_1071 = arith.constant 0 : index
    %get3A_1072 = arith.constant 0 : index
    %get3A_1073 = vector.load %arg2[%get3A_1070, %get3A_1071, %get3A_1072] : memref<32x512x256xf32, #tpu.memory_space<vmem>>, vector<1x512x256xf32>
    %get3A_1074 = vector.shape_cast %get3A_1073 : vector<1x512x256xf32> to vector<512x256xf32>
    %convert_element_type3A_1075 = arith.truncf %get3A_1074 : vector<512x256xf32> to vector<512x256xbf16>
    %dot_general3A_1076 = arith.constant dense<0.000000e+00> : vector<256x128xf32>
    %dot_general3A_1077 = tpu.matmul %convert_element_type3A_1075, %convert_element_type3A_1061, %dot_general3A_1076 {dimension_numbers = #tpu.dot_dimension_numbers<[0], [0], [1], [1], [0, 1, 1, 1], [], []>, transpose_lhs_hint = false} : vector<512x256xbf16>, vector<512x128xbf16>, vector<256x128xf32> -> vector<256x128xf32>
    %div3A_1078 = vector.broadcast %convert_element_type3A_1069 : vector<1x128xf32> to vector<256x128xf32>
    %div3A_1079 = arith.divf %dot_general3A_1077, %div3A_1078 : vector<256x128xf32>
    %convert_element_type3A_1080 = arith.truncf %div3A_1079 : vector<256x128xf32> to vector<256x128xbf16>
    %dot_general3A_1081 = arith.constant dense<0.000000e+00> : vector<256x128xf32>
    %dot_general3A_1082 = tpu.matmul %convert_element_type3A, %convert_element_type3A_1080, %dot_general3A_1081 {dimension_numbers = #tpu.dot_dimension_numbers<[1], [0], [0], [1], [0, 0, 1, 1], [], []>, transpose_lhs_hint = false} : vector<256x256xbf16>, vector<256x128xbf16>, vector<256x128xf32> -> vector<256x128xf32>
    %get3A_1083 = arith.constant 26 : index
    %get3A_1084 = arith.constant 0 : index
    %get3A_1085 = arith.constant 0 : index
    %get3A_1086 = vector.load %arg3[%get3A_1083, %get3A_1084, %get3A_1085] : memref<32x1x128xi32, #tpu.memory_space<vmem>>, vector<1x1x128xi32>
    %get3A_1087 = vector.shape_cast %get3A_1086 : vector<1x1x128xi32> to vector<1x128xi32>
    %get3A_1088 = arith.constant 26 : index
    %get3A_1089 = arith.constant 0 : index
    %get3A_1090 = arith.constant 0 : index
    %get3A_1091 = vector.load %arg4[%get3A_1088, %get3A_1089, %get3A_1090] : memref<32x1x128xi32, #tpu.memory_space<vmem>>, vector<1x1x128xi32>
    %get3A_1092 = vector.shape_cast %get3A_1091 : vector<1x1x128xi32> to vector<1x128xi32>
    %ge3A_1093 = vector.broadcast %get3A_1087 : vector<1x128xi32> to vector<512x128xi32>
    %ge3A_1094 = arith.cmpi sge, %iota3A, %ge3A_1093 : vector<512x128xi32>
    %le3A_1095 = vector.broadcast %get3A_1092 : vector<1x128xi32> to vector<512x128xi32>
    %le3A_1096 = arith.cmpi sle, %iota3A, %le3A_1095 : vector<512x128xi32>
    %and3A_1097 = arith.andi %ge3A_1094, %le3A_1096 : vector<512x128xi1>
    %jit3A_1098 = arith.constant 1.000000e+00 : f32
    %jit3A_1099 = arith.constant 0.000000e+00 : f32
    %broadcast_in_dim3A_1100 = vector.broadcast %jit3A_1098 : f32 to vector<512x128xf32>
    %broadcast_in_dim3A_1101 = vector.broadcast %jit3A_1099 : f32 to vector<512x128xf32>
    %select_n3A_1102 = arith.select %and3A_1097, %broadcast_in_dim3A_1100, %broadcast_in_dim3A_1101 : vector<512x128xi1>, vector<512x128xf32>
    %convert_element_type3A_1103 = arith.truncf %select_n3A_1102 : vector<512x128xf32> to vector<512x128xbf16>
    %sub3A_1104 = arith.subi %get3A_1092, %get3A_1087 : vector<1x128xi32>
    %add3A_1105 = arith.constant 1 : i32
    %add3A_1106 = vector.broadcast %add3A_1105 : i32 to vector<1x128xi32>
    %add3A_1107 = arith.addi %sub3A_1104, %add3A_1106 : vector<1x128xi32>
    %max3A_1108 = arith.constant 1 : i32
    %max3A_1109 = vector.broadcast %max3A_1108 : i32 to vector<1x128xi32>
    %max3A_1110 = arith.maxsi %add3A_1107, %max3A_1109 : vector<1x128xi32>
    %convert_element_type3A_1111 = arith.sitofp %max3A_1110 : vector<1x128xi32> to vector<1x128xf32>
    %get3A_1112 = arith.constant 26 : index
    %get3A_1113 = arith.constant 0 : index
    %get3A_1114 = arith.constant 0 : index
    %get3A_1115 = vector.load %arg2[%get3A_1112, %get3A_1113, %get3A_1114] : memref<32x512x256xf32, #tpu.memory_space<vmem>>, vector<1x512x256xf32>
    %get3A_1116 = vector.shape_cast %get3A_1115 : vector<1x512x256xf32> to vector<512x256xf32>
    %convert_element_type3A_1117 = arith.truncf %get3A_1116 : vector<512x256xf32> to vector<512x256xbf16>
    %dot_general3A_1118 = arith.constant dense<0.000000e+00> : vector<256x128xf32>
    %dot_general3A_1119 = tpu.matmul %convert_element_type3A_1117, %convert_element_type3A_1103, %dot_general3A_1118 {dimension_numbers = #tpu.dot_dimension_numbers<[0], [0], [1], [1], [0, 1, 1, 1], [], []>, transpose_lhs_hint = false} : vector<512x256xbf16>, vector<512x128xbf16>, vector<256x128xf32> -> vector<256x128xf32>
    %div3A_1120 = vector.broadcast %convert_element_type3A_1111 : vector<1x128xf32> to vector<256x128xf32>
    %div3A_1121 = arith.divf %dot_general3A_1119, %div3A_1120 : vector<256x128xf32>
    %convert_element_type3A_1122 = arith.truncf %div3A_1121 : vector<256x128xf32> to vector<256x128xbf16>
    %dot_general3A_1123 = arith.constant dense<0.000000e+00> : vector<256x128xf32>
    %dot_general3A_1124 = tpu.matmul %convert_element_type3A, %convert_element_type3A_1122, %dot_general3A_1123 {dimension_numbers = #tpu.dot_dimension_numbers<[1], [0], [0], [1], [0, 0, 1, 1], [], []>, transpose_lhs_hint = false} : vector<256x256xbf16>, vector<256x128xbf16>, vector<256x128xf32> -> vector<256x128xf32>
    %get3A_1125 = arith.constant 27 : index
    %get3A_1126 = arith.constant 0 : index
    %get3A_1127 = arith.constant 0 : index
    %get3A_1128 = vector.load %arg3[%get3A_1125, %get3A_1126, %get3A_1127] : memref<32x1x128xi32, #tpu.memory_space<vmem>>, vector<1x1x128xi32>
    %get3A_1129 = vector.shape_cast %get3A_1128 : vector<1x1x128xi32> to vector<1x128xi32>
    %get3A_1130 = arith.constant 27 : index
    %get3A_1131 = arith.constant 0 : index
    %get3A_1132 = arith.constant 0 : index
    %get3A_1133 = vector.load %arg4[%get3A_1130, %get3A_1131, %get3A_1132] : memref<32x1x128xi32, #tpu.memory_space<vmem>>, vector<1x1x128xi32>
    %get3A_1134 = vector.shape_cast %get3A_1133 : vector<1x1x128xi32> to vector<1x128xi32>
    %ge3A_1135 = vector.broadcast %get3A_1129 : vector<1x128xi32> to vector<512x128xi32>
    %ge3A_1136 = arith.cmpi sge, %iota3A, %ge3A_1135 : vector<512x128xi32>
    %le3A_1137 = vector.broadcast %get3A_1134 : vector<1x128xi32> to vector<512x128xi32>
    %le3A_1138 = arith.cmpi sle, %iota3A, %le3A_1137 : vector<512x128xi32>
    %and3A_1139 = arith.andi %ge3A_1136, %le3A_1138 : vector<512x128xi1>
    %jit3A_1140 = arith.constant 1.000000e+00 : f32
    %jit3A_1141 = arith.constant 0.000000e+00 : f32
    %broadcast_in_dim3A_1142 = vector.broadcast %jit3A_1140 : f32 to vector<512x128xf32>
    %broadcast_in_dim3A_1143 = vector.broadcast %jit3A_1141 : f32 to vector<512x128xf32>
    %select_n3A_1144 = arith.select %and3A_1139, %broadcast_in_dim3A_1142, %broadcast_in_dim3A_1143 : vector<512x128xi1>, vector<512x128xf32>
    %convert_element_type3A_1145 = arith.truncf %select_n3A_1144 : vector<512x128xf32> to vector<512x128xbf16>
    %sub3A_1146 = arith.subi %get3A_1134, %get3A_1129 : vector<1x128xi32>
    %add3A_1147 = arith.constant 1 : i32
    %add3A_1148 = vector.broadcast %add3A_1147 : i32 to vector<1x128xi32>
    %add3A_1149 = arith.addi %sub3A_1146, %add3A_1148 : vector<1x128xi32>
    %max3A_1150 = arith.constant 1 : i32
    %max3A_1151 = vector.broadcast %max3A_1150 : i32 to vector<1x128xi32>
    %max3A_1152 = arith.maxsi %add3A_1149, %max3A_1151 : vector<1x128xi32>
    %convert_element_type3A_1153 = arith.sitofp %max3A_1152 : vector<1x128xi32> to vector<1x128xf32>
    %get3A_1154 = arith.constant 27 : index
    %get3A_1155 = arith.constant 0 : index
    %get3A_1156 = arith.constant 0 : index
    %get3A_1157 = vector.load %arg2[%get3A_1154, %get3A_1155, %get3A_1156] : memref<32x512x256xf32, #tpu.memory_space<vmem>>, vector<1x512x256xf32>
    %get3A_1158 = vector.shape_cast %get3A_1157 : vector<1x512x256xf32> to vector<512x256xf32>
    %convert_element_type3A_1159 = arith.truncf %get3A_1158 : vector<512x256xf32> to vector<512x256xbf16>
    %dot_general3A_1160 = arith.constant dense<0.000000e+00> : vector<256x128xf32>
    %dot_general3A_1161 = tpu.matmul %convert_element_type3A_1159, %convert_element_type3A_1145, %dot_general3A_1160 {dimension_numbers = #tpu.dot_dimension_numbers<[0], [0], [1], [1], [0, 1, 1, 1], [], []>, transpose_lhs_hint = false} : vector<512x256xbf16>, vector<512x128xbf16>, vector<256x128xf32> -> vector<256x128xf32>
    %div3A_1162 = vector.broadcast %convert_element_type3A_1153 : vector<1x128xf32> to vector<256x128xf32>
    %div3A_1163 = arith.divf %dot_general3A_1161, %div3A_1162 : vector<256x128xf32>
    %convert_element_type3A_1164 = arith.truncf %div3A_1163 : vector<256x128xf32> to vector<256x128xbf16>
    %dot_general3A_1165 = arith.constant dense<0.000000e+00> : vector<256x128xf32>
    %dot_general3A_1166 = tpu.matmul %convert_element_type3A, %convert_element_type3A_1164, %dot_general3A_1165 {dimension_numbers = #tpu.dot_dimension_numbers<[1], [0], [0], [1], [0, 0, 1, 1], [], []>, transpose_lhs_hint = false} : vector<256x256xbf16>, vector<256x128xbf16>, vector<256x128xf32> -> vector<256x128xf32>
    %get3A_1167 = arith.constant 28 : index
    %get3A_1168 = arith.constant 0 : index
    %get3A_1169 = arith.constant 0 : index
    %get3A_1170 = vector.load %arg3[%get3A_1167, %get3A_1168, %get3A_1169] : memref<32x1x128xi32, #tpu.memory_space<vmem>>, vector<1x1x128xi32>
    %get3A_1171 = vector.shape_cast %get3A_1170 : vector<1x1x128xi32> to vector<1x128xi32>
    %get3A_1172 = arith.constant 28 : index
    %get3A_1173 = arith.constant 0 : index
    %get3A_1174 = arith.constant 0 : index
    %get3A_1175 = vector.load %arg4[%get3A_1172, %get3A_1173, %get3A_1174] : memref<32x1x128xi32, #tpu.memory_space<vmem>>, vector<1x1x128xi32>
    %get3A_1176 = vector.shape_cast %get3A_1175 : vector<1x1x128xi32> to vector<1x128xi32>
    %ge3A_1177 = vector.broadcast %get3A_1171 : vector<1x128xi32> to vector<512x128xi32>
    %ge3A_1178 = arith.cmpi sge, %iota3A, %ge3A_1177 : vector<512x128xi32>
    %le3A_1179 = vector.broadcast %get3A_1176 : vector<1x128xi32> to vector<512x128xi32>
    %le3A_1180 = arith.cmpi sle, %iota3A, %le3A_1179 : vector<512x128xi32>
    %and3A_1181 = arith.andi %ge3A_1178, %le3A_1180 : vector<512x128xi1>
    %jit3A_1182 = arith.constant 1.000000e+00 : f32
    %jit3A_1183 = arith.constant 0.000000e+00 : f32
    %broadcast_in_dim3A_1184 = vector.broadcast %jit3A_1182 : f32 to vector<512x128xf32>
    %broadcast_in_dim3A_1185 = vector.broadcast %jit3A_1183 : f32 to vector<512x128xf32>
    %select_n3A_1186 = arith.select %and3A_1181, %broadcast_in_dim3A_1184, %broadcast_in_dim3A_1185 : vector<512x128xi1>, vector<512x128xf32>
    %convert_element_type3A_1187 = arith.truncf %select_n3A_1186 : vector<512x128xf32> to vector<512x128xbf16>
    %sub3A_1188 = arith.subi %get3A_1176, %get3A_1171 : vector<1x128xi32>
    %add3A_1189 = arith.constant 1 : i32
    %add3A_1190 = vector.broadcast %add3A_1189 : i32 to vector<1x128xi32>
    %add3A_1191 = arith.addi %sub3A_1188, %add3A_1190 : vector<1x128xi32>
    %max3A_1192 = arith.constant 1 : i32
    %max3A_1193 = vector.broadcast %max3A_1192 : i32 to vector<1x128xi32>
    %max3A_1194 = arith.maxsi %add3A_1191, %max3A_1193 : vector<1x128xi32>
    %convert_element_type3A_1195 = arith.sitofp %max3A_1194 : vector<1x128xi32> to vector<1x128xf32>
    %get3A_1196 = arith.constant 28 : index
    %get3A_1197 = arith.constant 0 : index
    %get3A_1198 = arith.constant 0 : index
    %get3A_1199 = vector.load %arg2[%get3A_1196, %get3A_1197, %get3A_1198] : memref<32x512x256xf32, #tpu.memory_space<vmem>>, vector<1x512x256xf32>
    %get3A_1200 = vector.shape_cast %get3A_1199 : vector<1x512x256xf32> to vector<512x256xf32>
    %convert_element_type3A_1201 = arith.truncf %get3A_1200 : vector<512x256xf32> to vector<512x256xbf16>
    %dot_general3A_1202 = arith.constant dense<0.000000e+00> : vector<256x128xf32>
    %dot_general3A_1203 = tpu.matmul %convert_element_type3A_1201, %convert_element_type3A_1187, %dot_general3A_1202 {dimension_numbers = #tpu.dot_dimension_numbers<[0], [0], [1], [1], [0, 1, 1, 1], [], []>, transpose_lhs_hint = false} : vector<512x256xbf16>, vector<512x128xbf16>, vector<256x128xf32> -> vector<256x128xf32>
    %div3A_1204 = vector.broadcast %convert_element_type3A_1195 : vector<1x128xf32> to vector<256x128xf32>
    %div3A_1205 = arith.divf %dot_general3A_1203, %div3A_1204 : vector<256x128xf32>
    %convert_element_type3A_1206 = arith.truncf %div3A_1205 : vector<256x128xf32> to vector<256x128xbf16>
    %dot_general3A_1207 = arith.constant dense<0.000000e+00> : vector<256x128xf32>
    %dot_general3A_1208 = tpu.matmul %convert_element_type3A, %convert_element_type3A_1206, %dot_general3A_1207 {dimension_numbers = #tpu.dot_dimension_numbers<[1], [0], [0], [1], [0, 0, 1, 1], [], []>, transpose_lhs_hint = false} : vector<256x256xbf16>, vector<256x128xbf16>, vector<256x128xf32> -> vector<256x128xf32>
    %get3A_1209 = arith.constant 29 : index
    %get3A_1210 = arith.constant 0 : index
    %get3A_1211 = arith.constant 0 : index
    %get3A_1212 = vector.load %arg3[%get3A_1209, %get3A_1210, %get3A_1211] : memref<32x1x128xi32, #tpu.memory_space<vmem>>, vector<1x1x128xi32>
    %get3A_1213 = vector.shape_cast %get3A_1212 : vector<1x1x128xi32> to vector<1x128xi32>
    %get3A_1214 = arith.constant 29 : index
    %get3A_1215 = arith.constant 0 : index
    %get3A_1216 = arith.constant 0 : index
    %get3A_1217 = vector.load %arg4[%get3A_1214, %get3A_1215, %get3A_1216] : memref<32x1x128xi32, #tpu.memory_space<vmem>>, vector<1x1x128xi32>
    %get3A_1218 = vector.shape_cast %get3A_1217 : vector<1x1x128xi32> to vector<1x128xi32>
    %ge3A_1219 = vector.broadcast %get3A_1213 : vector<1x128xi32> to vector<512x128xi32>
    %ge3A_1220 = arith.cmpi sge, %iota3A, %ge3A_1219 : vector<512x128xi32>
    %le3A_1221 = vector.broadcast %get3A_1218 : vector<1x128xi32> to vector<512x128xi32>
    %le3A_1222 = arith.cmpi sle, %iota3A, %le3A_1221 : vector<512x128xi32>
    %and3A_1223 = arith.andi %ge3A_1220, %le3A_1222 : vector<512x128xi1>
    %jit3A_1224 = arith.constant 1.000000e+00 : f32
    %jit3A_1225 = arith.constant 0.000000e+00 : f32
    %broadcast_in_dim3A_1226 = vector.broadcast %jit3A_1224 : f32 to vector<512x128xf32>
    %broadcast_in_dim3A_1227 = vector.broadcast %jit3A_1225 : f32 to vector<512x128xf32>
    %select_n3A_1228 = arith.select %and3A_1223, %broadcast_in_dim3A_1226, %broadcast_in_dim3A_1227 : vector<512x128xi1>, vector<512x128xf32>
    %convert_element_type3A_1229 = arith.truncf %select_n3A_1228 : vector<512x128xf32> to vector<512x128xbf16>
    %sub3A_1230 = arith.subi %get3A_1218, %get3A_1213 : vector<1x128xi32>
    %add3A_1231 = arith.constant 1 : i32
    %add3A_1232 = vector.broadcast %add3A_1231 : i32 to vector<1x128xi32>
    %add3A_1233 = arith.addi %sub3A_1230, %add3A_1232 : vector<1x128xi32>
    %max3A_1234 = arith.constant 1 : i32
    %max3A_1235 = vector.broadcast %max3A_1234 : i32 to vector<1x128xi32>
    %max3A_1236 = arith.maxsi %add3A_1233, %max3A_1235 : vector<1x128xi32>
    %convert_element_type3A_1237 = arith.sitofp %max3A_1236 : vector<1x128xi32> to vector<1x128xf32>
    %get3A_1238 = arith.constant 29 : index
    %get3A_1239 = arith.constant 0 : index
    %get3A_1240 = arith.constant 0 : index
    %get3A_1241 = vector.load %arg2[%get3A_1238, %get3A_1239, %get3A_1240] : memref<32x512x256xf32, #tpu.memory_space<vmem>>, vector<1x512x256xf32>
    %get3A_1242 = vector.shape_cast %get3A_1241 : vector<1x512x256xf32> to vector<512x256xf32>
    %convert_element_type3A_1243 = arith.truncf %get3A_1242 : vector<512x256xf32> to vector<512x256xbf16>
    %dot_general3A_1244 = arith.constant dense<0.000000e+00> : vector<256x128xf32>
    %dot_general3A_1245 = tpu.matmul %convert_element_type3A_1243, %convert_element_type3A_1229, %dot_general3A_1244 {dimension_numbers = #tpu.dot_dimension_numbers<[0], [0], [1], [1], [0, 1, 1, 1], [], []>, transpose_lhs_hint = false} : vector<512x256xbf16>, vector<512x128xbf16>, vector<256x128xf32> -> vector<256x128xf32>
    %div3A_1246 = vector.broadcast %convert_element_type3A_1237 : vector<1x128xf32> to vector<256x128xf32>
    %div3A_1247 = arith.divf %dot_general3A_1245, %div3A_1246 : vector<256x128xf32>
    %convert_element_type3A_1248 = arith.truncf %div3A_1247 : vector<256x128xf32> to vector<256x128xbf16>
    %dot_general3A_1249 = arith.constant dense<0.000000e+00> : vector<256x128xf32>
    %dot_general3A_1250 = tpu.matmul %convert_element_type3A, %convert_element_type3A_1248, %dot_general3A_1249 {dimension_numbers = #tpu.dot_dimension_numbers<[1], [0], [0], [1], [0, 0, 1, 1], [], []>, transpose_lhs_hint = false} : vector<256x256xbf16>, vector<256x128xbf16>, vector<256x128xf32> -> vector<256x128xf32>
    %get3A_1251 = arith.constant 30 : index
    %get3A_1252 = arith.constant 0 : index
    %get3A_1253 = arith.constant 0 : index
    %get3A_1254 = vector.load %arg3[%get3A_1251, %get3A_1252, %get3A_1253] : memref<32x1x128xi32, #tpu.memory_space<vmem>>, vector<1x1x128xi32>
    %get3A_1255 = vector.shape_cast %get3A_1254 : vector<1x1x128xi32> to vector<1x128xi32>
    %get3A_1256 = arith.constant 30 : index
    %get3A_1257 = arith.constant 0 : index
    %get3A_1258 = arith.constant 0 : index
    %get3A_1259 = vector.load %arg4[%get3A_1256, %get3A_1257, %get3A_1258] : memref<32x1x128xi32, #tpu.memory_space<vmem>>, vector<1x1x128xi32>
    %get3A_1260 = vector.shape_cast %get3A_1259 : vector<1x1x128xi32> to vector<1x128xi32>
    %ge3A_1261 = vector.broadcast %get3A_1255 : vector<1x128xi32> to vector<512x128xi32>
    %ge3A_1262 = arith.cmpi sge, %iota3A, %ge3A_1261 : vector<512x128xi32>
    %le3A_1263 = vector.broadcast %get3A_1260 : vector<1x128xi32> to vector<512x128xi32>
    %le3A_1264 = arith.cmpi sle, %iota3A, %le3A_1263 : vector<512x128xi32>
    %and3A_1265 = arith.andi %ge3A_1262, %le3A_1264 : vector<512x128xi1>
    %jit3A_1266 = arith.constant 1.000000e+00 : f32
    %jit3A_1267 = arith.constant 0.000000e+00 : f32
    %broadcast_in_dim3A_1268 = vector.broadcast %jit3A_1266 : f32 to vector<512x128xf32>
    %broadcast_in_dim3A_1269 = vector.broadcast %jit3A_1267 : f32 to vector<512x128xf32>
    %select_n3A_1270 = arith.select %and3A_1265, %broadcast_in_dim3A_1268, %broadcast_in_dim3A_1269 : vector<512x128xi1>, vector<512x128xf32>
    %convert_element_type3A_1271 = arith.truncf %select_n3A_1270 : vector<512x128xf32> to vector<512x128xbf16>
    %sub3A_1272 = arith.subi %get3A_1260, %get3A_1255 : vector<1x128xi32>
    %add3A_1273 = arith.constant 1 : i32
    %add3A_1274 = vector.broadcast %add3A_1273 : i32 to vector<1x128xi32>
    %add3A_1275 = arith.addi %sub3A_1272, %add3A_1274 : vector<1x128xi32>
    %max3A_1276 = arith.constant 1 : i32
    %max3A_1277 = vector.broadcast %max3A_1276 : i32 to vector<1x128xi32>
    %max3A_1278 = arith.maxsi %add3A_1275, %max3A_1277 : vector<1x128xi32>
    %convert_element_type3A_1279 = arith.sitofp %max3A_1278 : vector<1x128xi32> to vector<1x128xf32>
    %get3A_1280 = arith.constant 30 : index
    %get3A_1281 = arith.constant 0 : index
    %get3A_1282 = arith.constant 0 : index
    %get3A_1283 = vector.load %arg2[%get3A_1280, %get3A_1281, %get3A_1282] : memref<32x512x256xf32, #tpu.memory_space<vmem>>, vector<1x512x256xf32>
    %get3A_1284 = vector.shape_cast %get3A_1283 : vector<1x512x256xf32> to vector<512x256xf32>
    %convert_element_type3A_1285 = arith.truncf %get3A_1284 : vector<512x256xf32> to vector<512x256xbf16>
    %dot_general3A_1286 = arith.constant dense<0.000000e+00> : vector<256x128xf32>
    %dot_general3A_1287 = tpu.matmul %convert_element_type3A_1285, %convert_element_type3A_1271, %dot_general3A_1286 {dimension_numbers = #tpu.dot_dimension_numbers<[0], [0], [1], [1], [0, 1, 1, 1], [], []>, transpose_lhs_hint = false} : vector<512x256xbf16>, vector<512x128xbf16>, vector<256x128xf32> -> vector<256x128xf32>
    %div3A_1288 = vector.broadcast %convert_element_type3A_1279 : vector<1x128xf32> to vector<256x128xf32>
    %div3A_1289 = arith.divf %dot_general3A_1287, %div3A_1288 : vector<256x128xf32>
    %convert_element_type3A_1290 = arith.truncf %div3A_1289 : vector<256x128xf32> to vector<256x128xbf16>
    %dot_general3A_1291 = arith.constant dense<0.000000e+00> : vector<256x128xf32>
    %dot_general3A_1292 = tpu.matmul %convert_element_type3A, %convert_element_type3A_1290, %dot_general3A_1291 {dimension_numbers = #tpu.dot_dimension_numbers<[1], [0], [0], [1], [0, 0, 1, 1], [], []>, transpose_lhs_hint = false} : vector<256x256xbf16>, vector<256x128xbf16>, vector<256x128xf32> -> vector<256x128xf32>
    %get3A_1293 = arith.constant 31 : index
    %get3A_1294 = arith.constant 0 : index
    %get3A_1295 = arith.constant 0 : index
    %get3A_1296 = vector.load %arg3[%get3A_1293, %get3A_1294, %get3A_1295] : memref<32x1x128xi32, #tpu.memory_space<vmem>>, vector<1x1x128xi32>
    %get3A_1297 = vector.shape_cast %get3A_1296 : vector<1x1x128xi32> to vector<1x128xi32>
    %get3A_1298 = arith.constant 31 : index
    %get3A_1299 = arith.constant 0 : index
    %get3A_1300 = arith.constant 0 : index
    %get3A_1301 = vector.load %arg4[%get3A_1298, %get3A_1299, %get3A_1300] : memref<32x1x128xi32, #tpu.memory_space<vmem>>, vector<1x1x128xi32>
    %get3A_1302 = vector.shape_cast %get3A_1301 : vector<1x1x128xi32> to vector<1x128xi32>
    %ge3A_1303 = vector.broadcast %get3A_1297 : vector<1x128xi32> to vector<512x128xi32>
    %ge3A_1304 = arith.cmpi sge, %iota3A, %ge3A_1303 : vector<512x128xi32>
    %le3A_1305 = vector.broadcast %get3A_1302 : vector<1x128xi32> to vector<512x128xi32>
    %le3A_1306 = arith.cmpi sle, %iota3A, %le3A_1305 : vector<512x128xi32>
    %and3A_1307 = arith.andi %ge3A_1304, %le3A_1306 : vector<512x128xi1>
    %jit3A_1308 = arith.constant 1.000000e+00 : f32
    %jit3A_1309 = arith.constant 0.000000e+00 : f32
    %broadcast_in_dim3A_1310 = vector.broadcast %jit3A_1308 : f32 to vector<512x128xf32>
    %broadcast_in_dim3A_1311 = vector.broadcast %jit3A_1309 : f32 to vector<512x128xf32>
    %select_n3A_1312 = arith.select %and3A_1307, %broadcast_in_dim3A_1310, %broadcast_in_dim3A_1311 : vector<512x128xi1>, vector<512x128xf32>
    %convert_element_type3A_1313 = arith.truncf %select_n3A_1312 : vector<512x128xf32> to vector<512x128xbf16>
    %sub3A_1314 = arith.subi %get3A_1302, %get3A_1297 : vector<1x128xi32>
    %add3A_1315 = arith.constant 1 : i32
    %add3A_1316 = vector.broadcast %add3A_1315 : i32 to vector<1x128xi32>
    %add3A_1317 = arith.addi %sub3A_1314, %add3A_1316 : vector<1x128xi32>
    %max3A_1318 = arith.constant 1 : i32
    %max3A_1319 = vector.broadcast %max3A_1318 : i32 to vector<1x128xi32>
    %max3A_1320 = arith.maxsi %add3A_1317, %max3A_1319 : vector<1x128xi32>
    %convert_element_type3A_1321 = arith.sitofp %max3A_1320 : vector<1x128xi32> to vector<1x128xf32>
    %get3A_1322 = arith.constant 31 : index
    %get3A_1323 = arith.constant 0 : index
    %get3A_1324 = arith.constant 0 : index
    %get3A_1325 = vector.load %arg2[%get3A_1322, %get3A_1323, %get3A_1324] : memref<32x512x256xf32, #tpu.memory_space<vmem>>, vector<1x512x256xf32>
    %get3A_1326 = vector.shape_cast %get3A_1325 : vector<1x512x256xf32> to vector<512x256xf32>
    %convert_element_type3A_1327 = arith.truncf %get3A_1326 : vector<512x256xf32> to vector<512x256xbf16>
    %dot_general3A_1328 = arith.constant dense<0.000000e+00> : vector<256x128xf32>
    %dot_general3A_1329 = tpu.matmul %convert_element_type3A_1327, %convert_element_type3A_1313, %dot_general3A_1328 {dimension_numbers = #tpu.dot_dimension_numbers<[0], [0], [1], [1], [0, 1, 1, 1], [], []>, transpose_lhs_hint = false} : vector<512x256xbf16>, vector<512x128xbf16>, vector<256x128xf32> -> vector<256x128xf32>
    %div3A_1330 = vector.broadcast %convert_element_type3A_1321 : vector<1x128xf32> to vector<256x128xf32>
    %div3A_1331 = arith.divf %dot_general3A_1329, %div3A_1330 : vector<256x128xf32>
    %convert_element_type3A_1332 = arith.truncf %div3A_1331 : vector<256x128xf32> to vector<256x128xbf16>
    %dot_general3A_1333 = arith.constant dense<0.000000e+00> : vector<256x128xf32>
    %dot_general3A_1334 = tpu.matmul %convert_element_type3A, %convert_element_type3A_1332, %dot_general3A_1333 {dimension_numbers = #tpu.dot_dimension_numbers<[1], [0], [0], [1], [0, 0, 1, 1], [], []>, transpose_lhs_hint = false} : vector<256x256xbf16>, vector<256x128xbf16>, vector<256x128xf32> -> vector<256x128xf32>
    %concatenate3A = tpu.concatenate %dot_general3A_32, %dot_general3A_74, %dot_general3A_116, %dot_general3A_158, %dot_general3A_200, %dot_general3A_242, %dot_general3A_284, %dot_general3A_326, %dot_general3A_368, %dot_general3A_410, %dot_general3A_452, %dot_general3A_494, %dot_general3A_536, %dot_general3A_578, %dot_general3A_620, %dot_general3A_662, %dot_general3A_704, %dot_general3A_746, %dot_general3A_788, %dot_general3A_830, %dot_general3A_872, %dot_general3A_914, %dot_general3A_956, %dot_general3A_998, %dot_general3A_1040, %dot_general3A_1082, %dot_general3A_1124, %dot_general3A_1166, %dot_general3A_1208, %dot_general3A_1250, %dot_general3A_1292, %dot_general3A_1334 in 1 : vector<256x128xf32>, vector<256x128xf32>, vector<256x128xf32>, vector<256x128xf32>, vector<256x128xf32>, vector<256x128xf32>, vector<256x128xf32>, vector<256x128xf32>, vector<256x128xf32>, vector<256x128xf32>, vector<256x128xf32>, vector<256x128xf32>, vector<256x128xf32>, vector<256x128xf32>, vector<256x128xf32>, vector<256x128xf32>, vector<256x128xf32>, vector<256x128xf32>, vector<256x128xf32>, vector<256x128xf32>, vector<256x128xf32>, vector<256x128xf32>, vector<256x128xf32>, vector<256x128xf32>, vector<256x128xf32>, vector<256x128xf32>, vector<256x128xf32>, vector<256x128xf32>, vector<256x128xf32>, vector<256x128xf32>, vector<256x128xf32>, vector<256x128xf32> -> vector<256x4096xf32>
    %get3A_1335 = arith.constant 0 : index
    %get3A_1336 = arith.constant 0 : index
    %get3A_1337 = vector.load %arg10[%get3A_1335, %get3A_1336] : memref<256x1xf32, #tpu.memory_space<vmem>>, vector<256x1xf32>
    %add3A_1338 = vector.broadcast %get3A_1337 : vector<256x1xf32> to vector<256x4096xf32>
    %add3A_1339 = arith.addf %concatenate3A, %add3A_1338 : vector<256x4096xf32>
    %get3A_1340 = arith.constant 0 : index
    %get3A_1341 = arith.constant 0 : index
    %get3A_1342 = vector.load %arg5[%get3A_1340, %get3A_1341] : memref<1x4096xi32, #tpu.memory_space<vmem>>, vector<1x4096xi32>
    %get3A_1343 = arith.constant 0 : index
    %get3A_1344 = arith.constant 0 : index
    %get3A_1345 = vector.load %arg11[%get3A_1343, %get3A_1344] : memref<256x256xf32, #tpu.memory_space<vmem>>, vector<256x256xf32>
    %convert_element_type3A_1346 = arith.truncf %get3A_1345 : vector<256x256xf32> to vector<256x256xbf16>
    %get3A_1347 = arith.constant 0 : index
    %get3A_1348 = arith.constant 0 : index
    %get3A_1349 = vector.load %arg12[%get3A_1347, %get3A_1348] : memref<2x257xf32, #tpu.memory_space<vmem>>, vector<2x257xf32>
    %convert_element_type3A_1350 = arith.truncf %get3A_1349 : vector<2x257xf32> to vector<2x257xbf16>
    %get3A_1351 = arith.constant 0 : index
    %get3A_1352 = arith.constant 0 : index
    %get3A_1353 = vector.load %arg13[%get3A_1351, %get3A_1352] : memref<2x1xf32, #tpu.memory_space<vmem>>, vector<2x1xf32>
    %iota3A_1354 = tpu.iota {dimensions = array<i32: 1>} : vector<128x128xi32>
    %iota3A_1355 = tpu.iota {dimensions = array<i32: 0>} : vector<128x128xi32>
    %eq3A = arith.cmpi eq, %iota3A_1354, %iota3A_1355 : vector<128x128xi32>
    %jit3A_1356 = arith.constant 1.000000e+00 : f32
    %jit3A_1357 = arith.constant 0.000000e+00 : f32
    %broadcast_in_dim3A_1358 = vector.broadcast %jit3A_1356 : f32 to vector<128x128xf32>
    %broadcast_in_dim3A_1359 = vector.broadcast %jit3A_1357 : f32 to vector<128x128xf32>
    %select_n3A_1360 = arith.select %eq3A, %broadcast_in_dim3A_1358, %broadcast_in_dim3A_1359 : vector<128x128xi1>, vector<128x128xf32>
    %get3A_1361 = arith.constant 0 : index
    %get3A_1362 = arith.constant 0 : index
    %get3A_1363 = arith.constant 0 : index
    %get3A_1364 = vector.load %arg7[%get3A_1361, %get3A_1362, %get3A_1363] : memref<32x128x1xi32, #tpu.memory_space<vmem>>, vector<1x128x1xi32>
    %get3A_1365 = vector.shape_cast %get3A_1364 : vector<1x128x1xi32> to vector<128x1xi32>
    %eq3A_1366 = vector.broadcast %get3A_1365 : vector<128x1xi32> to vector<128x128xi32>
    %eq3A_1367 = arith.cmpi eq, %iota3A_1354, %eq3A_1366 : vector<128x128xi32>
    %jit3A_1368 = arith.constant 1.000000e+00 : f32
    %jit3A_1369 = arith.constant 0.000000e+00 : f32
    %broadcast_in_dim3A_1370 = vector.broadcast %jit3A_1368 : f32 to vector<128x128xf32>
    %broadcast_in_dim3A_1371 = vector.broadcast %jit3A_1369 : f32 to vector<128x128xf32>
    %select_n3A_1372 = arith.select %eq3A_1367, %broadcast_in_dim3A_1370, %broadcast_in_dim3A_1371 : vector<128x128xi1>, vector<128x128xf32>
    %get3A_1373 = arith.constant 1 : index
    %get3A_1374 = arith.constant 0 : index
    %get3A_1375 = arith.constant 0 : index
    %get3A_1376 = vector.load %arg7[%get3A_1373, %get3A_1374, %get3A_1375] : memref<32x128x1xi32, #tpu.memory_space<vmem>>, vector<1x128x1xi32>
    %get3A_1377 = vector.shape_cast %get3A_1376 : vector<1x128x1xi32> to vector<128x1xi32>
    %eq3A_1378 = vector.broadcast %get3A_1377 : vector<128x1xi32> to vector<128x128xi32>
    %eq3A_1379 = arith.cmpi eq, %iota3A_1354, %eq3A_1378 : vector<128x128xi32>
    %jit3A_1380 = arith.constant 1.000000e+00 : f32
    %jit3A_1381 = arith.constant 0.000000e+00 : f32
    %broadcast_in_dim3A_1382 = vector.broadcast %jit3A_1380 : f32 to vector<128x128xf32>
    %broadcast_in_dim3A_1383 = vector.broadcast %jit3A_1381 : f32 to vector<128x128xf32>
    %select_n3A_1384 = arith.select %eq3A_1379, %broadcast_in_dim3A_1382, %broadcast_in_dim3A_1383 : vector<128x128xi1>, vector<128x128xf32>
    %get3A_1385 = arith.constant 2 : index
    %get3A_1386 = arith.constant 0 : index
    %get3A_1387 = arith.constant 0 : index
    %get3A_1388 = vector.load %arg7[%get3A_1385, %get3A_1386, %get3A_1387] : memref<32x128x1xi32, #tpu.memory_space<vmem>>, vector<1x128x1xi32>
    %get3A_1389 = vector.shape_cast %get3A_1388 : vector<1x128x1xi32> to vector<128x1xi32>
    %eq3A_1390 = vector.broadcast %get3A_1389 : vector<128x1xi32> to vector<128x128xi32>
    %eq3A_1391 = arith.cmpi eq, %iota3A_1354, %eq3A_1390 : vector<128x128xi32>
    %jit3A_1392 = arith.constant 1.000000e+00 : f32
    %jit3A_1393 = arith.constant 0.000000e+00 : f32
    %broadcast_in_dim3A_1394 = vector.broadcast %jit3A_1392 : f32 to vector<128x128xf32>
    %broadcast_in_dim3A_1395 = vector.broadcast %jit3A_1393 : f32 to vector<128x128xf32>
    %select_n3A_1396 = arith.select %eq3A_1391, %broadcast_in_dim3A_1394, %broadcast_in_dim3A_1395 : vector<128x128xi1>, vector<128x128xf32>
    %get3A_1397 = arith.constant 3 : index
    %get3A_1398 = arith.constant 0 : index
    %get3A_1399 = arith.constant 0 : index
    %get3A_1400 = vector.load %arg7[%get3A_1397, %get3A_1398, %get3A_1399] : memref<32x128x1xi32, #tpu.memory_space<vmem>>, vector<1x128x1xi32>
    %get3A_1401 = vector.shape_cast %get3A_1400 : vector<1x128x1xi32> to vector<128x1xi32>
    %eq3A_1402 = vector.broadcast %get3A_1401 : vector<128x1xi32> to vector<128x128xi32>
    %eq3A_1403 = arith.cmpi eq, %iota3A_1354, %eq3A_1402 : vector<128x128xi32>
    %jit3A_1404 = arith.constant 1.000000e+00 : f32
    %jit3A_1405 = arith.constant 0.000000e+00 : f32
    %broadcast_in_dim3A_1406 = vector.broadcast %jit3A_1404 : f32 to vector<128x128xf32>
    %broadcast_in_dim3A_1407 = vector.broadcast %jit3A_1405 : f32 to vector<128x128xf32>
    %select_n3A_1408 = arith.select %eq3A_1403, %broadcast_in_dim3A_1406, %broadcast_in_dim3A_1407 : vector<128x128xi1>, vector<128x128xf32>
    %get3A_1409 = arith.constant 4 : index
    %get3A_1410 = arith.constant 0 : index
    %get3A_1411 = arith.constant 0 : index
    %get3A_1412 = vector.load %arg7[%get3A_1409, %get3A_1410, %get3A_1411] : memref<32x128x1xi32, #tpu.memory_space<vmem>>, vector<1x128x1xi32>
    %get3A_1413 = vector.shape_cast %get3A_1412 : vector<1x128x1xi32> to vector<128x1xi32>
    %eq3A_1414 = vector.broadcast %get3A_1413 : vector<128x1xi32> to vector<128x128xi32>
    %eq3A_1415 = arith.cmpi eq, %iota3A_1354, %eq3A_1414 : vector<128x128xi32>
    %jit3A_1416 = arith.constant 1.000000e+00 : f32
    %jit3A_1417 = arith.constant 0.000000e+00 : f32
    %broadcast_in_dim3A_1418 = vector.broadcast %jit3A_1416 : f32 to vector<128x128xf32>
    %broadcast_in_dim3A_1419 = vector.broadcast %jit3A_1417 : f32 to vector<128x128xf32>
    %select_n3A_1420 = arith.select %eq3A_1415, %broadcast_in_dim3A_1418, %broadcast_in_dim3A_1419 : vector<128x128xi1>, vector<128x128xf32>
    %get3A_1421 = arith.constant 5 : index
    %get3A_1422 = arith.constant 0 : index
    %get3A_1423 = arith.constant 0 : index
    %get3A_1424 = vector.load %arg7[%get3A_1421, %get3A_1422, %get3A_1423] : memref<32x128x1xi32, #tpu.memory_space<vmem>>, vector<1x128x1xi32>
    %get3A_1425 = vector.shape_cast %get3A_1424 : vector<1x128x1xi32> to vector<128x1xi32>
    %eq3A_1426 = vector.broadcast %get3A_1425 : vector<128x1xi32> to vector<128x128xi32>
    %eq3A_1427 = arith.cmpi eq, %iota3A_1354, %eq3A_1426 : vector<128x128xi32>
    %jit3A_1428 = arith.constant 1.000000e+00 : f32
    %jit3A_1429 = arith.constant 0.000000e+00 : f32
    %broadcast_in_dim3A_1430 = vector.broadcast %jit3A_1428 : f32 to vector<128x128xf32>
    %broadcast_in_dim3A_1431 = vector.broadcast %jit3A_1429 : f32 to vector<128x128xf32>
    %select_n3A_1432 = arith.select %eq3A_1427, %broadcast_in_dim3A_1430, %broadcast_in_dim3A_1431 : vector<128x128xi1>, vector<128x128xf32>
    %get3A_1433 = arith.constant 6 : index
    %get3A_1434 = arith.constant 0 : index
    %get3A_1435 = arith.constant 0 : index
    %get3A_1436 = vector.load %arg7[%get3A_1433, %get3A_1434, %get3A_1435] : memref<32x128x1xi32, #tpu.memory_space<vmem>>, vector<1x128x1xi32>
    %get3A_1437 = vector.shape_cast %get3A_1436 : vector<1x128x1xi32> to vector<128x1xi32>
    %eq3A_1438 = vector.broadcast %get3A_1437 : vector<128x1xi32> to vector<128x128xi32>
    %eq3A_1439 = arith.cmpi eq, %iota3A_1354, %eq3A_1438 : vector<128x128xi32>
    %jit3A_1440 = arith.constant 1.000000e+00 : f32
    %jit3A_1441 = arith.constant 0.000000e+00 : f32
    %broadcast_in_dim3A_1442 = vector.broadcast %jit3A_1440 : f32 to vector<128x128xf32>
    %broadcast_in_dim3A_1443 = vector.broadcast %jit3A_1441 : f32 to vector<128x128xf32>
    %select_n3A_1444 = arith.select %eq3A_1439, %broadcast_in_dim3A_1442, %broadcast_in_dim3A_1443 : vector<128x128xi1>, vector<128x128xf32>
    %get3A_1445 = arith.constant 7 : index
    %get3A_1446 = arith.constant 0 : index
    %get3A_1447 = arith.constant 0 : index
    %get3A_1448 = vector.load %arg7[%get3A_1445, %get3A_1446, %get3A_1447] : memref<32x128x1xi32, #tpu.memory_space<vmem>>, vector<1x128x1xi32>
    %get3A_1449 = vector.shape_cast %get3A_1448 : vector<1x128x1xi32> to vector<128x1xi32>
    %eq3A_1450 = vector.broadcast %get3A_1449 : vector<128x1xi32> to vector<128x128xi32>
    %eq3A_1451 = arith.cmpi eq, %iota3A_1354, %eq3A_1450 : vector<128x128xi32>
    %jit3A_1452 = arith.constant 1.000000e+00 : f32
    %jit3A_1453 = arith.constant 0.000000e+00 : f32
    %broadcast_in_dim3A_1454 = vector.broadcast %jit3A_1452 : f32 to vector<128x128xf32>
    %broadcast_in_dim3A_1455 = vector.broadcast %jit3A_1453 : f32 to vector<128x128xf32>
    %select_n3A_1456 = arith.select %eq3A_1451, %broadcast_in_dim3A_1454, %broadcast_in_dim3A_1455 : vector<128x128xi1>, vector<128x128xf32>
    %get3A_1457 = arith.constant 8 : index
    %get3A_1458 = arith.constant 0 : index
    %get3A_1459 = arith.constant 0 : index
    %get3A_1460 = vector.load %arg7[%get3A_1457, %get3A_1458, %get3A_1459] : memref<32x128x1xi32, #tpu.memory_space<vmem>>, vector<1x128x1xi32>
    %get3A_1461 = vector.shape_cast %get3A_1460 : vector<1x128x1xi32> to vector<128x1xi32>
    %eq3A_1462 = vector.broadcast %get3A_1461 : vector<128x1xi32> to vector<128x128xi32>
    %eq3A_1463 = arith.cmpi eq, %iota3A_1354, %eq3A_1462 : vector<128x128xi32>
    %jit3A_1464 = arith.constant 1.000000e+00 : f32
    %jit3A_1465 = arith.constant 0.000000e+00 : f32
    %broadcast_in_dim3A_1466 = vector.broadcast %jit3A_1464 : f32 to vector<128x128xf32>
    %broadcast_in_dim3A_1467 = vector.broadcast %jit3A_1465 : f32 to vector<128x128xf32>
    %select_n3A_1468 = arith.select %eq3A_1463, %broadcast_in_dim3A_1466, %broadcast_in_dim3A_1467 : vector<128x128xi1>, vector<128x128xf32>
    %get3A_1469 = arith.constant 9 : index
    %get3A_1470 = arith.constant 0 : index
    %get3A_1471 = arith.constant 0 : index
    %get3A_1472 = vector.load %arg7[%get3A_1469, %get3A_1470, %get3A_1471] : memref<32x128x1xi32, #tpu.memory_space<vmem>>, vector<1x128x1xi32>
    %get3A_1473 = vector.shape_cast %get3A_1472 : vector<1x128x1xi32> to vector<128x1xi32>
    %eq3A_1474 = vector.broadcast %get3A_1473 : vector<128x1xi32> to vector<128x128xi32>
    %eq3A_1475 = arith.cmpi eq, %iota3A_1354, %eq3A_1474 : vector<128x128xi32>
    %jit3A_1476 = arith.constant 1.000000e+00 : f32
    %jit3A_1477 = arith.constant 0.000000e+00 : f32
    %broadcast_in_dim3A_1478 = vector.broadcast %jit3A_1476 : f32 to vector<128x128xf32>
    %broadcast_in_dim3A_1479 = vector.broadcast %jit3A_1477 : f32 to vector<128x128xf32>
    %select_n3A_1480 = arith.select %eq3A_1475, %broadcast_in_dim3A_1478, %broadcast_in_dim3A_1479 : vector<128x128xi1>, vector<128x128xf32>
    %get3A_1481 = arith.constant 10 : index
    %get3A_1482 = arith.constant 0 : index
    %get3A_1483 = arith.constant 0 : index
    %get3A_1484 = vector.load %arg7[%get3A_1481, %get3A_1482, %get3A_1483] : memref<32x128x1xi32, #tpu.memory_space<vmem>>, vector<1x128x1xi32>
    %get3A_1485 = vector.shape_cast %get3A_1484 : vector<1x128x1xi32> to vector<128x1xi32>
    %eq3A_1486 = vector.broadcast %get3A_1485 : vector<128x1xi32> to vector<128x128xi32>
    %eq3A_1487 = arith.cmpi eq, %iota3A_1354, %eq3A_1486 : vector<128x128xi32>
    %jit3A_1488 = arith.constant 1.000000e+00 : f32
    %jit3A_1489 = arith.constant 0.000000e+00 : f32
    %broadcast_in_dim3A_1490 = vector.broadcast %jit3A_1488 : f32 to vector<128x128xf32>
    %broadcast_in_dim3A_1491 = vector.broadcast %jit3A_1489 : f32 to vector<128x128xf32>
    %select_n3A_1492 = arith.select %eq3A_1487, %broadcast_in_dim3A_1490, %broadcast_in_dim3A_1491 : vector<128x128xi1>, vector<128x128xf32>
    %get3A_1493 = arith.constant 11 : index
    %get3A_1494 = arith.constant 0 : index
    %get3A_1495 = arith.constant 0 : index
    %get3A_1496 = vector.load %arg7[%get3A_1493, %get3A_1494, %get3A_1495] : memref<32x128x1xi32, #tpu.memory_space<vmem>>, vector<1x128x1xi32>
    %get3A_1497 = vector.shape_cast %get3A_1496 : vector<1x128x1xi32> to vector<128x1xi32>
    %eq3A_1498 = vector.broadcast %get3A_1497 : vector<128x1xi32> to vector<128x128xi32>
    %eq3A_1499 = arith.cmpi eq, %iota3A_1354, %eq3A_1498 : vector<128x128xi32>
    %jit3A_1500 = arith.constant 1.000000e+00 : f32
    %jit3A_1501 = arith.constant 0.000000e+00 : f32
    %broadcast_in_dim3A_1502 = vector.broadcast %jit3A_1500 : f32 to vector<128x128xf32>
    %broadcast_in_dim3A_1503 = vector.broadcast %jit3A_1501 : f32 to vector<128x128xf32>
    %select_n3A_1504 = arith.select %eq3A_1499, %broadcast_in_dim3A_1502, %broadcast_in_dim3A_1503 : vector<128x128xi1>, vector<128x128xf32>
    %get3A_1505 = arith.constant 12 : index
    %get3A_1506 = arith.constant 0 : index
    %get3A_1507 = arith.constant 0 : index
    %get3A_1508 = vector.load %arg7[%get3A_1505, %get3A_1506, %get3A_1507] : memref<32x128x1xi32, #tpu.memory_space<vmem>>, vector<1x128x1xi32>
    %get3A_1509 = vector.shape_cast %get3A_1508 : vector<1x128x1xi32> to vector<128x1xi32>
    %eq3A_1510 = vector.broadcast %get3A_1509 : vector<128x1xi32> to vector<128x128xi32>
    %eq3A_1511 = arith.cmpi eq, %iota3A_1354, %eq3A_1510 : vector<128x128xi32>
    %jit3A_1512 = arith.constant 1.000000e+00 : f32
    %jit3A_1513 = arith.constant 0.000000e+00 : f32
    %broadcast_in_dim3A_1514 = vector.broadcast %jit3A_1512 : f32 to vector<128x128xf32>
    %broadcast_in_dim3A_1515 = vector.broadcast %jit3A_1513 : f32 to vector<128x128xf32>
    %select_n3A_1516 = arith.select %eq3A_1511, %broadcast_in_dim3A_1514, %broadcast_in_dim3A_1515 : vector<128x128xi1>, vector<128x128xf32>
    %get3A_1517 = arith.constant 13 : index
    %get3A_1518 = arith.constant 0 : index
    %get3A_1519 = arith.constant 0 : index
    %get3A_1520 = vector.load %arg7[%get3A_1517, %get3A_1518, %get3A_1519] : memref<32x128x1xi32, #tpu.memory_space<vmem>>, vector<1x128x1xi32>
    %get3A_1521 = vector.shape_cast %get3A_1520 : vector<1x128x1xi32> to vector<128x1xi32>
    %eq3A_1522 = vector.broadcast %get3A_1521 : vector<128x1xi32> to vector<128x128xi32>
    %eq3A_1523 = arith.cmpi eq, %iota3A_1354, %eq3A_1522 : vector<128x128xi32>
    %jit3A_1524 = arith.constant 1.000000e+00 : f32
    %jit3A_1525 = arith.constant 0.000000e+00 : f32
    %broadcast_in_dim3A_1526 = vector.broadcast %jit3A_1524 : f32 to vector<128x128xf32>
    %broadcast_in_dim3A_1527 = vector.broadcast %jit3A_1525 : f32 to vector<128x128xf32>
    %select_n3A_1528 = arith.select %eq3A_1523, %broadcast_in_dim3A_1526, %broadcast_in_dim3A_1527 : vector<128x128xi1>, vector<128x128xf32>
    %get3A_1529 = arith.constant 14 : index
    %get3A_1530 = arith.constant 0 : index
    %get3A_1531 = arith.constant 0 : index
    %get3A_1532 = vector.load %arg7[%get3A_1529, %get3A_1530, %get3A_1531] : memref<32x128x1xi32, #tpu.memory_space<vmem>>, vector<1x128x1xi32>
    %get3A_1533 = vector.shape_cast %get3A_1532 : vector<1x128x1xi32> to vector<128x1xi32>
    %eq3A_1534 = vector.broadcast %get3A_1533 : vector<128x1xi32> to vector<128x128xi32>
    %eq3A_1535 = arith.cmpi eq, %iota3A_1354, %eq3A_1534 : vector<128x128xi32>
    %jit3A_1536 = arith.constant 1.000000e+00 : f32
    %jit3A_1537 = arith.constant 0.000000e+00 : f32
    %broadcast_in_dim3A_1538 = vector.broadcast %jit3A_1536 : f32 to vector<128x128xf32>
    %broadcast_in_dim3A_1539 = vector.broadcast %jit3A_1537 : f32 to vector<128x128xf32>
    %select_n3A_1540 = arith.select %eq3A_1535, %broadcast_in_dim3A_1538, %broadcast_in_dim3A_1539 : vector<128x128xi1>, vector<128x128xf32>
    %get3A_1541 = arith.constant 15 : index
    %get3A_1542 = arith.constant 0 : index
    %get3A_1543 = arith.constant 0 : index
    %get3A_1544 = vector.load %arg7[%get3A_1541, %get3A_1542, %get3A_1543] : memref<32x128x1xi32, #tpu.memory_space<vmem>>, vector<1x128x1xi32>
    %get3A_1545 = vector.shape_cast %get3A_1544 : vector<1x128x1xi32> to vector<128x1xi32>
    %eq3A_1546 = vector.broadcast %get3A_1545 : vector<128x1xi32> to vector<128x128xi32>
    %eq3A_1547 = arith.cmpi eq, %iota3A_1354, %eq3A_1546 : vector<128x128xi32>
    %jit3A_1548 = arith.constant 1.000000e+00 : f32
    %jit3A_1549 = arith.constant 0.000000e+00 : f32
    %broadcast_in_dim3A_1550 = vector.broadcast %jit3A_1548 : f32 to vector<128x128xf32>
    %broadcast_in_dim3A_1551 = vector.broadcast %jit3A_1549 : f32 to vector<128x128xf32>
    %select_n3A_1552 = arith.select %eq3A_1547, %broadcast_in_dim3A_1550, %broadcast_in_dim3A_1551 : vector<128x128xi1>, vector<128x128xf32>
    %get3A_1553 = arith.constant 16 : index
    %get3A_1554 = arith.constant 0 : index
    %get3A_1555 = arith.constant 0 : index
    %get3A_1556 = vector.load %arg7[%get3A_1553, %get3A_1554, %get3A_1555] : memref<32x128x1xi32, #tpu.memory_space<vmem>>, vector<1x128x1xi32>
    %get3A_1557 = vector.shape_cast %get3A_1556 : vector<1x128x1xi32> to vector<128x1xi32>
    %eq3A_1558 = vector.broadcast %get3A_1557 : vector<128x1xi32> to vector<128x128xi32>
    %eq3A_1559 = arith.cmpi eq, %iota3A_1354, %eq3A_1558 : vector<128x128xi32>
    %jit3A_1560 = arith.constant 1.000000e+00 : f32
    %jit3A_1561 = arith.constant 0.000000e+00 : f32
    %broadcast_in_dim3A_1562 = vector.broadcast %jit3A_1560 : f32 to vector<128x128xf32>
    %broadcast_in_dim3A_1563 = vector.broadcast %jit3A_1561 : f32 to vector<128x128xf32>
    %select_n3A_1564 = arith.select %eq3A_1559, %broadcast_in_dim3A_1562, %broadcast_in_dim3A_1563 : vector<128x128xi1>, vector<128x128xf32>
    %get3A_1565 = arith.constant 17 : index
    %get3A_1566 = arith.constant 0 : index
    %get3A_1567 = arith.constant 0 : index
    %get3A_1568 = vector.load %arg7[%get3A_1565, %get3A_1566, %get3A_1567] : memref<32x128x1xi32, #tpu.memory_space<vmem>>, vector<1x128x1xi32>
    %get3A_1569 = vector.shape_cast %get3A_1568 : vector<1x128x1xi32> to vector<128x1xi32>
    %eq3A_1570 = vector.broadcast %get3A_1569 : vector<128x1xi32> to vector<128x128xi32>
    %eq3A_1571 = arith.cmpi eq, %iota3A_1354, %eq3A_1570 : vector<128x128xi32>
    %jit3A_1572 = arith.constant 1.000000e+00 : f32
    %jit3A_1573 = arith.constant 0.000000e+00 : f32
    %broadcast_in_dim3A_1574 = vector.broadcast %jit3A_1572 : f32 to vector<128x128xf32>
    %broadcast_in_dim3A_1575 = vector.broadcast %jit3A_1573 : f32 to vector<128x128xf32>
    %select_n3A_1576 = arith.select %eq3A_1571, %broadcast_in_dim3A_1574, %broadcast_in_dim3A_1575 : vector<128x128xi1>, vector<128x128xf32>
    %get3A_1577 = arith.constant 18 : index
    %get3A_1578 = arith.constant 0 : index
    %get3A_1579 = arith.constant 0 : index
    %get3A_1580 = vector.load %arg7[%get3A_1577, %get3A_1578, %get3A_1579] : memref<32x128x1xi32, #tpu.memory_space<vmem>>, vector<1x128x1xi32>
    %get3A_1581 = vector.shape_cast %get3A_1580 : vector<1x128x1xi32> to vector<128x1xi32>
    %eq3A_1582 = vector.broadcast %get3A_1581 : vector<128x1xi32> to vector<128x128xi32>
    %eq3A_1583 = arith.cmpi eq, %iota3A_1354, %eq3A_1582 : vector<128x128xi32>
    %jit3A_1584 = arith.constant 1.000000e+00 : f32
    %jit3A_1585 = arith.constant 0.000000e+00 : f32
    %broadcast_in_dim3A_1586 = vector.broadcast %jit3A_1584 : f32 to vector<128x128xf32>
    %broadcast_in_dim3A_1587 = vector.broadcast %jit3A_1585 : f32 to vector<128x128xf32>
    %select_n3A_1588 = arith.select %eq3A_1583, %broadcast_in_dim3A_1586, %broadcast_in_dim3A_1587 : vector<128x128xi1>, vector<128x128xf32>
    %get3A_1589 = arith.constant 19 : index
    %get3A_1590 = arith.constant 0 : index
    %get3A_1591 = arith.constant 0 : index
    %get3A_1592 = vector.load %arg7[%get3A_1589, %get3A_1590, %get3A_1591] : memref<32x128x1xi32, #tpu.memory_space<vmem>>, vector<1x128x1xi32>
    %get3A_1593 = vector.shape_cast %get3A_1592 : vector<1x128x1xi32> to vector<128x1xi32>
    %eq3A_1594 = vector.broadcast %get3A_1593 : vector<128x1xi32> to vector<128x128xi32>
    %eq3A_1595 = arith.cmpi eq, %iota3A_1354, %eq3A_1594 : vector<128x128xi32>
    %jit3A_1596 = arith.constant 1.000000e+00 : f32
    %jit3A_1597 = arith.constant 0.000000e+00 : f32
    %broadcast_in_dim3A_1598 = vector.broadcast %jit3A_1596 : f32 to vector<128x128xf32>
    %broadcast_in_dim3A_1599 = vector.broadcast %jit3A_1597 : f32 to vector<128x128xf32>
    %select_n3A_1600 = arith.select %eq3A_1595, %broadcast_in_dim3A_1598, %broadcast_in_dim3A_1599 : vector<128x128xi1>, vector<128x128xf32>
    %get3A_1601 = arith.constant 20 : index
    %get3A_1602 = arith.constant 0 : index
    %get3A_1603 = arith.constant 0 : index
    %get3A_1604 = vector.load %arg7[%get3A_1601, %get3A_1602, %get3A_1603] : memref<32x128x1xi32, #tpu.memory_space<vmem>>, vector<1x128x1xi32>
    %get3A_1605 = vector.shape_cast %get3A_1604 : vector<1x128x1xi32> to vector<128x1xi32>
    %eq3A_1606 = vector.broadcast %get3A_1605 : vector<128x1xi32> to vector<128x128xi32>
    %eq3A_1607 = arith.cmpi eq, %iota3A_1354, %eq3A_1606 : vector<128x128xi32>
    %jit3A_1608 = arith.constant 1.000000e+00 : f32
    %jit3A_1609 = arith.constant 0.000000e+00 : f32
    %broadcast_in_dim3A_1610 = vector.broadcast %jit3A_1608 : f32 to vector<128x128xf32>
    %broadcast_in_dim3A_1611 = vector.broadcast %jit3A_1609 : f32 to vector<128x128xf32>
    %select_n3A_1612 = arith.select %eq3A_1607, %broadcast_in_dim3A_1610, %broadcast_in_dim3A_1611 : vector<128x128xi1>, vector<128x128xf32>
    %get3A_1613 = arith.constant 21 : index
    %get3A_1614 = arith.constant 0 : index
    %get3A_1615 = arith.constant 0 : index
    %get3A_1616 = vector.load %arg7[%get3A_1613, %get3A_1614, %get3A_1615] : memref<32x128x1xi32, #tpu.memory_space<vmem>>, vector<1x128x1xi32>
    %get3A_1617 = vector.shape_cast %get3A_1616 : vector<1x128x1xi32> to vector<128x1xi32>
    %eq3A_1618 = vector.broadcast %get3A_1617 : vector<128x1xi32> to vector<128x128xi32>
    %eq3A_1619 = arith.cmpi eq, %iota3A_1354, %eq3A_1618 : vector<128x128xi32>
    %jit3A_1620 = arith.constant 1.000000e+00 : f32
    %jit3A_1621 = arith.constant 0.000000e+00 : f32
    %broadcast_in_dim3A_1622 = vector.broadcast %jit3A_1620 : f32 to vector<128x128xf32>
    %broadcast_in_dim3A_1623 = vector.broadcast %jit3A_1621 : f32 to vector<128x128xf32>
    %select_n3A_1624 = arith.select %eq3A_1619, %broadcast_in_dim3A_1622, %broadcast_in_dim3A_1623 : vector<128x128xi1>, vector<128x128xf32>
    %get3A_1625 = arith.constant 22 : index
    %get3A_1626 = arith.constant 0 : index
    %get3A_1627 = arith.constant 0 : index
    %get3A_1628 = vector.load %arg7[%get3A_1625, %get3A_1626, %get3A_1627] : memref<32x128x1xi32, #tpu.memory_space<vmem>>, vector<1x128x1xi32>
    %get3A_1629 = vector.shape_cast %get3A_1628 : vector<1x128x1xi32> to vector<128x1xi32>
    %eq3A_1630 = vector.broadcast %get3A_1629 : vector<128x1xi32> to vector<128x128xi32>
    %eq3A_1631 = arith.cmpi eq, %iota3A_1354, %eq3A_1630 : vector<128x128xi32>
    %jit3A_1632 = arith.constant 1.000000e+00 : f32
    %jit3A_1633 = arith.constant 0.000000e+00 : f32
    %broadcast_in_dim3A_1634 = vector.broadcast %jit3A_1632 : f32 to vector<128x128xf32>
    %broadcast_in_dim3A_1635 = vector.broadcast %jit3A_1633 : f32 to vector<128x128xf32>
    %select_n3A_1636 = arith.select %eq3A_1631, %broadcast_in_dim3A_1634, %broadcast_in_dim3A_1635 : vector<128x128xi1>, vector<128x128xf32>
    %get3A_1637 = arith.constant 23 : index
    %get3A_1638 = arith.constant 0 : index
    %get3A_1639 = arith.constant 0 : index
    %get3A_1640 = vector.load %arg7[%get3A_1637, %get3A_1638, %get3A_1639] : memref<32x128x1xi32, #tpu.memory_space<vmem>>, vector<1x128x1xi32>
    %get3A_1641 = vector.shape_cast %get3A_1640 : vector<1x128x1xi32> to vector<128x1xi32>
    %eq3A_1642 = vector.broadcast %get3A_1641 : vector<128x1xi32> to vector<128x128xi32>
    %eq3A_1643 = arith.cmpi eq, %iota3A_1354, %eq3A_1642 : vector<128x128xi32>
    %jit3A_1644 = arith.constant 1.000000e+00 : f32
    %jit3A_1645 = arith.constant 0.000000e+00 : f32
    %broadcast_in_dim3A_1646 = vector.broadcast %jit3A_1644 : f32 to vector<128x128xf32>
    %broadcast_in_dim3A_1647 = vector.broadcast %jit3A_1645 : f32 to vector<128x128xf32>
    %select_n3A_1648 = arith.select %eq3A_1643, %broadcast_in_dim3A_1646, %broadcast_in_dim3A_1647 : vector<128x128xi1>, vector<128x128xf32>
    %get3A_1649 = arith.constant 24 : index
    %get3A_1650 = arith.constant 0 : index
    %get3A_1651 = arith.constant 0 : index
    %get3A_1652 = vector.load %arg7[%get3A_1649, %get3A_1650, %get3A_1651] : memref<32x128x1xi32, #tpu.memory_space<vmem>>, vector<1x128x1xi32>
    %get3A_1653 = vector.shape_cast %get3A_1652 : vector<1x128x1xi32> to vector<128x1xi32>
    %eq3A_1654 = vector.broadcast %get3A_1653 : vector<128x1xi32> to vector<128x128xi32>
    %eq3A_1655 = arith.cmpi eq, %iota3A_1354, %eq3A_1654 : vector<128x128xi32>
    %jit3A_1656 = arith.constant 1.000000e+00 : f32
    %jit3A_1657 = arith.constant 0.000000e+00 : f32
    %broadcast_in_dim3A_1658 = vector.broadcast %jit3A_1656 : f32 to vector<128x128xf32>
    %broadcast_in_dim3A_1659 = vector.broadcast %jit3A_1657 : f32 to vector<128x128xf32>
    %select_n3A_1660 = arith.select %eq3A_1655, %broadcast_in_dim3A_1658, %broadcast_in_dim3A_1659 : vector<128x128xi1>, vector<128x128xf32>
    %get3A_1661 = arith.constant 25 : index
    %get3A_1662 = arith.constant 0 : index
    %get3A_1663 = arith.constant 0 : index
    %get3A_1664 = vector.load %arg7[%get3A_1661, %get3A_1662, %get3A_1663] : memref<32x128x1xi32, #tpu.memory_space<vmem>>, vector<1x128x1xi32>
    %get3A_1665 = vector.shape_cast %get3A_1664 : vector<1x128x1xi32> to vector<128x1xi32>
    %eq3A_1666 = vector.broadcast %get3A_1665 : vector<128x1xi32> to vector<128x128xi32>
    %eq3A_1667 = arith.cmpi eq, %iota3A_1354, %eq3A_1666 : vector<128x128xi32>
    %jit3A_1668 = arith.constant 1.000000e+00 : f32
    %jit3A_1669 = arith.constant 0.000000e+00 : f32
    %broadcast_in_dim3A_1670 = vector.broadcast %jit3A_1668 : f32 to vector<128x128xf32>
    %broadcast_in_dim3A_1671 = vector.broadcast %jit3A_1669 : f32 to vector<128x128xf32>
    %select_n3A_1672 = arith.select %eq3A_1667, %broadcast_in_dim3A_1670, %broadcast_in_dim3A_1671 : vector<128x128xi1>, vector<128x128xf32>
    %get3A_1673 = arith.constant 26 : index
    %get3A_1674 = arith.constant 0 : index
    %get3A_1675 = arith.constant 0 : index
    %get3A_1676 = vector.load %arg7[%get3A_1673, %get3A_1674, %get3A_1675] : memref<32x128x1xi32, #tpu.memory_space<vmem>>, vector<1x128x1xi32>
    %get3A_1677 = vector.shape_cast %get3A_1676 : vector<1x128x1xi32> to vector<128x1xi32>
    %eq3A_1678 = vector.broadcast %get3A_1677 : vector<128x1xi32> to vector<128x128xi32>
    %eq3A_1679 = arith.cmpi eq, %iota3A_1354, %eq3A_1678 : vector<128x128xi32>
    %jit3A_1680 = arith.constant 1.000000e+00 : f32
    %jit3A_1681 = arith.constant 0.000000e+00 : f32
    %broadcast_in_dim3A_1682 = vector.broadcast %jit3A_1680 : f32 to vector<128x128xf32>
    %broadcast_in_dim3A_1683 = vector.broadcast %jit3A_1681 : f32 to vector<128x128xf32>
    %select_n3A_1684 = arith.select %eq3A_1679, %broadcast_in_dim3A_1682, %broadcast_in_dim3A_1683 : vector<128x128xi1>, vector<128x128xf32>
    %get3A_1685 = arith.constant 27 : index
    %get3A_1686 = arith.constant 0 : index
    %get3A_1687 = arith.constant 0 : index
    %get3A_1688 = vector.load %arg7[%get3A_1685, %get3A_1686, %get3A_1687] : memref<32x128x1xi32, #tpu.memory_space<vmem>>, vector<1x128x1xi32>
    %get3A_1689 = vector.shape_cast %get3A_1688 : vector<1x128x1xi32> to vector<128x1xi32>
    %eq3A_1690 = vector.broadcast %get3A_1689 : vector<128x1xi32> to vector<128x128xi32>
    %eq3A_1691 = arith.cmpi eq, %iota3A_1354, %eq3A_1690 : vector<128x128xi32>
    %jit3A_1692 = arith.constant 1.000000e+00 : f32
    %jit3A_1693 = arith.constant 0.000000e+00 : f32
    %broadcast_in_dim3A_1694 = vector.broadcast %jit3A_1692 : f32 to vector<128x128xf32>
    %broadcast_in_dim3A_1695 = vector.broadcast %jit3A_1693 : f32 to vector<128x128xf32>
    %select_n3A_1696 = arith.select %eq3A_1691, %broadcast_in_dim3A_1694, %broadcast_in_dim3A_1695 : vector<128x128xi1>, vector<128x128xf32>
    %get3A_1697 = arith.constant 28 : index
    %get3A_1698 = arith.constant 0 : index
    %get3A_1699 = arith.constant 0 : index
    %get3A_1700 = vector.load %arg7[%get3A_1697, %get3A_1698, %get3A_1699] : memref<32x128x1xi32, #tpu.memory_space<vmem>>, vector<1x128x1xi32>
    %get3A_1701 = vector.shape_cast %get3A_1700 : vector<1x128x1xi32> to vector<128x1xi32>
    %eq3A_1702 = vector.broadcast %get3A_1701 : vector<128x1xi32> to vector<128x128xi32>
    %eq3A_1703 = arith.cmpi eq, %iota3A_1354, %eq3A_1702 : vector<128x128xi32>
    %jit3A_1704 = arith.constant 1.000000e+00 : f32
    %jit3A_1705 = arith.constant 0.000000e+00 : f32
    %broadcast_in_dim3A_1706 = vector.broadcast %jit3A_1704 : f32 to vector<128x128xf32>
    %broadcast_in_dim3A_1707 = vector.broadcast %jit3A_1705 : f32 to vector<128x128xf32>
    %select_n3A_1708 = arith.select %eq3A_1703, %broadcast_in_dim3A_1706, %broadcast_in_dim3A_1707 : vector<128x128xi1>, vector<128x128xf32>
    %get3A_1709 = arith.constant 29 : index
    %get3A_1710 = arith.constant 0 : index
    %get3A_1711 = arith.constant 0 : index
    %get3A_1712 = vector.load %arg7[%get3A_1709, %get3A_1710, %get3A_1711] : memref<32x128x1xi32, #tpu.memory_space<vmem>>, vector<1x128x1xi32>
    %get3A_1713 = vector.shape_cast %get3A_1712 : vector<1x128x1xi32> to vector<128x1xi32>
    %eq3A_1714 = vector.broadcast %get3A_1713 : vector<128x1xi32> to vector<128x128xi32>
    %eq3A_1715 = arith.cmpi eq, %iota3A_1354, %eq3A_1714 : vector<128x128xi32>
    %jit3A_1716 = arith.constant 1.000000e+00 : f32
    %jit3A_1717 = arith.constant 0.000000e+00 : f32
    %broadcast_in_dim3A_1718 = vector.broadcast %jit3A_1716 : f32 to vector<128x128xf32>
    %broadcast_in_dim3A_1719 = vector.broadcast %jit3A_1717 : f32 to vector<128x128xf32>
    %select_n3A_1720 = arith.select %eq3A_1715, %broadcast_in_dim3A_1718, %broadcast_in_dim3A_1719 : vector<128x128xi1>, vector<128x128xf32>
    %get3A_1721 = arith.constant 30 : index
    %get3A_1722 = arith.constant 0 : index
    %get3A_1723 = arith.constant 0 : index
    %get3A_1724 = vector.load %arg7[%get3A_1721, %get3A_1722, %get3A_1723] : memref<32x128x1xi32, #tpu.memory_space<vmem>>, vector<1x128x1xi32>
    %get3A_1725 = vector.shape_cast %get3A_1724 : vector<1x128x1xi32> to vector<128x1xi32>
    %eq3A_1726 = vector.broadcast %get3A_1725 : vector<128x1xi32> to vector<128x128xi32>
    %eq3A_1727 = arith.cmpi eq, %iota3A_1354, %eq3A_1726 : vector<128x128xi32>
    %jit3A_1728 = arith.constant 1.000000e+00 : f32
    %jit3A_1729 = arith.constant 0.000000e+00 : f32
    %broadcast_in_dim3A_1730 = vector.broadcast %jit3A_1728 : f32 to vector<128x128xf32>
    %broadcast_in_dim3A_1731 = vector.broadcast %jit3A_1729 : f32 to vector<128x128xf32>
    %select_n3A_1732 = arith.select %eq3A_1727, %broadcast_in_dim3A_1730, %broadcast_in_dim3A_1731 : vector<128x128xi1>, vector<128x128xf32>
    %get3A_1733 = arith.constant 31 : index
    %get3A_1734 = arith.constant 0 : index
    %get3A_1735 = arith.constant 0 : index
    %get3A_1736 = vector.load %arg7[%get3A_1733, %get3A_1734, %get3A_1735] : memref<32x128x1xi32, #tpu.memory_space<vmem>>, vector<1x128x1xi32>
    %get3A_1737 = vector.shape_cast %get3A_1736 : vector<1x128x1xi32> to vector<128x1xi32>
    %eq3A_1738 = vector.broadcast %get3A_1737 : vector<128x1xi32> to vector<128x128xi32>
    %eq3A_1739 = arith.cmpi eq, %iota3A_1354, %eq3A_1738 : vector<128x128xi32>
    %jit3A_1740 = arith.constant 1.000000e+00 : f32
    %jit3A_1741 = arith.constant 0.000000e+00 : f32
    %broadcast_in_dim3A_1742 = vector.broadcast %jit3A_1740 : f32 to vector<128x128xf32>
    %broadcast_in_dim3A_1743 = vector.broadcast %jit3A_1741 : f32 to vector<128x128xf32>
    %select_n3A_1744 = arith.select %eq3A_1739, %broadcast_in_dim3A_1742, %broadcast_in_dim3A_1743 : vector<128x128xi1>, vector<128x128xf32>
    %get3A_1745 = arith.constant 0 : index
    %get3A_1746 = arith.constant 0 : index
    %get3A_1747 = arith.constant 0 : index
    %get3A_1748 = vector.load %arg8[%get3A_1745, %get3A_1746, %get3A_1747] : memref<32x128x1xi32, #tpu.memory_space<vmem>>, vector<1x128x1xi32>
    %get3A_1749 = vector.shape_cast %get3A_1748 : vector<1x128x1xi32> to vector<128x1xi32>
    %eq3A_1750 = vector.broadcast %get3A_1749 : vector<128x1xi32> to vector<128x128xi32>
    %eq3A_1751 = arith.cmpi eq, %iota3A_1354, %eq3A_1750 : vector<128x128xi32>
    %jit3A_1752 = arith.constant 1.000000e+00 : f32
    %jit3A_1753 = arith.constant 0.000000e+00 : f32
    %broadcast_in_dim3A_1754 = vector.broadcast %jit3A_1752 : f32 to vector<128x128xf32>
    %broadcast_in_dim3A_1755 = vector.broadcast %jit3A_1753 : f32 to vector<128x128xf32>
    %select_n3A_1756 = arith.select %eq3A_1751, %broadcast_in_dim3A_1754, %broadcast_in_dim3A_1755 : vector<128x128xi1>, vector<128x128xf32>
    %get3A_1757 = arith.constant 1 : index
    %get3A_1758 = arith.constant 0 : index
    %get3A_1759 = arith.constant 0 : index
    %get3A_1760 = vector.load %arg8[%get3A_1757, %get3A_1758, %get3A_1759] : memref<32x128x1xi32, #tpu.memory_space<vmem>>, vector<1x128x1xi32>
    %get3A_1761 = vector.shape_cast %get3A_1760 : vector<1x128x1xi32> to vector<128x1xi32>
    %eq3A_1762 = vector.broadcast %get3A_1761 : vector<128x1xi32> to vector<128x128xi32>
    %eq3A_1763 = arith.cmpi eq, %iota3A_1354, %eq3A_1762 : vector<128x128xi32>
    %jit3A_1764 = arith.constant 1.000000e+00 : f32
    %jit3A_1765 = arith.constant 0.000000e+00 : f32
    %broadcast_in_dim3A_1766 = vector.broadcast %jit3A_1764 : f32 to vector<128x128xf32>
    %broadcast_in_dim3A_1767 = vector.broadcast %jit3A_1765 : f32 to vector<128x128xf32>
    %select_n3A_1768 = arith.select %eq3A_1763, %broadcast_in_dim3A_1766, %broadcast_in_dim3A_1767 : vector<128x128xi1>, vector<128x128xf32>
    %get3A_1769 = arith.constant 2 : index
    %get3A_1770 = arith.constant 0 : index
    %get3A_1771 = arith.constant 0 : index
    %get3A_1772 = vector.load %arg8[%get3A_1769, %get3A_1770, %get3A_1771] : memref<32x128x1xi32, #tpu.memory_space<vmem>>, vector<1x128x1xi32>
    %get3A_1773 = vector.shape_cast %get3A_1772 : vector<1x128x1xi32> to vector<128x1xi32>
    %eq3A_1774 = vector.broadcast %get3A_1773 : vector<128x1xi32> to vector<128x128xi32>
    %eq3A_1775 = arith.cmpi eq, %iota3A_1354, %eq3A_1774 : vector<128x128xi32>
    %jit3A_1776 = arith.constant 1.000000e+00 : f32
    %jit3A_1777 = arith.constant 0.000000e+00 : f32
    %broadcast_in_dim3A_1778 = vector.broadcast %jit3A_1776 : f32 to vector<128x128xf32>
    %broadcast_in_dim3A_1779 = vector.broadcast %jit3A_1777 : f32 to vector<128x128xf32>
    %select_n3A_1780 = arith.select %eq3A_1775, %broadcast_in_dim3A_1778, %broadcast_in_dim3A_1779 : vector<128x128xi1>, vector<128x128xf32>
    %get3A_1781 = arith.constant 3 : index
    %get3A_1782 = arith.constant 0 : index
    %get3A_1783 = arith.constant 0 : index
    %get3A_1784 = vector.load %arg8[%get3A_1781, %get3A_1782, %get3A_1783] : memref<32x128x1xi32, #tpu.memory_space<vmem>>, vector<1x128x1xi32>
    %get3A_1785 = vector.shape_cast %get3A_1784 : vector<1x128x1xi32> to vector<128x1xi32>
    %eq3A_1786 = vector.broadcast %get3A_1785 : vector<128x1xi32> to vector<128x128xi32>
    %eq3A_1787 = arith.cmpi eq, %iota3A_1354, %eq3A_1786 : vector<128x128xi32>
    %jit3A_1788 = arith.constant 1.000000e+00 : f32
    %jit3A_1789 = arith.constant 0.000000e+00 : f32
    %broadcast_in_dim3A_1790 = vector.broadcast %jit3A_1788 : f32 to vector<128x128xf32>
    %broadcast_in_dim3A_1791 = vector.broadcast %jit3A_1789 : f32 to vector<128x128xf32>
    %select_n3A_1792 = arith.select %eq3A_1787, %broadcast_in_dim3A_1790, %broadcast_in_dim3A_1791 : vector<128x128xi1>, vector<128x128xf32>
    %get3A_1793 = arith.constant 4 : index
    %get3A_1794 = arith.constant 0 : index
    %get3A_1795 = arith.constant 0 : index
    %get3A_1796 = vector.load %arg8[%get3A_1793, %get3A_1794, %get3A_1795] : memref<32x128x1xi32, #tpu.memory_space<vmem>>, vector<1x128x1xi32>
    %get3A_1797 = vector.shape_cast %get3A_1796 : vector<1x128x1xi32> to vector<128x1xi32>
    %eq3A_1798 = vector.broadcast %get3A_1797 : vector<128x1xi32> to vector<128x128xi32>
    %eq3A_1799 = arith.cmpi eq, %iota3A_1354, %eq3A_1798 : vector<128x128xi32>
    %jit3A_1800 = arith.constant 1.000000e+00 : f32
    %jit3A_1801 = arith.constant 0.000000e+00 : f32
    %broadcast_in_dim3A_1802 = vector.broadcast %jit3A_1800 : f32 to vector<128x128xf32>
    %broadcast_in_dim3A_1803 = vector.broadcast %jit3A_1801 : f32 to vector<128x128xf32>
    %select_n3A_1804 = arith.select %eq3A_1799, %broadcast_in_dim3A_1802, %broadcast_in_dim3A_1803 : vector<128x128xi1>, vector<128x128xf32>
    %get3A_1805 = arith.constant 5 : index
    %get3A_1806 = arith.constant 0 : index
    %get3A_1807 = arith.constant 0 : index
    %get3A_1808 = vector.load %arg8[%get3A_1805, %get3A_1806, %get3A_1807] : memref<32x128x1xi32, #tpu.memory_space<vmem>>, vector<1x128x1xi32>
    %get3A_1809 = vector.shape_cast %get3A_1808 : vector<1x128x1xi32> to vector<128x1xi32>
    %eq3A_1810 = vector.broadcast %get3A_1809 : vector<128x1xi32> to vector<128x128xi32>
    %eq3A_1811 = arith.cmpi eq, %iota3A_1354, %eq3A_1810 : vector<128x128xi32>
    %jit3A_1812 = arith.constant 1.000000e+00 : f32
    %jit3A_1813 = arith.constant 0.000000e+00 : f32
    %broadcast_in_dim3A_1814 = vector.broadcast %jit3A_1812 : f32 to vector<128x128xf32>
    %broadcast_in_dim3A_1815 = vector.broadcast %jit3A_1813 : f32 to vector<128x128xf32>
    %select_n3A_1816 = arith.select %eq3A_1811, %broadcast_in_dim3A_1814, %broadcast_in_dim3A_1815 : vector<128x128xi1>, vector<128x128xf32>
    %get3A_1817 = arith.constant 6 : index
    %get3A_1818 = arith.constant 0 : index
    %get3A_1819 = arith.constant 0 : index
    %get3A_1820 = vector.load %arg8[%get3A_1817, %get3A_1818, %get3A_1819] : memref<32x128x1xi32, #tpu.memory_space<vmem>>, vector<1x128x1xi32>
    %get3A_1821 = vector.shape_cast %get3A_1820 : vector<1x128x1xi32> to vector<128x1xi32>
    %eq3A_1822 = vector.broadcast %get3A_1821 : vector<128x1xi32> to vector<128x128xi32>
    %eq3A_1823 = arith.cmpi eq, %iota3A_1354, %eq3A_1822 : vector<128x128xi32>
    %jit3A_1824 = arith.constant 1.000000e+00 : f32
    %jit3A_1825 = arith.constant 0.000000e+00 : f32
    %broadcast_in_dim3A_1826 = vector.broadcast %jit3A_1824 : f32 to vector<128x128xf32>
    %broadcast_in_dim3A_1827 = vector.broadcast %jit3A_1825 : f32 to vector<128x128xf32>
    %select_n3A_1828 = arith.select %eq3A_1823, %broadcast_in_dim3A_1826, %broadcast_in_dim3A_1827 : vector<128x128xi1>, vector<128x128xf32>
    %get3A_1829 = arith.constant 7 : index
    %get3A_1830 = arith.constant 0 : index
    %get3A_1831 = arith.constant 0 : index
    %get3A_1832 = vector.load %arg8[%get3A_1829, %get3A_1830, %get3A_1831] : memref<32x128x1xi32, #tpu.memory_space<vmem>>, vector<1x128x1xi32>
    %get3A_1833 = vector.shape_cast %get3A_1832 : vector<1x128x1xi32> to vector<128x1xi32>
    %eq3A_1834 = vector.broadcast %get3A_1833 : vector<128x1xi32> to vector<128x128xi32>
    %eq3A_1835 = arith.cmpi eq, %iota3A_1354, %eq3A_1834 : vector<128x128xi32>
    %jit3A_1836 = arith.constant 1.000000e+00 : f32
    %jit3A_1837 = arith.constant 0.000000e+00 : f32
    %broadcast_in_dim3A_1838 = vector.broadcast %jit3A_1836 : f32 to vector<128x128xf32>
    %broadcast_in_dim3A_1839 = vector.broadcast %jit3A_1837 : f32 to vector<128x128xf32>
    %select_n3A_1840 = arith.select %eq3A_1835, %broadcast_in_dim3A_1838, %broadcast_in_dim3A_1839 : vector<128x128xi1>, vector<128x128xf32>
    %get3A_1841 = arith.constant 8 : index
    %get3A_1842 = arith.constant 0 : index
    %get3A_1843 = arith.constant 0 : index
    %get3A_1844 = vector.load %arg8[%get3A_1841, %get3A_1842, %get3A_1843] : memref<32x128x1xi32, #tpu.memory_space<vmem>>, vector<1x128x1xi32>
    %get3A_1845 = vector.shape_cast %get3A_1844 : vector<1x128x1xi32> to vector<128x1xi32>
    %eq3A_1846 = vector.broadcast %get3A_1845 : vector<128x1xi32> to vector<128x128xi32>
    %eq3A_1847 = arith.cmpi eq, %iota3A_1354, %eq3A_1846 : vector<128x128xi32>
    %jit3A_1848 = arith.constant 1.000000e+00 : f32
    %jit3A_1849 = arith.constant 0.000000e+00 : f32
    %broadcast_in_dim3A_1850 = vector.broadcast %jit3A_1848 : f32 to vector<128x128xf32>
    %broadcast_in_dim3A_1851 = vector.broadcast %jit3A_1849 : f32 to vector<128x128xf32>
    %select_n3A_1852 = arith.select %eq3A_1847, %broadcast_in_dim3A_1850, %broadcast_in_dim3A_1851 : vector<128x128xi1>, vector<128x128xf32>
    %get3A_1853 = arith.constant 9 : index
    %get3A_1854 = arith.constant 0 : index
    %get3A_1855 = arith.constant 0 : index
    %get3A_1856 = vector.load %arg8[%get3A_1853, %get3A_1854, %get3A_1855] : memref<32x128x1xi32, #tpu.memory_space<vmem>>, vector<1x128x1xi32>
    %get3A_1857 = vector.shape_cast %get3A_1856 : vector<1x128x1xi32> to vector<128x1xi32>
    %eq3A_1858 = vector.broadcast %get3A_1857 : vector<128x1xi32> to vector<128x128xi32>
    %eq3A_1859 = arith.cmpi eq, %iota3A_1354, %eq3A_1858 : vector<128x128xi32>
    %jit3A_1860 = arith.constant 1.000000e+00 : f32
    %jit3A_1861 = arith.constant 0.000000e+00 : f32
    %broadcast_in_dim3A_1862 = vector.broadcast %jit3A_1860 : f32 to vector<128x128xf32>
    %broadcast_in_dim3A_1863 = vector.broadcast %jit3A_1861 : f32 to vector<128x128xf32>
    %select_n3A_1864 = arith.select %eq3A_1859, %broadcast_in_dim3A_1862, %broadcast_in_dim3A_1863 : vector<128x128xi1>, vector<128x128xf32>
    %get3A_1865 = arith.constant 10 : index
    %get3A_1866 = arith.constant 0 : index
    %get3A_1867 = arith.constant 0 : index
    %get3A_1868 = vector.load %arg8[%get3A_1865, %get3A_1866, %get3A_1867] : memref<32x128x1xi32, #tpu.memory_space<vmem>>, vector<1x128x1xi32>
    %get3A_1869 = vector.shape_cast %get3A_1868 : vector<1x128x1xi32> to vector<128x1xi32>
    %eq3A_1870 = vector.broadcast %get3A_1869 : vector<128x1xi32> to vector<128x128xi32>
    %eq3A_1871 = arith.cmpi eq, %iota3A_1354, %eq3A_1870 : vector<128x128xi32>
    %jit3A_1872 = arith.constant 1.000000e+00 : f32
    %jit3A_1873 = arith.constant 0.000000e+00 : f32
    %broadcast_in_dim3A_1874 = vector.broadcast %jit3A_1872 : f32 to vector<128x128xf32>
    %broadcast_in_dim3A_1875 = vector.broadcast %jit3A_1873 : f32 to vector<128x128xf32>
    %select_n3A_1876 = arith.select %eq3A_1871, %broadcast_in_dim3A_1874, %broadcast_in_dim3A_1875 : vector<128x128xi1>, vector<128x128xf32>
    %get3A_1877 = arith.constant 11 : index
    %get3A_1878 = arith.constant 0 : index
    %get3A_1879 = arith.constant 0 : index
    %get3A_1880 = vector.load %arg8[%get3A_1877, %get3A_1878, %get3A_1879] : memref<32x128x1xi32, #tpu.memory_space<vmem>>, vector<1x128x1xi32>
    %get3A_1881 = vector.shape_cast %get3A_1880 : vector<1x128x1xi32> to vector<128x1xi32>
    %eq3A_1882 = vector.broadcast %get3A_1881 : vector<128x1xi32> to vector<128x128xi32>
    %eq3A_1883 = arith.cmpi eq, %iota3A_1354, %eq3A_1882 : vector<128x128xi32>
    %jit3A_1884 = arith.constant 1.000000e+00 : f32
    %jit3A_1885 = arith.constant 0.000000e+00 : f32
    %broadcast_in_dim3A_1886 = vector.broadcast %jit3A_1884 : f32 to vector<128x128xf32>
    %broadcast_in_dim3A_1887 = vector.broadcast %jit3A_1885 : f32 to vector<128x128xf32>
    %select_n3A_1888 = arith.select %eq3A_1883, %broadcast_in_dim3A_1886, %broadcast_in_dim3A_1887 : vector<128x128xi1>, vector<128x128xf32>
    %get3A_1889 = arith.constant 12 : index
    %get3A_1890 = arith.constant 0 : index
    %get3A_1891 = arith.constant 0 : index
    %get3A_1892 = vector.load %arg8[%get3A_1889, %get3A_1890, %get3A_1891] : memref<32x128x1xi32, #tpu.memory_space<vmem>>, vector<1x128x1xi32>
    %get3A_1893 = vector.shape_cast %get3A_1892 : vector<1x128x1xi32> to vector<128x1xi32>
    %eq3A_1894 = vector.broadcast %get3A_1893 : vector<128x1xi32> to vector<128x128xi32>
    %eq3A_1895 = arith.cmpi eq, %iota3A_1354, %eq3A_1894 : vector<128x128xi32>
    %jit3A_1896 = arith.constant 1.000000e+00 : f32
    %jit3A_1897 = arith.constant 0.000000e+00 : f32
    %broadcast_in_dim3A_1898 = vector.broadcast %jit3A_1896 : f32 to vector<128x128xf32>
    %broadcast_in_dim3A_1899 = vector.broadcast %jit3A_1897 : f32 to vector<128x128xf32>
    %select_n3A_1900 = arith.select %eq3A_1895, %broadcast_in_dim3A_1898, %broadcast_in_dim3A_1899 : vector<128x128xi1>, vector<128x128xf32>
    %get3A_1901 = arith.constant 13 : index
    %get3A_1902 = arith.constant 0 : index
    %get3A_1903 = arith.constant 0 : index
    %get3A_1904 = vector.load %arg8[%get3A_1901, %get3A_1902, %get3A_1903] : memref<32x128x1xi32, #tpu.memory_space<vmem>>, vector<1x128x1xi32>
    %get3A_1905 = vector.shape_cast %get3A_1904 : vector<1x128x1xi32> to vector<128x1xi32>
    %eq3A_1906 = vector.broadcast %get3A_1905 : vector<128x1xi32> to vector<128x128xi32>
    %eq3A_1907 = arith.cmpi eq, %iota3A_1354, %eq3A_1906 : vector<128x128xi32>
    %jit3A_1908 = arith.constant 1.000000e+00 : f32
    %jit3A_1909 = arith.constant 0.000000e+00 : f32
    %broadcast_in_dim3A_1910 = vector.broadcast %jit3A_1908 : f32 to vector<128x128xf32>
    %broadcast_in_dim3A_1911 = vector.broadcast %jit3A_1909 : f32 to vector<128x128xf32>
    %select_n3A_1912 = arith.select %eq3A_1907, %broadcast_in_dim3A_1910, %broadcast_in_dim3A_1911 : vector<128x128xi1>, vector<128x128xf32>
    %get3A_1913 = arith.constant 14 : index
    %get3A_1914 = arith.constant 0 : index
    %get3A_1915 = arith.constant 0 : index
    %get3A_1916 = vector.load %arg8[%get3A_1913, %get3A_1914, %get3A_1915] : memref<32x128x1xi32, #tpu.memory_space<vmem>>, vector<1x128x1xi32>
    %get3A_1917 = vector.shape_cast %get3A_1916 : vector<1x128x1xi32> to vector<128x1xi32>
    %eq3A_1918 = vector.broadcast %get3A_1917 : vector<128x1xi32> to vector<128x128xi32>
    %eq3A_1919 = arith.cmpi eq, %iota3A_1354, %eq3A_1918 : vector<128x128xi32>
    %jit3A_1920 = arith.constant 1.000000e+00 : f32
    %jit3A_1921 = arith.constant 0.000000e+00 : f32
    %broadcast_in_dim3A_1922 = vector.broadcast %jit3A_1920 : f32 to vector<128x128xf32>
    %broadcast_in_dim3A_1923 = vector.broadcast %jit3A_1921 : f32 to vector<128x128xf32>
    %select_n3A_1924 = arith.select %eq3A_1919, %broadcast_in_dim3A_1922, %broadcast_in_dim3A_1923 : vector<128x128xi1>, vector<128x128xf32>
    %get3A_1925 = arith.constant 15 : index
    %get3A_1926 = arith.constant 0 : index
    %get3A_1927 = arith.constant 0 : index
    %get3A_1928 = vector.load %arg8[%get3A_1925, %get3A_1926, %get3A_1927] : memref<32x128x1xi32, #tpu.memory_space<vmem>>, vector<1x128x1xi32>
    %get3A_1929 = vector.shape_cast %get3A_1928 : vector<1x128x1xi32> to vector<128x1xi32>
    %eq3A_1930 = vector.broadcast %get3A_1929 : vector<128x1xi32> to vector<128x128xi32>
    %eq3A_1931 = arith.cmpi eq, %iota3A_1354, %eq3A_1930 : vector<128x128xi32>
    %jit3A_1932 = arith.constant 1.000000e+00 : f32
    %jit3A_1933 = arith.constant 0.000000e+00 : f32
    %broadcast_in_dim3A_1934 = vector.broadcast %jit3A_1932 : f32 to vector<128x128xf32>
    %broadcast_in_dim3A_1935 = vector.broadcast %jit3A_1933 : f32 to vector<128x128xf32>
    %select_n3A_1936 = arith.select %eq3A_1931, %broadcast_in_dim3A_1934, %broadcast_in_dim3A_1935 : vector<128x128xi1>, vector<128x128xf32>
    %get3A_1937 = arith.constant 16 : index
    %get3A_1938 = arith.constant 0 : index
    %get3A_1939 = arith.constant 0 : index
    %get3A_1940 = vector.load %arg8[%get3A_1937, %get3A_1938, %get3A_1939] : memref<32x128x1xi32, #tpu.memory_space<vmem>>, vector<1x128x1xi32>
    %get3A_1941 = vector.shape_cast %get3A_1940 : vector<1x128x1xi32> to vector<128x1xi32>
    %eq3A_1942 = vector.broadcast %get3A_1941 : vector<128x1xi32> to vector<128x128xi32>
    %eq3A_1943 = arith.cmpi eq, %iota3A_1354, %eq3A_1942 : vector<128x128xi32>
    %jit3A_1944 = arith.constant 1.000000e+00 : f32
    %jit3A_1945 = arith.constant 0.000000e+00 : f32
    %broadcast_in_dim3A_1946 = vector.broadcast %jit3A_1944 : f32 to vector<128x128xf32>
    %broadcast_in_dim3A_1947 = vector.broadcast %jit3A_1945 : f32 to vector<128x128xf32>
    %select_n3A_1948 = arith.select %eq3A_1943, %broadcast_in_dim3A_1946, %broadcast_in_dim3A_1947 : vector<128x128xi1>, vector<128x128xf32>
    %get3A_1949 = arith.constant 17 : index
    %get3A_1950 = arith.constant 0 : index
    %get3A_1951 = arith.constant 0 : index
    %get3A_1952 = vector.load %arg8[%get3A_1949, %get3A_1950, %get3A_1951] : memref<32x128x1xi32, #tpu.memory_space<vmem>>, vector<1x128x1xi32>
    %get3A_1953 = vector.shape_cast %get3A_1952 : vector<1x128x1xi32> to vector<128x1xi32>
    %eq3A_1954 = vector.broadcast %get3A_1953 : vector<128x1xi32> to vector<128x128xi32>
    %eq3A_1955 = arith.cmpi eq, %iota3A_1354, %eq3A_1954 : vector<128x128xi32>
    %jit3A_1956 = arith.constant 1.000000e+00 : f32
    %jit3A_1957 = arith.constant 0.000000e+00 : f32
    %broadcast_in_dim3A_1958 = vector.broadcast %jit3A_1956 : f32 to vector<128x128xf32>
    %broadcast_in_dim3A_1959 = vector.broadcast %jit3A_1957 : f32 to vector<128x128xf32>
    %select_n3A_1960 = arith.select %eq3A_1955, %broadcast_in_dim3A_1958, %broadcast_in_dim3A_1959 : vector<128x128xi1>, vector<128x128xf32>
    %get3A_1961 = arith.constant 18 : index
    %get3A_1962 = arith.constant 0 : index
    %get3A_1963 = arith.constant 0 : index
    %get3A_1964 = vector.load %arg8[%get3A_1961, %get3A_1962, %get3A_1963] : memref<32x128x1xi32, #tpu.memory_space<vmem>>, vector<1x128x1xi32>
    %get3A_1965 = vector.shape_cast %get3A_1964 : vector<1x128x1xi32> to vector<128x1xi32>
    %eq3A_1966 = vector.broadcast %get3A_1965 : vector<128x1xi32> to vector<128x128xi32>
    %eq3A_1967 = arith.cmpi eq, %iota3A_1354, %eq3A_1966 : vector<128x128xi32>
    %jit3A_1968 = arith.constant 1.000000e+00 : f32
    %jit3A_1969 = arith.constant 0.000000e+00 : f32
    %broadcast_in_dim3A_1970 = vector.broadcast %jit3A_1968 : f32 to vector<128x128xf32>
    %broadcast_in_dim3A_1971 = vector.broadcast %jit3A_1969 : f32 to vector<128x128xf32>
    %select_n3A_1972 = arith.select %eq3A_1967, %broadcast_in_dim3A_1970, %broadcast_in_dim3A_1971 : vector<128x128xi1>, vector<128x128xf32>
    %get3A_1973 = arith.constant 19 : index
    %get3A_1974 = arith.constant 0 : index
    %get3A_1975 = arith.constant 0 : index
    %get3A_1976 = vector.load %arg8[%get3A_1973, %get3A_1974, %get3A_1975] : memref<32x128x1xi32, #tpu.memory_space<vmem>>, vector<1x128x1xi32>
    %get3A_1977 = vector.shape_cast %get3A_1976 : vector<1x128x1xi32> to vector<128x1xi32>
    %eq3A_1978 = vector.broadcast %get3A_1977 : vector<128x1xi32> to vector<128x128xi32>
    %eq3A_1979 = arith.cmpi eq, %iota3A_1354, %eq3A_1978 : vector<128x128xi32>
    %jit3A_1980 = arith.constant 1.000000e+00 : f32
    %jit3A_1981 = arith.constant 0.000000e+00 : f32
    %broadcast_in_dim3A_1982 = vector.broadcast %jit3A_1980 : f32 to vector<128x128xf32>
    %broadcast_in_dim3A_1983 = vector.broadcast %jit3A_1981 : f32 to vector<128x128xf32>
    %select_n3A_1984 = arith.select %eq3A_1979, %broadcast_in_dim3A_1982, %broadcast_in_dim3A_1983 : vector<128x128xi1>, vector<128x128xf32>
    %get3A_1985 = arith.constant 20 : index
    %get3A_1986 = arith.constant 0 : index
    %get3A_1987 = arith.constant 0 : index
    %get3A_1988 = vector.load %arg8[%get3A_1985, %get3A_1986, %get3A_1987] : memref<32x128x1xi32, #tpu.memory_space<vmem>>, vector<1x128x1xi32>
    %get3A_1989 = vector.shape_cast %get3A_1988 : vector<1x128x1xi32> to vector<128x1xi32>
    %eq3A_1990 = vector.broadcast %get3A_1989 : vector<128x1xi32> to vector<128x128xi32>
    %eq3A_1991 = arith.cmpi eq, %iota3A_1354, %eq3A_1990 : vector<128x128xi32>
    %jit3A_1992 = arith.constant 1.000000e+00 : f32
    %jit3A_1993 = arith.constant 0.000000e+00 : f32
    %broadcast_in_dim3A_1994 = vector.broadcast %jit3A_1992 : f32 to vector<128x128xf32>
    %broadcast_in_dim3A_1995 = vector.broadcast %jit3A_1993 : f32 to vector<128x128xf32>
    %select_n3A_1996 = arith.select %eq3A_1991, %broadcast_in_dim3A_1994, %broadcast_in_dim3A_1995 : vector<128x128xi1>, vector<128x128xf32>
    %get3A_1997 = arith.constant 21 : index
    %get3A_1998 = arith.constant 0 : index
    %get3A_1999 = arith.constant 0 : index
    %get3A_2000 = vector.load %arg8[%get3A_1997, %get3A_1998, %get3A_1999] : memref<32x128x1xi32, #tpu.memory_space<vmem>>, vector<1x128x1xi32>
    %get3A_2001 = vector.shape_cast %get3A_2000 : vector<1x128x1xi32> to vector<128x1xi32>
    %eq3A_2002 = vector.broadcast %get3A_2001 : vector<128x1xi32> to vector<128x128xi32>
    %eq3A_2003 = arith.cmpi eq, %iota3A_1354, %eq3A_2002 : vector<128x128xi32>
    %jit3A_2004 = arith.constant 1.000000e+00 : f32
    %jit3A_2005 = arith.constant 0.000000e+00 : f32
    %broadcast_in_dim3A_2006 = vector.broadcast %jit3A_2004 : f32 to vector<128x128xf32>
    %broadcast_in_dim3A_2007 = vector.broadcast %jit3A_2005 : f32 to vector<128x128xf32>
    %select_n3A_2008 = arith.select %eq3A_2003, %broadcast_in_dim3A_2006, %broadcast_in_dim3A_2007 : vector<128x128xi1>, vector<128x128xf32>
    %get3A_2009 = arith.constant 22 : index
    %get3A_2010 = arith.constant 0 : index
    %get3A_2011 = arith.constant 0 : index
    %get3A_2012 = vector.load %arg8[%get3A_2009, %get3A_2010, %get3A_2011] : memref<32x128x1xi32, #tpu.memory_space<vmem>>, vector<1x128x1xi32>
    %get3A_2013 = vector.shape_cast %get3A_2012 : vector<1x128x1xi32> to vector<128x1xi32>
    %eq3A_2014 = vector.broadcast %get3A_2013 : vector<128x1xi32> to vector<128x128xi32>
    %eq3A_2015 = arith.cmpi eq, %iota3A_1354, %eq3A_2014 : vector<128x128xi32>
    %jit3A_2016 = arith.constant 1.000000e+00 : f32
    %jit3A_2017 = arith.constant 0.000000e+00 : f32
    %broadcast_in_dim3A_2018 = vector.broadcast %jit3A_2016 : f32 to vector<128x128xf32>
    %broadcast_in_dim3A_2019 = vector.broadcast %jit3A_2017 : f32 to vector<128x128xf32>
    %select_n3A_2020 = arith.select %eq3A_2015, %broadcast_in_dim3A_2018, %broadcast_in_dim3A_2019 : vector<128x128xi1>, vector<128x128xf32>
    %get3A_2021 = arith.constant 23 : index
    %get3A_2022 = arith.constant 0 : index
    %get3A_2023 = arith.constant 0 : index
    %get3A_2024 = vector.load %arg8[%get3A_2021, %get3A_2022, %get3A_2023] : memref<32x128x1xi32, #tpu.memory_space<vmem>>, vector<1x128x1xi32>
    %get3A_2025 = vector.shape_cast %get3A_2024 : vector<1x128x1xi32> to vector<128x1xi32>
    %eq3A_2026 = vector.broadcast %get3A_2025 : vector<128x1xi32> to vector<128x128xi32>
    %eq3A_2027 = arith.cmpi eq, %iota3A_1354, %eq3A_2026 : vector<128x128xi32>
    %jit3A_2028 = arith.constant 1.000000e+00 : f32
    %jit3A_2029 = arith.constant 0.000000e+00 : f32
    %broadcast_in_dim3A_2030 = vector.broadcast %jit3A_2028 : f32 to vector<128x128xf32>
    %broadcast_in_dim3A_2031 = vector.broadcast %jit3A_2029 : f32 to vector<128x128xf32>
    %select_n3A_2032 = arith.select %eq3A_2027, %broadcast_in_dim3A_2030, %broadcast_in_dim3A_2031 : vector<128x128xi1>, vector<128x128xf32>
    %get3A_2033 = arith.constant 24 : index
    %get3A_2034 = arith.constant 0 : index
    %get3A_2035 = arith.constant 0 : index
    %get3A_2036 = vector.load %arg8[%get3A_2033, %get3A_2034, %get3A_2035] : memref<32x128x1xi32, #tpu.memory_space<vmem>>, vector<1x128x1xi32>
    %get3A_2037 = vector.shape_cast %get3A_2036 : vector<1x128x1xi32> to vector<128x1xi32>
    %eq3A_2038 = vector.broadcast %get3A_2037 : vector<128x1xi32> to vector<128x128xi32>
    %eq3A_2039 = arith.cmpi eq, %iota3A_1354, %eq3A_2038 : vector<128x128xi32>
    %jit3A_2040 = arith.constant 1.000000e+00 : f32
    %jit3A_2041 = arith.constant 0.000000e+00 : f32
    %broadcast_in_dim3A_2042 = vector.broadcast %jit3A_2040 : f32 to vector<128x128xf32>
    %broadcast_in_dim3A_2043 = vector.broadcast %jit3A_2041 : f32 to vector<128x128xf32>
    %select_n3A_2044 = arith.select %eq3A_2039, %broadcast_in_dim3A_2042, %broadcast_in_dim3A_2043 : vector<128x128xi1>, vector<128x128xf32>
    %get3A_2045 = arith.constant 25 : index
    %get3A_2046 = arith.constant 0 : index
    %get3A_2047 = arith.constant 0 : index
    %get3A_2048 = vector.load %arg8[%get3A_2045, %get3A_2046, %get3A_2047] : memref<32x128x1xi32, #tpu.memory_space<vmem>>, vector<1x128x1xi32>
    %get3A_2049 = vector.shape_cast %get3A_2048 : vector<1x128x1xi32> to vector<128x1xi32>
    %eq3A_2050 = vector.broadcast %get3A_2049 : vector<128x1xi32> to vector<128x128xi32>
    %eq3A_2051 = arith.cmpi eq, %iota3A_1354, %eq3A_2050 : vector<128x128xi32>
    %jit3A_2052 = arith.constant 1.000000e+00 : f32
    %jit3A_2053 = arith.constant 0.000000e+00 : f32
    %broadcast_in_dim3A_2054 = vector.broadcast %jit3A_2052 : f32 to vector<128x128xf32>
    %broadcast_in_dim3A_2055 = vector.broadcast %jit3A_2053 : f32 to vector<128x128xf32>
    %select_n3A_2056 = arith.select %eq3A_2051, %broadcast_in_dim3A_2054, %broadcast_in_dim3A_2055 : vector<128x128xi1>, vector<128x128xf32>
    %get3A_2057 = arith.constant 26 : index
    %get3A_2058 = arith.constant 0 : index
    %get3A_2059 = arith.constant 0 : index
    %get3A_2060 = vector.load %arg8[%get3A_2057, %get3A_2058, %get3A_2059] : memref<32x128x1xi32, #tpu.memory_space<vmem>>, vector<1x128x1xi32>
    %get3A_2061 = vector.shape_cast %get3A_2060 : vector<1x128x1xi32> to vector<128x1xi32>
    %eq3A_2062 = vector.broadcast %get3A_2061 : vector<128x1xi32> to vector<128x128xi32>
    %eq3A_2063 = arith.cmpi eq, %iota3A_1354, %eq3A_2062 : vector<128x128xi32>
    %jit3A_2064 = arith.constant 1.000000e+00 : f32
    %jit3A_2065 = arith.constant 0.000000e+00 : f32
    %broadcast_in_dim3A_2066 = vector.broadcast %jit3A_2064 : f32 to vector<128x128xf32>
    %broadcast_in_dim3A_2067 = vector.broadcast %jit3A_2065 : f32 to vector<128x128xf32>
    %select_n3A_2068 = arith.select %eq3A_2063, %broadcast_in_dim3A_2066, %broadcast_in_dim3A_2067 : vector<128x128xi1>, vector<128x128xf32>
    %get3A_2069 = arith.constant 27 : index
    %get3A_2070 = arith.constant 0 : index
    %get3A_2071 = arith.constant 0 : index
    %get3A_2072 = vector.load %arg8[%get3A_2069, %get3A_2070, %get3A_2071] : memref<32x128x1xi32, #tpu.memory_space<vmem>>, vector<1x128x1xi32>
    %get3A_2073 = vector.shape_cast %get3A_2072 : vector<1x128x1xi32> to vector<128x1xi32>
    %eq3A_2074 = vector.broadcast %get3A_2073 : vector<128x1xi32> to vector<128x128xi32>
    %eq3A_2075 = arith.cmpi eq, %iota3A_1354, %eq3A_2074 : vector<128x128xi32>
    %jit3A_2076 = arith.constant 1.000000e+00 : f32
    %jit3A_2077 = arith.constant 0.000000e+00 : f32
    %broadcast_in_dim3A_2078 = vector.broadcast %jit3A_2076 : f32 to vector<128x128xf32>
    %broadcast_in_dim3A_2079 = vector.broadcast %jit3A_2077 : f32 to vector<128x128xf32>
    %select_n3A_2080 = arith.select %eq3A_2075, %broadcast_in_dim3A_2078, %broadcast_in_dim3A_2079 : vector<128x128xi1>, vector<128x128xf32>
    %get3A_2081 = arith.constant 28 : index
    %get3A_2082 = arith.constant 0 : index
    %get3A_2083 = arith.constant 0 : index
    %get3A_2084 = vector.load %arg8[%get3A_2081, %get3A_2082, %get3A_2083] : memref<32x128x1xi32, #tpu.memory_space<vmem>>, vector<1x128x1xi32>
    %get3A_2085 = vector.shape_cast %get3A_2084 : vector<1x128x1xi32> to vector<128x1xi32>
    %eq3A_2086 = vector.broadcast %get3A_2085 : vector<128x1xi32> to vector<128x128xi32>
    %eq3A_2087 = arith.cmpi eq, %iota3A_1354, %eq3A_2086 : vector<128x128xi32>
    %jit3A_2088 = arith.constant 1.000000e+00 : f32
    %jit3A_2089 = arith.constant 0.000000e+00 : f32
    %broadcast_in_dim3A_2090 = vector.broadcast %jit3A_2088 : f32 to vector<128x128xf32>
    %broadcast_in_dim3A_2091 = vector.broadcast %jit3A_2089 : f32 to vector<128x128xf32>
    %select_n3A_2092 = arith.select %eq3A_2087, %broadcast_in_dim3A_2090, %broadcast_in_dim3A_2091 : vector<128x128xi1>, vector<128x128xf32>
    %get3A_2093 = arith.constant 29 : index
    %get3A_2094 = arith.constant 0 : index
    %get3A_2095 = arith.constant 0 : index
    %get3A_2096 = vector.load %arg8[%get3A_2093, %get3A_2094, %get3A_2095] : memref<32x128x1xi32, #tpu.memory_space<vmem>>, vector<1x128x1xi32>
    %get3A_2097 = vector.shape_cast %get3A_2096 : vector<1x128x1xi32> to vector<128x1xi32>
    %eq3A_2098 = vector.broadcast %get3A_2097 : vector<128x1xi32> to vector<128x128xi32>
    %eq3A_2099 = arith.cmpi eq, %iota3A_1354, %eq3A_2098 : vector<128x128xi32>
    %jit3A_2100 = arith.constant 1.000000e+00 : f32
    %jit3A_2101 = arith.constant 0.000000e+00 : f32
    %broadcast_in_dim3A_2102 = vector.broadcast %jit3A_2100 : f32 to vector<128x128xf32>
    %broadcast_in_dim3A_2103 = vector.broadcast %jit3A_2101 : f32 to vector<128x128xf32>
    %select_n3A_2104 = arith.select %eq3A_2099, %broadcast_in_dim3A_2102, %broadcast_in_dim3A_2103 : vector<128x128xi1>, vector<128x128xf32>
    %get3A_2105 = arith.constant 30 : index
    %get3A_2106 = arith.constant 0 : index
    %get3A_2107 = arith.constant 0 : index
    %get3A_2108 = vector.load %arg8[%get3A_2105, %get3A_2106, %get3A_2107] : memref<32x128x1xi32, #tpu.memory_space<vmem>>, vector<1x128x1xi32>
    %get3A_2109 = vector.shape_cast %get3A_2108 : vector<1x128x1xi32> to vector<128x1xi32>
    %eq3A_2110 = vector.broadcast %get3A_2109 : vector<128x1xi32> to vector<128x128xi32>
    %eq3A_2111 = arith.cmpi eq, %iota3A_1354, %eq3A_2110 : vector<128x128xi32>
    %jit3A_2112 = arith.constant 1.000000e+00 : f32
    %jit3A_2113 = arith.constant 0.000000e+00 : f32
    %broadcast_in_dim3A_2114 = vector.broadcast %jit3A_2112 : f32 to vector<128x128xf32>
    %broadcast_in_dim3A_2115 = vector.broadcast %jit3A_2113 : f32 to vector<128x128xf32>
    %select_n3A_2116 = arith.select %eq3A_2111, %broadcast_in_dim3A_2114, %broadcast_in_dim3A_2115 : vector<128x128xi1>, vector<128x128xf32>
    %get3A_2117 = arith.constant 31 : index
    %get3A_2118 = arith.constant 0 : index
    %get3A_2119 = arith.constant 0 : index
    %get3A_2120 = vector.load %arg8[%get3A_2117, %get3A_2118, %get3A_2119] : memref<32x128x1xi32, #tpu.memory_space<vmem>>, vector<1x128x1xi32>
    %get3A_2121 = vector.shape_cast %get3A_2120 : vector<1x128x1xi32> to vector<128x1xi32>
    %eq3A_2122 = vector.broadcast %get3A_2121 : vector<128x1xi32> to vector<128x128xi32>
    %eq3A_2123 = arith.cmpi eq, %iota3A_1354, %eq3A_2122 : vector<128x128xi32>
    %jit3A_2124 = arith.constant 1.000000e+00 : f32
    %jit3A_2125 = arith.constant 0.000000e+00 : f32
    %broadcast_in_dim3A_2126 = vector.broadcast %jit3A_2124 : f32 to vector<128x128xf32>
    %broadcast_in_dim3A_2127 = vector.broadcast %jit3A_2125 : f32 to vector<128x128xf32>
    %select_n3A_2128 = arith.select %eq3A_2123, %broadcast_in_dim3A_2126, %broadcast_in_dim3A_2127 : vector<128x128xi1>, vector<128x128xf32>
    %iota3A_2129 = tpu.iota {dimensions = array<i32: 1>} : vector<1x4096xi32>
    %jit3A_2130 = arith.constant 128 : i32
    %eq3A_2131 = arith.constant 0 : i32
    %eq3A_2132 = arith.cmpi eq, %jit3A_2130, %eq3A_2131 : i32
    %jit3A_2133 = arith.constant 1 : i32
    %select_n3A_2134 = arith.select %eq3A_2132, %jit3A_2133, %jit3A_2130 : i32
    %rem3A = vector.broadcast %select_n3A_2134 : i32 to vector<1x4096xi32>
    %rem3A_2135 = arith.remsi %iota3A_2129, %rem3A : vector<1x4096xi32>
    %ne3A = arith.constant 0 : i32
    %ne3A_2136 = vector.broadcast %ne3A : i32 to vector<1x4096xi32>
    %ne3A_2137 = arith.cmpi ne, %rem3A_2135, %ne3A_2136 : vector<1x4096xi32>
    %lt3A = arith.constant 0 : i32
    %lt3A_2138 = vector.broadcast %lt3A : i32 to vector<1x4096xi32>
    %lt3A_2139 = arith.cmpi slt, %rem3A_2135, %lt3A_2138 : vector<1x4096xi32>
    %lt3A_2140 = arith.constant 0 : i32
    %lt3A_2141 = arith.cmpi slt, %select_n3A_2134, %lt3A_2140 : i32
    %ne3A_2142 = vector.broadcast %lt3A_2141 : i1 to vector<1x4096xi1>
    %ne3A_2143 = vector.broadcast %ne3A_2142 : vector<1x4096xi1> to vector<1x4096xi1>
    %ne3A_2144 = arith.xori %lt3A_2139, %ne3A_2143 : vector<1x4096xi1>
    %and3A_2145 = arith.andi %ne3A_2144, %ne3A_2137 : vector<1x4096xi1>
    %add3A_2146 = vector.broadcast %select_n3A_2134 : i32 to vector<1x4096xi32>
    %add3A_2147 = arith.addi %rem3A_2135, %add3A_2146 : vector<1x4096xi32>
    %select_n3A_2148 = arith.select %and3A_2145, %add3A_2147, %rem3A_2135 : vector<1x4096xi1>, vector<1x4096xi32>
    %eq3A_2149 = arith.constant 0 : i32
    %eq3A_2150 = vector.broadcast %eq3A_2149 : i32 to vector<1x4096xi32>
    %eq3A_2151 = arith.cmpi eq, %select_n3A_2148, %eq3A_2150 : vector<1x4096xi32>
    %jit3A_2152 = arith.constant 1.000000e+00 : f32
    %jit3A_2153 = arith.constant 0.000000e+00 : f32
    %broadcast_in_dim3A_2154 = vector.broadcast %jit3A_2152 : f32 to vector<1x4096xf32>
    %broadcast_in_dim3A_2155 = vector.broadcast %jit3A_2153 : f32 to vector<1x4096xf32>
    %select_n3A_2156 = arith.select %eq3A_2151, %broadcast_in_dim3A_2154, %broadcast_in_dim3A_2155 : vector<1x4096xi1>, vector<1x4096xf32>
    %broadcast_in_dim3A_2157 = arith.constant 0.000000e+00 : bf16
    %broadcast_in_dim3A_2158 = vector.broadcast %broadcast_in_dim3A_2157 : bf16 to vector<256x4096xbf16>
    %broadcast_in_dim3A_2159 = arith.constant 1.000000e+00 : f32
    %broadcast_in_dim3A_2160 = vector.broadcast %broadcast_in_dim3A_2159 : f32 to vector<1x4096xf32>
    %get3A_2161 = arith.constant 0 : index
    %get3A_2162 = memref.load %arg1[%get3A_2161] : memref<1xi32, #tpu.memory_space<smem>>
    %while3A = arith.constant 0 : i32
    %while3A_2163 = arith.subi %get3A_2162, %while3A : i32
    %while3A_2164 = arith.addi %while3A, %while3A_2163 : i32
    %while3A_2165 = arith.constant 1 : i32
    %while3A_2166 = arith.divsi %while3A_2163, %while3A_2165 : i32
    %while3A_2167 = arith.muli %while3A_2166, %while3A_2165 : i32
    %while3A_2168 = arith.addi %while3A, %while3A_2167 : i32
    %while3A_2169 = arith.constant 1 : i32
    %while3A_2170:2 = scf.for %while3A_2317 = %while3A to %while3A_2168 step %while3A_2169 iter_args(%while3A_2318 = %select_n3A_2156, %while3A_2319 = %broadcast_in_dim3A_2158) -> (vector<1x4096xf32>, vector<256x4096xbf16>)  : i32 {
      %dot_general3A_2320 = arith.constant dense<0.000000e+00> : vector<256x4096xf32>
      %dot_general3A_2321 = tpu.matmul %convert_element_type3A_1346, %while3A_2319, %dot_general3A_2320 {dimension_numbers = #tpu.dot_dimension_numbers<[1], [0], [0], [1], [0, 0, 1, 1], [], []>, transpose_lhs_hint = false} : vector<256x256xbf16>, vector<256x4096xbf16>, vector<256x4096xf32> -> vector<256x4096xf32>
      %add3A_2322 = arith.addf %add3A_1339, %dot_general3A_2321 : vector<256x4096xf32>
      %tanh3A = math.tanh %add3A_2322 : vector<256x4096xf32>
      %concatenate3A_2323 = tpu.concatenate %tanh3A, %broadcast_in_dim3A_2160 in 0 : vector<256x4096xf32>, vector<1x4096xf32> -> vector<257x4096xf32>
      %convert_element_type3A_2324 = arith.truncf %concatenate3A_2323 : vector<257x4096xf32> to vector<257x4096xbf16>
      %dot_general3A_2325 = arith.constant dense<0.000000e+00> : vector<2x4096xf32>
      %dot_general3A_2326 = tpu.matmul %convert_element_type3A_1350, %convert_element_type3A_2324, %dot_general3A_2325 {dimension_numbers = #tpu.dot_dimension_numbers<[1], [0], [0], [1], [0, 0, 1, 1], [], []>, transpose_lhs_hint = false} : vector<2x257xbf16>, vector<257x4096xbf16>, vector<2x4096xf32> -> vector<2x4096xf32>
      %add3A_2327 = vector.broadcast %get3A_1353 : vector<2x1xf32> to vector<2x4096xf32>
      %add3A_2328 = arith.addf %dot_general3A_2326, %add3A_2327 : vector<2x4096xf32>
      %reduce_max3A = arith.constant dense<0xFF800000> : vector<4096xf32>
      %reduce_max3A_2329 = vector.multi_reduction <maximumf>, %add3A_2328, %reduce_max3A [0] : vector<2x4096xf32> to vector<4096xf32>
      %broadcast_in_dim3A_2330 = vector.shape_cast %reduce_max3A_2329 : vector<4096xf32> to vector<1x4096xf32>
      %sub3A_2331 = vector.broadcast %broadcast_in_dim3A_2330 : vector<1x4096xf32> to vector<2x4096xf32>
      %sub3A_2332 = arith.subf %add3A_2328, %sub3A_2331 : vector<2x4096xf32>
      %exp3A = math.exp %sub3A_2332 : vector<2x4096xf32>
      %reduce_sum3A_2333 = arith.constant dense<0.000000e+00> : vector<4096xf32>
      %reduce_sum3A_2334 = vector.multi_reduction <add>, %exp3A, %reduce_sum3A_2333 [0] : vector<2x4096xf32> to vector<4096xf32>
      %broadcast_in_dim3A_2335 = vector.shape_cast %reduce_sum3A_2334 : vector<4096xf32> to vector<1x4096xf32>
      %slice3A_2336 = vector.extract_strided_slice %exp3A {offsets = [0, 0], sizes = [1, 4096], strides = [1, 1]} : vector<2x4096xf32> to vector<1x4096xf32>
      %div3A_2337 = arith.divf %slice3A_2336, %broadcast_in_dim3A_2335 : vector<1x4096xf32>
      %mul3A_2338 = arith.mulf %while3A_2318, %div3A_2337 : vector<1x4096xf32>
      %slice3A_2339 = vector.extract_strided_slice %exp3A {offsets = [1, 0], sizes = [1, 4096], strides = [1, 1]} : vector<2x4096xf32> to vector<1x4096xf32>
      %div3A_2340 = arith.divf %slice3A_2339, %broadcast_in_dim3A_2335 : vector<1x4096xf32>
      %mul3A_2341 = arith.mulf %while3A_2318, %div3A_2340 : vector<1x4096xf32>
      %slice3A_2342 = vector.extract_strided_slice %mul3A_2338 {offsets = [0, 0], sizes = [1, 128], strides = [1, 1]} : vector<1x4096xf32> to vector<1x128xf32>
      %mul3A_2343 = vector.broadcast %slice3A_2342 : vector<1x128xf32> to vector<128x128xf32>
      %mul3A_2344 = arith.mulf %select_n3A_1360, %mul3A_2343 : vector<128x128xf32>
      %reduce_sum3A_2345 = arith.constant dense<0.000000e+00> : vector<128xf32>
      %reduce_sum3A_2346 = vector.multi_reduction <add>, %mul3A_2344, %reduce_sum3A_2345 [1] : vector<128x128xf32> to vector<128xf32>
      %broadcast_in_dim3A_2347 = vector.shape_cast %reduce_sum3A_2346 : vector<128xf32> to vector<128x1xf32>
      %slice3A_2348 = vector.extract_strided_slice %mul3A_2341 {offsets = [0, 0], sizes = [1, 128], strides = [1, 1]} : vector<1x4096xf32> to vector<1x128xf32>
      %mul3A_2349 = vector.broadcast %slice3A_2348 : vector<1x128xf32> to vector<128x128xf32>
      %mul3A_2350 = arith.mulf %select_n3A_1360, %mul3A_2349 : vector<128x128xf32>
      %reduce_sum3A_2351 = arith.constant dense<0.000000e+00> : vector<128xf32>
      %reduce_sum3A_2352 = vector.multi_reduction <add>, %mul3A_2350, %reduce_sum3A_2351 [1] : vector<128x128xf32> to vector<128xf32>
      %broadcast_in_dim3A_2353 = vector.shape_cast %reduce_sum3A_2352 : vector<128xf32> to vector<128x1xf32>
      %mul3A_2354 = vector.broadcast %broadcast_in_dim3A_2347 : vector<128x1xf32> to vector<128x128xf32>
      %mul3A_2355 = arith.mulf %select_n3A_1372, %mul3A_2354 : vector<128x128xf32>
      %mul3A_2356 = vector.broadcast %broadcast_in_dim3A_2353 : vector<128x1xf32> to vector<128x128xf32>
      %mul3A_2357 = arith.mulf %select_n3A_1756, %mul3A_2356 : vector<128x128xf32>
      %add3A_2358 = arith.addf %mul3A_2355, %mul3A_2357 : vector<128x128xf32>
      %convert_element_type3A_2359 = arith.truncf %add3A_2358 : vector<128x128xf32> to vector<128x128xbf16>
      %slice3A_2360 = vector.extract_strided_slice %convert_element_type3A_2324 {offsets = [0, 0], sizes = [257, 128], strides = [1, 1]} : vector<257x4096xbf16> to vector<257x128xbf16>
      %dot_general3A_2361 = arith.constant dense<0.000000e+00> : vector<257x128xf32>
      %dot_general3A_2362 = tpu.matmul %slice3A_2360, %convert_element_type3A_2359, %dot_general3A_2361 {dimension_numbers = #tpu.dot_dimension_numbers<[1], [0], [0], [1], [0, 0, 1, 1], [], []>, transpose_lhs_hint = false} : vector<257x128xbf16>, vector<128x128xbf16>, vector<257x128xf32> -> vector<257x128xf32>
      %slice3A_2363 = vector.extract_strided_slice %mul3A_2338 {offsets = [0, 128], sizes = [1, 128], strides = [1, 1]} : vector<1x4096xf32> to vector<1x128xf32>
      %mul3A_2364 = vector.broadcast %slice3A_2363 : vector<1x128xf32> to vector<128x128xf32>
      %mul3A_2365 = arith.mulf %select_n3A_1360, %mul3A_2364 : vector<128x128xf32>
      %reduce_sum3A_2366 = arith.constant dense<0.000000e+00> : vector<128xf32>
      %reduce_sum3A_2367 = vector.multi_reduction <add>, %mul3A_2365, %reduce_sum3A_2366 [1] : vector<128x128xf32> to vector<128xf32>
      %broadcast_in_dim3A_2368 = vector.shape_cast %reduce_sum3A_2367 : vector<128xf32> to vector<128x1xf32>
      %slice3A_2369 = vector.extract_strided_slice %mul3A_2341 {offsets = [0, 128], sizes = [1, 128], strides = [1, 1]} : vector<1x4096xf32> to vector<1x128xf32>
      %mul3A_2370 = vector.broadcast %slice3A_2369 : vector<1x128xf32> to vector<128x128xf32>
      %mul3A_2371 = arith.mulf %select_n3A_1360, %mul3A_2370 : vector<128x128xf32>
      %reduce_sum3A_2372 = arith.constant dense<0.000000e+00> : vector<128xf32>
      %reduce_sum3A_2373 = vector.multi_reduction <add>, %mul3A_2371, %reduce_sum3A_2372 [1] : vector<128x128xf32> to vector<128xf32>
      %broadcast_in_dim3A_2374 = vector.shape_cast %reduce_sum3A_2373 : vector<128xf32> to vector<128x1xf32>
      %mul3A_2375 = vector.broadcast %broadcast_in_dim3A_2368 : vector<128x1xf32> to vector<128x128xf32>
      %mul3A_2376 = arith.mulf %select_n3A_1384, %mul3A_2375 : vector<128x128xf32>
      %mul3A_2377 = vector.broadcast %broadcast_in_dim3A_2374 : vector<128x1xf32> to vector<128x128xf32>
      %mul3A_2378 = arith.mulf %select_n3A_1768, %mul3A_2377 : vector<128x128xf32>
      %add3A_2379 = arith.addf %mul3A_2376, %mul3A_2378 : vector<128x128xf32>
      %convert_element_type3A_2380 = arith.truncf %add3A_2379 : vector<128x128xf32> to vector<128x128xbf16>
      %slice3A_2381 = vector.extract_strided_slice %convert_element_type3A_2324 {offsets = [0, 128], sizes = [257, 128], strides = [1, 1]} : vector<257x4096xbf16> to vector<257x128xbf16>
      %dot_general3A_2382 = arith.constant dense<0.000000e+00> : vector<257x128xf32>
      %dot_general3A_2383 = tpu.matmul %slice3A_2381, %convert_element_type3A_2380, %dot_general3A_2382 {dimension_numbers = #tpu.dot_dimension_numbers<[1], [0], [0], [1], [0, 0, 1, 1], [], []>, transpose_lhs_hint = false} : vector<257x128xbf16>, vector<128x128xbf16>, vector<257x128xf32> -> vector<257x128xf32>
      %slice3A_2384 = vector.extract_strided_slice %mul3A_2338 {offsets = [0, 256], sizes = [1, 128], strides = [1, 1]} : vector<1x4096xf32> to vector<1x128xf32>
      %mul3A_2385 = vector.broadcast %slice3A_2384 : vector<1x128xf32> to vector<128x128xf32>
      %mul3A_2386 = arith.mulf %select_n3A_1360, %mul3A_2385 : vector<128x128xf32>
      %reduce_sum3A_2387 = arith.constant dense<0.000000e+00> : vector<128xf32>
      %reduce_sum3A_2388 = vector.multi_reduction <add>, %mul3A_2386, %reduce_sum3A_2387 [1] : vector<128x128xf32> to vector<128xf32>
      %broadcast_in_dim3A_2389 = vector.shape_cast %reduce_sum3A_2388 : vector<128xf32> to vector<128x1xf32>
      %slice3A_2390 = vector.extract_strided_slice %mul3A_2341 {offsets = [0, 256], sizes = [1, 128], strides = [1, 1]} : vector<1x4096xf32> to vector<1x128xf32>
      %mul3A_2391 = vector.broadcast %slice3A_2390 : vector<1x128xf32> to vector<128x128xf32>
      %mul3A_2392 = arith.mulf %select_n3A_1360, %mul3A_2391 : vector<128x128xf32>
      %reduce_sum3A_2393 = arith.constant dense<0.000000e+00> : vector<128xf32>
      %reduce_sum3A_2394 = vector.multi_reduction <add>, %mul3A_2392, %reduce_sum3A_2393 [1] : vector<128x128xf32> to vector<128xf32>
      %broadcast_in_dim3A_2395 = vector.shape_cast %reduce_sum3A_2394 : vector<128xf32> to vector<128x1xf32>
      %mul3A_2396 = vector.broadcast %broadcast_in_dim3A_2389 : vector<128x1xf32> to vector<128x128xf32>
      %mul3A_2397 = arith.mulf %select_n3A_1396, %mul3A_2396 : vector<128x128xf32>
      %mul3A_2398 = vector.broadcast %broadcast_in_dim3A_2395 : vector<128x1xf32> to vector<128x128xf32>
      %mul3A_2399 = arith.mulf %select_n3A_1780, %mul3A_2398 : vector<128x128xf32>
      %add3A_2400 = arith.addf %mul3A_2397, %mul3A_2399 : vector<128x128xf32>
      %convert_element_type3A_2401 = arith.truncf %add3A_2400 : vector<128x128xf32> to vector<128x128xbf16>
      %slice3A_2402 = vector.extract_strided_slice %convert_element_type3A_2324 {offsets = [0, 256], sizes = [257, 128], strides = [1, 1]} : vector<257x4096xbf16> to vector<257x128xbf16>
      %dot_general3A_2403 = arith.constant dense<0.000000e+00> : vector<257x128xf32>
      %dot_general3A_2404 = tpu.matmul %slice3A_2402, %convert_element_type3A_2401, %dot_general3A_2403 {dimension_numbers = #tpu.dot_dimension_numbers<[1], [0], [0], [1], [0, 0, 1, 1], [], []>, transpose_lhs_hint = false} : vector<257x128xbf16>, vector<128x128xbf16>, vector<257x128xf32> -> vector<257x128xf32>
      %slice3A_2405 = vector.extract_strided_slice %mul3A_2338 {offsets = [0, 384], sizes = [1, 128], strides = [1, 1]} : vector<1x4096xf32> to vector<1x128xf32>
      %mul3A_2406 = vector.broadcast %slice3A_2405 : vector<1x128xf32> to vector<128x128xf32>
      %mul3A_2407 = arith.mulf %select_n3A_1360, %mul3A_2406 : vector<128x128xf32>
      %reduce_sum3A_2408 = arith.constant dense<0.000000e+00> : vector<128xf32>
      %reduce_sum3A_2409 = vector.multi_reduction <add>, %mul3A_2407, %reduce_sum3A_2408 [1] : vector<128x128xf32> to vector<128xf32>
      %broadcast_in_dim3A_2410 = vector.shape_cast %reduce_sum3A_2409 : vector<128xf32> to vector<128x1xf32>
      %slice3A_2411 = vector.extract_strided_slice %mul3A_2341 {offsets = [0, 384], sizes = [1, 128], strides = [1, 1]} : vector<1x4096xf32> to vector<1x128xf32>
      %mul3A_2412 = vector.broadcast %slice3A_2411 : vector<1x128xf32> to vector<128x128xf32>
      %mul3A_2413 = arith.mulf %select_n3A_1360, %mul3A_2412 : vector<128x128xf32>
      %reduce_sum3A_2414 = arith.constant dense<0.000000e+00> : vector<128xf32>
      %reduce_sum3A_2415 = vector.multi_reduction <add>, %mul3A_2413, %reduce_sum3A_2414 [1] : vector<128x128xf32> to vector<128xf32>
      %broadcast_in_dim3A_2416 = vector.shape_cast %reduce_sum3A_2415 : vector<128xf32> to vector<128x1xf32>
      %mul3A_2417 = vector.broadcast %broadcast_in_dim3A_2410 : vector<128x1xf32> to vector<128x128xf32>
      %mul3A_2418 = arith.mulf %select_n3A_1408, %mul3A_2417 : vector<128x128xf32>
      %mul3A_2419 = vector.broadcast %broadcast_in_dim3A_2416 : vector<128x1xf32> to vector<128x128xf32>
      %mul3A_2420 = arith.mulf %select_n3A_1792, %mul3A_2419 : vector<128x128xf32>
      %add3A_2421 = arith.addf %mul3A_2418, %mul3A_2420 : vector<128x128xf32>
      %convert_element_type3A_2422 = arith.truncf %add3A_2421 : vector<128x128xf32> to vector<128x128xbf16>
      %slice3A_2423 = vector.extract_strided_slice %convert_element_type3A_2324 {offsets = [0, 384], sizes = [257, 128], strides = [1, 1]} : vector<257x4096xbf16> to vector<257x128xbf16>
      %dot_general3A_2424 = arith.constant dense<0.000000e+00> : vector<257x128xf32>
      %dot_general3A_2425 = tpu.matmul %slice3A_2423, %convert_element_type3A_2422, %dot_general3A_2424 {dimension_numbers = #tpu.dot_dimension_numbers<[1], [0], [0], [1], [0, 0, 1, 1], [], []>, transpose_lhs_hint = false} : vector<257x128xbf16>, vector<128x128xbf16>, vector<257x128xf32> -> vector<257x128xf32>
      %slice3A_2426 = vector.extract_strided_slice %mul3A_2338 {offsets = [0, 512], sizes = [1, 128], strides = [1, 1]} : vector<1x4096xf32> to vector<1x128xf32>
      %mul3A_2427 = vector.broadcast %slice3A_2426 : vector<1x128xf32> to vector<128x128xf32>
      %mul3A_2428 = arith.mulf %select_n3A_1360, %mul3A_2427 : vector<128x128xf32>
      %reduce_sum3A_2429 = arith.constant dense<0.000000e+00> : vector<128xf32>
      %reduce_sum3A_2430 = vector.multi_reduction <add>, %mul3A_2428, %reduce_sum3A_2429 [1] : vector<128x128xf32> to vector<128xf32>
      %broadcast_in_dim3A_2431 = vector.shape_cast %reduce_sum3A_2430 : vector<128xf32> to vector<128x1xf32>
      %slice3A_2432 = vector.extract_strided_slice %mul3A_2341 {offsets = [0, 512], sizes = [1, 128], strides = [1, 1]} : vector<1x4096xf32> to vector<1x128xf32>
      %mul3A_2433 = vector.broadcast %slice3A_2432 : vector<1x128xf32> to vector<128x128xf32>
      %mul3A_2434 = arith.mulf %select_n3A_1360, %mul3A_2433 : vector<128x128xf32>
      %reduce_sum3A_2435 = arith.constant dense<0.000000e+00> : vector<128xf32>
      %reduce_sum3A_2436 = vector.multi_reduction <add>, %mul3A_2434, %reduce_sum3A_2435 [1] : vector<128x128xf32> to vector<128xf32>
      %broadcast_in_dim3A_2437 = vector.shape_cast %reduce_sum3A_2436 : vector<128xf32> to vector<128x1xf32>
      %mul3A_2438 = vector.broadcast %broadcast_in_dim3A_2431 : vector<128x1xf32> to vector<128x128xf32>
      %mul3A_2439 = arith.mulf %select_n3A_1420, %mul3A_2438 : vector<128x128xf32>
      %mul3A_2440 = vector.broadcast %broadcast_in_dim3A_2437 : vector<128x1xf32> to vector<128x128xf32>
      %mul3A_2441 = arith.mulf %select_n3A_1804, %mul3A_2440 : vector<128x128xf32>
      %add3A_2442 = arith.addf %mul3A_2439, %mul3A_2441 : vector<128x128xf32>
      %convert_element_type3A_2443 = arith.truncf %add3A_2442 : vector<128x128xf32> to vector<128x128xbf16>
      %slice3A_2444 = vector.extract_strided_slice %convert_element_type3A_2324 {offsets = [0, 512], sizes = [257, 128], strides = [1, 1]} : vector<257x4096xbf16> to vector<257x128xbf16>
      %dot_general3A_2445 = arith.constant dense<0.000000e+00> : vector<257x128xf32>
      %dot_general3A_2446 = tpu.matmul %slice3A_2444, %convert_element_type3A_2443, %dot_general3A_2445 {dimension_numbers = #tpu.dot_dimension_numbers<[1], [0], [0], [1], [0, 0, 1, 1], [], []>, transpose_lhs_hint = false} : vector<257x128xbf16>, vector<128x128xbf16>, vector<257x128xf32> -> vector<257x128xf32>
      %slice3A_2447 = vector.extract_strided_slice %mul3A_2338 {offsets = [0, 640], sizes = [1, 128], strides = [1, 1]} : vector<1x4096xf32> to vector<1x128xf32>
      %mul3A_2448 = vector.broadcast %slice3A_2447 : vector<1x128xf32> to vector<128x128xf32>
      %mul3A_2449 = arith.mulf %select_n3A_1360, %mul3A_2448 : vector<128x128xf32>
      %reduce_sum3A_2450 = arith.constant dense<0.000000e+00> : vector<128xf32>
      %reduce_sum3A_2451 = vector.multi_reduction <add>, %mul3A_2449, %reduce_sum3A_2450 [1] : vector<128x128xf32> to vector<128xf32>
      %broadcast_in_dim3A_2452 = vector.shape_cast %reduce_sum3A_2451 : vector<128xf32> to vector<128x1xf32>
      %slice3A_2453 = vector.extract_strided_slice %mul3A_2341 {offsets = [0, 640], sizes = [1, 128], strides = [1, 1]} : vector<1x4096xf32> to vector<1x128xf32>
      %mul3A_2454 = vector.broadcast %slice3A_2453 : vector<1x128xf32> to vector<128x128xf32>
      %mul3A_2455 = arith.mulf %select_n3A_1360, %mul3A_2454 : vector<128x128xf32>
      %reduce_sum3A_2456 = arith.constant dense<0.000000e+00> : vector<128xf32>
      %reduce_sum3A_2457 = vector.multi_reduction <add>, %mul3A_2455, %reduce_sum3A_2456 [1] : vector<128x128xf32> to vector<128xf32>
      %broadcast_in_dim3A_2458 = vector.shape_cast %reduce_sum3A_2457 : vector<128xf32> to vector<128x1xf32>
      %mul3A_2459 = vector.broadcast %broadcast_in_dim3A_2452 : vector<128x1xf32> to vector<128x128xf32>
      %mul3A_2460 = arith.mulf %select_n3A_1432, %mul3A_2459 : vector<128x128xf32>
      %mul3A_2461 = vector.broadcast %broadcast_in_dim3A_2458 : vector<128x1xf32> to vector<128x128xf32>
      %mul3A_2462 = arith.mulf %select_n3A_1816, %mul3A_2461 : vector<128x128xf32>
      %add3A_2463 = arith.addf %mul3A_2460, %mul3A_2462 : vector<128x128xf32>
      %convert_element_type3A_2464 = arith.truncf %add3A_2463 : vector<128x128xf32> to vector<128x128xbf16>
      %slice3A_2465 = vector.extract_strided_slice %convert_element_type3A_2324 {offsets = [0, 640], sizes = [257, 128], strides = [1, 1]} : vector<257x4096xbf16> to vector<257x128xbf16>
      %dot_general3A_2466 = arith.constant dense<0.000000e+00> : vector<257x128xf32>
      %dot_general3A_2467 = tpu.matmul %slice3A_2465, %convert_element_type3A_2464, %dot_general3A_2466 {dimension_numbers = #tpu.dot_dimension_numbers<[1], [0], [0], [1], [0, 0, 1, 1], [], []>, transpose_lhs_hint = false} : vector<257x128xbf16>, vector<128x128xbf16>, vector<257x128xf32> -> vector<257x128xf32>
      %slice3A_2468 = vector.extract_strided_slice %mul3A_2338 {offsets = [0, 768], sizes = [1, 128], strides = [1, 1]} : vector<1x4096xf32> to vector<1x128xf32>
      %mul3A_2469 = vector.broadcast %slice3A_2468 : vector<1x128xf32> to vector<128x128xf32>
      %mul3A_2470 = arith.mulf %select_n3A_1360, %mul3A_2469 : vector<128x128xf32>
      %reduce_sum3A_2471 = arith.constant dense<0.000000e+00> : vector<128xf32>
      %reduce_sum3A_2472 = vector.multi_reduction <add>, %mul3A_2470, %reduce_sum3A_2471 [1] : vector<128x128xf32> to vector<128xf32>
      %broadcast_in_dim3A_2473 = vector.shape_cast %reduce_sum3A_2472 : vector<128xf32> to vector<128x1xf32>
      %slice3A_2474 = vector.extract_strided_slice %mul3A_2341 {offsets = [0, 768], sizes = [1, 128], strides = [1, 1]} : vector<1x4096xf32> to vector<1x128xf32>
      %mul3A_2475 = vector.broadcast %slice3A_2474 : vector<1x128xf32> to vector<128x128xf32>
      %mul3A_2476 = arith.mulf %select_n3A_1360, %mul3A_2475 : vector<128x128xf32>
      %reduce_sum3A_2477 = arith.constant dense<0.000000e+00> : vector<128xf32>
      %reduce_sum3A_2478 = vector.multi_reduction <add>, %mul3A_2476, %reduce_sum3A_2477 [1] : vector<128x128xf32> to vector<128xf32>
      %broadcast_in_dim3A_2479 = vector.shape_cast %reduce_sum3A_2478 : vector<128xf32> to vector<128x1xf32>
      %mul3A_2480 = vector.broadcast %broadcast_in_dim3A_2473 : vector<128x1xf32> to vector<128x128xf32>
      %mul3A_2481 = arith.mulf %select_n3A_1444, %mul3A_2480 : vector<128x128xf32>
      %mul3A_2482 = vector.broadcast %broadcast_in_dim3A_2479 : vector<128x1xf32> to vector<128x128xf32>
      %mul3A_2483 = arith.mulf %select_n3A_1828, %mul3A_2482 : vector<128x128xf32>
      %add3A_2484 = arith.addf %mul3A_2481, %mul3A_2483 : vector<128x128xf32>
      %convert_element_type3A_2485 = arith.truncf %add3A_2484 : vector<128x128xf32> to vector<128x128xbf16>
      %slice3A_2486 = vector.extract_strided_slice %convert_element_type3A_2324 {offsets = [0, 768], sizes = [257, 128], strides = [1, 1]} : vector<257x4096xbf16> to vector<257x128xbf16>
      %dot_general3A_2487 = arith.constant dense<0.000000e+00> : vector<257x128xf32>
      %dot_general3A_2488 = tpu.matmul %slice3A_2486, %convert_element_type3A_2485, %dot_general3A_2487 {dimension_numbers = #tpu.dot_dimension_numbers<[1], [0], [0], [1], [0, 0, 1, 1], [], []>, transpose_lhs_hint = false} : vector<257x128xbf16>, vector<128x128xbf16>, vector<257x128xf32> -> vector<257x128xf32>
      %slice3A_2489 = vector.extract_strided_slice %mul3A_2338 {offsets = [0, 896], sizes = [1, 128], strides = [1, 1]} : vector<1x4096xf32> to vector<1x128xf32>
      %mul3A_2490 = vector.broadcast %slice3A_2489 : vector<1x128xf32> to vector<128x128xf32>
      %mul3A_2491 = arith.mulf %select_n3A_1360, %mul3A_2490 : vector<128x128xf32>
      %reduce_sum3A_2492 = arith.constant dense<0.000000e+00> : vector<128xf32>
      %reduce_sum3A_2493 = vector.multi_reduction <add>, %mul3A_2491, %reduce_sum3A_2492 [1] : vector<128x128xf32> to vector<128xf32>
      %broadcast_in_dim3A_2494 = vector.shape_cast %reduce_sum3A_2493 : vector<128xf32> to vector<128x1xf32>
      %slice3A_2495 = vector.extract_strided_slice %mul3A_2341 {offsets = [0, 896], sizes = [1, 128], strides = [1, 1]} : vector<1x4096xf32> to vector<1x128xf32>
      %mul3A_2496 = vector.broadcast %slice3A_2495 : vector<1x128xf32> to vector<128x128xf32>
      %mul3A_2497 = arith.mulf %select_n3A_1360, %mul3A_2496 : vector<128x128xf32>
      %reduce_sum3A_2498 = arith.constant dense<0.000000e+00> : vector<128xf32>
      %reduce_sum3A_2499 = vector.multi_reduction <add>, %mul3A_2497, %reduce_sum3A_2498 [1] : vector<128x128xf32> to vector<128xf32>
      %broadcast_in_dim3A_2500 = vector.shape_cast %reduce_sum3A_2499 : vector<128xf32> to vector<128x1xf32>
      %mul3A_2501 = vector.broadcast %broadcast_in_dim3A_2494 : vector<128x1xf32> to vector<128x128xf32>
      %mul3A_2502 = arith.mulf %select_n3A_1456, %mul3A_2501 : vector<128x128xf32>
      %mul3A_2503 = vector.broadcast %broadcast_in_dim3A_2500 : vector<128x1xf32> to vector<128x128xf32>
      %mul3A_2504 = arith.mulf %select_n3A_1840, %mul3A_2503 : vector<128x128xf32>
      %add3A_2505 = arith.addf %mul3A_2502, %mul3A_2504 : vector<128x128xf32>
      %convert_element_type3A_2506 = arith.truncf %add3A_2505 : vector<128x128xf32> to vector<128x128xbf16>
      %slice3A_2507 = vector.extract_strided_slice %convert_element_type3A_2324 {offsets = [0, 896], sizes = [257, 128], strides = [1, 1]} : vector<257x4096xbf16> to vector<257x128xbf16>
      %dot_general3A_2508 = arith.constant dense<0.000000e+00> : vector<257x128xf32>
      %dot_general3A_2509 = tpu.matmul %slice3A_2507, %convert_element_type3A_2506, %dot_general3A_2508 {dimension_numbers = #tpu.dot_dimension_numbers<[1], [0], [0], [1], [0, 0, 1, 1], [], []>, transpose_lhs_hint = false} : vector<257x128xbf16>, vector<128x128xbf16>, vector<257x128xf32> -> vector<257x128xf32>
      %slice3A_2510 = vector.extract_strided_slice %mul3A_2338 {offsets = [0, 1024], sizes = [1, 128], strides = [1, 1]} : vector<1x4096xf32> to vector<1x128xf32>
      %mul3A_2511 = vector.broadcast %slice3A_2510 : vector<1x128xf32> to vector<128x128xf32>
      %mul3A_2512 = arith.mulf %select_n3A_1360, %mul3A_2511 : vector<128x128xf32>
      %reduce_sum3A_2513 = arith.constant dense<0.000000e+00> : vector<128xf32>
      %reduce_sum3A_2514 = vector.multi_reduction <add>, %mul3A_2512, %reduce_sum3A_2513 [1] : vector<128x128xf32> to vector<128xf32>
      %broadcast_in_dim3A_2515 = vector.shape_cast %reduce_sum3A_2514 : vector<128xf32> to vector<128x1xf32>
      %slice3A_2516 = vector.extract_strided_slice %mul3A_2341 {offsets = [0, 1024], sizes = [1, 128], strides = [1, 1]} : vector<1x4096xf32> to vector<1x128xf32>
      %mul3A_2517 = vector.broadcast %slice3A_2516 : vector<1x128xf32> to vector<128x128xf32>
      %mul3A_2518 = arith.mulf %select_n3A_1360, %mul3A_2517 : vector<128x128xf32>
      %reduce_sum3A_2519 = arith.constant dense<0.000000e+00> : vector<128xf32>
      %reduce_sum3A_2520 = vector.multi_reduction <add>, %mul3A_2518, %reduce_sum3A_2519 [1] : vector<128x128xf32> to vector<128xf32>
      %broadcast_in_dim3A_2521 = vector.shape_cast %reduce_sum3A_2520 : vector<128xf32> to vector<128x1xf32>
      %mul3A_2522 = vector.broadcast %broadcast_in_dim3A_2515 : vector<128x1xf32> to vector<128x128xf32>
      %mul3A_2523 = arith.mulf %select_n3A_1468, %mul3A_2522 : vector<128x128xf32>
      %mul3A_2524 = vector.broadcast %broadcast_in_dim3A_2521 : vector<128x1xf32> to vector<128x128xf32>
      %mul3A_2525 = arith.mulf %select_n3A_1852, %mul3A_2524 : vector<128x128xf32>
      %add3A_2526 = arith.addf %mul3A_2523, %mul3A_2525 : vector<128x128xf32>
      %convert_element_type3A_2527 = arith.truncf %add3A_2526 : vector<128x128xf32> to vector<128x128xbf16>
      %slice3A_2528 = vector.extract_strided_slice %convert_element_type3A_2324 {offsets = [0, 1024], sizes = [257, 128], strides = [1, 1]} : vector<257x4096xbf16> to vector<257x128xbf16>
      %dot_general3A_2529 = arith.constant dense<0.000000e+00> : vector<257x128xf32>
      %dot_general3A_2530 = tpu.matmul %slice3A_2528, %convert_element_type3A_2527, %dot_general3A_2529 {dimension_numbers = #tpu.dot_dimension_numbers<[1], [0], [0], [1], [0, 0, 1, 1], [], []>, transpose_lhs_hint = false} : vector<257x128xbf16>, vector<128x128xbf16>, vector<257x128xf32> -> vector<257x128xf32>
      %slice3A_2531 = vector.extract_strided_slice %mul3A_2338 {offsets = [0, 1152], sizes = [1, 128], strides = [1, 1]} : vector<1x4096xf32> to vector<1x128xf32>
      %mul3A_2532 = vector.broadcast %slice3A_2531 : vector<1x128xf32> to vector<128x128xf32>
      %mul3A_2533 = arith.mulf %select_n3A_1360, %mul3A_2532 : vector<128x128xf32>
      %reduce_sum3A_2534 = arith.constant dense<0.000000e+00> : vector<128xf32>
      %reduce_sum3A_2535 = vector.multi_reduction <add>, %mul3A_2533, %reduce_sum3A_2534 [1] : vector<128x128xf32> to vector<128xf32>
      %broadcast_in_dim3A_2536 = vector.shape_cast %reduce_sum3A_2535 : vector<128xf32> to vector<128x1xf32>
      %slice3A_2537 = vector.extract_strided_slice %mul3A_2341 {offsets = [0, 1152], sizes = [1, 128], strides = [1, 1]} : vector<1x4096xf32> to vector<1x128xf32>
      %mul3A_2538 = vector.broadcast %slice3A_2537 : vector<1x128xf32> to vector<128x128xf32>
      %mul3A_2539 = arith.mulf %select_n3A_1360, %mul3A_2538 : vector<128x128xf32>
      %reduce_sum3A_2540 = arith.constant dense<0.000000e+00> : vector<128xf32>
      %reduce_sum3A_2541 = vector.multi_reduction <add>, %mul3A_2539, %reduce_sum3A_2540 [1] : vector<128x128xf32> to vector<128xf32>
      %broadcast_in_dim3A_2542 = vector.shape_cast %reduce_sum3A_2541 : vector<128xf32> to vector<128x1xf32>
      %mul3A_2543 = vector.broadcast %broadcast_in_dim3A_2536 : vector<128x1xf32> to vector<128x128xf32>
      %mul3A_2544 = arith.mulf %select_n3A_1480, %mul3A_2543 : vector<128x128xf32>
      %mul3A_2545 = vector.broadcast %broadcast_in_dim3A_2542 : vector<128x1xf32> to vector<128x128xf32>
      %mul3A_2546 = arith.mulf %select_n3A_1864, %mul3A_2545 : vector<128x128xf32>
      %add3A_2547 = arith.addf %mul3A_2544, %mul3A_2546 : vector<128x128xf32>
      %convert_element_type3A_2548 = arith.truncf %add3A_2547 : vector<128x128xf32> to vector<128x128xbf16>
      %slice3A_2549 = vector.extract_strided_slice %convert_element_type3A_2324 {offsets = [0, 1152], sizes = [257, 128], strides = [1, 1]} : vector<257x4096xbf16> to vector<257x128xbf16>
      %dot_general3A_2550 = arith.constant dense<0.000000e+00> : vector<257x128xf32>
      %dot_general3A_2551 = tpu.matmul %slice3A_2549, %convert_element_type3A_2548, %dot_general3A_2550 {dimension_numbers = #tpu.dot_dimension_numbers<[1], [0], [0], [1], [0, 0, 1, 1], [], []>, transpose_lhs_hint = false} : vector<257x128xbf16>, vector<128x128xbf16>, vector<257x128xf32> -> vector<257x128xf32>
      %slice3A_2552 = vector.extract_strided_slice %mul3A_2338 {offsets = [0, 1280], sizes = [1, 128], strides = [1, 1]} : vector<1x4096xf32> to vector<1x128xf32>
      %mul3A_2553 = vector.broadcast %slice3A_2552 : vector<1x128xf32> to vector<128x128xf32>
      %mul3A_2554 = arith.mulf %select_n3A_1360, %mul3A_2553 : vector<128x128xf32>
      %reduce_sum3A_2555 = arith.constant dense<0.000000e+00> : vector<128xf32>
      %reduce_sum3A_2556 = vector.multi_reduction <add>, %mul3A_2554, %reduce_sum3A_2555 [1] : vector<128x128xf32> to vector<128xf32>
      %broadcast_in_dim3A_2557 = vector.shape_cast %reduce_sum3A_2556 : vector<128xf32> to vector<128x1xf32>
      %slice3A_2558 = vector.extract_strided_slice %mul3A_2341 {offsets = [0, 1280], sizes = [1, 128], strides = [1, 1]} : vector<1x4096xf32> to vector<1x128xf32>
      %mul3A_2559 = vector.broadcast %slice3A_2558 : vector<1x128xf32> to vector<128x128xf32>
      %mul3A_2560 = arith.mulf %select_n3A_1360, %mul3A_2559 : vector<128x128xf32>
      %reduce_sum3A_2561 = arith.constant dense<0.000000e+00> : vector<128xf32>
      %reduce_sum3A_2562 = vector.multi_reduction <add>, %mul3A_2560, %reduce_sum3A_2561 [1] : vector<128x128xf32> to vector<128xf32>
      %broadcast_in_dim3A_2563 = vector.shape_cast %reduce_sum3A_2562 : vector<128xf32> to vector<128x1xf32>
      %mul3A_2564 = vector.broadcast %broadcast_in_dim3A_2557 : vector<128x1xf32> to vector<128x128xf32>
      %mul3A_2565 = arith.mulf %select_n3A_1492, %mul3A_2564 : vector<128x128xf32>
      %mul3A_2566 = vector.broadcast %broadcast_in_dim3A_2563 : vector<128x1xf32> to vector<128x128xf32>
      %mul3A_2567 = arith.mulf %select_n3A_1876, %mul3A_2566 : vector<128x128xf32>
      %add3A_2568 = arith.addf %mul3A_2565, %mul3A_2567 : vector<128x128xf32>
      %convert_element_type3A_2569 = arith.truncf %add3A_2568 : vector<128x128xf32> to vector<128x128xbf16>
      %slice3A_2570 = vector.extract_strided_slice %convert_element_type3A_2324 {offsets = [0, 1280], sizes = [257, 128], strides = [1, 1]} : vector<257x4096xbf16> to vector<257x128xbf16>
      %dot_general3A_2571 = arith.constant dense<0.000000e+00> : vector<257x128xf32>
      %dot_general3A_2572 = tpu.matmul %slice3A_2570, %convert_element_type3A_2569, %dot_general3A_2571 {dimension_numbers = #tpu.dot_dimension_numbers<[1], [0], [0], [1], [0, 0, 1, 1], [], []>, transpose_lhs_hint = false} : vector<257x128xbf16>, vector<128x128xbf16>, vector<257x128xf32> -> vector<257x128xf32>
      %slice3A_2573 = vector.extract_strided_slice %mul3A_2338 {offsets = [0, 1408], sizes = [1, 128], strides = [1, 1]} : vector<1x4096xf32> to vector<1x128xf32>
      %mul3A_2574 = vector.broadcast %slice3A_2573 : vector<1x128xf32> to vector<128x128xf32>
      %mul3A_2575 = arith.mulf %select_n3A_1360, %mul3A_2574 : vector<128x128xf32>
      %reduce_sum3A_2576 = arith.constant dense<0.000000e+00> : vector<128xf32>
      %reduce_sum3A_2577 = vector.multi_reduction <add>, %mul3A_2575, %reduce_sum3A_2576 [1] : vector<128x128xf32> to vector<128xf32>
      %broadcast_in_dim3A_2578 = vector.shape_cast %reduce_sum3A_2577 : vector<128xf32> to vector<128x1xf32>
      %slice3A_2579 = vector.extract_strided_slice %mul3A_2341 {offsets = [0, 1408], sizes = [1, 128], strides = [1, 1]} : vector<1x4096xf32> to vector<1x128xf32>
      %mul3A_2580 = vector.broadcast %slice3A_2579 : vector<1x128xf32> to vector<128x128xf32>
      %mul3A_2581 = arith.mulf %select_n3A_1360, %mul3A_2580 : vector<128x128xf32>
      %reduce_sum3A_2582 = arith.constant dense<0.000000e+00> : vector<128xf32>
      %reduce_sum3A_2583 = vector.multi_reduction <add>, %mul3A_2581, %reduce_sum3A_2582 [1] : vector<128x128xf32> to vector<128xf32>
      %broadcast_in_dim3A_2584 = vector.shape_cast %reduce_sum3A_2583 : vector<128xf32> to vector<128x1xf32>
      %mul3A_2585 = vector.broadcast %broadcast_in_dim3A_2578 : vector<128x1xf32> to vector<128x128xf32>
      %mul3A_2586 = arith.mulf %select_n3A_1504, %mul3A_2585 : vector<128x128xf32>
      %mul3A_2587 = vector.broadcast %broadcast_in_dim3A_2584 : vector<128x1xf32> to vector<128x128xf32>
      %mul3A_2588 = arith.mulf %select_n3A_1888, %mul3A_2587 : vector<128x128xf32>
      %add3A_2589 = arith.addf %mul3A_2586, %mul3A_2588 : vector<128x128xf32>
      %convert_element_type3A_2590 = arith.truncf %add3A_2589 : vector<128x128xf32> to vector<128x128xbf16>
      %slice3A_2591 = vector.extract_strided_slice %convert_element_type3A_2324 {offsets = [0, 1408], sizes = [257, 128], strides = [1, 1]} : vector<257x4096xbf16> to vector<257x128xbf16>
      %dot_general3A_2592 = arith.constant dense<0.000000e+00> : vector<257x128xf32>
      %dot_general3A_2593 = tpu.matmul %slice3A_2591, %convert_element_type3A_2590, %dot_general3A_2592 {dimension_numbers = #tpu.dot_dimension_numbers<[1], [0], [0], [1], [0, 0, 1, 1], [], []>, transpose_lhs_hint = false} : vector<257x128xbf16>, vector<128x128xbf16>, vector<257x128xf32> -> vector<257x128xf32>
      %slice3A_2594 = vector.extract_strided_slice %mul3A_2338 {offsets = [0, 1536], sizes = [1, 128], strides = [1, 1]} : vector<1x4096xf32> to vector<1x128xf32>
      %mul3A_2595 = vector.broadcast %slice3A_2594 : vector<1x128xf32> to vector<128x128xf32>
      %mul3A_2596 = arith.mulf %select_n3A_1360, %mul3A_2595 : vector<128x128xf32>
      %reduce_sum3A_2597 = arith.constant dense<0.000000e+00> : vector<128xf32>
      %reduce_sum3A_2598 = vector.multi_reduction <add>, %mul3A_2596, %reduce_sum3A_2597 [1] : vector<128x128xf32> to vector<128xf32>
      %broadcast_in_dim3A_2599 = vector.shape_cast %reduce_sum3A_2598 : vector<128xf32> to vector<128x1xf32>
      %slice3A_2600 = vector.extract_strided_slice %mul3A_2341 {offsets = [0, 1536], sizes = [1, 128], strides = [1, 1]} : vector<1x4096xf32> to vector<1x128xf32>
      %mul3A_2601 = vector.broadcast %slice3A_2600 : vector<1x128xf32> to vector<128x128xf32>
      %mul3A_2602 = arith.mulf %select_n3A_1360, %mul3A_2601 : vector<128x128xf32>
      %reduce_sum3A_2603 = arith.constant dense<0.000000e+00> : vector<128xf32>
      %reduce_sum3A_2604 = vector.multi_reduction <add>, %mul3A_2602, %reduce_sum3A_2603 [1] : vector<128x128xf32> to vector<128xf32>
      %broadcast_in_dim3A_2605 = vector.shape_cast %reduce_sum3A_2604 : vector<128xf32> to vector<128x1xf32>
      %mul3A_2606 = vector.broadcast %broadcast_in_dim3A_2599 : vector<128x1xf32> to vector<128x128xf32>
      %mul3A_2607 = arith.mulf %select_n3A_1516, %mul3A_2606 : vector<128x128xf32>
      %mul3A_2608 = vector.broadcast %broadcast_in_dim3A_2605 : vector<128x1xf32> to vector<128x128xf32>
      %mul3A_2609 = arith.mulf %select_n3A_1900, %mul3A_2608 : vector<128x128xf32>
      %add3A_2610 = arith.addf %mul3A_2607, %mul3A_2609 : vector<128x128xf32>
      %convert_element_type3A_2611 = arith.truncf %add3A_2610 : vector<128x128xf32> to vector<128x128xbf16>
      %slice3A_2612 = vector.extract_strided_slice %convert_element_type3A_2324 {offsets = [0, 1536], sizes = [257, 128], strides = [1, 1]} : vector<257x4096xbf16> to vector<257x128xbf16>
      %dot_general3A_2613 = arith.constant dense<0.000000e+00> : vector<257x128xf32>
      %dot_general3A_2614 = tpu.matmul %slice3A_2612, %convert_element_type3A_2611, %dot_general3A_2613 {dimension_numbers = #tpu.dot_dimension_numbers<[1], [0], [0], [1], [0, 0, 1, 1], [], []>, transpose_lhs_hint = false} : vector<257x128xbf16>, vector<128x128xbf16>, vector<257x128xf32> -> vector<257x128xf32>
      %slice3A_2615 = vector.extract_strided_slice %mul3A_2338 {offsets = [0, 1664], sizes = [1, 128], strides = [1, 1]} : vector<1x4096xf32> to vector<1x128xf32>
      %mul3A_2616 = vector.broadcast %slice3A_2615 : vector<1x128xf32> to vector<128x128xf32>
      %mul3A_2617 = arith.mulf %select_n3A_1360, %mul3A_2616 : vector<128x128xf32>
      %reduce_sum3A_2618 = arith.constant dense<0.000000e+00> : vector<128xf32>
      %reduce_sum3A_2619 = vector.multi_reduction <add>, %mul3A_2617, %reduce_sum3A_2618 [1] : vector<128x128xf32> to vector<128xf32>
      %broadcast_in_dim3A_2620 = vector.shape_cast %reduce_sum3A_2619 : vector<128xf32> to vector<128x1xf32>
      %slice3A_2621 = vector.extract_strided_slice %mul3A_2341 {offsets = [0, 1664], sizes = [1, 128], strides = [1, 1]} : vector<1x4096xf32> to vector<1x128xf32>
      %mul3A_2622 = vector.broadcast %slice3A_2621 : vector<1x128xf32> to vector<128x128xf32>
      %mul3A_2623 = arith.mulf %select_n3A_1360, %mul3A_2622 : vector<128x128xf32>
      %reduce_sum3A_2624 = arith.constant dense<0.000000e+00> : vector<128xf32>
      %reduce_sum3A_2625 = vector.multi_reduction <add>, %mul3A_2623, %reduce_sum3A_2624 [1] : vector<128x128xf32> to vector<128xf32>
      %broadcast_in_dim3A_2626 = vector.shape_cast %reduce_sum3A_2625 : vector<128xf32> to vector<128x1xf32>
      %mul3A_2627 = vector.broadcast %broadcast_in_dim3A_2620 : vector<128x1xf32> to vector<128x128xf32>
      %mul3A_2628 = arith.mulf %select_n3A_1528, %mul3A_2627 : vector<128x128xf32>
      %mul3A_2629 = vector.broadcast %broadcast_in_dim3A_2626 : vector<128x1xf32> to vector<128x128xf32>
      %mul3A_2630 = arith.mulf %select_n3A_1912, %mul3A_2629 : vector<128x128xf32>
      %add3A_2631 = arith.addf %mul3A_2628, %mul3A_2630 : vector<128x128xf32>
      %convert_element_type3A_2632 = arith.truncf %add3A_2631 : vector<128x128xf32> to vector<128x128xbf16>
      %slice3A_2633 = vector.extract_strided_slice %convert_element_type3A_2324 {offsets = [0, 1664], sizes = [257, 128], strides = [1, 1]} : vector<257x4096xbf16> to vector<257x128xbf16>
      %dot_general3A_2634 = arith.constant dense<0.000000e+00> : vector<257x128xf32>
      %dot_general3A_2635 = tpu.matmul %slice3A_2633, %convert_element_type3A_2632, %dot_general3A_2634 {dimension_numbers = #tpu.dot_dimension_numbers<[1], [0], [0], [1], [0, 0, 1, 1], [], []>, transpose_lhs_hint = false} : vector<257x128xbf16>, vector<128x128xbf16>, vector<257x128xf32> -> vector<257x128xf32>
      %slice3A_2636 = vector.extract_strided_slice %mul3A_2338 {offsets = [0, 1792], sizes = [1, 128], strides = [1, 1]} : vector<1x4096xf32> to vector<1x128xf32>
      %mul3A_2637 = vector.broadcast %slice3A_2636 : vector<1x128xf32> to vector<128x128xf32>
      %mul3A_2638 = arith.mulf %select_n3A_1360, %mul3A_2637 : vector<128x128xf32>
      %reduce_sum3A_2639 = arith.constant dense<0.000000e+00> : vector<128xf32>
      %reduce_sum3A_2640 = vector.multi_reduction <add>, %mul3A_2638, %reduce_sum3A_2639 [1] : vector<128x128xf32> to vector<128xf32>
      %broadcast_in_dim3A_2641 = vector.shape_cast %reduce_sum3A_2640 : vector<128xf32> to vector<128x1xf32>
      %slice3A_2642 = vector.extract_strided_slice %mul3A_2341 {offsets = [0, 1792], sizes = [1, 128], strides = [1, 1]} : vector<1x4096xf32> to vector<1x128xf32>
      %mul3A_2643 = vector.broadcast %slice3A_2642 : vector<1x128xf32> to vector<128x128xf32>
      %mul3A_2644 = arith.mulf %select_n3A_1360, %mul3A_2643 : vector<128x128xf32>
      %reduce_sum3A_2645 = arith.constant dense<0.000000e+00> : vector<128xf32>
      %reduce_sum3A_2646 = vector.multi_reduction <add>, %mul3A_2644, %reduce_sum3A_2645 [1] : vector<128x128xf32> to vector<128xf32>
      %broadcast_in_dim3A_2647 = vector.shape_cast %reduce_sum3A_2646 : vector<128xf32> to vector<128x1xf32>
      %mul3A_2648 = vector.broadcast %broadcast_in_dim3A_2641 : vector<128x1xf32> to vector<128x128xf32>
      %mul3A_2649 = arith.mulf %select_n3A_1540, %mul3A_2648 : vector<128x128xf32>
      %mul3A_2650 = vector.broadcast %broadcast_in_dim3A_2647 : vector<128x1xf32> to vector<128x128xf32>
      %mul3A_2651 = arith.mulf %select_n3A_1924, %mul3A_2650 : vector<128x128xf32>
      %add3A_2652 = arith.addf %mul3A_2649, %mul3A_2651 : vector<128x128xf32>
      %convert_element_type3A_2653 = arith.truncf %add3A_2652 : vector<128x128xf32> to vector<128x128xbf16>
      %slice3A_2654 = vector.extract_strided_slice %convert_element_type3A_2324 {offsets = [0, 1792], sizes = [257, 128], strides = [1, 1]} : vector<257x4096xbf16> to vector<257x128xbf16>
      %dot_general3A_2655 = arith.constant dense<0.000000e+00> : vector<257x128xf32>
      %dot_general3A_2656 = tpu.matmul %slice3A_2654, %convert_element_type3A_2653, %dot_general3A_2655 {dimension_numbers = #tpu.dot_dimension_numbers<[1], [0], [0], [1], [0, 0, 1, 1], [], []>, transpose_lhs_hint = false} : vector<257x128xbf16>, vector<128x128xbf16>, vector<257x128xf32> -> vector<257x128xf32>
      %slice3A_2657 = vector.extract_strided_slice %mul3A_2338 {offsets = [0, 1920], sizes = [1, 128], strides = [1, 1]} : vector<1x4096xf32> to vector<1x128xf32>
      %mul3A_2658 = vector.broadcast %slice3A_2657 : vector<1x128xf32> to vector<128x128xf32>
      %mul3A_2659 = arith.mulf %select_n3A_1360, %mul3A_2658 : vector<128x128xf32>
      %reduce_sum3A_2660 = arith.constant dense<0.000000e+00> : vector<128xf32>
      %reduce_sum3A_2661 = vector.multi_reduction <add>, %mul3A_2659, %reduce_sum3A_2660 [1] : vector<128x128xf32> to vector<128xf32>
      %broadcast_in_dim3A_2662 = vector.shape_cast %reduce_sum3A_2661 : vector<128xf32> to vector<128x1xf32>
      %slice3A_2663 = vector.extract_strided_slice %mul3A_2341 {offsets = [0, 1920], sizes = [1, 128], strides = [1, 1]} : vector<1x4096xf32> to vector<1x128xf32>
      %mul3A_2664 = vector.broadcast %slice3A_2663 : vector<1x128xf32> to vector<128x128xf32>
      %mul3A_2665 = arith.mulf %select_n3A_1360, %mul3A_2664 : vector<128x128xf32>
      %reduce_sum3A_2666 = arith.constant dense<0.000000e+00> : vector<128xf32>
      %reduce_sum3A_2667 = vector.multi_reduction <add>, %mul3A_2665, %reduce_sum3A_2666 [1] : vector<128x128xf32> to vector<128xf32>
      %broadcast_in_dim3A_2668 = vector.shape_cast %reduce_sum3A_2667 : vector<128xf32> to vector<128x1xf32>
      %mul3A_2669 = vector.broadcast %broadcast_in_dim3A_2662 : vector<128x1xf32> to vector<128x128xf32>
      %mul3A_2670 = arith.mulf %select_n3A_1552, %mul3A_2669 : vector<128x128xf32>
      %mul3A_2671 = vector.broadcast %broadcast_in_dim3A_2668 : vector<128x1xf32> to vector<128x128xf32>
      %mul3A_2672 = arith.mulf %select_n3A_1936, %mul3A_2671 : vector<128x128xf32>
      %add3A_2673 = arith.addf %mul3A_2670, %mul3A_2672 : vector<128x128xf32>
      %convert_element_type3A_2674 = arith.truncf %add3A_2673 : vector<128x128xf32> to vector<128x128xbf16>
      %slice3A_2675 = vector.extract_strided_slice %convert_element_type3A_2324 {offsets = [0, 1920], sizes = [257, 128], strides = [1, 1]} : vector<257x4096xbf16> to vector<257x128xbf16>
      %dot_general3A_2676 = arith.constant dense<0.000000e+00> : vector<257x128xf32>
      %dot_general3A_2677 = tpu.matmul %slice3A_2675, %convert_element_type3A_2674, %dot_general3A_2676 {dimension_numbers = #tpu.dot_dimension_numbers<[1], [0], [0], [1], [0, 0, 1, 1], [], []>, transpose_lhs_hint = false} : vector<257x128xbf16>, vector<128x128xbf16>, vector<257x128xf32> -> vector<257x128xf32>
      %slice3A_2678 = vector.extract_strided_slice %mul3A_2338 {offsets = [0, 2048], sizes = [1, 128], strides = [1, 1]} : vector<1x4096xf32> to vector<1x128xf32>
      %mul3A_2679 = vector.broadcast %slice3A_2678 : vector<1x128xf32> to vector<128x128xf32>
      %mul3A_2680 = arith.mulf %select_n3A_1360, %mul3A_2679 : vector<128x128xf32>
      %reduce_sum3A_2681 = arith.constant dense<0.000000e+00> : vector<128xf32>
      %reduce_sum3A_2682 = vector.multi_reduction <add>, %mul3A_2680, %reduce_sum3A_2681 [1] : vector<128x128xf32> to vector<128xf32>
      %broadcast_in_dim3A_2683 = vector.shape_cast %reduce_sum3A_2682 : vector<128xf32> to vector<128x1xf32>
      %slice3A_2684 = vector.extract_strided_slice %mul3A_2341 {offsets = [0, 2048], sizes = [1, 128], strides = [1, 1]} : vector<1x4096xf32> to vector<1x128xf32>
      %mul3A_2685 = vector.broadcast %slice3A_2684 : vector<1x128xf32> to vector<128x128xf32>
      %mul3A_2686 = arith.mulf %select_n3A_1360, %mul3A_2685 : vector<128x128xf32>
      %reduce_sum3A_2687 = arith.constant dense<0.000000e+00> : vector<128xf32>
      %reduce_sum3A_2688 = vector.multi_reduction <add>, %mul3A_2686, %reduce_sum3A_2687 [1] : vector<128x128xf32> to vector<128xf32>
      %broadcast_in_dim3A_2689 = vector.shape_cast %reduce_sum3A_2688 : vector<128xf32> to vector<128x1xf32>
      %mul3A_2690 = vector.broadcast %broadcast_in_dim3A_2683 : vector<128x1xf32> to vector<128x128xf32>
      %mul3A_2691 = arith.mulf %select_n3A_1564, %mul3A_2690 : vector<128x128xf32>
      %mul3A_2692 = vector.broadcast %broadcast_in_dim3A_2689 : vector<128x1xf32> to vector<128x128xf32>
      %mul3A_2693 = arith.mulf %select_n3A_1948, %mul3A_2692 : vector<128x128xf32>
      %add3A_2694 = arith.addf %mul3A_2691, %mul3A_2693 : vector<128x128xf32>
      %convert_element_type3A_2695 = arith.truncf %add3A_2694 : vector<128x128xf32> to vector<128x128xbf16>
      %slice3A_2696 = vector.extract_strided_slice %convert_element_type3A_2324 {offsets = [0, 2048], sizes = [257, 128], strides = [1, 1]} : vector<257x4096xbf16> to vector<257x128xbf16>
      %dot_general3A_2697 = arith.constant dense<0.000000e+00> : vector<257x128xf32>
      %dot_general3A_2698 = tpu.matmul %slice3A_2696, %convert_element_type3A_2695, %dot_general3A_2697 {dimension_numbers = #tpu.dot_dimension_numbers<[1], [0], [0], [1], [0, 0, 1, 1], [], []>, transpose_lhs_hint = false} : vector<257x128xbf16>, vector<128x128xbf16>, vector<257x128xf32> -> vector<257x128xf32>
      %slice3A_2699 = vector.extract_strided_slice %mul3A_2338 {offsets = [0, 2176], sizes = [1, 128], strides = [1, 1]} : vector<1x4096xf32> to vector<1x128xf32>
      %mul3A_2700 = vector.broadcast %slice3A_2699 : vector<1x128xf32> to vector<128x128xf32>
      %mul3A_2701 = arith.mulf %select_n3A_1360, %mul3A_2700 : vector<128x128xf32>
      %reduce_sum3A_2702 = arith.constant dense<0.000000e+00> : vector<128xf32>
      %reduce_sum3A_2703 = vector.multi_reduction <add>, %mul3A_2701, %reduce_sum3A_2702 [1] : vector<128x128xf32> to vector<128xf32>
      %broadcast_in_dim3A_2704 = vector.shape_cast %reduce_sum3A_2703 : vector<128xf32> to vector<128x1xf32>
      %slice3A_2705 = vector.extract_strided_slice %mul3A_2341 {offsets = [0, 2176], sizes = [1, 128], strides = [1, 1]} : vector<1x4096xf32> to vector<1x128xf32>
      %mul3A_2706 = vector.broadcast %slice3A_2705 : vector<1x128xf32> to vector<128x128xf32>
      %mul3A_2707 = arith.mulf %select_n3A_1360, %mul3A_2706 : vector<128x128xf32>
      %reduce_sum3A_2708 = arith.constant dense<0.000000e+00> : vector<128xf32>
      %reduce_sum3A_2709 = vector.multi_reduction <add>, %mul3A_2707, %reduce_sum3A_2708 [1] : vector<128x128xf32> to vector<128xf32>
      %broadcast_in_dim3A_2710 = vector.shape_cast %reduce_sum3A_2709 : vector<128xf32> to vector<128x1xf32>
      %mul3A_2711 = vector.broadcast %broadcast_in_dim3A_2704 : vector<128x1xf32> to vector<128x128xf32>
      %mul3A_2712 = arith.mulf %select_n3A_1576, %mul3A_2711 : vector<128x128xf32>
      %mul3A_2713 = vector.broadcast %broadcast_in_dim3A_2710 : vector<128x1xf32> to vector<128x128xf32>
      %mul3A_2714 = arith.mulf %select_n3A_1960, %mul3A_2713 : vector<128x128xf32>
      %add3A_2715 = arith.addf %mul3A_2712, %mul3A_2714 : vector<128x128xf32>
      %convert_element_type3A_2716 = arith.truncf %add3A_2715 : vector<128x128xf32> to vector<128x128xbf16>
      %slice3A_2717 = vector.extract_strided_slice %convert_element_type3A_2324 {offsets = [0, 2176], sizes = [257, 128], strides = [1, 1]} : vector<257x4096xbf16> to vector<257x128xbf16>
      %dot_general3A_2718 = arith.constant dense<0.000000e+00> : vector<257x128xf32>
      %dot_general3A_2719 = tpu.matmul %slice3A_2717, %convert_element_type3A_2716, %dot_general3A_2718 {dimension_numbers = #tpu.dot_dimension_numbers<[1], [0], [0], [1], [0, 0, 1, 1], [], []>, transpose_lhs_hint = false} : vector<257x128xbf16>, vector<128x128xbf16>, vector<257x128xf32> -> vector<257x128xf32>
      %slice3A_2720 = vector.extract_strided_slice %mul3A_2338 {offsets = [0, 2304], sizes = [1, 128], strides = [1, 1]} : vector<1x4096xf32> to vector<1x128xf32>
      %mul3A_2721 = vector.broadcast %slice3A_2720 : vector<1x128xf32> to vector<128x128xf32>
      %mul3A_2722 = arith.mulf %select_n3A_1360, %mul3A_2721 : vector<128x128xf32>
      %reduce_sum3A_2723 = arith.constant dense<0.000000e+00> : vector<128xf32>
      %reduce_sum3A_2724 = vector.multi_reduction <add>, %mul3A_2722, %reduce_sum3A_2723 [1] : vector<128x128xf32> to vector<128xf32>
      %broadcast_in_dim3A_2725 = vector.shape_cast %reduce_sum3A_2724 : vector<128xf32> to vector<128x1xf32>
      %slice3A_2726 = vector.extract_strided_slice %mul3A_2341 {offsets = [0, 2304], sizes = [1, 128], strides = [1, 1]} : vector<1x4096xf32> to vector<1x128xf32>
      %mul3A_2727 = vector.broadcast %slice3A_2726 : vector<1x128xf32> to vector<128x128xf32>
      %mul3A_2728 = arith.mulf %select_n3A_1360, %mul3A_2727 : vector<128x128xf32>
      %reduce_sum3A_2729 = arith.constant dense<0.000000e+00> : vector<128xf32>
      %reduce_sum3A_2730 = vector.multi_reduction <add>, %mul3A_2728, %reduce_sum3A_2729 [1] : vector<128x128xf32> to vector<128xf32>
      %broadcast_in_dim3A_2731 = vector.shape_cast %reduce_sum3A_2730 : vector<128xf32> to vector<128x1xf32>
      %mul3A_2732 = vector.broadcast %broadcast_in_dim3A_2725 : vector<128x1xf32> to vector<128x128xf32>
      %mul3A_2733 = arith.mulf %select_n3A_1588, %mul3A_2732 : vector<128x128xf32>
      %mul3A_2734 = vector.broadcast %broadcast_in_dim3A_2731 : vector<128x1xf32> to vector<128x128xf32>
      %mul3A_2735 = arith.mulf %select_n3A_1972, %mul3A_2734 : vector<128x128xf32>
      %add3A_2736 = arith.addf %mul3A_2733, %mul3A_2735 : vector<128x128xf32>
      %convert_element_type3A_2737 = arith.truncf %add3A_2736 : vector<128x128xf32> to vector<128x128xbf16>
      %slice3A_2738 = vector.extract_strided_slice %convert_element_type3A_2324 {offsets = [0, 2304], sizes = [257, 128], strides = [1, 1]} : vector<257x4096xbf16> to vector<257x128xbf16>
      %dot_general3A_2739 = arith.constant dense<0.000000e+00> : vector<257x128xf32>
      %dot_general3A_2740 = tpu.matmul %slice3A_2738, %convert_element_type3A_2737, %dot_general3A_2739 {dimension_numbers = #tpu.dot_dimension_numbers<[1], [0], [0], [1], [0, 0, 1, 1], [], []>, transpose_lhs_hint = false} : vector<257x128xbf16>, vector<128x128xbf16>, vector<257x128xf32> -> vector<257x128xf32>
      %slice3A_2741 = vector.extract_strided_slice %mul3A_2338 {offsets = [0, 2432], sizes = [1, 128], strides = [1, 1]} : vector<1x4096xf32> to vector<1x128xf32>
      %mul3A_2742 = vector.broadcast %slice3A_2741 : vector<1x128xf32> to vector<128x128xf32>
      %mul3A_2743 = arith.mulf %select_n3A_1360, %mul3A_2742 : vector<128x128xf32>
      %reduce_sum3A_2744 = arith.constant dense<0.000000e+00> : vector<128xf32>
      %reduce_sum3A_2745 = vector.multi_reduction <add>, %mul3A_2743, %reduce_sum3A_2744 [1] : vector<128x128xf32> to vector<128xf32>
      %broadcast_in_dim3A_2746 = vector.shape_cast %reduce_sum3A_2745 : vector<128xf32> to vector<128x1xf32>
      %slice3A_2747 = vector.extract_strided_slice %mul3A_2341 {offsets = [0, 2432], sizes = [1, 128], strides = [1, 1]} : vector<1x4096xf32> to vector<1x128xf32>
      %mul3A_2748 = vector.broadcast %slice3A_2747 : vector<1x128xf32> to vector<128x128xf32>
      %mul3A_2749 = arith.mulf %select_n3A_1360, %mul3A_2748 : vector<128x128xf32>
      %reduce_sum3A_2750 = arith.constant dense<0.000000e+00> : vector<128xf32>
      %reduce_sum3A_2751 = vector.multi_reduction <add>, %mul3A_2749, %reduce_sum3A_2750 [1] : vector<128x128xf32> to vector<128xf32>
      %broadcast_in_dim3A_2752 = vector.shape_cast %reduce_sum3A_2751 : vector<128xf32> to vector<128x1xf32>
      %mul3A_2753 = vector.broadcast %broadcast_in_dim3A_2746 : vector<128x1xf32> to vector<128x128xf32>
      %mul3A_2754 = arith.mulf %select_n3A_1600, %mul3A_2753 : vector<128x128xf32>
      %mul3A_2755 = vector.broadcast %broadcast_in_dim3A_2752 : vector<128x1xf32> to vector<128x128xf32>
      %mul3A_2756 = arith.mulf %select_n3A_1984, %mul3A_2755 : vector<128x128xf32>
      %add3A_2757 = arith.addf %mul3A_2754, %mul3A_2756 : vector<128x128xf32>
      %convert_element_type3A_2758 = arith.truncf %add3A_2757 : vector<128x128xf32> to vector<128x128xbf16>
      %slice3A_2759 = vector.extract_strided_slice %convert_element_type3A_2324 {offsets = [0, 2432], sizes = [257, 128], strides = [1, 1]} : vector<257x4096xbf16> to vector<257x128xbf16>
      %dot_general3A_2760 = arith.constant dense<0.000000e+00> : vector<257x128xf32>
      %dot_general3A_2761 = tpu.matmul %slice3A_2759, %convert_element_type3A_2758, %dot_general3A_2760 {dimension_numbers = #tpu.dot_dimension_numbers<[1], [0], [0], [1], [0, 0, 1, 1], [], []>, transpose_lhs_hint = false} : vector<257x128xbf16>, vector<128x128xbf16>, vector<257x128xf32> -> vector<257x128xf32>
      %slice3A_2762 = vector.extract_strided_slice %mul3A_2338 {offsets = [0, 2560], sizes = [1, 128], strides = [1, 1]} : vector<1x4096xf32> to vector<1x128xf32>
      %mul3A_2763 = vector.broadcast %slice3A_2762 : vector<1x128xf32> to vector<128x128xf32>
      %mul3A_2764 = arith.mulf %select_n3A_1360, %mul3A_2763 : vector<128x128xf32>
      %reduce_sum3A_2765 = arith.constant dense<0.000000e+00> : vector<128xf32>
      %reduce_sum3A_2766 = vector.multi_reduction <add>, %mul3A_2764, %reduce_sum3A_2765 [1] : vector<128x128xf32> to vector<128xf32>
      %broadcast_in_dim3A_2767 = vector.shape_cast %reduce_sum3A_2766 : vector<128xf32> to vector<128x1xf32>
      %slice3A_2768 = vector.extract_strided_slice %mul3A_2341 {offsets = [0, 2560], sizes = [1, 128], strides = [1, 1]} : vector<1x4096xf32> to vector<1x128xf32>
      %mul3A_2769 = vector.broadcast %slice3A_2768 : vector<1x128xf32> to vector<128x128xf32>
      %mul3A_2770 = arith.mulf %select_n3A_1360, %mul3A_2769 : vector<128x128xf32>
      %reduce_sum3A_2771 = arith.constant dense<0.000000e+00> : vector<128xf32>
      %reduce_sum3A_2772 = vector.multi_reduction <add>, %mul3A_2770, %reduce_sum3A_2771 [1] : vector<128x128xf32> to vector<128xf32>
      %broadcast_in_dim3A_2773 = vector.shape_cast %reduce_sum3A_2772 : vector<128xf32> to vector<128x1xf32>
      %mul3A_2774 = vector.broadcast %broadcast_in_dim3A_2767 : vector<128x1xf32> to vector<128x128xf32>
      %mul3A_2775 = arith.mulf %select_n3A_1612, %mul3A_2774 : vector<128x128xf32>
      %mul3A_2776 = vector.broadcast %broadcast_in_dim3A_2773 : vector<128x1xf32> to vector<128x128xf32>
      %mul3A_2777 = arith.mulf %select_n3A_1996, %mul3A_2776 : vector<128x128xf32>
      %add3A_2778 = arith.addf %mul3A_2775, %mul3A_2777 : vector<128x128xf32>
      %convert_element_type3A_2779 = arith.truncf %add3A_2778 : vector<128x128xf32> to vector<128x128xbf16>
      %slice3A_2780 = vector.extract_strided_slice %convert_element_type3A_2324 {offsets = [0, 2560], sizes = [257, 128], strides = [1, 1]} : vector<257x4096xbf16> to vector<257x128xbf16>
      %dot_general3A_2781 = arith.constant dense<0.000000e+00> : vector<257x128xf32>
      %dot_general3A_2782 = tpu.matmul %slice3A_2780, %convert_element_type3A_2779, %dot_general3A_2781 {dimension_numbers = #tpu.dot_dimension_numbers<[1], [0], [0], [1], [0, 0, 1, 1], [], []>, transpose_lhs_hint = false} : vector<257x128xbf16>, vector<128x128xbf16>, vector<257x128xf32> -> vector<257x128xf32>
      %slice3A_2783 = vector.extract_strided_slice %mul3A_2338 {offsets = [0, 2688], sizes = [1, 128], strides = [1, 1]} : vector<1x4096xf32> to vector<1x128xf32>
      %mul3A_2784 = vector.broadcast %slice3A_2783 : vector<1x128xf32> to vector<128x128xf32>
      %mul3A_2785 = arith.mulf %select_n3A_1360, %mul3A_2784 : vector<128x128xf32>
      %reduce_sum3A_2786 = arith.constant dense<0.000000e+00> : vector<128xf32>
      %reduce_sum3A_2787 = vector.multi_reduction <add>, %mul3A_2785, %reduce_sum3A_2786 [1] : vector<128x128xf32> to vector<128xf32>
      %broadcast_in_dim3A_2788 = vector.shape_cast %reduce_sum3A_2787 : vector<128xf32> to vector<128x1xf32>
      %slice3A_2789 = vector.extract_strided_slice %mul3A_2341 {offsets = [0, 2688], sizes = [1, 128], strides = [1, 1]} : vector<1x4096xf32> to vector<1x128xf32>
      %mul3A_2790 = vector.broadcast %slice3A_2789 : vector<1x128xf32> to vector<128x128xf32>
      %mul3A_2791 = arith.mulf %select_n3A_1360, %mul3A_2790 : vector<128x128xf32>
      %reduce_sum3A_2792 = arith.constant dense<0.000000e+00> : vector<128xf32>
      %reduce_sum3A_2793 = vector.multi_reduction <add>, %mul3A_2791, %reduce_sum3A_2792 [1] : vector<128x128xf32> to vector<128xf32>
      %broadcast_in_dim3A_2794 = vector.shape_cast %reduce_sum3A_2793 : vector<128xf32> to vector<128x1xf32>
      %mul3A_2795 = vector.broadcast %broadcast_in_dim3A_2788 : vector<128x1xf32> to vector<128x128xf32>
      %mul3A_2796 = arith.mulf %select_n3A_1624, %mul3A_2795 : vector<128x128xf32>
      %mul3A_2797 = vector.broadcast %broadcast_in_dim3A_2794 : vector<128x1xf32> to vector<128x128xf32>
      %mul3A_2798 = arith.mulf %select_n3A_2008, %mul3A_2797 : vector<128x128xf32>
      %add3A_2799 = arith.addf %mul3A_2796, %mul3A_2798 : vector<128x128xf32>
      %convert_element_type3A_2800 = arith.truncf %add3A_2799 : vector<128x128xf32> to vector<128x128xbf16>
      %slice3A_2801 = vector.extract_strided_slice %convert_element_type3A_2324 {offsets = [0, 2688], sizes = [257, 128], strides = [1, 1]} : vector<257x4096xbf16> to vector<257x128xbf16>
      %dot_general3A_2802 = arith.constant dense<0.000000e+00> : vector<257x128xf32>
      %dot_general3A_2803 = tpu.matmul %slice3A_2801, %convert_element_type3A_2800, %dot_general3A_2802 {dimension_numbers = #tpu.dot_dimension_numbers<[1], [0], [0], [1], [0, 0, 1, 1], [], []>, transpose_lhs_hint = false} : vector<257x128xbf16>, vector<128x128xbf16>, vector<257x128xf32> -> vector<257x128xf32>
      %slice3A_2804 = vector.extract_strided_slice %mul3A_2338 {offsets = [0, 2816], sizes = [1, 128], strides = [1, 1]} : vector<1x4096xf32> to vector<1x128xf32>
      %mul3A_2805 = vector.broadcast %slice3A_2804 : vector<1x128xf32> to vector<128x128xf32>
      %mul3A_2806 = arith.mulf %select_n3A_1360, %mul3A_2805 : vector<128x128xf32>
      %reduce_sum3A_2807 = arith.constant dense<0.000000e+00> : vector<128xf32>
      %reduce_sum3A_2808 = vector.multi_reduction <add>, %mul3A_2806, %reduce_sum3A_2807 [1] : vector<128x128xf32> to vector<128xf32>
      %broadcast_in_dim3A_2809 = vector.shape_cast %reduce_sum3A_2808 : vector<128xf32> to vector<128x1xf32>
      %slice3A_2810 = vector.extract_strided_slice %mul3A_2341 {offsets = [0, 2816], sizes = [1, 128], strides = [1, 1]} : vector<1x4096xf32> to vector<1x128xf32>
      %mul3A_2811 = vector.broadcast %slice3A_2810 : vector<1x128xf32> to vector<128x128xf32>
      %mul3A_2812 = arith.mulf %select_n3A_1360, %mul3A_2811 : vector<128x128xf32>
      %reduce_sum3A_2813 = arith.constant dense<0.000000e+00> : vector<128xf32>
      %reduce_sum3A_2814 = vector.multi_reduction <add>, %mul3A_2812, %reduce_sum3A_2813 [1] : vector<128x128xf32> to vector<128xf32>
      %broadcast_in_dim3A_2815 = vector.shape_cast %reduce_sum3A_2814 : vector<128xf32> to vector<128x1xf32>
      %mul3A_2816 = vector.broadcast %broadcast_in_dim3A_2809 : vector<128x1xf32> to vector<128x128xf32>
      %mul3A_2817 = arith.mulf %select_n3A_1636, %mul3A_2816 : vector<128x128xf32>
      %mul3A_2818 = vector.broadcast %broadcast_in_dim3A_2815 : vector<128x1xf32> to vector<128x128xf32>
      %mul3A_2819 = arith.mulf %select_n3A_2020, %mul3A_2818 : vector<128x128xf32>
      %add3A_2820 = arith.addf %mul3A_2817, %mul3A_2819 : vector<128x128xf32>
      %convert_element_type3A_2821 = arith.truncf %add3A_2820 : vector<128x128xf32> to vector<128x128xbf16>
      %slice3A_2822 = vector.extract_strided_slice %convert_element_type3A_2324 {offsets = [0, 2816], sizes = [257, 128], strides = [1, 1]} : vector<257x4096xbf16> to vector<257x128xbf16>
      %dot_general3A_2823 = arith.constant dense<0.000000e+00> : vector<257x128xf32>
      %dot_general3A_2824 = tpu.matmul %slice3A_2822, %convert_element_type3A_2821, %dot_general3A_2823 {dimension_numbers = #tpu.dot_dimension_numbers<[1], [0], [0], [1], [0, 0, 1, 1], [], []>, transpose_lhs_hint = false} : vector<257x128xbf16>, vector<128x128xbf16>, vector<257x128xf32> -> vector<257x128xf32>
      %slice3A_2825 = vector.extract_strided_slice %mul3A_2338 {offsets = [0, 2944], sizes = [1, 128], strides = [1, 1]} : vector<1x4096xf32> to vector<1x128xf32>
      %mul3A_2826 = vector.broadcast %slice3A_2825 : vector<1x128xf32> to vector<128x128xf32>
      %mul3A_2827 = arith.mulf %select_n3A_1360, %mul3A_2826 : vector<128x128xf32>
      %reduce_sum3A_2828 = arith.constant dense<0.000000e+00> : vector<128xf32>
      %reduce_sum3A_2829 = vector.multi_reduction <add>, %mul3A_2827, %reduce_sum3A_2828 [1] : vector<128x128xf32> to vector<128xf32>
      %broadcast_in_dim3A_2830 = vector.shape_cast %reduce_sum3A_2829 : vector<128xf32> to vector<128x1xf32>
      %slice3A_2831 = vector.extract_strided_slice %mul3A_2341 {offsets = [0, 2944], sizes = [1, 128], strides = [1, 1]} : vector<1x4096xf32> to vector<1x128xf32>
      %mul3A_2832 = vector.broadcast %slice3A_2831 : vector<1x128xf32> to vector<128x128xf32>
      %mul3A_2833 = arith.mulf %select_n3A_1360, %mul3A_2832 : vector<128x128xf32>
      %reduce_sum3A_2834 = arith.constant dense<0.000000e+00> : vector<128xf32>
      %reduce_sum3A_2835 = vector.multi_reduction <add>, %mul3A_2833, %reduce_sum3A_2834 [1] : vector<128x128xf32> to vector<128xf32>
      %broadcast_in_dim3A_2836 = vector.shape_cast %reduce_sum3A_2835 : vector<128xf32> to vector<128x1xf32>
      %mul3A_2837 = vector.broadcast %broadcast_in_dim3A_2830 : vector<128x1xf32> to vector<128x128xf32>
      %mul3A_2838 = arith.mulf %select_n3A_1648, %mul3A_2837 : vector<128x128xf32>
      %mul3A_2839 = vector.broadcast %broadcast_in_dim3A_2836 : vector<128x1xf32> to vector<128x128xf32>
      %mul3A_2840 = arith.mulf %select_n3A_2032, %mul3A_2839 : vector<128x128xf32>
      %add3A_2841 = arith.addf %mul3A_2838, %mul3A_2840 : vector<128x128xf32>
      %convert_element_type3A_2842 = arith.truncf %add3A_2841 : vector<128x128xf32> to vector<128x128xbf16>
      %slice3A_2843 = vector.extract_strided_slice %convert_element_type3A_2324 {offsets = [0, 2944], sizes = [257, 128], strides = [1, 1]} : vector<257x4096xbf16> to vector<257x128xbf16>
      %dot_general3A_2844 = arith.constant dense<0.000000e+00> : vector<257x128xf32>
      %dot_general3A_2845 = tpu.matmul %slice3A_2843, %convert_element_type3A_2842, %dot_general3A_2844 {dimension_numbers = #tpu.dot_dimension_numbers<[1], [0], [0], [1], [0, 0, 1, 1], [], []>, transpose_lhs_hint = false} : vector<257x128xbf16>, vector<128x128xbf16>, vector<257x128xf32> -> vector<257x128xf32>
      %slice3A_2846 = vector.extract_strided_slice %mul3A_2338 {offsets = [0, 3072], sizes = [1, 128], strides = [1, 1]} : vector<1x4096xf32> to vector<1x128xf32>
      %mul3A_2847 = vector.broadcast %slice3A_2846 : vector<1x128xf32> to vector<128x128xf32>
      %mul3A_2848 = arith.mulf %select_n3A_1360, %mul3A_2847 : vector<128x128xf32>
      %reduce_sum3A_2849 = arith.constant dense<0.000000e+00> : vector<128xf32>
      %reduce_sum3A_2850 = vector.multi_reduction <add>, %mul3A_2848, %reduce_sum3A_2849 [1] : vector<128x128xf32> to vector<128xf32>
      %broadcast_in_dim3A_2851 = vector.shape_cast %reduce_sum3A_2850 : vector<128xf32> to vector<128x1xf32>
      %slice3A_2852 = vector.extract_strided_slice %mul3A_2341 {offsets = [0, 3072], sizes = [1, 128], strides = [1, 1]} : vector<1x4096xf32> to vector<1x128xf32>
      %mul3A_2853 = vector.broadcast %slice3A_2852 : vector<1x128xf32> to vector<128x128xf32>
      %mul3A_2854 = arith.mulf %select_n3A_1360, %mul3A_2853 : vector<128x128xf32>
      %reduce_sum3A_2855 = arith.constant dense<0.000000e+00> : vector<128xf32>
      %reduce_sum3A_2856 = vector.multi_reduction <add>, %mul3A_2854, %reduce_sum3A_2855 [1] : vector<128x128xf32> to vector<128xf32>
      %broadcast_in_dim3A_2857 = vector.shape_cast %reduce_sum3A_2856 : vector<128xf32> to vector<128x1xf32>
      %mul3A_2858 = vector.broadcast %broadcast_in_dim3A_2851 : vector<128x1xf32> to vector<128x128xf32>
      %mul3A_2859 = arith.mulf %select_n3A_1660, %mul3A_2858 : vector<128x128xf32>
      %mul3A_2860 = vector.broadcast %broadcast_in_dim3A_2857 : vector<128x1xf32> to vector<128x128xf32>
      %mul3A_2861 = arith.mulf %select_n3A_2044, %mul3A_2860 : vector<128x128xf32>
      %add3A_2862 = arith.addf %mul3A_2859, %mul3A_2861 : vector<128x128xf32>
      %convert_element_type3A_2863 = arith.truncf %add3A_2862 : vector<128x128xf32> to vector<128x128xbf16>
      %slice3A_2864 = vector.extract_strided_slice %convert_element_type3A_2324 {offsets = [0, 3072], sizes = [257, 128], strides = [1, 1]} : vector<257x4096xbf16> to vector<257x128xbf16>
      %dot_general3A_2865 = arith.constant dense<0.000000e+00> : vector<257x128xf32>
      %dot_general3A_2866 = tpu.matmul %slice3A_2864, %convert_element_type3A_2863, %dot_general3A_2865 {dimension_numbers = #tpu.dot_dimension_numbers<[1], [0], [0], [1], [0, 0, 1, 1], [], []>, transpose_lhs_hint = false} : vector<257x128xbf16>, vector<128x128xbf16>, vector<257x128xf32> -> vector<257x128xf32>
      %slice3A_2867 = vector.extract_strided_slice %mul3A_2338 {offsets = [0, 3200], sizes = [1, 128], strides = [1, 1]} : vector<1x4096xf32> to vector<1x128xf32>
      %mul3A_2868 = vector.broadcast %slice3A_2867 : vector<1x128xf32> to vector<128x128xf32>
      %mul3A_2869 = arith.mulf %select_n3A_1360, %mul3A_2868 : vector<128x128xf32>
      %reduce_sum3A_2870 = arith.constant dense<0.000000e+00> : vector<128xf32>
      %reduce_sum3A_2871 = vector.multi_reduction <add>, %mul3A_2869, %reduce_sum3A_2870 [1] : vector<128x128xf32> to vector<128xf32>
      %broadcast_in_dim3A_2872 = vector.shape_cast %reduce_sum3A_2871 : vector<128xf32> to vector<128x1xf32>
      %slice3A_2873 = vector.extract_strided_slice %mul3A_2341 {offsets = [0, 3200], sizes = [1, 128], strides = [1, 1]} : vector<1x4096xf32> to vector<1x128xf32>
      %mul3A_2874 = vector.broadcast %slice3A_2873 : vector<1x128xf32> to vector<128x128xf32>
      %mul3A_2875 = arith.mulf %select_n3A_1360, %mul3A_2874 : vector<128x128xf32>
      %reduce_sum3A_2876 = arith.constant dense<0.000000e+00> : vector<128xf32>
      %reduce_sum3A_2877 = vector.multi_reduction <add>, %mul3A_2875, %reduce_sum3A_2876 [1] : vector<128x128xf32> to vector<128xf32>
      %broadcast_in_dim3A_2878 = vector.shape_cast %reduce_sum3A_2877 : vector<128xf32> to vector<128x1xf32>
      %mul3A_2879 = vector.broadcast %broadcast_in_dim3A_2872 : vector<128x1xf32> to vector<128x128xf32>
      %mul3A_2880 = arith.mulf %select_n3A_1672, %mul3A_2879 : vector<128x128xf32>
      %mul3A_2881 = vector.broadcast %broadcast_in_dim3A_2878 : vector<128x1xf32> to vector<128x128xf32>
      %mul3A_2882 = arith.mulf %select_n3A_2056, %mul3A_2881 : vector<128x128xf32>
      %add3A_2883 = arith.addf %mul3A_2880, %mul3A_2882 : vector<128x128xf32>
      %convert_element_type3A_2884 = arith.truncf %add3A_2883 : vector<128x128xf32> to vector<128x128xbf16>
      %slice3A_2885 = vector.extract_strided_slice %convert_element_type3A_2324 {offsets = [0, 3200], sizes = [257, 128], strides = [1, 1]} : vector<257x4096xbf16> to vector<257x128xbf16>
      %dot_general3A_2886 = arith.constant dense<0.000000e+00> : vector<257x128xf32>
      %dot_general3A_2887 = tpu.matmul %slice3A_2885, %convert_element_type3A_2884, %dot_general3A_2886 {dimension_numbers = #tpu.dot_dimension_numbers<[1], [0], [0], [1], [0, 0, 1, 1], [], []>, transpose_lhs_hint = false} : vector<257x128xbf16>, vector<128x128xbf16>, vector<257x128xf32> -> vector<257x128xf32>
      %slice3A_2888 = vector.extract_strided_slice %mul3A_2338 {offsets = [0, 3328], sizes = [1, 128], strides = [1, 1]} : vector<1x4096xf32> to vector<1x128xf32>
      %mul3A_2889 = vector.broadcast %slice3A_2888 : vector<1x128xf32> to vector<128x128xf32>
      %mul3A_2890 = arith.mulf %select_n3A_1360, %mul3A_2889 : vector<128x128xf32>
      %reduce_sum3A_2891 = arith.constant dense<0.000000e+00> : vector<128xf32>
      %reduce_sum3A_2892 = vector.multi_reduction <add>, %mul3A_2890, %reduce_sum3A_2891 [1] : vector<128x128xf32> to vector<128xf32>
      %broadcast_in_dim3A_2893 = vector.shape_cast %reduce_sum3A_2892 : vector<128xf32> to vector<128x1xf32>
      %slice3A_2894 = vector.extract_strided_slice %mul3A_2341 {offsets = [0, 3328], sizes = [1, 128], strides = [1, 1]} : vector<1x4096xf32> to vector<1x128xf32>
      %mul3A_2895 = vector.broadcast %slice3A_2894 : vector<1x128xf32> to vector<128x128xf32>
      %mul3A_2896 = arith.mulf %select_n3A_1360, %mul3A_2895 : vector<128x128xf32>
      %reduce_sum3A_2897 = arith.constant dense<0.000000e+00> : vector<128xf32>
      %reduce_sum3A_2898 = vector.multi_reduction <add>, %mul3A_2896, %reduce_sum3A_2897 [1] : vector<128x128xf32> to vector<128xf32>
      %broadcast_in_dim3A_2899 = vector.shape_cast %reduce_sum3A_2898 : vector<128xf32> to vector<128x1xf32>
      %mul3A_2900 = vector.broadcast %broadcast_in_dim3A_2893 : vector<128x1xf32> to vector<128x128xf32>
      %mul3A_2901 = arith.mulf %select_n3A_1684, %mul3A_2900 : vector<128x128xf32>
      %mul3A_2902 = vector.broadcast %broadcast_in_dim3A_2899 : vector<128x1xf32> to vector<128x128xf32>
      %mul3A_2903 = arith.mulf %select_n3A_2068, %mul3A_2902 : vector<128x128xf32>
      %add3A_2904 = arith.addf %mul3A_2901, %mul3A_2903 : vector<128x128xf32>
      %convert_element_type3A_2905 = arith.truncf %add3A_2904 : vector<128x128xf32> to vector<128x128xbf16>
      %slice3A_2906 = vector.extract_strided_slice %convert_element_type3A_2324 {offsets = [0, 3328], sizes = [257, 128], strides = [1, 1]} : vector<257x4096xbf16> to vector<257x128xbf16>
      %dot_general3A_2907 = arith.constant dense<0.000000e+00> : vector<257x128xf32>
      %dot_general3A_2908 = tpu.matmul %slice3A_2906, %convert_element_type3A_2905, %dot_general3A_2907 {dimension_numbers = #tpu.dot_dimension_numbers<[1], [0], [0], [1], [0, 0, 1, 1], [], []>, transpose_lhs_hint = false} : vector<257x128xbf16>, vector<128x128xbf16>, vector<257x128xf32> -> vector<257x128xf32>
      %slice3A_2909 = vector.extract_strided_slice %mul3A_2338 {offsets = [0, 3456], sizes = [1, 128], strides = [1, 1]} : vector<1x4096xf32> to vector<1x128xf32>
      %mul3A_2910 = vector.broadcast %slice3A_2909 : vector<1x128xf32> to vector<128x128xf32>
      %mul3A_2911 = arith.mulf %select_n3A_1360, %mul3A_2910 : vector<128x128xf32>
      %reduce_sum3A_2912 = arith.constant dense<0.000000e+00> : vector<128xf32>
      %reduce_sum3A_2913 = vector.multi_reduction <add>, %mul3A_2911, %reduce_sum3A_2912 [1] : vector<128x128xf32> to vector<128xf32>
      %broadcast_in_dim3A_2914 = vector.shape_cast %reduce_sum3A_2913 : vector<128xf32> to vector<128x1xf32>
      %slice3A_2915 = vector.extract_strided_slice %mul3A_2341 {offsets = [0, 3456], sizes = [1, 128], strides = [1, 1]} : vector<1x4096xf32> to vector<1x128xf32>
      %mul3A_2916 = vector.broadcast %slice3A_2915 : vector<1x128xf32> to vector<128x128xf32>
      %mul3A_2917 = arith.mulf %select_n3A_1360, %mul3A_2916 : vector<128x128xf32>
      %reduce_sum3A_2918 = arith.constant dense<0.000000e+00> : vector<128xf32>
      %reduce_sum3A_2919 = vector.multi_reduction <add>, %mul3A_2917, %reduce_sum3A_2918 [1] : vector<128x128xf32> to vector<128xf32>
      %broadcast_in_dim3A_2920 = vector.shape_cast %reduce_sum3A_2919 : vector<128xf32> to vector<128x1xf32>
      %mul3A_2921 = vector.broadcast %broadcast_in_dim3A_2914 : vector<128x1xf32> to vector<128x128xf32>
      %mul3A_2922 = arith.mulf %select_n3A_1696, %mul3A_2921 : vector<128x128xf32>
      %mul3A_2923 = vector.broadcast %broadcast_in_dim3A_2920 : vector<128x1xf32> to vector<128x128xf32>
      %mul3A_2924 = arith.mulf %select_n3A_2080, %mul3A_2923 : vector<128x128xf32>
      %add3A_2925 = arith.addf %mul3A_2922, %mul3A_2924 : vector<128x128xf32>
      %convert_element_type3A_2926 = arith.truncf %add3A_2925 : vector<128x128xf32> to vector<128x128xbf16>
      %slice3A_2927 = vector.extract_strided_slice %convert_element_type3A_2324 {offsets = [0, 3456], sizes = [257, 128], strides = [1, 1]} : vector<257x4096xbf16> to vector<257x128xbf16>
      %dot_general3A_2928 = arith.constant dense<0.000000e+00> : vector<257x128xf32>
      %dot_general3A_2929 = tpu.matmul %slice3A_2927, %convert_element_type3A_2926, %dot_general3A_2928 {dimension_numbers = #tpu.dot_dimension_numbers<[1], [0], [0], [1], [0, 0, 1, 1], [], []>, transpose_lhs_hint = false} : vector<257x128xbf16>, vector<128x128xbf16>, vector<257x128xf32> -> vector<257x128xf32>
      %slice3A_2930 = vector.extract_strided_slice %mul3A_2338 {offsets = [0, 3584], sizes = [1, 128], strides = [1, 1]} : vector<1x4096xf32> to vector<1x128xf32>
      %mul3A_2931 = vector.broadcast %slice3A_2930 : vector<1x128xf32> to vector<128x128xf32>
      %mul3A_2932 = arith.mulf %select_n3A_1360, %mul3A_2931 : vector<128x128xf32>
      %reduce_sum3A_2933 = arith.constant dense<0.000000e+00> : vector<128xf32>
      %reduce_sum3A_2934 = vector.multi_reduction <add>, %mul3A_2932, %reduce_sum3A_2933 [1] : vector<128x128xf32> to vector<128xf32>
      %broadcast_in_dim3A_2935 = vector.shape_cast %reduce_sum3A_2934 : vector<128xf32> to vector<128x1xf32>
      %slice3A_2936 = vector.extract_strided_slice %mul3A_2341 {offsets = [0, 3584], sizes = [1, 128], strides = [1, 1]} : vector<1x4096xf32> to vector<1x128xf32>
      %mul3A_2937 = vector.broadcast %slice3A_2936 : vector<1x128xf32> to vector<128x128xf32>
      %mul3A_2938 = arith.mulf %select_n3A_1360, %mul3A_2937 : vector<128x128xf32>
      %reduce_sum3A_2939 = arith.constant dense<0.000000e+00> : vector<128xf32>
      %reduce_sum3A_2940 = vector.multi_reduction <add>, %mul3A_2938, %reduce_sum3A_2939 [1] : vector<128x128xf32> to vector<128xf32>
      %broadcast_in_dim3A_2941 = vector.shape_cast %reduce_sum3A_2940 : vector<128xf32> to vector<128x1xf32>
      %mul3A_2942 = vector.broadcast %broadcast_in_dim3A_2935 : vector<128x1xf32> to vector<128x128xf32>
      %mul3A_2943 = arith.mulf %select_n3A_1708, %mul3A_2942 : vector<128x128xf32>
      %mul3A_2944 = vector.broadcast %broadcast_in_dim3A_2941 : vector<128x1xf32> to vector<128x128xf32>
      %mul3A_2945 = arith.mulf %select_n3A_2092, %mul3A_2944 : vector<128x128xf32>
      %add3A_2946 = arith.addf %mul3A_2943, %mul3A_2945 : vector<128x128xf32>
      %convert_element_type3A_2947 = arith.truncf %add3A_2946 : vector<128x128xf32> to vector<128x128xbf16>
      %slice3A_2948 = vector.extract_strided_slice %convert_element_type3A_2324 {offsets = [0, 3584], sizes = [257, 128], strides = [1, 1]} : vector<257x4096xbf16> to vector<257x128xbf16>
      %dot_general3A_2949 = arith.constant dense<0.000000e+00> : vector<257x128xf32>
      %dot_general3A_2950 = tpu.matmul %slice3A_2948, %convert_element_type3A_2947, %dot_general3A_2949 {dimension_numbers = #tpu.dot_dimension_numbers<[1], [0], [0], [1], [0, 0, 1, 1], [], []>, transpose_lhs_hint = false} : vector<257x128xbf16>, vector<128x128xbf16>, vector<257x128xf32> -> vector<257x128xf32>
      %slice3A_2951 = vector.extract_strided_slice %mul3A_2338 {offsets = [0, 3712], sizes = [1, 128], strides = [1, 1]} : vector<1x4096xf32> to vector<1x128xf32>
      %mul3A_2952 = vector.broadcast %slice3A_2951 : vector<1x128xf32> to vector<128x128xf32>
      %mul3A_2953 = arith.mulf %select_n3A_1360, %mul3A_2952 : vector<128x128xf32>
      %reduce_sum3A_2954 = arith.constant dense<0.000000e+00> : vector<128xf32>
      %reduce_sum3A_2955 = vector.multi_reduction <add>, %mul3A_2953, %reduce_sum3A_2954 [1] : vector<128x128xf32> to vector<128xf32>
      %broadcast_in_dim3A_2956 = vector.shape_cast %reduce_sum3A_2955 : vector<128xf32> to vector<128x1xf32>
      %slice3A_2957 = vector.extract_strided_slice %mul3A_2341 {offsets = [0, 3712], sizes = [1, 128], strides = [1, 1]} : vector<1x4096xf32> to vector<1x128xf32>
      %mul3A_2958 = vector.broadcast %slice3A_2957 : vector<1x128xf32> to vector<128x128xf32>
      %mul3A_2959 = arith.mulf %select_n3A_1360, %mul3A_2958 : vector<128x128xf32>
      %reduce_sum3A_2960 = arith.constant dense<0.000000e+00> : vector<128xf32>
      %reduce_sum3A_2961 = vector.multi_reduction <add>, %mul3A_2959, %reduce_sum3A_2960 [1] : vector<128x128xf32> to vector<128xf32>
      %broadcast_in_dim3A_2962 = vector.shape_cast %reduce_sum3A_2961 : vector<128xf32> to vector<128x1xf32>
      %mul3A_2963 = vector.broadcast %broadcast_in_dim3A_2956 : vector<128x1xf32> to vector<128x128xf32>
      %mul3A_2964 = arith.mulf %select_n3A_1720, %mul3A_2963 : vector<128x128xf32>
      %mul3A_2965 = vector.broadcast %broadcast_in_dim3A_2962 : vector<128x1xf32> to vector<128x128xf32>
      %mul3A_2966 = arith.mulf %select_n3A_2104, %mul3A_2965 : vector<128x128xf32>
      %add3A_2967 = arith.addf %mul3A_2964, %mul3A_2966 : vector<128x128xf32>
      %convert_element_type3A_2968 = arith.truncf %add3A_2967 : vector<128x128xf32> to vector<128x128xbf16>
      %slice3A_2969 = vector.extract_strided_slice %convert_element_type3A_2324 {offsets = [0, 3712], sizes = [257, 128], strides = [1, 1]} : vector<257x4096xbf16> to vector<257x128xbf16>
      %dot_general3A_2970 = arith.constant dense<0.000000e+00> : vector<257x128xf32>
      %dot_general3A_2971 = tpu.matmul %slice3A_2969, %convert_element_type3A_2968, %dot_general3A_2970 {dimension_numbers = #tpu.dot_dimension_numbers<[1], [0], [0], [1], [0, 0, 1, 1], [], []>, transpose_lhs_hint = false} : vector<257x128xbf16>, vector<128x128xbf16>, vector<257x128xf32> -> vector<257x128xf32>
      %slice3A_2972 = vector.extract_strided_slice %mul3A_2338 {offsets = [0, 3840], sizes = [1, 128], strides = [1, 1]} : vector<1x4096xf32> to vector<1x128xf32>
      %mul3A_2973 = vector.broadcast %slice3A_2972 : vector<1x128xf32> to vector<128x128xf32>
      %mul3A_2974 = arith.mulf %select_n3A_1360, %mul3A_2973 : vector<128x128xf32>
      %reduce_sum3A_2975 = arith.constant dense<0.000000e+00> : vector<128xf32>
      %reduce_sum3A_2976 = vector.multi_reduction <add>, %mul3A_2974, %reduce_sum3A_2975 [1] : vector<128x128xf32> to vector<128xf32>
      %broadcast_in_dim3A_2977 = vector.shape_cast %reduce_sum3A_2976 : vector<128xf32> to vector<128x1xf32>
      %slice3A_2978 = vector.extract_strided_slice %mul3A_2341 {offsets = [0, 3840], sizes = [1, 128], strides = [1, 1]} : vector<1x4096xf32> to vector<1x128xf32>
      %mul3A_2979 = vector.broadcast %slice3A_2978 : vector<1x128xf32> to vector<128x128xf32>
      %mul3A_2980 = arith.mulf %select_n3A_1360, %mul3A_2979 : vector<128x128xf32>
      %reduce_sum3A_2981 = arith.constant dense<0.000000e+00> : vector<128xf32>
      %reduce_sum3A_2982 = vector.multi_reduction <add>, %mul3A_2980, %reduce_sum3A_2981 [1] : vector<128x128xf32> to vector<128xf32>
      %broadcast_in_dim3A_2983 = vector.shape_cast %reduce_sum3A_2982 : vector<128xf32> to vector<128x1xf32>
      %mul3A_2984 = vector.broadcast %broadcast_in_dim3A_2977 : vector<128x1xf32> to vector<128x128xf32>
      %mul3A_2985 = arith.mulf %select_n3A_1732, %mul3A_2984 : vector<128x128xf32>
      %mul3A_2986 = vector.broadcast %broadcast_in_dim3A_2983 : vector<128x1xf32> to vector<128x128xf32>
      %mul3A_2987 = arith.mulf %select_n3A_2116, %mul3A_2986 : vector<128x128xf32>
      %add3A_2988 = arith.addf %mul3A_2985, %mul3A_2987 : vector<128x128xf32>
      %convert_element_type3A_2989 = arith.truncf %add3A_2988 : vector<128x128xf32> to vector<128x128xbf16>
      %slice3A_2990 = vector.extract_strided_slice %convert_element_type3A_2324 {offsets = [0, 3840], sizes = [257, 128], strides = [1, 1]} : vector<257x4096xbf16> to vector<257x128xbf16>
      %dot_general3A_2991 = arith.constant dense<0.000000e+00> : vector<257x128xf32>
      %dot_general3A_2992 = tpu.matmul %slice3A_2990, %convert_element_type3A_2989, %dot_general3A_2991 {dimension_numbers = #tpu.dot_dimension_numbers<[1], [0], [0], [1], [0, 0, 1, 1], [], []>, transpose_lhs_hint = false} : vector<257x128xbf16>, vector<128x128xbf16>, vector<257x128xf32> -> vector<257x128xf32>
      %slice3A_2993 = vector.extract_strided_slice %mul3A_2338 {offsets = [0, 3968], sizes = [1, 128], strides = [1, 1]} : vector<1x4096xf32> to vector<1x128xf32>
      %mul3A_2994 = vector.broadcast %slice3A_2993 : vector<1x128xf32> to vector<128x128xf32>
      %mul3A_2995 = arith.mulf %select_n3A_1360, %mul3A_2994 : vector<128x128xf32>
      %reduce_sum3A_2996 = arith.constant dense<0.000000e+00> : vector<128xf32>
      %reduce_sum3A_2997 = vector.multi_reduction <add>, %mul3A_2995, %reduce_sum3A_2996 [1] : vector<128x128xf32> to vector<128xf32>
      %broadcast_in_dim3A_2998 = vector.shape_cast %reduce_sum3A_2997 : vector<128xf32> to vector<128x1xf32>
      %slice3A_2999 = vector.extract_strided_slice %mul3A_2341 {offsets = [0, 3968], sizes = [1, 128], strides = [1, 1]} : vector<1x4096xf32> to vector<1x128xf32>
      %mul3A_3000 = vector.broadcast %slice3A_2999 : vector<1x128xf32> to vector<128x128xf32>
      %mul3A_3001 = arith.mulf %select_n3A_1360, %mul3A_3000 : vector<128x128xf32>
      %reduce_sum3A_3002 = arith.constant dense<0.000000e+00> : vector<128xf32>
      %reduce_sum3A_3003 = vector.multi_reduction <add>, %mul3A_3001, %reduce_sum3A_3002 [1] : vector<128x128xf32> to vector<128xf32>
      %broadcast_in_dim3A_3004 = vector.shape_cast %reduce_sum3A_3003 : vector<128xf32> to vector<128x1xf32>
      %mul3A_3005 = vector.broadcast %broadcast_in_dim3A_2998 : vector<128x1xf32> to vector<128x128xf32>
      %mul3A_3006 = arith.mulf %select_n3A_1744, %mul3A_3005 : vector<128x128xf32>
      %mul3A_3007 = vector.broadcast %broadcast_in_dim3A_3004 : vector<128x1xf32> to vector<128x128xf32>
      %mul3A_3008 = arith.mulf %select_n3A_2128, %mul3A_3007 : vector<128x128xf32>
      %add3A_3009 = arith.addf %mul3A_3006, %mul3A_3008 : vector<128x128xf32>
      %convert_element_type3A_3010 = arith.truncf %add3A_3009 : vector<128x128xf32> to vector<128x128xbf16>
      %slice3A_3011 = vector.extract_strided_slice %convert_element_type3A_2324 {offsets = [0, 3968], sizes = [257, 128], strides = [1, 1]} : vector<257x4096xbf16> to vector<257x128xbf16>
      %dot_general3A_3012 = arith.constant dense<0.000000e+00> : vector<257x128xf32>
      %dot_general3A_3013 = tpu.matmul %slice3A_3011, %convert_element_type3A_3010, %dot_general3A_3012 {dimension_numbers = #tpu.dot_dimension_numbers<[1], [0], [0], [1], [0, 0, 1, 1], [], []>, transpose_lhs_hint = false} : vector<257x128xbf16>, vector<128x128xbf16>, vector<257x128xf32> -> vector<257x128xf32>
      %concatenate3A_3014 = tpu.concatenate %dot_general3A_2362, %dot_general3A_2383, %dot_general3A_2404, %dot_general3A_2425, %dot_general3A_2446, %dot_general3A_2467, %dot_general3A_2488, %dot_general3A_2509, %dot_general3A_2530, %dot_general3A_2551, %dot_general3A_2572, %dot_general3A_2593, %dot_general3A_2614, %dot_general3A_2635, %dot_general3A_2656, %dot_general3A_2677, %dot_general3A_2698, %dot_general3A_2719, %dot_general3A_2740, %dot_general3A_2761, %dot_general3A_2782, %dot_general3A_2803, %dot_general3A_2824, %dot_general3A_2845, %dot_general3A_2866, %dot_general3A_2887, %dot_general3A_2908, %dot_general3A_2929, %dot_general3A_2950, %dot_general3A_2971, %dot_general3A_2992, %dot_general3A_3013 in 1 : vector<257x128xf32>, vector<257x128xf32>, vector<257x128xf32>, vector<257x128xf32>, vector<257x128xf32>, vector<257x128xf32>, vector<257x128xf32>, vector<257x128xf32>, vector<257x128xf32>, vector<257x128xf32>, vector<257x128xf32>, vector<257x128xf32>, vector<257x128xf32>, vector<257x128xf32>, vector<257x128xf32>, vector<257x128xf32>, vector<257x128xf32>, vector<257x128xf32>, vector<257x128xf32>, vector<257x128xf32>, vector<257x128xf32>, vector<257x128xf32>, vector<257x128xf32>, vector<257x128xf32>, vector<257x128xf32>, vector<257x128xf32>, vector<257x128xf32>, vector<257x128xf32>, vector<257x128xf32>, vector<257x128xf32>, vector<257x128xf32>, vector<257x128xf32> -> vector<257x4096xf32>
      %slice3A_3015 = vector.extract_strided_slice %concatenate3A_3014 {offsets = [256, 0], sizes = [1, 4096], strides = [1, 1]} : vector<257x4096xf32> to vector<1x4096xf32>
      %slice3A_3016 = vector.extract_strided_slice %concatenate3A_3014 {offsets = [0, 0], sizes = [256, 4096], strides = [1, 1]} : vector<257x4096xf32> to vector<256x4096xf32>
      %max3A_3017 = arith.constant 9.99999997E-7 : f32
      %max3A_3018 = vector.broadcast %max3A_3017 : f32 to vector<1x4096xf32>
      %max3A_3019 = arith.maximumf %slice3A_3015, %max3A_3018 : vector<1x4096xf32>
      %div3A_3020 = vector.broadcast %max3A_3019 : vector<1x4096xf32> to vector<256x4096xf32>
      %div3A_3021 = arith.divf %slice3A_3016, %div3A_3020 : vector<256x4096xf32>
      %lt3A_3022 = vector.broadcast %while3A_2317 : i32 to vector<1x4096xi32>
      %lt3A_3023 = arith.cmpi slt, %lt3A_3022, %get3A_1342 : vector<1x4096xi32>
      %select_n3A_3024 = arith.select %lt3A_3023, %slice3A_3015, %while3A_2318 : vector<1x4096xi1>, vector<1x4096xf32>
      %convert_element_type3A_3025 = arith.truncf %div3A_3021 : vector<256x4096xf32> to vector<256x4096xbf16>
      %broadcast_in_dim3A_3026 = vector.shape_cast %lt3A_3023 : vector<1x4096xi1> to vector<1x4096xi1>
      %broadcast_in_dim3A_3027 = vector.broadcast %broadcast_in_dim3A_3026 : vector<1x4096xi1> to vector<256x4096xi1>
      %select_n3A_3028 = arith.select %broadcast_in_dim3A_3027, %convert_element_type3A_3025, %while3A_2319 : vector<256x4096xi1>, vector<256x4096xbf16>
      scf.yield %select_n3A_3024, %select_n3A_3028 : vector<1x4096xf32>, vector<256x4096xbf16>
    }
    %while3A_2171 = arith.constant 1 : i32
    %while3A_2172:2 = scf.for %while3A_2317 = %while3A_2168 to %while3A_2164 step %while3A_2171 iter_args(%while3A_2318 = %while3A_2170#0, %while3A_2319 = %while3A_2170#1) -> (vector<1x4096xf32>, vector<256x4096xbf16>)  : i32 {
      %dot_general3A_2320 = arith.constant dense<0.000000e+00> : vector<256x4096xf32>
      %dot_general3A_2321 = tpu.matmul %convert_element_type3A_1346, %while3A_2319, %dot_general3A_2320 {dimension_numbers = #tpu.dot_dimension_numbers<[1], [0], [0], [1], [0, 0, 1, 1], [], []>, transpose_lhs_hint = false} : vector<256x256xbf16>, vector<256x4096xbf16>, vector<256x4096xf32> -> vector<256x4096xf32>
      %add3A_2322 = arith.addf %add3A_1339, %dot_general3A_2321 : vector<256x4096xf32>
      %tanh3A = math.tanh %add3A_2322 : vector<256x4096xf32>
      %concatenate3A_2323 = tpu.concatenate %tanh3A, %broadcast_in_dim3A_2160 in 0 : vector<256x4096xf32>, vector<1x4096xf32> -> vector<257x4096xf32>
      %convert_element_type3A_2324 = arith.truncf %concatenate3A_2323 : vector<257x4096xf32> to vector<257x4096xbf16>
      %dot_general3A_2325 = arith.constant dense<0.000000e+00> : vector<2x4096xf32>
      %dot_general3A_2326 = tpu.matmul %convert_element_type3A_1350, %convert_element_type3A_2324, %dot_general3A_2325 {dimension_numbers = #tpu.dot_dimension_numbers<[1], [0], [0], [1], [0, 0, 1, 1], [], []>, transpose_lhs_hint = false} : vector<2x257xbf16>, vector<257x4096xbf16>, vector<2x4096xf32> -> vector<2x4096xf32>
      %add3A_2327 = vector.broadcast %get3A_1353 : vector<2x1xf32> to vector<2x4096xf32>
      %add3A_2328 = arith.addf %dot_general3A_2326, %add3A_2327 : vector<2x4096xf32>
      %reduce_max3A = arith.constant dense<0xFF800000> : vector<4096xf32>
      %reduce_max3A_2329 = vector.multi_reduction <maximumf>, %add3A_2328, %reduce_max3A [0] : vector<2x4096xf32> to vector<4096xf32>
      %broadcast_in_dim3A_2330 = vector.shape_cast %reduce_max3A_2329 : vector<4096xf32> to vector<1x4096xf32>
      %sub3A_2331 = vector.broadcast %broadcast_in_dim3A_2330 : vector<1x4096xf32> to vector<2x4096xf32>
      %sub3A_2332 = arith.subf %add3A_2328, %sub3A_2331 : vector<2x4096xf32>
      %exp3A = math.exp %sub3A_2332 : vector<2x4096xf32>
      %reduce_sum3A_2333 = arith.constant dense<0.000000e+00> : vector<4096xf32>
      %reduce_sum3A_2334 = vector.multi_reduction <add>, %exp3A, %reduce_sum3A_2333 [0] : vector<2x4096xf32> to vector<4096xf32>
      %broadcast_in_dim3A_2335 = vector.shape_cast %reduce_sum3A_2334 : vector<4096xf32> to vector<1x4096xf32>
      %slice3A_2336 = vector.extract_strided_slice %exp3A {offsets = [0, 0], sizes = [1, 4096], strides = [1, 1]} : vector<2x4096xf32> to vector<1x4096xf32>
      %div3A_2337 = arith.divf %slice3A_2336, %broadcast_in_dim3A_2335 : vector<1x4096xf32>
      %mul3A_2338 = arith.mulf %while3A_2318, %div3A_2337 : vector<1x4096xf32>
      %slice3A_2339 = vector.extract_strided_slice %exp3A {offsets = [1, 0], sizes = [1, 4096], strides = [1, 1]} : vector<2x4096xf32> to vector<1x4096xf32>
      %div3A_2340 = arith.divf %slice3A_2339, %broadcast_in_dim3A_2335 : vector<1x4096xf32>
      %mul3A_2341 = arith.mulf %while3A_2318, %div3A_2340 : vector<1x4096xf32>
      %slice3A_2342 = vector.extract_strided_slice %mul3A_2338 {offsets = [0, 0], sizes = [1, 128], strides = [1, 1]} : vector<1x4096xf32> to vector<1x128xf32>
      %mul3A_2343 = vector.broadcast %slice3A_2342 : vector<1x128xf32> to vector<128x128xf32>
      %mul3A_2344 = arith.mulf %select_n3A_1360, %mul3A_2343 : vector<128x128xf32>
      %reduce_sum3A_2345 = arith.constant dense<0.000000e+00> : vector<128xf32>
      %reduce_sum3A_2346 = vector.multi_reduction <add>, %mul3A_2344, %reduce_sum3A_2345 [1] : vector<128x128xf32> to vector<128xf32>
      %broadcast_in_dim3A_2347 = vector.shape_cast %reduce_sum3A_2346 : vector<128xf32> to vector<128x1xf32>
      %slice3A_2348 = vector.extract_strided_slice %mul3A_2341 {offsets = [0, 0], sizes = [1, 128], strides = [1, 1]} : vector<1x4096xf32> to vector<1x128xf32>
      %mul3A_2349 = vector.broadcast %slice3A_2348 : vector<1x128xf32> to vector<128x128xf32>
      %mul3A_2350 = arith.mulf %select_n3A_1360, %mul3A_2349 : vector<128x128xf32>
      %reduce_sum3A_2351 = arith.constant dense<0.000000e+00> : vector<128xf32>
      %reduce_sum3A_2352 = vector.multi_reduction <add>, %mul3A_2350, %reduce_sum3A_2351 [1] : vector<128x128xf32> to vector<128xf32>
      %broadcast_in_dim3A_2353 = vector.shape_cast %reduce_sum3A_2352 : vector<128xf32> to vector<128x1xf32>
      %mul3A_2354 = vector.broadcast %broadcast_in_dim3A_2347 : vector<128x1xf32> to vector<128x128xf32>
      %mul3A_2355 = arith.mulf %select_n3A_1372, %mul3A_2354 : vector<128x128xf32>
      %mul3A_2356 = vector.broadcast %broadcast_in_dim3A_2353 : vector<128x1xf32> to vector<128x128xf32>
      %mul3A_2357 = arith.mulf %select_n3A_1756, %mul3A_2356 : vector<128x128xf32>
      %add3A_2358 = arith.addf %mul3A_2355, %mul3A_2357 : vector<128x128xf32>
      %convert_element_type3A_2359 = arith.truncf %add3A_2358 : vector<128x128xf32> to vector<128x128xbf16>
      %slice3A_2360 = vector.extract_strided_slice %convert_element_type3A_2324 {offsets = [0, 0], sizes = [257, 128], strides = [1, 1]} : vector<257x4096xbf16> to vector<257x128xbf16>
      %dot_general3A_2361 = arith.constant dense<0.000000e+00> : vector<257x128xf32>
      %dot_general3A_2362 = tpu.matmul %slice3A_2360, %convert_element_type3A_2359, %dot_general3A_2361 {dimension_numbers = #tpu.dot_dimension_numbers<[1], [0], [0], [1], [0, 0, 1, 1], [], []>, transpose_lhs_hint = false} : vector<257x128xbf16>, vector<128x128xbf16>, vector<257x128xf32> -> vector<257x128xf32>
      %slice3A_2363 = vector.extract_strided_slice %mul3A_2338 {offsets = [0, 128], sizes = [1, 128], strides = [1, 1]} : vector<1x4096xf32> to vector<1x128xf32>
      %mul3A_2364 = vector.broadcast %slice3A_2363 : vector<1x128xf32> to vector<128x128xf32>
      %mul3A_2365 = arith.mulf %select_n3A_1360, %mul3A_2364 : vector<128x128xf32>
      %reduce_sum3A_2366 = arith.constant dense<0.000000e+00> : vector<128xf32>
      %reduce_sum3A_2367 = vector.multi_reduction <add>, %mul3A_2365, %reduce_sum3A_2366 [1] : vector<128x128xf32> to vector<128xf32>
      %broadcast_in_dim3A_2368 = vector.shape_cast %reduce_sum3A_2367 : vector<128xf32> to vector<128x1xf32>
      %slice3A_2369 = vector.extract_strided_slice %mul3A_2341 {offsets = [0, 128], sizes = [1, 128], strides = [1, 1]} : vector<1x4096xf32> to vector<1x128xf32>
      %mul3A_2370 = vector.broadcast %slice3A_2369 : vector<1x128xf32> to vector<128x128xf32>
      %mul3A_2371 = arith.mulf %select_n3A_1360, %mul3A_2370 : vector<128x128xf32>
      %reduce_sum3A_2372 = arith.constant dense<0.000000e+00> : vector<128xf32>
      %reduce_sum3A_2373 = vector.multi_reduction <add>, %mul3A_2371, %reduce_sum3A_2372 [1] : vector<128x128xf32> to vector<128xf32>
      %broadcast_in_dim3A_2374 = vector.shape_cast %reduce_sum3A_2373 : vector<128xf32> to vector<128x1xf32>
      %mul3A_2375 = vector.broadcast %broadcast_in_dim3A_2368 : vector<128x1xf32> to vector<128x128xf32>
      %mul3A_2376 = arith.mulf %select_n3A_1384, %mul3A_2375 : vector<128x128xf32>
      %mul3A_2377 = vector.broadcast %broadcast_in_dim3A_2374 : vector<128x1xf32> to vector<128x128xf32>
      %mul3A_2378 = arith.mulf %select_n3A_1768, %mul3A_2377 : vector<128x128xf32>
      %add3A_2379 = arith.addf %mul3A_2376, %mul3A_2378 : vector<128x128xf32>
      %convert_element_type3A_2380 = arith.truncf %add3A_2379 : vector<128x128xf32> to vector<128x128xbf16>
      %slice3A_2381 = vector.extract_strided_slice %convert_element_type3A_2324 {offsets = [0, 128], sizes = [257, 128], strides = [1, 1]} : vector<257x4096xbf16> to vector<257x128xbf16>
      %dot_general3A_2382 = arith.constant dense<0.000000e+00> : vector<257x128xf32>
      %dot_general3A_2383 = tpu.matmul %slice3A_2381, %convert_element_type3A_2380, %dot_general3A_2382 {dimension_numbers = #tpu.dot_dimension_numbers<[1], [0], [0], [1], [0, 0, 1, 1], [], []>, transpose_lhs_hint = false} : vector<257x128xbf16>, vector<128x128xbf16>, vector<257x128xf32> -> vector<257x128xf32>
      %slice3A_2384 = vector.extract_strided_slice %mul3A_2338 {offsets = [0, 256], sizes = [1, 128], strides = [1, 1]} : vector<1x4096xf32> to vector<1x128xf32>
      %mul3A_2385 = vector.broadcast %slice3A_2384 : vector<1x128xf32> to vector<128x128xf32>
      %mul3A_2386 = arith.mulf %select_n3A_1360, %mul3A_2385 : vector<128x128xf32>
      %reduce_sum3A_2387 = arith.constant dense<0.000000e+00> : vector<128xf32>
      %reduce_sum3A_2388 = vector.multi_reduction <add>, %mul3A_2386, %reduce_sum3A_2387 [1] : vector<128x128xf32> to vector<128xf32>
      %broadcast_in_dim3A_2389 = vector.shape_cast %reduce_sum3A_2388 : vector<128xf32> to vector<128x1xf32>
      %slice3A_2390 = vector.extract_strided_slice %mul3A_2341 {offsets = [0, 256], sizes = [1, 128], strides = [1, 1]} : vector<1x4096xf32> to vector<1x128xf32>
      %mul3A_2391 = vector.broadcast %slice3A_2390 : vector<1x128xf32> to vector<128x128xf32>
      %mul3A_2392 = arith.mulf %select_n3A_1360, %mul3A_2391 : vector<128x128xf32>
      %reduce_sum3A_2393 = arith.constant dense<0.000000e+00> : vector<128xf32>
      %reduce_sum3A_2394 = vector.multi_reduction <add>, %mul3A_2392, %reduce_sum3A_2393 [1] : vector<128x128xf32> to vector<128xf32>
      %broadcast_in_dim3A_2395 = vector.shape_cast %reduce_sum3A_2394 : vector<128xf32> to vector<128x1xf32>
      %mul3A_2396 = vector.broadcast %broadcast_in_dim3A_2389 : vector<128x1xf32> to vector<128x128xf32>
      %mul3A_2397 = arith.mulf %select_n3A_1396, %mul3A_2396 : vector<128x128xf32>
      %mul3A_2398 = vector.broadcast %broadcast_in_dim3A_2395 : vector<128x1xf32> to vector<128x128xf32>
      %mul3A_2399 = arith.mulf %select_n3A_1780, %mul3A_2398 : vector<128x128xf32>
      %add3A_2400 = arith.addf %mul3A_2397, %mul3A_2399 : vector<128x128xf32>
      %convert_element_type3A_2401 = arith.truncf %add3A_2400 : vector<128x128xf32> to vector<128x128xbf16>
      %slice3A_2402 = vector.extract_strided_slice %convert_element_type3A_2324 {offsets = [0, 256], sizes = [257, 128], strides = [1, 1]} : vector<257x4096xbf16> to vector<257x128xbf16>
      %dot_general3A_2403 = arith.constant dense<0.000000e+00> : vector<257x128xf32>
      %dot_general3A_2404 = tpu.matmul %slice3A_2402, %convert_element_type3A_2401, %dot_general3A_2403 {dimension_numbers = #tpu.dot_dimension_numbers<[1], [0], [0], [1], [0, 0, 1, 1], [], []>, transpose_lhs_hint = false} : vector<257x128xbf16>, vector<128x128xbf16>, vector<257x128xf32> -> vector<257x128xf32>
      %slice3A_2405 = vector.extract_strided_slice %mul3A_2338 {offsets = [0, 384], sizes = [1, 128], strides = [1, 1]} : vector<1x4096xf32> to vector<1x128xf32>
      %mul3A_2406 = vector.broadcast %slice3A_2405 : vector<1x128xf32> to vector<128x128xf32>
      %mul3A_2407 = arith.mulf %select_n3A_1360, %mul3A_2406 : vector<128x128xf32>
      %reduce_sum3A_2408 = arith.constant dense<0.000000e+00> : vector<128xf32>
      %reduce_sum3A_2409 = vector.multi_reduction <add>, %mul3A_2407, %reduce_sum3A_2408 [1] : vector<128x128xf32> to vector<128xf32>
      %broadcast_in_dim3A_2410 = vector.shape_cast %reduce_sum3A_2409 : vector<128xf32> to vector<128x1xf32>
      %slice3A_2411 = vector.extract_strided_slice %mul3A_2341 {offsets = [0, 384], sizes = [1, 128], strides = [1, 1]} : vector<1x4096xf32> to vector<1x128xf32>
      %mul3A_2412 = vector.broadcast %slice3A_2411 : vector<1x128xf32> to vector<128x128xf32>
      %mul3A_2413 = arith.mulf %select_n3A_1360, %mul3A_2412 : vector<128x128xf32>
      %reduce_sum3A_2414 = arith.constant dense<0.000000e+00> : vector<128xf32>
      %reduce_sum3A_2415 = vector.multi_reduction <add>, %mul3A_2413, %reduce_sum3A_2414 [1] : vector<128x128xf32> to vector<128xf32>
      %broadcast_in_dim3A_2416 = vector.shape_cast %reduce_sum3A_2415 : vector<128xf32> to vector<128x1xf32>
      %mul3A_2417 = vector.broadcast %broadcast_in_dim3A_2410 : vector<128x1xf32> to vector<128x128xf32>
      %mul3A_2418 = arith.mulf %select_n3A_1408, %mul3A_2417 : vector<128x128xf32>
      %mul3A_2419 = vector.broadcast %broadcast_in_dim3A_2416 : vector<128x1xf32> to vector<128x128xf32>
      %mul3A_2420 = arith.mulf %select_n3A_1792, %mul3A_2419 : vector<128x128xf32>
      %add3A_2421 = arith.addf %mul3A_2418, %mul3A_2420 : vector<128x128xf32>
      %convert_element_type3A_2422 = arith.truncf %add3A_2421 : vector<128x128xf32> to vector<128x128xbf16>
      %slice3A_2423 = vector.extract_strided_slice %convert_element_type3A_2324 {offsets = [0, 384], sizes = [257, 128], strides = [1, 1]} : vector<257x4096xbf16> to vector<257x128xbf16>
      %dot_general3A_2424 = arith.constant dense<0.000000e+00> : vector<257x128xf32>
      %dot_general3A_2425 = tpu.matmul %slice3A_2423, %convert_element_type3A_2422, %dot_general3A_2424 {dimension_numbers = #tpu.dot_dimension_numbers<[1], [0], [0], [1], [0, 0, 1, 1], [], []>, transpose_lhs_hint = false} : vector<257x128xbf16>, vector<128x128xbf16>, vector<257x128xf32> -> vector<257x128xf32>
      %slice3A_2426 = vector.extract_strided_slice %mul3A_2338 {offsets = [0, 512], sizes = [1, 128], strides = [1, 1]} : vector<1x4096xf32> to vector<1x128xf32>
      %mul3A_2427 = vector.broadcast %slice3A_2426 : vector<1x128xf32> to vector<128x128xf32>
      %mul3A_2428 = arith.mulf %select_n3A_1360, %mul3A_2427 : vector<128x128xf32>
      %reduce_sum3A_2429 = arith.constant dense<0.000000e+00> : vector<128xf32>
      %reduce_sum3A_2430 = vector.multi_reduction <add>, %mul3A_2428, %reduce_sum3A_2429 [1] : vector<128x128xf32> to vector<128xf32>
      %broadcast_in_dim3A_2431 = vector.shape_cast %reduce_sum3A_2430 : vector<128xf32> to vector<128x1xf32>
      %slice3A_2432 = vector.extract_strided_slice %mul3A_2341 {offsets = [0, 512], sizes = [1, 128], strides = [1, 1]} : vector<1x4096xf32> to vector<1x128xf32>
      %mul3A_2433 = vector.broadcast %slice3A_2432 : vector<1x128xf32> to vector<128x128xf32>
      %mul3A_2434 = arith.mulf %select_n3A_1360, %mul3A_2433 : vector<128x128xf32>
      %reduce_sum3A_2435 = arith.constant dense<0.000000e+00> : vector<128xf32>
      %reduce_sum3A_2436 = vector.multi_reduction <add>, %mul3A_2434, %reduce_sum3A_2435 [1] : vector<128x128xf32> to vector<128xf32>
      %broadcast_in_dim3A_2437 = vector.shape_cast %reduce_sum3A_2436 : vector<128xf32> to vector<128x1xf32>
      %mul3A_2438 = vector.broadcast %broadcast_in_dim3A_2431 : vector<128x1xf32> to vector<128x128xf32>
      %mul3A_2439 = arith.mulf %select_n3A_1420, %mul3A_2438 : vector<128x128xf32>
      %mul3A_2440 = vector.broadcast %broadcast_in_dim3A_2437 : vector<128x1xf32> to vector<128x128xf32>
      %mul3A_2441 = arith.mulf %select_n3A_1804, %mul3A_2440 : vector<128x128xf32>
      %add3A_2442 = arith.addf %mul3A_2439, %mul3A_2441 : vector<128x128xf32>
      %convert_element_type3A_2443 = arith.truncf %add3A_2442 : vector<128x128xf32> to vector<128x128xbf16>
      %slice3A_2444 = vector.extract_strided_slice %convert_element_type3A_2324 {offsets = [0, 512], sizes = [257, 128], strides = [1, 1]} : vector<257x4096xbf16> to vector<257x128xbf16>
      %dot_general3A_2445 = arith.constant dense<0.000000e+00> : vector<257x128xf32>
      %dot_general3A_2446 = tpu.matmul %slice3A_2444, %convert_element_type3A_2443, %dot_general3A_2445 {dimension_numbers = #tpu.dot_dimension_numbers<[1], [0], [0], [1], [0, 0, 1, 1], [], []>, transpose_lhs_hint = false} : vector<257x128xbf16>, vector<128x128xbf16>, vector<257x128xf32> -> vector<257x128xf32>
      %slice3A_2447 = vector.extract_strided_slice %mul3A_2338 {offsets = [0, 640], sizes = [1, 128], strides = [1, 1]} : vector<1x4096xf32> to vector<1x128xf32>
      %mul3A_2448 = vector.broadcast %slice3A_2447 : vector<1x128xf32> to vector<128x128xf32>
      %mul3A_2449 = arith.mulf %select_n3A_1360, %mul3A_2448 : vector<128x128xf32>
      %reduce_sum3A_2450 = arith.constant dense<0.000000e+00> : vector<128xf32>
      %reduce_sum3A_2451 = vector.multi_reduction <add>, %mul3A_2449, %reduce_sum3A_2450 [1] : vector<128x128xf32> to vector<128xf32>
      %broadcast_in_dim3A_2452 = vector.shape_cast %reduce_sum3A_2451 : vector<128xf32> to vector<128x1xf32>
      %slice3A_2453 = vector.extract_strided_slice %mul3A_2341 {offsets = [0, 640], sizes = [1, 128], strides = [1, 1]} : vector<1x4096xf32> to vector<1x128xf32>
      %mul3A_2454 = vector.broadcast %slice3A_2453 : vector<1x128xf32> to vector<128x128xf32>
      %mul3A_2455 = arith.mulf %select_n3A_1360, %mul3A_2454 : vector<128x128xf32>
      %reduce_sum3A_2456 = arith.constant dense<0.000000e+00> : vector<128xf32>
      %reduce_sum3A_2457 = vector.multi_reduction <add>, %mul3A_2455, %reduce_sum3A_2456 [1] : vector<128x128xf32> to vector<128xf32>
      %broadcast_in_dim3A_2458 = vector.shape_cast %reduce_sum3A_2457 : vector<128xf32> to vector<128x1xf32>
      %mul3A_2459 = vector.broadcast %broadcast_in_dim3A_2452 : vector<128x1xf32> to vector<128x128xf32>
      %mul3A_2460 = arith.mulf %select_n3A_1432, %mul3A_2459 : vector<128x128xf32>
      %mul3A_2461 = vector.broadcast %broadcast_in_dim3A_2458 : vector<128x1xf32> to vector<128x128xf32>
      %mul3A_2462 = arith.mulf %select_n3A_1816, %mul3A_2461 : vector<128x128xf32>
      %add3A_2463 = arith.addf %mul3A_2460, %mul3A_2462 : vector<128x128xf32>
      %convert_element_type3A_2464 = arith.truncf %add3A_2463 : vector<128x128xf32> to vector<128x128xbf16>
      %slice3A_2465 = vector.extract_strided_slice %convert_element_type3A_2324 {offsets = [0, 640], sizes = [257, 128], strides = [1, 1]} : vector<257x4096xbf16> to vector<257x128xbf16>
      %dot_general3A_2466 = arith.constant dense<0.000000e+00> : vector<257x128xf32>
      %dot_general3A_2467 = tpu.matmul %slice3A_2465, %convert_element_type3A_2464, %dot_general3A_2466 {dimension_numbers = #tpu.dot_dimension_numbers<[1], [0], [0], [1], [0, 0, 1, 1], [], []>, transpose_lhs_hint = false} : vector<257x128xbf16>, vector<128x128xbf16>, vector<257x128xf32> -> vector<257x128xf32>
      %slice3A_2468 = vector.extract_strided_slice %mul3A_2338 {offsets = [0, 768], sizes = [1, 128], strides = [1, 1]} : vector<1x4096xf32> to vector<1x128xf32>
      %mul3A_2469 = vector.broadcast %slice3A_2468 : vector<1x128xf32> to vector<128x128xf32>
      %mul3A_2470 = arith.mulf %select_n3A_1360, %mul3A_2469 : vector<128x128xf32>
      %reduce_sum3A_2471 = arith.constant dense<0.000000e+00> : vector<128xf32>
      %reduce_sum3A_2472 = vector.multi_reduction <add>, %mul3A_2470, %reduce_sum3A_2471 [1] : vector<128x128xf32> to vector<128xf32>
      %broadcast_in_dim3A_2473 = vector.shape_cast %reduce_sum3A_2472 : vector<128xf32> to vector<128x1xf32>
      %slice3A_2474 = vector.extract_strided_slice %mul3A_2341 {offsets = [0, 768], sizes = [1, 128], strides = [1, 1]} : vector<1x4096xf32> to vector<1x128xf32>
      %mul3A_2475 = vector.broadcast %slice3A_2474 : vector<1x128xf32> to vector<128x128xf32>
      %mul3A_2476 = arith.mulf %select_n3A_1360, %mul3A_2475 : vector<128x128xf32>
      %reduce_sum3A_2477 = arith.constant dense<0.000000e+00> : vector<128xf32>
      %reduce_sum3A_2478 = vector.multi_reduction <add>, %mul3A_2476, %reduce_sum3A_2477 [1] : vector<128x128xf32> to vector<128xf32>
      %broadcast_in_dim3A_2479 = vector.shape_cast %reduce_sum3A_2478 : vector<128xf32> to vector<128x1xf32>
      %mul3A_2480 = vector.broadcast %broadcast_in_dim3A_2473 : vector<128x1xf32> to vector<128x128xf32>
      %mul3A_2481 = arith.mulf %select_n3A_1444, %mul3A_2480 : vector<128x128xf32>
      %mul3A_2482 = vector.broadcast %broadcast_in_dim3A_2479 : vector<128x1xf32> to vector<128x128xf32>
      %mul3A_2483 = arith.mulf %select_n3A_1828, %mul3A_2482 : vector<128x128xf32>
      %add3A_2484 = arith.addf %mul3A_2481, %mul3A_2483 : vector<128x128xf32>
      %convert_element_type3A_2485 = arith.truncf %add3A_2484 : vector<128x128xf32> to vector<128x128xbf16>
      %slice3A_2486 = vector.extract_strided_slice %convert_element_type3A_2324 {offsets = [0, 768], sizes = [257, 128], strides = [1, 1]} : vector<257x4096xbf16> to vector<257x128xbf16>
      %dot_general3A_2487 = arith.constant dense<0.000000e+00> : vector<257x128xf32>
      %dot_general3A_2488 = tpu.matmul %slice3A_2486, %convert_element_type3A_2485, %dot_general3A_2487 {dimension_numbers = #tpu.dot_dimension_numbers<[1], [0], [0], [1], [0, 0, 1, 1], [], []>, transpose_lhs_hint = false} : vector<257x128xbf16>, vector<128x128xbf16>, vector<257x128xf32> -> vector<257x128xf32>
      %slice3A_2489 = vector.extract_strided_slice %mul3A_2338 {offsets = [0, 896], sizes = [1, 128], strides = [1, 1]} : vector<1x4096xf32> to vector<1x128xf32>
      %mul3A_2490 = vector.broadcast %slice3A_2489 : vector<1x128xf32> to vector<128x128xf32>
      %mul3A_2491 = arith.mulf %select_n3A_1360, %mul3A_2490 : vector<128x128xf32>
      %reduce_sum3A_2492 = arith.constant dense<0.000000e+00> : vector<128xf32>
      %reduce_sum3A_2493 = vector.multi_reduction <add>, %mul3A_2491, %reduce_sum3A_2492 [1] : vector<128x128xf32> to vector<128xf32>
      %broadcast_in_dim3A_2494 = vector.shape_cast %reduce_sum3A_2493 : vector<128xf32> to vector<128x1xf32>
      %slice3A_2495 = vector.extract_strided_slice %mul3A_2341 {offsets = [0, 896], sizes = [1, 128], strides = [1, 1]} : vector<1x4096xf32> to vector<1x128xf32>
      %mul3A_2496 = vector.broadcast %slice3A_2495 : vector<1x128xf32> to vector<128x128xf32>
      %mul3A_2497 = arith.mulf %select_n3A_1360, %mul3A_2496 : vector<128x128xf32>
      %reduce_sum3A_2498 = arith.constant dense<0.000000e+00> : vector<128xf32>
      %reduce_sum3A_2499 = vector.multi_reduction <add>, %mul3A_2497, %reduce_sum3A_2498 [1] : vector<128x128xf32> to vector<128xf32>
      %broadcast_in_dim3A_2500 = vector.shape_cast %reduce_sum3A_2499 : vector<128xf32> to vector<128x1xf32>
      %mul3A_2501 = vector.broadcast %broadcast_in_dim3A_2494 : vector<128x1xf32> to vector<128x128xf32>
      %mul3A_2502 = arith.mulf %select_n3A_1456, %mul3A_2501 : vector<128x128xf32>
      %mul3A_2503 = vector.broadcast %broadcast_in_dim3A_2500 : vector<128x1xf32> to vector<128x128xf32>
      %mul3A_2504 = arith.mulf %select_n3A_1840, %mul3A_2503 : vector<128x128xf32>
      %add3A_2505 = arith.addf %mul3A_2502, %mul3A_2504 : vector<128x128xf32>
      %convert_element_type3A_2506 = arith.truncf %add3A_2505 : vector<128x128xf32> to vector<128x128xbf16>
      %slice3A_2507 = vector.extract_strided_slice %convert_element_type3A_2324 {offsets = [0, 896], sizes = [257, 128], strides = [1, 1]} : vector<257x4096xbf16> to vector<257x128xbf16>
      %dot_general3A_2508 = arith.constant dense<0.000000e+00> : vector<257x128xf32>
      %dot_general3A_2509 = tpu.matmul %slice3A_2507, %convert_element_type3A_2506, %dot_general3A_2508 {dimension_numbers = #tpu.dot_dimension_numbers<[1], [0], [0], [1], [0, 0, 1, 1], [], []>, transpose_lhs_hint = false} : vector<257x128xbf16>, vector<128x128xbf16>, vector<257x128xf32> -> vector<257x128xf32>
      %slice3A_2510 = vector.extract_strided_slice %mul3A_2338 {offsets = [0, 1024], sizes = [1, 128], strides = [1, 1]} : vector<1x4096xf32> to vector<1x128xf32>
      %mul3A_2511 = vector.broadcast %slice3A_2510 : vector<1x128xf32> to vector<128x128xf32>
      %mul3A_2512 = arith.mulf %select_n3A_1360, %mul3A_2511 : vector<128x128xf32>
      %reduce_sum3A_2513 = arith.constant dense<0.000000e+00> : vector<128xf32>
      %reduce_sum3A_2514 = vector.multi_reduction <add>, %mul3A_2512, %reduce_sum3A_2513 [1] : vector<128x128xf32> to vector<128xf32>
      %broadcast_in_dim3A_2515 = vector.shape_cast %reduce_sum3A_2514 : vector<128xf32> to vector<128x1xf32>
      %slice3A_2516 = vector.extract_strided_slice %mul3A_2341 {offsets = [0, 1024], sizes = [1, 128], strides = [1, 1]} : vector<1x4096xf32> to vector<1x128xf32>
      %mul3A_2517 = vector.broadcast %slice3A_2516 : vector<1x128xf32> to vector<128x128xf32>
      %mul3A_2518 = arith.mulf %select_n3A_1360, %mul3A_2517 : vector<128x128xf32>
      %reduce_sum3A_2519 = arith.constant dense<0.000000e+00> : vector<128xf32>
      %reduce_sum3A_2520 = vector.multi_reduction <add>, %mul3A_2518, %reduce_sum3A_2519 [1] : vector<128x128xf32> to vector<128xf32>
      %broadcast_in_dim3A_2521 = vector.shape_cast %reduce_sum3A_2520 : vector<128xf32> to vector<128x1xf32>
      %mul3A_2522 = vector.broadcast %broadcast_in_dim3A_2515 : vector<128x1xf32> to vector<128x128xf32>
      %mul3A_2523 = arith.mulf %select_n3A_1468, %mul3A_2522 : vector<128x128xf32>
      %mul3A_2524 = vector.broadcast %broadcast_in_dim3A_2521 : vector<128x1xf32> to vector<128x128xf32>
      %mul3A_2525 = arith.mulf %select_n3A_1852, %mul3A_2524 : vector<128x128xf32>
      %add3A_2526 = arith.addf %mul3A_2523, %mul3A_2525 : vector<128x128xf32>
      %convert_element_type3A_2527 = arith.truncf %add3A_2526 : vector<128x128xf32> to vector<128x128xbf16>
      %slice3A_2528 = vector.extract_strided_slice %convert_element_type3A_2324 {offsets = [0, 1024], sizes = [257, 128], strides = [1, 1]} : vector<257x4096xbf16> to vector<257x128xbf16>
      %dot_general3A_2529 = arith.constant dense<0.000000e+00> : vector<257x128xf32>
      %dot_general3A_2530 = tpu.matmul %slice3A_2528, %convert_element_type3A_2527, %dot_general3A_2529 {dimension_numbers = #tpu.dot_dimension_numbers<[1], [0], [0], [1], [0, 0, 1, 1], [], []>, transpose_lhs_hint = false} : vector<257x128xbf16>, vector<128x128xbf16>, vector<257x128xf32> -> vector<257x128xf32>
      %slice3A_2531 = vector.extract_strided_slice %mul3A_2338 {offsets = [0, 1152], sizes = [1, 128], strides = [1, 1]} : vector<1x4096xf32> to vector<1x128xf32>
      %mul3A_2532 = vector.broadcast %slice3A_2531 : vector<1x128xf32> to vector<128x128xf32>
      %mul3A_2533 = arith.mulf %select_n3A_1360, %mul3A_2532 : vector<128x128xf32>
      %reduce_sum3A_2534 = arith.constant dense<0.000000e+00> : vector<128xf32>
      %reduce_sum3A_2535 = vector.multi_reduction <add>, %mul3A_2533, %reduce_sum3A_2534 [1] : vector<128x128xf32> to vector<128xf32>
      %broadcast_in_dim3A_2536 = vector.shape_cast %reduce_sum3A_2535 : vector<128xf32> to vector<128x1xf32>
      %slice3A_2537 = vector.extract_strided_slice %mul3A_2341 {offsets = [0, 1152], sizes = [1, 128], strides = [1, 1]} : vector<1x4096xf32> to vector<1x128xf32>
      %mul3A_2538 = vector.broadcast %slice3A_2537 : vector<1x128xf32> to vector<128x128xf32>
      %mul3A_2539 = arith.mulf %select_n3A_1360, %mul3A_2538 : vector<128x128xf32>
      %reduce_sum3A_2540 = arith.constant dense<0.000000e+00> : vector<128xf32>
      %reduce_sum3A_2541 = vector.multi_reduction <add>, %mul3A_2539, %reduce_sum3A_2540 [1] : vector<128x128xf32> to vector<128xf32>
      %broadcast_in_dim3A_2542 = vector.shape_cast %reduce_sum3A_2541 : vector<128xf32> to vector<128x1xf32>
      %mul3A_2543 = vector.broadcast %broadcast_in_dim3A_2536 : vector<128x1xf32> to vector<128x128xf32>
      %mul3A_2544 = arith.mulf %select_n3A_1480, %mul3A_2543 : vector<128x128xf32>
      %mul3A_2545 = vector.broadcast %broadcast_in_dim3A_2542 : vector<128x1xf32> to vector<128x128xf32>
      %mul3A_2546 = arith.mulf %select_n3A_1864, %mul3A_2545 : vector<128x128xf32>
      %add3A_2547 = arith.addf %mul3A_2544, %mul3A_2546 : vector<128x128xf32>
      %convert_element_type3A_2548 = arith.truncf %add3A_2547 : vector<128x128xf32> to vector<128x128xbf16>
      %slice3A_2549 = vector.extract_strided_slice %convert_element_type3A_2324 {offsets = [0, 1152], sizes = [257, 128], strides = [1, 1]} : vector<257x4096xbf16> to vector<257x128xbf16>
      %dot_general3A_2550 = arith.constant dense<0.000000e+00> : vector<257x128xf32>
      %dot_general3A_2551 = tpu.matmul %slice3A_2549, %convert_element_type3A_2548, %dot_general3A_2550 {dimension_numbers = #tpu.dot_dimension_numbers<[1], [0], [0], [1], [0, 0, 1, 1], [], []>, transpose_lhs_hint = false} : vector<257x128xbf16>, vector<128x128xbf16>, vector<257x128xf32> -> vector<257x128xf32>
      %slice3A_2552 = vector.extract_strided_slice %mul3A_2338 {offsets = [0, 1280], sizes = [1, 128], strides = [1, 1]} : vector<1x4096xf32> to vector<1x128xf32>
      %mul3A_2553 = vector.broadcast %slice3A_2552 : vector<1x128xf32> to vector<128x128xf32>
      %mul3A_2554 = arith.mulf %select_n3A_1360, %mul3A_2553 : vector<128x128xf32>
      %reduce_sum3A_2555 = arith.constant dense<0.000000e+00> : vector<128xf32>
      %reduce_sum3A_2556 = vector.multi_reduction <add>, %mul3A_2554, %reduce_sum3A_2555 [1] : vector<128x128xf32> to vector<128xf32>
      %broadcast_in_dim3A_2557 = vector.shape_cast %reduce_sum3A_2556 : vector<128xf32> to vector<128x1xf32>
      %slice3A_2558 = vector.extract_strided_slice %mul3A_2341 {offsets = [0, 1280], sizes = [1, 128], strides = [1, 1]} : vector<1x4096xf32> to vector<1x128xf32>
      %mul3A_2559 = vector.broadcast %slice3A_2558 : vector<1x128xf32> to vector<128x128xf32>
      %mul3A_2560 = arith.mulf %select_n3A_1360, %mul3A_2559 : vector<128x128xf32>
      %reduce_sum3A_2561 = arith.constant dense<0.000000e+00> : vector<128xf32>
      %reduce_sum3A_2562 = vector.multi_reduction <add>, %mul3A_2560, %reduce_sum3A_2561 [1] : vector<128x128xf32> to vector<128xf32>
      %broadcast_in_dim3A_2563 = vector.shape_cast %reduce_sum3A_2562 : vector<128xf32> to vector<128x1xf32>
      %mul3A_2564 = vector.broadcast %broadcast_in_dim3A_2557 : vector<128x1xf32> to vector<128x128xf32>
      %mul3A_2565 = arith.mulf %select_n3A_1492, %mul3A_2564 : vector<128x128xf32>
      %mul3A_2566 = vector.broadcast %broadcast_in_dim3A_2563 : vector<128x1xf32> to vector<128x128xf32>
      %mul3A_2567 = arith.mulf %select_n3A_1876, %mul3A_2566 : vector<128x128xf32>
      %add3A_2568 = arith.addf %mul3A_2565, %mul3A_2567 : vector<128x128xf32>
      %convert_element_type3A_2569 = arith.truncf %add3A_2568 : vector<128x128xf32> to vector<128x128xbf16>
      %slice3A_2570 = vector.extract_strided_slice %convert_element_type3A_2324 {offsets = [0, 1280], sizes = [257, 128], strides = [1, 1]} : vector<257x4096xbf16> to vector<257x128xbf16>
      %dot_general3A_2571 = arith.constant dense<0.000000e+00> : vector<257x128xf32>
      %dot_general3A_2572 = tpu.matmul %slice3A_2570, %convert_element_type3A_2569, %dot_general3A_2571 {dimension_numbers = #tpu.dot_dimension_numbers<[1], [0], [0], [1], [0, 0, 1, 1], [], []>, transpose_lhs_hint = false} : vector<257x128xbf16>, vector<128x128xbf16>, vector<257x128xf32> -> vector<257x128xf32>
      %slice3A_2573 = vector.extract_strided_slice %mul3A_2338 {offsets = [0, 1408], sizes = [1, 128], strides = [1, 1]} : vector<1x4096xf32> to vector<1x128xf32>
      %mul3A_2574 = vector.broadcast %slice3A_2573 : vector<1x128xf32> to vector<128x128xf32>
      %mul3A_2575 = arith.mulf %select_n3A_1360, %mul3A_2574 : vector<128x128xf32>
      %reduce_sum3A_2576 = arith.constant dense<0.000000e+00> : vector<128xf32>
      %reduce_sum3A_2577 = vector.multi_reduction <add>, %mul3A_2575, %reduce_sum3A_2576 [1] : vector<128x128xf32> to vector<128xf32>
      %broadcast_in_dim3A_2578 = vector.shape_cast %reduce_sum3A_2577 : vector<128xf32> to vector<128x1xf32>
      %slice3A_2579 = vector.extract_strided_slice %mul3A_2341 {offsets = [0, 1408], sizes = [1, 128], strides = [1, 1]} : vector<1x4096xf32> to vector<1x128xf32>
      %mul3A_2580 = vector.broadcast %slice3A_2579 : vector<1x128xf32> to vector<128x128xf32>
      %mul3A_2581 = arith.mulf %select_n3A_1360, %mul3A_2580 : vector<128x128xf32>
      %reduce_sum3A_2582 = arith.constant dense<0.000000e+00> : vector<128xf32>
      %reduce_sum3A_2583 = vector.multi_reduction <add>, %mul3A_2581, %reduce_sum3A_2582 [1] : vector<128x128xf32> to vector<128xf32>
      %broadcast_in_dim3A_2584 = vector.shape_cast %reduce_sum3A_2583 : vector<128xf32> to vector<128x1xf32>
      %mul3A_2585 = vector.broadcast %broadcast_in_dim3A_2578 : vector<128x1xf32> to vector<128x128xf32>
      %mul3A_2586 = arith.mulf %select_n3A_1504, %mul3A_2585 : vector<128x128xf32>
      %mul3A_2587 = vector.broadcast %broadcast_in_dim3A_2584 : vector<128x1xf32> to vector<128x128xf32>
      %mul3A_2588 = arith.mulf %select_n3A_1888, %mul3A_2587 : vector<128x128xf32>
      %add3A_2589 = arith.addf %mul3A_2586, %mul3A_2588 : vector<128x128xf32>
      %convert_element_type3A_2590 = arith.truncf %add3A_2589 : vector<128x128xf32> to vector<128x128xbf16>
      %slice3A_2591 = vector.extract_strided_slice %convert_element_type3A_2324 {offsets = [0, 1408], sizes = [257, 128], strides = [1, 1]} : vector<257x4096xbf16> to vector<257x128xbf16>
      %dot_general3A_2592 = arith.constant dense<0.000000e+00> : vector<257x128xf32>
      %dot_general3A_2593 = tpu.matmul %slice3A_2591, %convert_element_type3A_2590, %dot_general3A_2592 {dimension_numbers = #tpu.dot_dimension_numbers<[1], [0], [0], [1], [0, 0, 1, 1], [], []>, transpose_lhs_hint = false} : vector<257x128xbf16>, vector<128x128xbf16>, vector<257x128xf32> -> vector<257x128xf32>
      %slice3A_2594 = vector.extract_strided_slice %mul3A_2338 {offsets = [0, 1536], sizes = [1, 128], strides = [1, 1]} : vector<1x4096xf32> to vector<1x128xf32>
      %mul3A_2595 = vector.broadcast %slice3A_2594 : vector<1x128xf32> to vector<128x128xf32>
      %mul3A_2596 = arith.mulf %select_n3A_1360, %mul3A_2595 : vector<128x128xf32>
      %reduce_sum3A_2597 = arith.constant dense<0.000000e+00> : vector<128xf32>
      %reduce_sum3A_2598 = vector.multi_reduction <add>, %mul3A_2596, %reduce_sum3A_2597 [1] : vector<128x128xf32> to vector<128xf32>
      %broadcast_in_dim3A_2599 = vector.shape_cast %reduce_sum3A_2598 : vector<128xf32> to vector<128x1xf32>
      %slice3A_2600 = vector.extract_strided_slice %mul3A_2341 {offsets = [0, 1536], sizes = [1, 128], strides = [1, 1]} : vector<1x4096xf32> to vector<1x128xf32>
      %mul3A_2601 = vector.broadcast %slice3A_2600 : vector<1x128xf32> to vector<128x128xf32>
      %mul3A_2602 = arith.mulf %select_n3A_1360, %mul3A_2601 : vector<128x128xf32>
      %reduce_sum3A_2603 = arith.constant dense<0.000000e+00> : vector<128xf32>
      %reduce_sum3A_2604 = vector.multi_reduction <add>, %mul3A_2602, %reduce_sum3A_2603 [1] : vector<128x128xf32> to vector<128xf32>
      %broadcast_in_dim3A_2605 = vector.shape_cast %reduce_sum3A_2604 : vector<128xf32> to vector<128x1xf32>
      %mul3A_2606 = vector.broadcast %broadcast_in_dim3A_2599 : vector<128x1xf32> to vector<128x128xf32>
      %mul3A_2607 = arith.mulf %select_n3A_1516, %mul3A_2606 : vector<128x128xf32>
      %mul3A_2608 = vector.broadcast %broadcast_in_dim3A_2605 : vector<128x1xf32> to vector<128x128xf32>
      %mul3A_2609 = arith.mulf %select_n3A_1900, %mul3A_2608 : vector<128x128xf32>
      %add3A_2610 = arith.addf %mul3A_2607, %mul3A_2609 : vector<128x128xf32>
      %convert_element_type3A_2611 = arith.truncf %add3A_2610 : vector<128x128xf32> to vector<128x128xbf16>
      %slice3A_2612 = vector.extract_strided_slice %convert_element_type3A_2324 {offsets = [0, 1536], sizes = [257, 128], strides = [1, 1]} : vector<257x4096xbf16> to vector<257x128xbf16>
      %dot_general3A_2613 = arith.constant dense<0.000000e+00> : vector<257x128xf32>
      %dot_general3A_2614 = tpu.matmul %slice3A_2612, %convert_element_type3A_2611, %dot_general3A_2613 {dimension_numbers = #tpu.dot_dimension_numbers<[1], [0], [0], [1], [0, 0, 1, 1], [], []>, transpose_lhs_hint = false} : vector<257x128xbf16>, vector<128x128xbf16>, vector<257x128xf32> -> vector<257x128xf32>
      %slice3A_2615 = vector.extract_strided_slice %mul3A_2338 {offsets = [0, 1664], sizes = [1, 128], strides = [1, 1]} : vector<1x4096xf32> to vector<1x128xf32>
      %mul3A_2616 = vector.broadcast %slice3A_2615 : vector<1x128xf32> to vector<128x128xf32>
      %mul3A_2617 = arith.mulf %select_n3A_1360, %mul3A_2616 : vector<128x128xf32>
      %reduce_sum3A_2618 = arith.constant dense<0.000000e+00> : vector<128xf32>
      %reduce_sum3A_2619 = vector.multi_reduction <add>, %mul3A_2617, %reduce_sum3A_2618 [1] : vector<128x128xf32> to vector<128xf32>
      %broadcast_in_dim3A_2620 = vector.shape_cast %reduce_sum3A_2619 : vector<128xf32> to vector<128x1xf32>
      %slice3A_2621 = vector.extract_strided_slice %mul3A_2341 {offsets = [0, 1664], sizes = [1, 128], strides = [1, 1]} : vector<1x4096xf32> to vector<1x128xf32>
      %mul3A_2622 = vector.broadcast %slice3A_2621 : vector<1x128xf32> to vector<128x128xf32>
      %mul3A_2623 = arith.mulf %select_n3A_1360, %mul3A_2622 : vector<128x128xf32>
      %reduce_sum3A_2624 = arith.constant dense<0.000000e+00> : vector<128xf32>
      %reduce_sum3A_2625 = vector.multi_reduction <add>, %mul3A_2623, %reduce_sum3A_2624 [1] : vector<128x128xf32> to vector<128xf32>
      %broadcast_in_dim3A_2626 = vector.shape_cast %reduce_sum3A_2625 : vector<128xf32> to vector<128x1xf32>
      %mul3A_2627 = vector.broadcast %broadcast_in_dim3A_2620 : vector<128x1xf32> to vector<128x128xf32>
      %mul3A_2628 = arith.mulf %select_n3A_1528, %mul3A_2627 : vector<128x128xf32>
      %mul3A_2629 = vector.broadcast %broadcast_in_dim3A_2626 : vector<128x1xf32> to vector<128x128xf32>
      %mul3A_2630 = arith.mulf %select_n3A_1912, %mul3A_2629 : vector<128x128xf32>
      %add3A_2631 = arith.addf %mul3A_2628, %mul3A_2630 : vector<128x128xf32>
      %convert_element_type3A_2632 = arith.truncf %add3A_2631 : vector<128x128xf32> to vector<128x128xbf16>
      %slice3A_2633 = vector.extract_strided_slice %convert_element_type3A_2324 {offsets = [0, 1664], sizes = [257, 128], strides = [1, 1]} : vector<257x4096xbf16> to vector<257x128xbf16>
      %dot_general3A_2634 = arith.constant dense<0.000000e+00> : vector<257x128xf32>
      %dot_general3A_2635 = tpu.matmul %slice3A_2633, %convert_element_type3A_2632, %dot_general3A_2634 {dimension_numbers = #tpu.dot_dimension_numbers<[1], [0], [0], [1], [0, 0, 1, 1], [], []>, transpose_lhs_hint = false} : vector<257x128xbf16>, vector<128x128xbf16>, vector<257x128xf32> -> vector<257x128xf32>
      %slice3A_2636 = vector.extract_strided_slice %mul3A_2338 {offsets = [0, 1792], sizes = [1, 128], strides = [1, 1]} : vector<1x4096xf32> to vector<1x128xf32>
      %mul3A_2637 = vector.broadcast %slice3A_2636 : vector<1x128xf32> to vector<128x128xf32>
      %mul3A_2638 = arith.mulf %select_n3A_1360, %mul3A_2637 : vector<128x128xf32>
      %reduce_sum3A_2639 = arith.constant dense<0.000000e+00> : vector<128xf32>
      %reduce_sum3A_2640 = vector.multi_reduction <add>, %mul3A_2638, %reduce_sum3A_2639 [1] : vector<128x128xf32> to vector<128xf32>
      %broadcast_in_dim3A_2641 = vector.shape_cast %reduce_sum3A_2640 : vector<128xf32> to vector<128x1xf32>
      %slice3A_2642 = vector.extract_strided_slice %mul3A_2341 {offsets = [0, 1792], sizes = [1, 128], strides = [1, 1]} : vector<1x4096xf32> to vector<1x128xf32>
      %mul3A_2643 = vector.broadcast %slice3A_2642 : vector<1x128xf32> to vector<128x128xf32>
      %mul3A_2644 = arith.mulf %select_n3A_1360, %mul3A_2643 : vector<128x128xf32>
      %reduce_sum3A_2645 = arith.constant dense<0.000000e+00> : vector<128xf32>
      %reduce_sum3A_2646 = vector.multi_reduction <add>, %mul3A_2644, %reduce_sum3A_2645 [1] : vector<128x128xf32> to vector<128xf32>
      %broadcast_in_dim3A_2647 = vector.shape_cast %reduce_sum3A_2646 : vector<128xf32> to vector<128x1xf32>
      %mul3A_2648 = vector.broadcast %broadcast_in_dim3A_2641 : vector<128x1xf32> to vector<128x128xf32>
      %mul3A_2649 = arith.mulf %select_n3A_1540, %mul3A_2648 : vector<128x128xf32>
      %mul3A_2650 = vector.broadcast %broadcast_in_dim3A_2647 : vector<128x1xf32> to vector<128x128xf32>
      %mul3A_2651 = arith.mulf %select_n3A_1924, %mul3A_2650 : vector<128x128xf32>
      %add3A_2652 = arith.addf %mul3A_2649, %mul3A_2651 : vector<128x128xf32>
      %convert_element_type3A_2653 = arith.truncf %add3A_2652 : vector<128x128xf32> to vector<128x128xbf16>
      %slice3A_2654 = vector.extract_strided_slice %convert_element_type3A_2324 {offsets = [0, 1792], sizes = [257, 128], strides = [1, 1]} : vector<257x4096xbf16> to vector<257x128xbf16>
      %dot_general3A_2655 = arith.constant dense<0.000000e+00> : vector<257x128xf32>
      %dot_general3A_2656 = tpu.matmul %slice3A_2654, %convert_element_type3A_2653, %dot_general3A_2655 {dimension_numbers = #tpu.dot_dimension_numbers<[1], [0], [0], [1], [0, 0, 1, 1], [], []>, transpose_lhs_hint = false} : vector<257x128xbf16>, vector<128x128xbf16>, vector<257x128xf32> -> vector<257x128xf32>
      %slice3A_2657 = vector.extract_strided_slice %mul3A_2338 {offsets = [0, 1920], sizes = [1, 128], strides = [1, 1]} : vector<1x4096xf32> to vector<1x128xf32>
      %mul3A_2658 = vector.broadcast %slice3A_2657 : vector<1x128xf32> to vector<128x128xf32>
      %mul3A_2659 = arith.mulf %select_n3A_1360, %mul3A_2658 : vector<128x128xf32>
      %reduce_sum3A_2660 = arith.constant dense<0.000000e+00> : vector<128xf32>
      %reduce_sum3A_2661 = vector.multi_reduction <add>, %mul3A_2659, %reduce_sum3A_2660 [1] : vector<128x128xf32> to vector<128xf32>
      %broadcast_in_dim3A_2662 = vector.shape_cast %reduce_sum3A_2661 : vector<128xf32> to vector<128x1xf32>
      %slice3A_2663 = vector.extract_strided_slice %mul3A_2341 {offsets = [0, 1920], sizes = [1, 128], strides = [1, 1]} : vector<1x4096xf32> to vector<1x128xf32>
      %mul3A_2664 = vector.broadcast %slice3A_2663 : vector<1x128xf32> to vector<128x128xf32>
      %mul3A_2665 = arith.mulf %select_n3A_1360, %mul3A_2664 : vector<128x128xf32>
      %reduce_sum3A_2666 = arith.constant dense<0.000000e+00> : vector<128xf32>
      %reduce_sum3A_2667 = vector.multi_reduction <add>, %mul3A_2665, %reduce_sum3A_2666 [1] : vector<128x128xf32> to vector<128xf32>
      %broadcast_in_dim3A_2668 = vector.shape_cast %reduce_sum3A_2667 : vector<128xf32> to vector<128x1xf32>
      %mul3A_2669 = vector.broadcast %broadcast_in_dim3A_2662 : vector<128x1xf32> to vector<128x128xf32>
      %mul3A_2670 = arith.mulf %select_n3A_1552, %mul3A_2669 : vector<128x128xf32>
      %mul3A_2671 = vector.broadcast %broadcast_in_dim3A_2668 : vector<128x1xf32> to vector<128x128xf32>
      %mul3A_2672 = arith.mulf %select_n3A_1936, %mul3A_2671 : vector<128x128xf32>
      %add3A_2673 = arith.addf %mul3A_2670, %mul3A_2672 : vector<128x128xf32>
      %convert_element_type3A_2674 = arith.truncf %add3A_2673 : vector<128x128xf32> to vector<128x128xbf16>
      %slice3A_2675 = vector.extract_strided_slice %convert_element_type3A_2324 {offsets = [0, 1920], sizes = [257, 128], strides = [1, 1]} : vector<257x4096xbf16> to vector<257x128xbf16>
      %dot_general3A_2676 = arith.constant dense<0.000000e+00> : vector<257x128xf32>
      %dot_general3A_2677 = tpu.matmul %slice3A_2675, %convert_element_type3A_2674, %dot_general3A_2676 {dimension_numbers = #tpu.dot_dimension_numbers<[1], [0], [0], [1], [0, 0, 1, 1], [], []>, transpose_lhs_hint = false} : vector<257x128xbf16>, vector<128x128xbf16>, vector<257x128xf32> -> vector<257x128xf32>
      %slice3A_2678 = vector.extract_strided_slice %mul3A_2338 {offsets = [0, 2048], sizes = [1, 128], strides = [1, 1]} : vector<1x4096xf32> to vector<1x128xf32>
      %mul3A_2679 = vector.broadcast %slice3A_2678 : vector<1x128xf32> to vector<128x128xf32>
      %mul3A_2680 = arith.mulf %select_n3A_1360, %mul3A_2679 : vector<128x128xf32>
      %reduce_sum3A_2681 = arith.constant dense<0.000000e+00> : vector<128xf32>
      %reduce_sum3A_2682 = vector.multi_reduction <add>, %mul3A_2680, %reduce_sum3A_2681 [1] : vector<128x128xf32> to vector<128xf32>
      %broadcast_in_dim3A_2683 = vector.shape_cast %reduce_sum3A_2682 : vector<128xf32> to vector<128x1xf32>
      %slice3A_2684 = vector.extract_strided_slice %mul3A_2341 {offsets = [0, 2048], sizes = [1, 128], strides = [1, 1]} : vector<1x4096xf32> to vector<1x128xf32>
      %mul3A_2685 = vector.broadcast %slice3A_2684 : vector<1x128xf32> to vector<128x128xf32>
      %mul3A_2686 = arith.mulf %select_n3A_1360, %mul3A_2685 : vector<128x128xf32>
      %reduce_sum3A_2687 = arith.constant dense<0.000000e+00> : vector<128xf32>
      %reduce_sum3A_2688 = vector.multi_reduction <add>, %mul3A_2686, %reduce_sum3A_2687 [1] : vector<128x128xf32> to vector<128xf32>
      %broadcast_in_dim3A_2689 = vector.shape_cast %reduce_sum3A_2688 : vector<128xf32> to vector<128x1xf32>
      %mul3A_2690 = vector.broadcast %broadcast_in_dim3A_2683 : vector<128x1xf32> to vector<128x128xf32>
      %mul3A_2691 = arith.mulf %select_n3A_1564, %mul3A_2690 : vector<128x128xf32>
      %mul3A_2692 = vector.broadcast %broadcast_in_dim3A_2689 : vector<128x1xf32> to vector<128x128xf32>
      %mul3A_2693 = arith.mulf %select_n3A_1948, %mul3A_2692 : vector<128x128xf32>
      %add3A_2694 = arith.addf %mul3A_2691, %mul3A_2693 : vector<128x128xf32>
      %convert_element_type3A_2695 = arith.truncf %add3A_2694 : vector<128x128xf32> to vector<128x128xbf16>
      %slice3A_2696 = vector.extract_strided_slice %convert_element_type3A_2324 {offsets = [0, 2048], sizes = [257, 128], strides = [1, 1]} : vector<257x4096xbf16> to vector<257x128xbf16>
      %dot_general3A_2697 = arith.constant dense<0.000000e+00> : vector<257x128xf32>
      %dot_general3A_2698 = tpu.matmul %slice3A_2696, %convert_element_type3A_2695, %dot_general3A_2697 {dimension_numbers = #tpu.dot_dimension_numbers<[1], [0], [0], [1], [0, 0, 1, 1], [], []>, transpose_lhs_hint = false} : vector<257x128xbf16>, vector<128x128xbf16>, vector<257x128xf32> -> vector<257x128xf32>
      %slice3A_2699 = vector.extract_strided_slice %mul3A_2338 {offsets = [0, 2176], sizes = [1, 128], strides = [1, 1]} : vector<1x4096xf32> to vector<1x128xf32>
      %mul3A_2700 = vector.broadcast %slice3A_2699 : vector<1x128xf32> to vector<128x128xf32>
      %mul3A_2701 = arith.mulf %select_n3A_1360, %mul3A_2700 : vector<128x128xf32>
      %reduce_sum3A_2702 = arith.constant dense<0.000000e+00> : vector<128xf32>
      %reduce_sum3A_2703 = vector.multi_reduction <add>, %mul3A_2701, %reduce_sum3A_2702 [1] : vector<128x128xf32> to vector<128xf32>
      %broadcast_in_dim3A_2704 = vector.shape_cast %reduce_sum3A_2703 : vector<128xf32> to vector<128x1xf32>
      %slice3A_2705 = vector.extract_strided_slice %mul3A_2341 {offsets = [0, 2176], sizes = [1, 128], strides = [1, 1]} : vector<1x4096xf32> to vector<1x128xf32>
      %mul3A_2706 = vector.broadcast %slice3A_2705 : vector<1x128xf32> to vector<128x128xf32>
      %mul3A_2707 = arith.mulf %select_n3A_1360, %mul3A_2706 : vector<128x128xf32>
      %reduce_sum3A_2708 = arith.constant dense<0.000000e+00> : vector<128xf32>
      %reduce_sum3A_2709 = vector.multi_reduction <add>, %mul3A_2707, %reduce_sum3A_2708 [1] : vector<128x128xf32> to vector<128xf32>
      %broadcast_in_dim3A_2710 = vector.shape_cast %reduce_sum3A_2709 : vector<128xf32> to vector<128x1xf32>
      %mul3A_2711 = vector.broadcast %broadcast_in_dim3A_2704 : vector<128x1xf32> to vector<128x128xf32>
      %mul3A_2712 = arith.mulf %select_n3A_1576, %mul3A_2711 : vector<128x128xf32>
      %mul3A_2713 = vector.broadcast %broadcast_in_dim3A_2710 : vector<128x1xf32> to vector<128x128xf32>
      %mul3A_2714 = arith.mulf %select_n3A_1960, %mul3A_2713 : vector<128x128xf32>
      %add3A_2715 = arith.addf %mul3A_2712, %mul3A_2714 : vector<128x128xf32>
      %convert_element_type3A_2716 = arith.truncf %add3A_2715 : vector<128x128xf32> to vector<128x128xbf16>
      %slice3A_2717 = vector.extract_strided_slice %convert_element_type3A_2324 {offsets = [0, 2176], sizes = [257, 128], strides = [1, 1]} : vector<257x4096xbf16> to vector<257x128xbf16>
      %dot_general3A_2718 = arith.constant dense<0.000000e+00> : vector<257x128xf32>
      %dot_general3A_2719 = tpu.matmul %slice3A_2717, %convert_element_type3A_2716, %dot_general3A_2718 {dimension_numbers = #tpu.dot_dimension_numbers<[1], [0], [0], [1], [0, 0, 1, 1], [], []>, transpose_lhs_hint = false} : vector<257x128xbf16>, vector<128x128xbf16>, vector<257x128xf32> -> vector<257x128xf32>
      %slice3A_2720 = vector.extract_strided_slice %mul3A_2338 {offsets = [0, 2304], sizes = [1, 128], strides = [1, 1]} : vector<1x4096xf32> to vector<1x128xf32>
      %mul3A_2721 = vector.broadcast %slice3A_2720 : vector<1x128xf32> to vector<128x128xf32>
      %mul3A_2722 = arith.mulf %select_n3A_1360, %mul3A_2721 : vector<128x128xf32>
      %reduce_sum3A_2723 = arith.constant dense<0.000000e+00> : vector<128xf32>
      %reduce_sum3A_2724 = vector.multi_reduction <add>, %mul3A_2722, %reduce_sum3A_2723 [1] : vector<128x128xf32> to vector<128xf32>
      %broadcast_in_dim3A_2725 = vector.shape_cast %reduce_sum3A_2724 : vector<128xf32> to vector<128x1xf32>
      %slice3A_2726 = vector.extract_strided_slice %mul3A_2341 {offsets = [0, 2304], sizes = [1, 128], strides = [1, 1]} : vector<1x4096xf32> to vector<1x128xf32>
      %mul3A_2727 = vector.broadcast %slice3A_2726 : vector<1x128xf32> to vector<128x128xf32>
      %mul3A_2728 = arith.mulf %select_n3A_1360, %mul3A_2727 : vector<128x128xf32>
      %reduce_sum3A_2729 = arith.constant dense<0.000000e+00> : vector<128xf32>
      %reduce_sum3A_2730 = vector.multi_reduction <add>, %mul3A_2728, %reduce_sum3A_2729 [1] : vector<128x128xf32> to vector<128xf32>
      %broadcast_in_dim3A_2731 = vector.shape_cast %reduce_sum3A_2730 : vector<128xf32> to vector<128x1xf32>
      %mul3A_2732 = vector.broadcast %broadcast_in_dim3A_2725 : vector<128x1xf32> to vector<128x128xf32>
      %mul3A_2733 = arith.mulf %select_n3A_1588, %mul3A_2732 : vector<128x128xf32>
      %mul3A_2734 = vector.broadcast %broadcast_in_dim3A_2731 : vector<128x1xf32> to vector<128x128xf32>
      %mul3A_2735 = arith.mulf %select_n3A_1972, %mul3A_2734 : vector<128x128xf32>
      %add3A_2736 = arith.addf %mul3A_2733, %mul3A_2735 : vector<128x128xf32>
      %convert_element_type3A_2737 = arith.truncf %add3A_2736 : vector<128x128xf32> to vector<128x128xbf16>
      %slice3A_2738 = vector.extract_strided_slice %convert_element_type3A_2324 {offsets = [0, 2304], sizes = [257, 128], strides = [1, 1]} : vector<257x4096xbf16> to vector<257x128xbf16>
      %dot_general3A_2739 = arith.constant dense<0.000000e+00> : vector<257x128xf32>
      %dot_general3A_2740 = tpu.matmul %slice3A_2738, %convert_element_type3A_2737, %dot_general3A_2739 {dimension_numbers = #tpu.dot_dimension_numbers<[1], [0], [0], [1], [0, 0, 1, 1], [], []>, transpose_lhs_hint = false} : vector<257x128xbf16>, vector<128x128xbf16>, vector<257x128xf32> -> vector<257x128xf32>
      %slice3A_2741 = vector.extract_strided_slice %mul3A_2338 {offsets = [0, 2432], sizes = [1, 128], strides = [1, 1]} : vector<1x4096xf32> to vector<1x128xf32>
      %mul3A_2742 = vector.broadcast %slice3A_2741 : vector<1x128xf32> to vector<128x128xf32>
      %mul3A_2743 = arith.mulf %select_n3A_1360, %mul3A_2742 : vector<128x128xf32>
      %reduce_sum3A_2744 = arith.constant dense<0.000000e+00> : vector<128xf32>
      %reduce_sum3A_2745 = vector.multi_reduction <add>, %mul3A_2743, %reduce_sum3A_2744 [1] : vector<128x128xf32> to vector<128xf32>
      %broadcast_in_dim3A_2746 = vector.shape_cast %reduce_sum3A_2745 : vector<128xf32> to vector<128x1xf32>
      %slice3A_2747 = vector.extract_strided_slice %mul3A_2341 {offsets = [0, 2432], sizes = [1, 128], strides = [1, 1]} : vector<1x4096xf32> to vector<1x128xf32>
      %mul3A_2748 = vector.broadcast %slice3A_2747 : vector<1x128xf32> to vector<128x128xf32>
      %mul3A_2749 = arith.mulf %select_n3A_1360, %mul3A_2748 : vector<128x128xf32>
      %reduce_sum3A_2750 = arith.constant dense<0.000000e+00> : vector<128xf32>
      %reduce_sum3A_2751 = vector.multi_reduction <add>, %mul3A_2749, %reduce_sum3A_2750 [1] : vector<128x128xf32> to vector<128xf32>
      %broadcast_in_dim3A_2752 = vector.shape_cast %reduce_sum3A_2751 : vector<128xf32> to vector<128x1xf32>
      %mul3A_2753 = vector.broadcast %broadcast_in_dim3A_2746 : vector<128x1xf32> to vector<128x128xf32>
      %mul3A_2754 = arith.mulf %select_n3A_1600, %mul3A_2753 : vector<128x128xf32>
      %mul3A_2755 = vector.broadcast %broadcast_in_dim3A_2752 : vector<128x1xf32> to vector<128x128xf32>
      %mul3A_2756 = arith.mulf %select_n3A_1984, %mul3A_2755 : vector<128x128xf32>
      %add3A_2757 = arith.addf %mul3A_2754, %mul3A_2756 : vector<128x128xf32>
      %convert_element_type3A_2758 = arith.truncf %add3A_2757 : vector<128x128xf32> to vector<128x128xbf16>
      %slice3A_2759 = vector.extract_strided_slice %convert_element_type3A_2324 {offsets = [0, 2432], sizes = [257, 128], strides = [1, 1]} : vector<257x4096xbf16> to vector<257x128xbf16>
      %dot_general3A_2760 = arith.constant dense<0.000000e+00> : vector<257x128xf32>
      %dot_general3A_2761 = tpu.matmul %slice3A_2759, %convert_element_type3A_2758, %dot_general3A_2760 {dimension_numbers = #tpu.dot_dimension_numbers<[1], [0], [0], [1], [0, 0, 1, 1], [], []>, transpose_lhs_hint = false} : vector<257x128xbf16>, vector<128x128xbf16>, vector<257x128xf32> -> vector<257x128xf32>
      %slice3A_2762 = vector.extract_strided_slice %mul3A_2338 {offsets = [0, 2560], sizes = [1, 128], strides = [1, 1]} : vector<1x4096xf32> to vector<1x128xf32>
      %mul3A_2763 = vector.broadcast %slice3A_2762 : vector<1x128xf32> to vector<128x128xf32>
      %mul3A_2764 = arith.mulf %select_n3A_1360, %mul3A_2763 : vector<128x128xf32>
      %reduce_sum3A_2765 = arith.constant dense<0.000000e+00> : vector<128xf32>
      %reduce_sum3A_2766 = vector.multi_reduction <add>, %mul3A_2764, %reduce_sum3A_2765 [1] : vector<128x128xf32> to vector<128xf32>
      %broadcast_in_dim3A_2767 = vector.shape_cast %reduce_sum3A_2766 : vector<128xf32> to vector<128x1xf32>
      %slice3A_2768 = vector.extract_strided_slice %mul3A_2341 {offsets = [0, 2560], sizes = [1, 128], strides = [1, 1]} : vector<1x4096xf32> to vector<1x128xf32>
      %mul3A_2769 = vector.broadcast %slice3A_2768 : vector<1x128xf32> to vector<128x128xf32>
      %mul3A_2770 = arith.mulf %select_n3A_1360, %mul3A_2769 : vector<128x128xf32>
      %reduce_sum3A_2771 = arith.constant dense<0.000000e+00> : vector<128xf32>
      %reduce_sum3A_2772 = vector.multi_reduction <add>, %mul3A_2770, %reduce_sum3A_2771 [1] : vector<128x128xf32> to vector<128xf32>
      %broadcast_in_dim3A_2773 = vector.shape_cast %reduce_sum3A_2772 : vector<128xf32> to vector<128x1xf32>
      %mul3A_2774 = vector.broadcast %broadcast_in_dim3A_2767 : vector<128x1xf32> to vector<128x128xf32>
      %mul3A_2775 = arith.mulf %select_n3A_1612, %mul3A_2774 : vector<128x128xf32>
      %mul3A_2776 = vector.broadcast %broadcast_in_dim3A_2773 : vector<128x1xf32> to vector<128x128xf32>
      %mul3A_2777 = arith.mulf %select_n3A_1996, %mul3A_2776 : vector<128x128xf32>
      %add3A_2778 = arith.addf %mul3A_2775, %mul3A_2777 : vector<128x128xf32>
      %convert_element_type3A_2779 = arith.truncf %add3A_2778 : vector<128x128xf32> to vector<128x128xbf16>
      %slice3A_2780 = vector.extract_strided_slice %convert_element_type3A_2324 {offsets = [0, 2560], sizes = [257, 128], strides = [1, 1]} : vector<257x4096xbf16> to vector<257x128xbf16>
      %dot_general3A_2781 = arith.constant dense<0.000000e+00> : vector<257x128xf32>
      %dot_general3A_2782 = tpu.matmul %slice3A_2780, %convert_element_type3A_2779, %dot_general3A_2781 {dimension_numbers = #tpu.dot_dimension_numbers<[1], [0], [0], [1], [0, 0, 1, 1], [], []>, transpose_lhs_hint = false} : vector<257x128xbf16>, vector<128x128xbf16>, vector<257x128xf32> -> vector<257x128xf32>
      %slice3A_2783 = vector.extract_strided_slice %mul3A_2338 {offsets = [0, 2688], sizes = [1, 128], strides = [1, 1]} : vector<1x4096xf32> to vector<1x128xf32>
      %mul3A_2784 = vector.broadcast %slice3A_2783 : vector<1x128xf32> to vector<128x128xf32>
      %mul3A_2785 = arith.mulf %select_n3A_1360, %mul3A_2784 : vector<128x128xf32>
      %reduce_sum3A_2786 = arith.constant dense<0.000000e+00> : vector<128xf32>
      %reduce_sum3A_2787 = vector.multi_reduction <add>, %mul3A_2785, %reduce_sum3A_2786 [1] : vector<128x128xf32> to vector<128xf32>
      %broadcast_in_dim3A_2788 = vector.shape_cast %reduce_sum3A_2787 : vector<128xf32> to vector<128x1xf32>
      %slice3A_2789 = vector.extract_strided_slice %mul3A_2341 {offsets = [0, 2688], sizes = [1, 128], strides = [1, 1]} : vector<1x4096xf32> to vector<1x128xf32>
      %mul3A_2790 = vector.broadcast %slice3A_2789 : vector<1x128xf32> to vector<128x128xf32>
      %mul3A_2791 = arith.mulf %select_n3A_1360, %mul3A_2790 : vector<128x128xf32>
      %reduce_sum3A_2792 = arith.constant dense<0.000000e+00> : vector<128xf32>
      %reduce_sum3A_2793 = vector.multi_reduction <add>, %mul3A_2791, %reduce_sum3A_2792 [1] : vector<128x128xf32> to vector<128xf32>
      %broadcast_in_dim3A_2794 = vector.shape_cast %reduce_sum3A_2793 : vector<128xf32> to vector<128x1xf32>
      %mul3A_2795 = vector.broadcast %broadcast_in_dim3A_2788 : vector<128x1xf32> to vector<128x128xf32>
      %mul3A_2796 = arith.mulf %select_n3A_1624, %mul3A_2795 : vector<128x128xf32>
      %mul3A_2797 = vector.broadcast %broadcast_in_dim3A_2794 : vector<128x1xf32> to vector<128x128xf32>
      %mul3A_2798 = arith.mulf %select_n3A_2008, %mul3A_2797 : vector<128x128xf32>
      %add3A_2799 = arith.addf %mul3A_2796, %mul3A_2798 : vector<128x128xf32>
      %convert_element_type3A_2800 = arith.truncf %add3A_2799 : vector<128x128xf32> to vector<128x128xbf16>
      %slice3A_2801 = vector.extract_strided_slice %convert_element_type3A_2324 {offsets = [0, 2688], sizes = [257, 128], strides = [1, 1]} : vector<257x4096xbf16> to vector<257x128xbf16>
      %dot_general3A_2802 = arith.constant dense<0.000000e+00> : vector<257x128xf32>
      %dot_general3A_2803 = tpu.matmul %slice3A_2801, %convert_element_type3A_2800, %dot_general3A_2802 {dimension_numbers = #tpu.dot_dimension_numbers<[1], [0], [0], [1], [0, 0, 1, 1], [], []>, transpose_lhs_hint = false} : vector<257x128xbf16>, vector<128x128xbf16>, vector<257x128xf32> -> vector<257x128xf32>
      %slice3A_2804 = vector.extract_strided_slice %mul3A_2338 {offsets = [0, 2816], sizes = [1, 128], strides = [1, 1]} : vector<1x4096xf32> to vector<1x128xf32>
      %mul3A_2805 = vector.broadcast %slice3A_2804 : vector<1x128xf32> to vector<128x128xf32>
      %mul3A_2806 = arith.mulf %select_n3A_1360, %mul3A_2805 : vector<128x128xf32>
      %reduce_sum3A_2807 = arith.constant dense<0.000000e+00> : vector<128xf32>
      %reduce_sum3A_2808 = vector.multi_reduction <add>, %mul3A_2806, %reduce_sum3A_2807 [1] : vector<128x128xf32> to vector<128xf32>
      %broadcast_in_dim3A_2809 = vector.shape_cast %reduce_sum3A_2808 : vector<128xf32> to vector<128x1xf32>
      %slice3A_2810 = vector.extract_strided_slice %mul3A_2341 {offsets = [0, 2816], sizes = [1, 128], strides = [1, 1]} : vector<1x4096xf32> to vector<1x128xf32>
      %mul3A_2811 = vector.broadcast %slice3A_2810 : vector<1x128xf32> to vector<128x128xf32>
      %mul3A_2812 = arith.mulf %select_n3A_1360, %mul3A_2811 : vector<128x128xf32>
      %reduce_sum3A_2813 = arith.constant dense<0.000000e+00> : vector<128xf32>
      %reduce_sum3A_2814 = vector.multi_reduction <add>, %mul3A_2812, %reduce_sum3A_2813 [1] : vector<128x128xf32> to vector<128xf32>
      %broadcast_in_dim3A_2815 = vector.shape_cast %reduce_sum3A_2814 : vector<128xf32> to vector<128x1xf32>
      %mul3A_2816 = vector.broadcast %broadcast_in_dim3A_2809 : vector<128x1xf32> to vector<128x128xf32>
      %mul3A_2817 = arith.mulf %select_n3A_1636, %mul3A_2816 : vector<128x128xf32>
      %mul3A_2818 = vector.broadcast %broadcast_in_dim3A_2815 : vector<128x1xf32> to vector<128x128xf32>
      %mul3A_2819 = arith.mulf %select_n3A_2020, %mul3A_2818 : vector<128x128xf32>
      %add3A_2820 = arith.addf %mul3A_2817, %mul3A_2819 : vector<128x128xf32>
      %convert_element_type3A_2821 = arith.truncf %add3A_2820 : vector<128x128xf32> to vector<128x128xbf16>
      %slice3A_2822 = vector.extract_strided_slice %convert_element_type3A_2324 {offsets = [0, 2816], sizes = [257, 128], strides = [1, 1]} : vector<257x4096xbf16> to vector<257x128xbf16>
      %dot_general3A_2823 = arith.constant dense<0.000000e+00> : vector<257x128xf32>
      %dot_general3A_2824 = tpu.matmul %slice3A_2822, %convert_element_type3A_2821, %dot_general3A_2823 {dimension_numbers = #tpu.dot_dimension_numbers<[1], [0], [0], [1], [0, 0, 1, 1], [], []>, transpose_lhs_hint = false} : vector<257x128xbf16>, vector<128x128xbf16>, vector<257x128xf32> -> vector<257x128xf32>
      %slice3A_2825 = vector.extract_strided_slice %mul3A_2338 {offsets = [0, 2944], sizes = [1, 128], strides = [1, 1]} : vector<1x4096xf32> to vector<1x128xf32>
      %mul3A_2826 = vector.broadcast %slice3A_2825 : vector<1x128xf32> to vector<128x128xf32>
      %mul3A_2827 = arith.mulf %select_n3A_1360, %mul3A_2826 : vector<128x128xf32>
      %reduce_sum3A_2828 = arith.constant dense<0.000000e+00> : vector<128xf32>
      %reduce_sum3A_2829 = vector.multi_reduction <add>, %mul3A_2827, %reduce_sum3A_2828 [1] : vector<128x128xf32> to vector<128xf32>
      %broadcast_in_dim3A_2830 = vector.shape_cast %reduce_sum3A_2829 : vector<128xf32> to vector<128x1xf32>
      %slice3A_2831 = vector.extract_strided_slice %mul3A_2341 {offsets = [0, 2944], sizes = [1, 128], strides = [1, 1]} : vector<1x4096xf32> to vector<1x128xf32>
      %mul3A_2832 = vector.broadcast %slice3A_2831 : vector<1x128xf32> to vector<128x128xf32>
      %mul3A_2833 = arith.mulf %select_n3A_1360, %mul3A_2832 : vector<128x128xf32>
      %reduce_sum3A_2834 = arith.constant dense<0.000000e+00> : vector<128xf32>
      %reduce_sum3A_2835 = vector.multi_reduction <add>, %mul3A_2833, %reduce_sum3A_2834 [1] : vector<128x128xf32> to vector<128xf32>
      %broadcast_in_dim3A_2836 = vector.shape_cast %reduce_sum3A_2835 : vector<128xf32> to vector<128x1xf32>
      %mul3A_2837 = vector.broadcast %broadcast_in_dim3A_2830 : vector<128x1xf32> to vector<128x128xf32>
      %mul3A_2838 = arith.mulf %select_n3A_1648, %mul3A_2837 : vector<128x128xf32>
      %mul3A_2839 = vector.broadcast %broadcast_in_dim3A_2836 : vector<128x1xf32> to vector<128x128xf32>
      %mul3A_2840 = arith.mulf %select_n3A_2032, %mul3A_2839 : vector<128x128xf32>
      %add3A_2841 = arith.addf %mul3A_2838, %mul3A_2840 : vector<128x128xf32>
      %convert_element_type3A_2842 = arith.truncf %add3A_2841 : vector<128x128xf32> to vector<128x128xbf16>
      %slice3A_2843 = vector.extract_strided_slice %convert_element_type3A_2324 {offsets = [0, 2944], sizes = [257, 128], strides = [1, 1]} : vector<257x4096xbf16> to vector<257x128xbf16>
      %dot_general3A_2844 = arith.constant dense<0.000000e+00> : vector<257x128xf32>
      %dot_general3A_2845 = tpu.matmul %slice3A_2843, %convert_element_type3A_2842, %dot_general3A_2844 {dimension_numbers = #tpu.dot_dimension_numbers<[1], [0], [0], [1], [0, 0, 1, 1], [], []>, transpose_lhs_hint = false} : vector<257x128xbf16>, vector<128x128xbf16>, vector<257x128xf32> -> vector<257x128xf32>
      %slice3A_2846 = vector.extract_strided_slice %mul3A_2338 {offsets = [0, 3072], sizes = [1, 128], strides = [1, 1]} : vector<1x4096xf32> to vector<1x128xf32>
      %mul3A_2847 = vector.broadcast %slice3A_2846 : vector<1x128xf32> to vector<128x128xf32>
      %mul3A_2848 = arith.mulf %select_n3A_1360, %mul3A_2847 : vector<128x128xf32>
      %reduce_sum3A_2849 = arith.constant dense<0.000000e+00> : vector<128xf32>
      %reduce_sum3A_2850 = vector.multi_reduction <add>, %mul3A_2848, %reduce_sum3A_2849 [1] : vector<128x128xf32> to vector<128xf32>
      %broadcast_in_dim3A_2851 = vector.shape_cast %reduce_sum3A_2850 : vector<128xf32> to vector<128x1xf32>
      %slice3A_2852 = vector.extract_strided_slice %mul3A_2341 {offsets = [0, 3072], sizes = [1, 128], strides = [1, 1]} : vector<1x4096xf32> to vector<1x128xf32>
      %mul3A_2853 = vector.broadcast %slice3A_2852 : vector<1x128xf32> to vector<128x128xf32>
      %mul3A_2854 = arith.mulf %select_n3A_1360, %mul3A_2853 : vector<128x128xf32>
      %reduce_sum3A_2855 = arith.constant dense<0.000000e+00> : vector<128xf32>
      %reduce_sum3A_2856 = vector.multi_reduction <add>, %mul3A_2854, %reduce_sum3A_2855 [1] : vector<128x128xf32> to vector<128xf32>
      %broadcast_in_dim3A_2857 = vector.shape_cast %reduce_sum3A_2856 : vector<128xf32> to vector<128x1xf32>
      %mul3A_2858 = vector.broadcast %broadcast_in_dim3A_2851 : vector<128x1xf32> to vector<128x128xf32>
      %mul3A_2859 = arith.mulf %select_n3A_1660, %mul3A_2858 : vector<128x128xf32>
      %mul3A_2860 = vector.broadcast %broadcast_in_dim3A_2857 : vector<128x1xf32> to vector<128x128xf32>
      %mul3A_2861 = arith.mulf %select_n3A_2044, %mul3A_2860 : vector<128x128xf32>
      %add3A_2862 = arith.addf %mul3A_2859, %mul3A_2861 : vector<128x128xf32>
      %convert_element_type3A_2863 = arith.truncf %add3A_2862 : vector<128x128xf32> to vector<128x128xbf16>
      %slice3A_2864 = vector.extract_strided_slice %convert_element_type3A_2324 {offsets = [0, 3072], sizes = [257, 128], strides = [1, 1]} : vector<257x4096xbf16> to vector<257x128xbf16>
      %dot_general3A_2865 = arith.constant dense<0.000000e+00> : vector<257x128xf32>
      %dot_general3A_2866 = tpu.matmul %slice3A_2864, %convert_element_type3A_2863, %dot_general3A_2865 {dimension_numbers = #tpu.dot_dimension_numbers<[1], [0], [0], [1], [0, 0, 1, 1], [], []>, transpose_lhs_hint = false} : vector<257x128xbf16>, vector<128x128xbf16>, vector<257x128xf32> -> vector<257x128xf32>
      %slice3A_2867 = vector.extract_strided_slice %mul3A_2338 {offsets = [0, 3200], sizes = [1, 128], strides = [1, 1]} : vector<1x4096xf32> to vector<1x128xf32>
      %mul3A_2868 = vector.broadcast %slice3A_2867 : vector<1x128xf32> to vector<128x128xf32>
      %mul3A_2869 = arith.mulf %select_n3A_1360, %mul3A_2868 : vector<128x128xf32>
      %reduce_sum3A_2870 = arith.constant dense<0.000000e+00> : vector<128xf32>
      %reduce_sum3A_2871 = vector.multi_reduction <add>, %mul3A_2869, %reduce_sum3A_2870 [1] : vector<128x128xf32> to vector<128xf32>
      %broadcast_in_dim3A_2872 = vector.shape_cast %reduce_sum3A_2871 : vector<128xf32> to vector<128x1xf32>
      %slice3A_2873 = vector.extract_strided_slice %mul3A_2341 {offsets = [0, 3200], sizes = [1, 128], strides = [1, 1]} : vector<1x4096xf32> to vector<1x128xf32>
      %mul3A_2874 = vector.broadcast %slice3A_2873 : vector<1x128xf32> to vector<128x128xf32>
      %mul3A_2875 = arith.mulf %select_n3A_1360, %mul3A_2874 : vector<128x128xf32>
      %reduce_sum3A_2876 = arith.constant dense<0.000000e+00> : vector<128xf32>
      %reduce_sum3A_2877 = vector.multi_reduction <add>, %mul3A_2875, %reduce_sum3A_2876 [1] : vector<128x128xf32> to vector<128xf32>
      %broadcast_in_dim3A_2878 = vector.shape_cast %reduce_sum3A_2877 : vector<128xf32> to vector<128x1xf32>
      %mul3A_2879 = vector.broadcast %broadcast_in_dim3A_2872 : vector<128x1xf32> to vector<128x128xf32>
      %mul3A_2880 = arith.mulf %select_n3A_1672, %mul3A_2879 : vector<128x128xf32>
      %mul3A_2881 = vector.broadcast %broadcast_in_dim3A_2878 : vector<128x1xf32> to vector<128x128xf32>
      %mul3A_2882 = arith.mulf %select_n3A_2056, %mul3A_2881 : vector<128x128xf32>
      %add3A_2883 = arith.addf %mul3A_2880, %mul3A_2882 : vector<128x128xf32>
      %convert_element_type3A_2884 = arith.truncf %add3A_2883 : vector<128x128xf32> to vector<128x128xbf16>
      %slice3A_2885 = vector.extract_strided_slice %convert_element_type3A_2324 {offsets = [0, 3200], sizes = [257, 128], strides = [1, 1]} : vector<257x4096xbf16> to vector<257x128xbf16>
      %dot_general3A_2886 = arith.constant dense<0.000000e+00> : vector<257x128xf32>
      %dot_general3A_2887 = tpu.matmul %slice3A_2885, %convert_element_type3A_2884, %dot_general3A_2886 {dimension_numbers = #tpu.dot_dimension_numbers<[1], [0], [0], [1], [0, 0, 1, 1], [], []>, transpose_lhs_hint = false} : vector<257x128xbf16>, vector<128x128xbf16>, vector<257x128xf32> -> vector<257x128xf32>
      %slice3A_2888 = vector.extract_strided_slice %mul3A_2338 {offsets = [0, 3328], sizes = [1, 128], strides = [1, 1]} : vector<1x4096xf32> to vector<1x128xf32>
      %mul3A_2889 = vector.broadcast %slice3A_2888 : vector<1x128xf32> to vector<128x128xf32>
      %mul3A_2890 = arith.mulf %select_n3A_1360, %mul3A_2889 : vector<128x128xf32>
      %reduce_sum3A_2891 = arith.constant dense<0.000000e+00> : vector<128xf32>
      %reduce_sum3A_2892 = vector.multi_reduction <add>, %mul3A_2890, %reduce_sum3A_2891 [1] : vector<128x128xf32> to vector<128xf32>
      %broadcast_in_dim3A_2893 = vector.shape_cast %reduce_sum3A_2892 : vector<128xf32> to vector<128x1xf32>
      %slice3A_2894 = vector.extract_strided_slice %mul3A_2341 {offsets = [0, 3328], sizes = [1, 128], strides = [1, 1]} : vector<1x4096xf32> to vector<1x128xf32>
      %mul3A_2895 = vector.broadcast %slice3A_2894 : vector<1x128xf32> to vector<128x128xf32>
      %mul3A_2896 = arith.mulf %select_n3A_1360, %mul3A_2895 : vector<128x128xf32>
      %reduce_sum3A_2897 = arith.constant dense<0.000000e+00> : vector<128xf32>
      %reduce_sum3A_2898 = vector.multi_reduction <add>, %mul3A_2896, %reduce_sum3A_2897 [1] : vector<128x128xf32> to vector<128xf32>
      %broadcast_in_dim3A_2899 = vector.shape_cast %reduce_sum3A_2898 : vector<128xf32> to vector<128x1xf32>
      %mul3A_2900 = vector.broadcast %broadcast_in_dim3A_2893 : vector<128x1xf32> to vector<128x128xf32>
      %mul3A_2901 = arith.mulf %select_n3A_1684, %mul3A_2900 : vector<128x128xf32>
      %mul3A_2902 = vector.broadcast %broadcast_in_dim3A_2899 : vector<128x1xf32> to vector<128x128xf32>
      %mul3A_2903 = arith.mulf %select_n3A_2068, %mul3A_2902 : vector<128x128xf32>
      %add3A_2904 = arith.addf %mul3A_2901, %mul3A_2903 : vector<128x128xf32>
      %convert_element_type3A_2905 = arith.truncf %add3A_2904 : vector<128x128xf32> to vector<128x128xbf16>
      %slice3A_2906 = vector.extract_strided_slice %convert_element_type3A_2324 {offsets = [0, 3328], sizes = [257, 128], strides = [1, 1]} : vector<257x4096xbf16> to vector<257x128xbf16>
      %dot_general3A_2907 = arith.constant dense<0.000000e+00> : vector<257x128xf32>
      %dot_general3A_2908 = tpu.matmul %slice3A_2906, %convert_element_type3A_2905, %dot_general3A_2907 {dimension_numbers = #tpu.dot_dimension_numbers<[1], [0], [0], [1], [0, 0, 1, 1], [], []>, transpose_lhs_hint = false} : vector<257x128xbf16>, vector<128x128xbf16>, vector<257x128xf32> -> vector<257x128xf32>
      %slice3A_2909 = vector.extract_strided_slice %mul3A_2338 {offsets = [0, 3456], sizes = [1, 128], strides = [1, 1]} : vector<1x4096xf32> to vector<1x128xf32>
      %mul3A_2910 = vector.broadcast %slice3A_2909 : vector<1x128xf32> to vector<128x128xf32>
      %mul3A_2911 = arith.mulf %select_n3A_1360, %mul3A_2910 : vector<128x128xf32>
      %reduce_sum3A_2912 = arith.constant dense<0.000000e+00> : vector<128xf32>
      %reduce_sum3A_2913 = vector.multi_reduction <add>, %mul3A_2911, %reduce_sum3A_2912 [1] : vector<128x128xf32> to vector<128xf32>
      %broadcast_in_dim3A_2914 = vector.shape_cast %reduce_sum3A_2913 : vector<128xf32> to vector<128x1xf32>
      %slice3A_2915 = vector.extract_strided_slice %mul3A_2341 {offsets = [0, 3456], sizes = [1, 128], strides = [1, 1]} : vector<1x4096xf32> to vector<1x128xf32>
      %mul3A_2916 = vector.broadcast %slice3A_2915 : vector<1x128xf32> to vector<128x128xf32>
      %mul3A_2917 = arith.mulf %select_n3A_1360, %mul3A_2916 : vector<128x128xf32>
      %reduce_sum3A_2918 = arith.constant dense<0.000000e+00> : vector<128xf32>
      %reduce_sum3A_2919 = vector.multi_reduction <add>, %mul3A_2917, %reduce_sum3A_2918 [1] : vector<128x128xf32> to vector<128xf32>
      %broadcast_in_dim3A_2920 = vector.shape_cast %reduce_sum3A_2919 : vector<128xf32> to vector<128x1xf32>
      %mul3A_2921 = vector.broadcast %broadcast_in_dim3A_2914 : vector<128x1xf32> to vector<128x128xf32>
      %mul3A_2922 = arith.mulf %select_n3A_1696, %mul3A_2921 : vector<128x128xf32>
      %mul3A_2923 = vector.broadcast %broadcast_in_dim3A_2920 : vector<128x1xf32> to vector<128x128xf32>
      %mul3A_2924 = arith.mulf %select_n3A_2080, %mul3A_2923 : vector<128x128xf32>
      %add3A_2925 = arith.addf %mul3A_2922, %mul3A_2924 : vector<128x128xf32>
      %convert_element_type3A_2926 = arith.truncf %add3A_2925 : vector<128x128xf32> to vector<128x128xbf16>
      %slice3A_2927 = vector.extract_strided_slice %convert_element_type3A_2324 {offsets = [0, 3456], sizes = [257, 128], strides = [1, 1]} : vector<257x4096xbf16> to vector<257x128xbf16>
      %dot_general3A_2928 = arith.constant dense<0.000000e+00> : vector<257x128xf32>
      %dot_general3A_2929 = tpu.matmul %slice3A_2927, %convert_element_type3A_2926, %dot_general3A_2928 {dimension_numbers = #tpu.dot_dimension_numbers<[1], [0], [0], [1], [0, 0, 1, 1], [], []>, transpose_lhs_hint = false} : vector<257x128xbf16>, vector<128x128xbf16>, vector<257x128xf32> -> vector<257x128xf32>
      %slice3A_2930 = vector.extract_strided_slice %mul3A_2338 {offsets = [0, 3584], sizes = [1, 128], strides = [1, 1]} : vector<1x4096xf32> to vector<1x128xf32>
      %mul3A_2931 = vector.broadcast %slice3A_2930 : vector<1x128xf32> to vector<128x128xf32>
      %mul3A_2932 = arith.mulf %select_n3A_1360, %mul3A_2931 : vector<128x128xf32>
      %reduce_sum3A_2933 = arith.constant dense<0.000000e+00> : vector<128xf32>
      %reduce_sum3A_2934 = vector.multi_reduction <add>, %mul3A_2932, %reduce_sum3A_2933 [1] : vector<128x128xf32> to vector<128xf32>
      %broadcast_in_dim3A_2935 = vector.shape_cast %reduce_sum3A_2934 : vector<128xf32> to vector<128x1xf32>
      %slice3A_2936 = vector.extract_strided_slice %mul3A_2341 {offsets = [0, 3584], sizes = [1, 128], strides = [1, 1]} : vector<1x4096xf32> to vector<1x128xf32>
      %mul3A_2937 = vector.broadcast %slice3A_2936 : vector<1x128xf32> to vector<128x128xf32>
      %mul3A_2938 = arith.mulf %select_n3A_1360, %mul3A_2937 : vector<128x128xf32>
      %reduce_sum3A_2939 = arith.constant dense<0.000000e+00> : vector<128xf32>
      %reduce_sum3A_2940 = vector.multi_reduction <add>, %mul3A_2938, %reduce_sum3A_2939 [1] : vector<128x128xf32> to vector<128xf32>
      %broadcast_in_dim3A_2941 = vector.shape_cast %reduce_sum3A_2940 : vector<128xf32> to vector<128x1xf32>
      %mul3A_2942 = vector.broadcast %broadcast_in_dim3A_2935 : vector<128x1xf32> to vector<128x128xf32>
      %mul3A_2943 = arith.mulf %select_n3A_1708, %mul3A_2942 : vector<128x128xf32>
      %mul3A_2944 = vector.broadcast %broadcast_in_dim3A_2941 : vector<128x1xf32> to vector<128x128xf32>
      %mul3A_2945 = arith.mulf %select_n3A_2092, %mul3A_2944 : vector<128x128xf32>
      %add3A_2946 = arith.addf %mul3A_2943, %mul3A_2945 : vector<128x128xf32>
      %convert_element_type3A_2947 = arith.truncf %add3A_2946 : vector<128x128xf32> to vector<128x128xbf16>
      %slice3A_2948 = vector.extract_strided_slice %convert_element_type3A_2324 {offsets = [0, 3584], sizes = [257, 128], strides = [1, 1]} : vector<257x4096xbf16> to vector<257x128xbf16>
      %dot_general3A_2949 = arith.constant dense<0.000000e+00> : vector<257x128xf32>
      %dot_general3A_2950 = tpu.matmul %slice3A_2948, %convert_element_type3A_2947, %dot_general3A_2949 {dimension_numbers = #tpu.dot_dimension_numbers<[1], [0], [0], [1], [0, 0, 1, 1], [], []>, transpose_lhs_hint = false} : vector<257x128xbf16>, vector<128x128xbf16>, vector<257x128xf32> -> vector<257x128xf32>
      %slice3A_2951 = vector.extract_strided_slice %mul3A_2338 {offsets = [0, 3712], sizes = [1, 128], strides = [1, 1]} : vector<1x4096xf32> to vector<1x128xf32>
      %mul3A_2952 = vector.broadcast %slice3A_2951 : vector<1x128xf32> to vector<128x128xf32>
      %mul3A_2953 = arith.mulf %select_n3A_1360, %mul3A_2952 : vector<128x128xf32>
      %reduce_sum3A_2954 = arith.constant dense<0.000000e+00> : vector<128xf32>
      %reduce_sum3A_2955 = vector.multi_reduction <add>, %mul3A_2953, %reduce_sum3A_2954 [1] : vector<128x128xf32> to vector<128xf32>
      %broadcast_in_dim3A_2956 = vector.shape_cast %reduce_sum3A_2955 : vector<128xf32> to vector<128x1xf32>
      %slice3A_2957 = vector.extract_strided_slice %mul3A_2341 {offsets = [0, 3712], sizes = [1, 128], strides = [1, 1]} : vector<1x4096xf32> to vector<1x128xf32>
      %mul3A_2958 = vector.broadcast %slice3A_2957 : vector<1x128xf32> to vector<128x128xf32>
      %mul3A_2959 = arith.mulf %select_n3A_1360, %mul3A_2958 : vector<128x128xf32>
      %reduce_sum3A_2960 = arith.constant dense<0.000000e+00> : vector<128xf32>
      %reduce_sum3A_2961 = vector.multi_reduction <add>, %mul3A_2959, %reduce_sum3A_2960 [1] : vector<128x128xf32> to vector<128xf32>
      %broadcast_in_dim3A_2962 = vector.shape_cast %reduce_sum3A_2961 : vector<128xf32> to vector<128x1xf32>
      %mul3A_2963 = vector.broadcast %broadcast_in_dim3A_2956 : vector<128x1xf32> to vector<128x128xf32>
      %mul3A_2964 = arith.mulf %select_n3A_1720, %mul3A_2963 : vector<128x128xf32>
      %mul3A_2965 = vector.broadcast %broadcast_in_dim3A_2962 : vector<128x1xf32> to vector<128x128xf32>
      %mul3A_2966 = arith.mulf %select_n3A_2104, %mul3A_2965 : vector<128x128xf32>
      %add3A_2967 = arith.addf %mul3A_2964, %mul3A_2966 : vector<128x128xf32>
      %convert_element_type3A_2968 = arith.truncf %add3A_2967 : vector<128x128xf32> to vector<128x128xbf16>
      %slice3A_2969 = vector.extract_strided_slice %convert_element_type3A_2324 {offsets = [0, 3712], sizes = [257, 128], strides = [1, 1]} : vector<257x4096xbf16> to vector<257x128xbf16>
      %dot_general3A_2970 = arith.constant dense<0.000000e+00> : vector<257x128xf32>
      %dot_general3A_2971 = tpu.matmul %slice3A_2969, %convert_element_type3A_2968, %dot_general3A_2970 {dimension_numbers = #tpu.dot_dimension_numbers<[1], [0], [0], [1], [0, 0, 1, 1], [], []>, transpose_lhs_hint = false} : vector<257x128xbf16>, vector<128x128xbf16>, vector<257x128xf32> -> vector<257x128xf32>
      %slice3A_2972 = vector.extract_strided_slice %mul3A_2338 {offsets = [0, 3840], sizes = [1, 128], strides = [1, 1]} : vector<1x4096xf32> to vector<1x128xf32>
      %mul3A_2973 = vector.broadcast %slice3A_2972 : vector<1x128xf32> to vector<128x128xf32>
      %mul3A_2974 = arith.mulf %select_n3A_1360, %mul3A_2973 : vector<128x128xf32>
      %reduce_sum3A_2975 = arith.constant dense<0.000000e+00> : vector<128xf32>
      %reduce_sum3A_2976 = vector.multi_reduction <add>, %mul3A_2974, %reduce_sum3A_2975 [1] : vector<128x128xf32> to vector<128xf32>
      %broadcast_in_dim3A_2977 = vector.shape_cast %reduce_sum3A_2976 : vector<128xf32> to vector<128x1xf32>
      %slice3A_2978 = vector.extract_strided_slice %mul3A_2341 {offsets = [0, 3840], sizes = [1, 128], strides = [1, 1]} : vector<1x4096xf32> to vector<1x128xf32>
      %mul3A_2979 = vector.broadcast %slice3A_2978 : vector<1x128xf32> to vector<128x128xf32>
      %mul3A_2980 = arith.mulf %select_n3A_1360, %mul3A_2979 : vector<128x128xf32>
      %reduce_sum3A_2981 = arith.constant dense<0.000000e+00> : vector<128xf32>
      %reduce_sum3A_2982 = vector.multi_reduction <add>, %mul3A_2980, %reduce_sum3A_2981 [1] : vector<128x128xf32> to vector<128xf32>
      %broadcast_in_dim3A_2983 = vector.shape_cast %reduce_sum3A_2982 : vector<128xf32> to vector<128x1xf32>
      %mul3A_2984 = vector.broadcast %broadcast_in_dim3A_2977 : vector<128x1xf32> to vector<128x128xf32>
      %mul3A_2985 = arith.mulf %select_n3A_1732, %mul3A_2984 : vector<128x128xf32>
      %mul3A_2986 = vector.broadcast %broadcast_in_dim3A_2983 : vector<128x1xf32> to vector<128x128xf32>
      %mul3A_2987 = arith.mulf %select_n3A_2116, %mul3A_2986 : vector<128x128xf32>
      %add3A_2988 = arith.addf %mul3A_2985, %mul3A_2987 : vector<128x128xf32>
      %convert_element_type3A_2989 = arith.truncf %add3A_2988 : vector<128x128xf32> to vector<128x128xbf16>
      %slice3A_2990 = vector.extract_strided_slice %convert_element_type3A_2324 {offsets = [0, 3840], sizes = [257, 128], strides = [1, 1]} : vector<257x4096xbf16> to vector<257x128xbf16>
      %dot_general3A_2991 = arith.constant dense<0.000000e+00> : vector<257x128xf32>
      %dot_general3A_2992 = tpu.matmul %slice3A_2990, %convert_element_type3A_2989, %dot_general3A_2991 {dimension_numbers = #tpu.dot_dimension_numbers<[1], [0], [0], [1], [0, 0, 1, 1], [], []>, transpose_lhs_hint = false} : vector<257x128xbf16>, vector<128x128xbf16>, vector<257x128xf32> -> vector<257x128xf32>
      %slice3A_2993 = vector.extract_strided_slice %mul3A_2338 {offsets = [0, 3968], sizes = [1, 128], strides = [1, 1]} : vector<1x4096xf32> to vector<1x128xf32>
      %mul3A_2994 = vector.broadcast %slice3A_2993 : vector<1x128xf32> to vector<128x128xf32>
      %mul3A_2995 = arith.mulf %select_n3A_1360, %mul3A_2994 : vector<128x128xf32>
      %reduce_sum3A_2996 = arith.constant dense<0.000000e+00> : vector<128xf32>
      %reduce_sum3A_2997 = vector.multi_reduction <add>, %mul3A_2995, %reduce_sum3A_2996 [1] : vector<128x128xf32> to vector<128xf32>
      %broadcast_in_dim3A_2998 = vector.shape_cast %reduce_sum3A_2997 : vector<128xf32> to vector<128x1xf32>
      %slice3A_2999 = vector.extract_strided_slice %mul3A_2341 {offsets = [0, 3968], sizes = [1, 128], strides = [1, 1]} : vector<1x4096xf32> to vector<1x128xf32>
      %mul3A_3000 = vector.broadcast %slice3A_2999 : vector<1x128xf32> to vector<128x128xf32>
      %mul3A_3001 = arith.mulf %select_n3A_1360, %mul3A_3000 : vector<128x128xf32>
      %reduce_sum3A_3002 = arith.constant dense<0.000000e+00> : vector<128xf32>
      %reduce_sum3A_3003 = vector.multi_reduction <add>, %mul3A_3001, %reduce_sum3A_3002 [1] : vector<128x128xf32> to vector<128xf32>
      %broadcast_in_dim3A_3004 = vector.shape_cast %reduce_sum3A_3003 : vector<128xf32> to vector<128x1xf32>
      %mul3A_3005 = vector.broadcast %broadcast_in_dim3A_2998 : vector<128x1xf32> to vector<128x128xf32>
      %mul3A_3006 = arith.mulf %select_n3A_1744, %mul3A_3005 : vector<128x128xf32>
      %mul3A_3007 = vector.broadcast %broadcast_in_dim3A_3004 : vector<128x1xf32> to vector<128x128xf32>
      %mul3A_3008 = arith.mulf %select_n3A_2128, %mul3A_3007 : vector<128x128xf32>
      %add3A_3009 = arith.addf %mul3A_3006, %mul3A_3008 : vector<128x128xf32>
      %convert_element_type3A_3010 = arith.truncf %add3A_3009 : vector<128x128xf32> to vector<128x128xbf16>
      %slice3A_3011 = vector.extract_strided_slice %convert_element_type3A_2324 {offsets = [0, 3968], sizes = [257, 128], strides = [1, 1]} : vector<257x4096xbf16> to vector<257x128xbf16>
      %dot_general3A_3012 = arith.constant dense<0.000000e+00> : vector<257x128xf32>
      %dot_general3A_3013 = tpu.matmul %slice3A_3011, %convert_element_type3A_3010, %dot_general3A_3012 {dimension_numbers = #tpu.dot_dimension_numbers<[1], [0], [0], [1], [0, 0, 1, 1], [], []>, transpose_lhs_hint = false} : vector<257x128xbf16>, vector<128x128xbf16>, vector<257x128xf32> -> vector<257x128xf32>
      %concatenate3A_3014 = tpu.concatenate %dot_general3A_2362, %dot_general3A_2383, %dot_general3A_2404, %dot_general3A_2425, %dot_general3A_2446, %dot_general3A_2467, %dot_general3A_2488, %dot_general3A_2509, %dot_general3A_2530, %dot_general3A_2551, %dot_general3A_2572, %dot_general3A_2593, %dot_general3A_2614, %dot_general3A_2635, %dot_general3A_2656, %dot_general3A_2677, %dot_general3A_2698, %dot_general3A_2719, %dot_general3A_2740, %dot_general3A_2761, %dot_general3A_2782, %dot_general3A_2803, %dot_general3A_2824, %dot_general3A_2845, %dot_general3A_2866, %dot_general3A_2887, %dot_general3A_2908, %dot_general3A_2929, %dot_general3A_2950, %dot_general3A_2971, %dot_general3A_2992, %dot_general3A_3013 in 1 : vector<257x128xf32>, vector<257x128xf32>, vector<257x128xf32>, vector<257x128xf32>, vector<257x128xf32>, vector<257x128xf32>, vector<257x128xf32>, vector<257x128xf32>, vector<257x128xf32>, vector<257x128xf32>, vector<257x128xf32>, vector<257x128xf32>, vector<257x128xf32>, vector<257x128xf32>, vector<257x128xf32>, vector<257x128xf32>, vector<257x128xf32>, vector<257x128xf32>, vector<257x128xf32>, vector<257x128xf32>, vector<257x128xf32>, vector<257x128xf32>, vector<257x128xf32>, vector<257x128xf32>, vector<257x128xf32>, vector<257x128xf32>, vector<257x128xf32>, vector<257x128xf32>, vector<257x128xf32>, vector<257x128xf32>, vector<257x128xf32>, vector<257x128xf32> -> vector<257x4096xf32>
      %slice3A_3015 = vector.extract_strided_slice %concatenate3A_3014 {offsets = [256, 0], sizes = [1, 4096], strides = [1, 1]} : vector<257x4096xf32> to vector<1x4096xf32>
      %slice3A_3016 = vector.extract_strided_slice %concatenate3A_3014 {offsets = [0, 0], sizes = [256, 4096], strides = [1, 1]} : vector<257x4096xf32> to vector<256x4096xf32>
      %max3A_3017 = arith.constant 9.99999997E-7 : f32
      %max3A_3018 = vector.broadcast %max3A_3017 : f32 to vector<1x4096xf32>
      %max3A_3019 = arith.maximumf %slice3A_3015, %max3A_3018 : vector<1x4096xf32>
      %div3A_3020 = vector.broadcast %max3A_3019 : vector<1x4096xf32> to vector<256x4096xf32>
      %div3A_3021 = arith.divf %slice3A_3016, %div3A_3020 : vector<256x4096xf32>
      %lt3A_3022 = vector.broadcast %while3A_2317 : i32 to vector<1x4096xi32>
      %lt3A_3023 = arith.cmpi slt, %lt3A_3022, %get3A_1342 : vector<1x4096xi32>
      %select_n3A_3024 = arith.select %lt3A_3023, %slice3A_3015, %while3A_2318 : vector<1x4096xi1>, vector<1x4096xf32>
      %convert_element_type3A_3025 = arith.truncf %div3A_3021 : vector<256x4096xf32> to vector<256x4096xbf16>
      %broadcast_in_dim3A_3026 = vector.shape_cast %lt3A_3023 : vector<1x4096xi1> to vector<1x4096xi1>
      %broadcast_in_dim3A_3027 = vector.broadcast %broadcast_in_dim3A_3026 : vector<1x4096xi1> to vector<256x4096xi1>
      %select_n3A_3028 = arith.select %broadcast_in_dim3A_3027, %convert_element_type3A_3025, %while3A_2319 : vector<256x4096xi1>, vector<256x4096xbf16>
      scf.yield %select_n3A_3024, %select_n3A_3028 : vector<1x4096xf32>, vector<256x4096xbf16>
    }
    %convert_element_type3A_2173 = arith.extf %while3A_2172#1 : vector<256x4096xbf16> to vector<256x4096xf32>
    %get3A_2174 = arith.constant 0 : index
    %get3A_2175 = arith.constant 0 : index
    %get3A_2176 = vector.load %arg6[%get3A_2174, %get3A_2175] : memref<1x4096xf32, #tpu.memory_space<vmem>>, vector<1x4096xf32>
    %mul3A = vector.broadcast %get3A_2176 : vector<1x4096xf32> to vector<256x4096xf32>
    %mul3A_2177 = arith.mulf %convert_element_type3A_2173, %mul3A : vector<256x4096xf32>
    %slice3A = vector.extract_strided_slice %mul3A_2177 {offsets = [0, 0], sizes = [256, 128], strides = [1, 1]} : vector<256x4096xf32> to vector<256x128xf32>
    %reduce_sum3A = arith.constant dense<0.000000e+00> : vector<256xf32>
    %reduce_sum3A_2178 = vector.multi_reduction <add>, %slice3A, %reduce_sum3A [1] : vector<256x128xf32> to vector<256xf32>
    %broadcast_in_dim3A_2179 = vector.shape_cast %reduce_sum3A_2178 : vector<256xf32> to vector<256x1xf32>
    %slice3A_2180 = vector.extract_strided_slice %mul3A_2177 {offsets = [0, 128], sizes = [256, 128], strides = [1, 1]} : vector<256x4096xf32> to vector<256x128xf32>
    %reduce_sum3A_2181 = arith.constant dense<0.000000e+00> : vector<256xf32>
    %reduce_sum3A_2182 = vector.multi_reduction <add>, %slice3A_2180, %reduce_sum3A_2181 [1] : vector<256x128xf32> to vector<256xf32>
    %broadcast_in_dim3A_2183 = vector.shape_cast %reduce_sum3A_2182 : vector<256xf32> to vector<256x1xf32>
    %slice3A_2184 = vector.extract_strided_slice %mul3A_2177 {offsets = [0, 256], sizes = [256, 128], strides = [1, 1]} : vector<256x4096xf32> to vector<256x128xf32>
    %reduce_sum3A_2185 = arith.constant dense<0.000000e+00> : vector<256xf32>
    %reduce_sum3A_2186 = vector.multi_reduction <add>, %slice3A_2184, %reduce_sum3A_2185 [1] : vector<256x128xf32> to vector<256xf32>
    %broadcast_in_dim3A_2187 = vector.shape_cast %reduce_sum3A_2186 : vector<256xf32> to vector<256x1xf32>
    %slice3A_2188 = vector.extract_strided_slice %mul3A_2177 {offsets = [0, 384], sizes = [256, 128], strides = [1, 1]} : vector<256x4096xf32> to vector<256x128xf32>
    %reduce_sum3A_2189 = arith.constant dense<0.000000e+00> : vector<256xf32>
    %reduce_sum3A_2190 = vector.multi_reduction <add>, %slice3A_2188, %reduce_sum3A_2189 [1] : vector<256x128xf32> to vector<256xf32>
    %broadcast_in_dim3A_2191 = vector.shape_cast %reduce_sum3A_2190 : vector<256xf32> to vector<256x1xf32>
    %slice3A_2192 = vector.extract_strided_slice %mul3A_2177 {offsets = [0, 512], sizes = [256, 128], strides = [1, 1]} : vector<256x4096xf32> to vector<256x128xf32>
    %reduce_sum3A_2193 = arith.constant dense<0.000000e+00> : vector<256xf32>
    %reduce_sum3A_2194 = vector.multi_reduction <add>, %slice3A_2192, %reduce_sum3A_2193 [1] : vector<256x128xf32> to vector<256xf32>
    %broadcast_in_dim3A_2195 = vector.shape_cast %reduce_sum3A_2194 : vector<256xf32> to vector<256x1xf32>
    %slice3A_2196 = vector.extract_strided_slice %mul3A_2177 {offsets = [0, 640], sizes = [256, 128], strides = [1, 1]} : vector<256x4096xf32> to vector<256x128xf32>
    %reduce_sum3A_2197 = arith.constant dense<0.000000e+00> : vector<256xf32>
    %reduce_sum3A_2198 = vector.multi_reduction <add>, %slice3A_2196, %reduce_sum3A_2197 [1] : vector<256x128xf32> to vector<256xf32>
    %broadcast_in_dim3A_2199 = vector.shape_cast %reduce_sum3A_2198 : vector<256xf32> to vector<256x1xf32>
    %slice3A_2200 = vector.extract_strided_slice %mul3A_2177 {offsets = [0, 768], sizes = [256, 128], strides = [1, 1]} : vector<256x4096xf32> to vector<256x128xf32>
    %reduce_sum3A_2201 = arith.constant dense<0.000000e+00> : vector<256xf32>
    %reduce_sum3A_2202 = vector.multi_reduction <add>, %slice3A_2200, %reduce_sum3A_2201 [1] : vector<256x128xf32> to vector<256xf32>
    %broadcast_in_dim3A_2203 = vector.shape_cast %reduce_sum3A_2202 : vector<256xf32> to vector<256x1xf32>
    %slice3A_2204 = vector.extract_strided_slice %mul3A_2177 {offsets = [0, 896], sizes = [256, 128], strides = [1, 1]} : vector<256x4096xf32> to vector<256x128xf32>
    %reduce_sum3A_2205 = arith.constant dense<0.000000e+00> : vector<256xf32>
    %reduce_sum3A_2206 = vector.multi_reduction <add>, %slice3A_2204, %reduce_sum3A_2205 [1] : vector<256x128xf32> to vector<256xf32>
    %broadcast_in_dim3A_2207 = vector.shape_cast %reduce_sum3A_2206 : vector<256xf32> to vector<256x1xf32>
    %slice3A_2208 = vector.extract_strided_slice %mul3A_2177 {offsets = [0, 1024], sizes = [256, 128], strides = [1, 1]} : vector<256x4096xf32> to vector<256x128xf32>
    %reduce_sum3A_2209 = arith.constant dense<0.000000e+00> : vector<256xf32>
    %reduce_sum3A_2210 = vector.multi_reduction <add>, %slice3A_2208, %reduce_sum3A_2209 [1] : vector<256x128xf32> to vector<256xf32>
    %broadcast_in_dim3A_2211 = vector.shape_cast %reduce_sum3A_2210 : vector<256xf32> to vector<256x1xf32>
    %slice3A_2212 = vector.extract_strided_slice %mul3A_2177 {offsets = [0, 1152], sizes = [256, 128], strides = [1, 1]} : vector<256x4096xf32> to vector<256x128xf32>
    %reduce_sum3A_2213 = arith.constant dense<0.000000e+00> : vector<256xf32>
    %reduce_sum3A_2214 = vector.multi_reduction <add>, %slice3A_2212, %reduce_sum3A_2213 [1] : vector<256x128xf32> to vector<256xf32>
    %broadcast_in_dim3A_2215 = vector.shape_cast %reduce_sum3A_2214 : vector<256xf32> to vector<256x1xf32>
    %slice3A_2216 = vector.extract_strided_slice %mul3A_2177 {offsets = [0, 1280], sizes = [256, 128], strides = [1, 1]} : vector<256x4096xf32> to vector<256x128xf32>
    %reduce_sum3A_2217 = arith.constant dense<0.000000e+00> : vector<256xf32>
    %reduce_sum3A_2218 = vector.multi_reduction <add>, %slice3A_2216, %reduce_sum3A_2217 [1] : vector<256x128xf32> to vector<256xf32>
    %broadcast_in_dim3A_2219 = vector.shape_cast %reduce_sum3A_2218 : vector<256xf32> to vector<256x1xf32>
    %slice3A_2220 = vector.extract_strided_slice %mul3A_2177 {offsets = [0, 1408], sizes = [256, 128], strides = [1, 1]} : vector<256x4096xf32> to vector<256x128xf32>
    %reduce_sum3A_2221 = arith.constant dense<0.000000e+00> : vector<256xf32>
    %reduce_sum3A_2222 = vector.multi_reduction <add>, %slice3A_2220, %reduce_sum3A_2221 [1] : vector<256x128xf32> to vector<256xf32>
    %broadcast_in_dim3A_2223 = vector.shape_cast %reduce_sum3A_2222 : vector<256xf32> to vector<256x1xf32>
    %slice3A_2224 = vector.extract_strided_slice %mul3A_2177 {offsets = [0, 1536], sizes = [256, 128], strides = [1, 1]} : vector<256x4096xf32> to vector<256x128xf32>
    %reduce_sum3A_2225 = arith.constant dense<0.000000e+00> : vector<256xf32>
    %reduce_sum3A_2226 = vector.multi_reduction <add>, %slice3A_2224, %reduce_sum3A_2225 [1] : vector<256x128xf32> to vector<256xf32>
    %broadcast_in_dim3A_2227 = vector.shape_cast %reduce_sum3A_2226 : vector<256xf32> to vector<256x1xf32>
    %slice3A_2228 = vector.extract_strided_slice %mul3A_2177 {offsets = [0, 1664], sizes = [256, 128], strides = [1, 1]} : vector<256x4096xf32> to vector<256x128xf32>
    %reduce_sum3A_2229 = arith.constant dense<0.000000e+00> : vector<256xf32>
    %reduce_sum3A_2230 = vector.multi_reduction <add>, %slice3A_2228, %reduce_sum3A_2229 [1] : vector<256x128xf32> to vector<256xf32>
    %broadcast_in_dim3A_2231 = vector.shape_cast %reduce_sum3A_2230 : vector<256xf32> to vector<256x1xf32>
    %slice3A_2232 = vector.extract_strided_slice %mul3A_2177 {offsets = [0, 1792], sizes = [256, 128], strides = [1, 1]} : vector<256x4096xf32> to vector<256x128xf32>
    %reduce_sum3A_2233 = arith.constant dense<0.000000e+00> : vector<256xf32>
    %reduce_sum3A_2234 = vector.multi_reduction <add>, %slice3A_2232, %reduce_sum3A_2233 [1] : vector<256x128xf32> to vector<256xf32>
    %broadcast_in_dim3A_2235 = vector.shape_cast %reduce_sum3A_2234 : vector<256xf32> to vector<256x1xf32>
    %slice3A_2236 = vector.extract_strided_slice %mul3A_2177 {offsets = [0, 1920], sizes = [256, 128], strides = [1, 1]} : vector<256x4096xf32> to vector<256x128xf32>
    %reduce_sum3A_2237 = arith.constant dense<0.000000e+00> : vector<256xf32>
    %reduce_sum3A_2238 = vector.multi_reduction <add>, %slice3A_2236, %reduce_sum3A_2237 [1] : vector<256x128xf32> to vector<256xf32>
    %broadcast_in_dim3A_2239 = vector.shape_cast %reduce_sum3A_2238 : vector<256xf32> to vector<256x1xf32>
    %slice3A_2240 = vector.extract_strided_slice %mul3A_2177 {offsets = [0, 2048], sizes = [256, 128], strides = [1, 1]} : vector<256x4096xf32> to vector<256x128xf32>
    %reduce_sum3A_2241 = arith.constant dense<0.000000e+00> : vector<256xf32>
    %reduce_sum3A_2242 = vector.multi_reduction <add>, %slice3A_2240, %reduce_sum3A_2241 [1] : vector<256x128xf32> to vector<256xf32>
    %broadcast_in_dim3A_2243 = vector.shape_cast %reduce_sum3A_2242 : vector<256xf32> to vector<256x1xf32>
    %slice3A_2244 = vector.extract_strided_slice %mul3A_2177 {offsets = [0, 2176], sizes = [256, 128], strides = [1, 1]} : vector<256x4096xf32> to vector<256x128xf32>
    %reduce_sum3A_2245 = arith.constant dense<0.000000e+00> : vector<256xf32>
    %reduce_sum3A_2246 = vector.multi_reduction <add>, %slice3A_2244, %reduce_sum3A_2245 [1] : vector<256x128xf32> to vector<256xf32>
    %broadcast_in_dim3A_2247 = vector.shape_cast %reduce_sum3A_2246 : vector<256xf32> to vector<256x1xf32>
    %slice3A_2248 = vector.extract_strided_slice %mul3A_2177 {offsets = [0, 2304], sizes = [256, 128], strides = [1, 1]} : vector<256x4096xf32> to vector<256x128xf32>
    %reduce_sum3A_2249 = arith.constant dense<0.000000e+00> : vector<256xf32>
    %reduce_sum3A_2250 = vector.multi_reduction <add>, %slice3A_2248, %reduce_sum3A_2249 [1] : vector<256x128xf32> to vector<256xf32>
    %broadcast_in_dim3A_2251 = vector.shape_cast %reduce_sum3A_2250 : vector<256xf32> to vector<256x1xf32>
    %slice3A_2252 = vector.extract_strided_slice %mul3A_2177 {offsets = [0, 2432], sizes = [256, 128], strides = [1, 1]} : vector<256x4096xf32> to vector<256x128xf32>
    %reduce_sum3A_2253 = arith.constant dense<0.000000e+00> : vector<256xf32>
    %reduce_sum3A_2254 = vector.multi_reduction <add>, %slice3A_2252, %reduce_sum3A_2253 [1] : vector<256x128xf32> to vector<256xf32>
    %broadcast_in_dim3A_2255 = vector.shape_cast %reduce_sum3A_2254 : vector<256xf32> to vector<256x1xf32>
    %slice3A_2256 = vector.extract_strided_slice %mul3A_2177 {offsets = [0, 2560], sizes = [256, 128], strides = [1, 1]} : vector<256x4096xf32> to vector<256x128xf32>
    %reduce_sum3A_2257 = arith.constant dense<0.000000e+00> : vector<256xf32>
    %reduce_sum3A_2258 = vector.multi_reduction <add>, %slice3A_2256, %reduce_sum3A_2257 [1] : vector<256x128xf32> to vector<256xf32>
    %broadcast_in_dim3A_2259 = vector.shape_cast %reduce_sum3A_2258 : vector<256xf32> to vector<256x1xf32>
    %slice3A_2260 = vector.extract_strided_slice %mul3A_2177 {offsets = [0, 2688], sizes = [256, 128], strides = [1, 1]} : vector<256x4096xf32> to vector<256x128xf32>
    %reduce_sum3A_2261 = arith.constant dense<0.000000e+00> : vector<256xf32>
    %reduce_sum3A_2262 = vector.multi_reduction <add>, %slice3A_2260, %reduce_sum3A_2261 [1] : vector<256x128xf32> to vector<256xf32>
    %broadcast_in_dim3A_2263 = vector.shape_cast %reduce_sum3A_2262 : vector<256xf32> to vector<256x1xf32>
    %slice3A_2264 = vector.extract_strided_slice %mul3A_2177 {offsets = [0, 2816], sizes = [256, 128], strides = [1, 1]} : vector<256x4096xf32> to vector<256x128xf32>
    %reduce_sum3A_2265 = arith.constant dense<0.000000e+00> : vector<256xf32>
    %reduce_sum3A_2266 = vector.multi_reduction <add>, %slice3A_2264, %reduce_sum3A_2265 [1] : vector<256x128xf32> to vector<256xf32>
    %broadcast_in_dim3A_2267 = vector.shape_cast %reduce_sum3A_2266 : vector<256xf32> to vector<256x1xf32>
    %slice3A_2268 = vector.extract_strided_slice %mul3A_2177 {offsets = [0, 2944], sizes = [256, 128], strides = [1, 1]} : vector<256x4096xf32> to vector<256x128xf32>
    %reduce_sum3A_2269 = arith.constant dense<0.000000e+00> : vector<256xf32>
    %reduce_sum3A_2270 = vector.multi_reduction <add>, %slice3A_2268, %reduce_sum3A_2269 [1] : vector<256x128xf32> to vector<256xf32>
    %broadcast_in_dim3A_2271 = vector.shape_cast %reduce_sum3A_2270 : vector<256xf32> to vector<256x1xf32>
    %slice3A_2272 = vector.extract_strided_slice %mul3A_2177 {offsets = [0, 3072], sizes = [256, 128], strides = [1, 1]} : vector<256x4096xf32> to vector<256x128xf32>
    %reduce_sum3A_2273 = arith.constant dense<0.000000e+00> : vector<256xf32>
    %reduce_sum3A_2274 = vector.multi_reduction <add>, %slice3A_2272, %reduce_sum3A_2273 [1] : vector<256x128xf32> to vector<256xf32>
    %broadcast_in_dim3A_2275 = vector.shape_cast %reduce_sum3A_2274 : vector<256xf32> to vector<256x1xf32>
    %slice3A_2276 = vector.extract_strided_slice %mul3A_2177 {offsets = [0, 3200], sizes = [256, 128], strides = [1, 1]} : vector<256x4096xf32> to vector<256x128xf32>
    %reduce_sum3A_2277 = arith.constant dense<0.000000e+00> : vector<256xf32>
    %reduce_sum3A_2278 = vector.multi_reduction <add>, %slice3A_2276, %reduce_sum3A_2277 [1] : vector<256x128xf32> to vector<256xf32>
    %broadcast_in_dim3A_2279 = vector.shape_cast %reduce_sum3A_2278 : vector<256xf32> to vector<256x1xf32>
    %slice3A_2280 = vector.extract_strided_slice %mul3A_2177 {offsets = [0, 3328], sizes = [256, 128], strides = [1, 1]} : vector<256x4096xf32> to vector<256x128xf32>
    %reduce_sum3A_2281 = arith.constant dense<0.000000e+00> : vector<256xf32>
    %reduce_sum3A_2282 = vector.multi_reduction <add>, %slice3A_2280, %reduce_sum3A_2281 [1] : vector<256x128xf32> to vector<256xf32>
    %broadcast_in_dim3A_2283 = vector.shape_cast %reduce_sum3A_2282 : vector<256xf32> to vector<256x1xf32>
    %slice3A_2284 = vector.extract_strided_slice %mul3A_2177 {offsets = [0, 3456], sizes = [256, 128], strides = [1, 1]} : vector<256x4096xf32> to vector<256x128xf32>
    %reduce_sum3A_2285 = arith.constant dense<0.000000e+00> : vector<256xf32>
    %reduce_sum3A_2286 = vector.multi_reduction <add>, %slice3A_2284, %reduce_sum3A_2285 [1] : vector<256x128xf32> to vector<256xf32>
    %broadcast_in_dim3A_2287 = vector.shape_cast %reduce_sum3A_2286 : vector<256xf32> to vector<256x1xf32>
    %slice3A_2288 = vector.extract_strided_slice %mul3A_2177 {offsets = [0, 3584], sizes = [256, 128], strides = [1, 1]} : vector<256x4096xf32> to vector<256x128xf32>
    %reduce_sum3A_2289 = arith.constant dense<0.000000e+00> : vector<256xf32>
    %reduce_sum3A_2290 = vector.multi_reduction <add>, %slice3A_2288, %reduce_sum3A_2289 [1] : vector<256x128xf32> to vector<256xf32>
    %broadcast_in_dim3A_2291 = vector.shape_cast %reduce_sum3A_2290 : vector<256xf32> to vector<256x1xf32>
    %slice3A_2292 = vector.extract_strided_slice %mul3A_2177 {offsets = [0, 3712], sizes = [256, 128], strides = [1, 1]} : vector<256x4096xf32> to vector<256x128xf32>
    %reduce_sum3A_2293 = arith.constant dense<0.000000e+00> : vector<256xf32>
    %reduce_sum3A_2294 = vector.multi_reduction <add>, %slice3A_2292, %reduce_sum3A_2293 [1] : vector<256x128xf32> to vector<256xf32>
    %broadcast_in_dim3A_2295 = vector.shape_cast %reduce_sum3A_2294 : vector<256xf32> to vector<256x1xf32>
    %slice3A_2296 = vector.extract_strided_slice %mul3A_2177 {offsets = [0, 3840], sizes = [256, 128], strides = [1, 1]} : vector<256x4096xf32> to vector<256x128xf32>
    %reduce_sum3A_2297 = arith.constant dense<0.000000e+00> : vector<256xf32>
    %reduce_sum3A_2298 = vector.multi_reduction <add>, %slice3A_2296, %reduce_sum3A_2297 [1] : vector<256x128xf32> to vector<256xf32>
    %broadcast_in_dim3A_2299 = vector.shape_cast %reduce_sum3A_2298 : vector<256xf32> to vector<256x1xf32>
    %slice3A_2300 = vector.extract_strided_slice %mul3A_2177 {offsets = [0, 3968], sizes = [256, 128], strides = [1, 1]} : vector<256x4096xf32> to vector<256x128xf32>
    %reduce_sum3A_2301 = arith.constant dense<0.000000e+00> : vector<256xf32>
    %reduce_sum3A_2302 = vector.multi_reduction <add>, %slice3A_2300, %reduce_sum3A_2301 [1] : vector<256x128xf32> to vector<256xf32>
    %broadcast_in_dim3A_2303 = vector.shape_cast %reduce_sum3A_2302 : vector<256xf32> to vector<256x1xf32>
    %concatenate3A_2304 = tpu.concatenate %broadcast_in_dim3A_2179, %broadcast_in_dim3A_2183, %broadcast_in_dim3A_2187, %broadcast_in_dim3A_2191, %broadcast_in_dim3A_2195, %broadcast_in_dim3A_2199, %broadcast_in_dim3A_2203, %broadcast_in_dim3A_2207, %broadcast_in_dim3A_2211, %broadcast_in_dim3A_2215, %broadcast_in_dim3A_2219, %broadcast_in_dim3A_2223, %broadcast_in_dim3A_2227, %broadcast_in_dim3A_2231, %broadcast_in_dim3A_2235, %broadcast_in_dim3A_2239, %broadcast_in_dim3A_2243, %broadcast_in_dim3A_2247, %broadcast_in_dim3A_2251, %broadcast_in_dim3A_2255, %broadcast_in_dim3A_2259, %broadcast_in_dim3A_2263, %broadcast_in_dim3A_2267, %broadcast_in_dim3A_2271, %broadcast_in_dim3A_2275, %broadcast_in_dim3A_2279, %broadcast_in_dim3A_2283, %broadcast_in_dim3A_2287, %broadcast_in_dim3A_2291, %broadcast_in_dim3A_2295, %broadcast_in_dim3A_2299, %broadcast_in_dim3A_2303 in 1 : vector<256x1xf32>, vector<256x1xf32>, vector<256x1xf32>, vector<256x1xf32>, vector<256x1xf32>, vector<256x1xf32>, vector<256x1xf32>, vector<256x1xf32>, vector<256x1xf32>, vector<256x1xf32>, vector<256x1xf32>, vector<256x1xf32>, vector<256x1xf32>, vector<256x1xf32>, vector<256x1xf32>, vector<256x1xf32>, vector<256x1xf32>, vector<256x1xf32>, vector<256x1xf32>, vector<256x1xf32>, vector<256x1xf32>, vector<256x1xf32>, vector<256x1xf32>, vector<256x1xf32>, vector<256x1xf32>, vector<256x1xf32>, vector<256x1xf32>, vector<256x1xf32>, vector<256x1xf32>, vector<256x1xf32>, vector<256x1xf32>, vector<256x1xf32> -> vector<256x32xf32>
    %get3A_2305 = arith.constant 0 : index
    %get3A_2306 = arith.constant 0 : index
    %get3A_2307 = vector.load %arg14[%get3A_2305, %get3A_2306] : memref<27x256xf32, #tpu.memory_space<vmem>>, vector<27x256xf32>
    %dot_general3A_2308 = arith.constant dense<0.000000e+00> : vector<27x32xf32>
    %dot_general3A_2309 = tpu.matmul %get3A_2307, %concatenate3A_2304, %dot_general3A_2308 {dimension_numbers = #tpu.dot_dimension_numbers<[1], [0], [0], [1], [0, 0, 1, 1], [], []>, transpose_lhs_hint = false} : vector<27x256xf32>, vector<256x32xf32>, vector<27x32xf32> -> vector<27x32xf32>
    %get3A_2310 = arith.constant 0 : index
    %get3A_2311 = arith.constant 0 : index
    %get3A_2312 = vector.load %arg15[%get3A_2310, %get3A_2311] : memref<27x1xf32, #tpu.memory_space<vmem>>, vector<27x1xf32>
    %add3A_2313 = vector.broadcast %get3A_2312 : vector<27x1xf32> to vector<27x32xf32>
    %add3A_2314 = arith.addf %dot_general3A_2309, %add3A_2313 : vector<27x32xf32>
    %swap3A = arith.constant 0 : index
    %swap3A_2315 = arith.constant 0 : index
    %swap3A_2316 = vector.load %arg16[%swap3A, %swap3A_2315] : memref<27x32xf32, #tpu.memory_space<vmem>>, vector<27x32xf32>
    tpu.vector_store %arg16[%swap3A, %swap3A_2315], %add3A_2314 {strides = array<i32>} : memref<27x32xf32, #tpu.memory_space<vmem>>, vector<27x32xf32>,
    return
  }
  func.func @transform_0(%arg0: i32, %arg1: memref<1xi32, #tpu.memory_space<smem>>) -> (i32, i32, i32) {
    %c0_i32 = arith.constant 0 : i32
    %c0_i32_0 = arith.constant 0 : i32
    %c0_i32_1 = arith.constant 0 : i32
    %c0_i32_2 = arith.constant 0 : i32
    return %c0_i32, %c0_i32_0, %c0_i32_1 : i32, i32, i32
  }
  func.func @transform_1(%arg0: i32, %arg1: memref<1xi32, #tpu.memory_space<smem>>) -> (i32, i32, i32) {
    %c0_i32 = arith.constant 0 : i32
    %c0_i32_0 = arith.constant 0 : i32
    %c0_i32_1 = arith.constant 0 : i32
    %c0_i32_2 = arith.constant 0 : i32
    return %c0_i32, %c0_i32_0, %c0_i32_1 : i32, i32, i32
  }
  func.func @transform_2(%arg0: i32, %arg1: memref<1xi32, #tpu.memory_space<smem>>) -> (i32, i32, i32) {
    %c0_i32 = arith.constant 0 : i32
    %c0_i32_0 = arith.constant 0 : i32
    %c0_i32_1 = arith.constant 0 : i32
    %c0_i32_2 = arith.constant 0 : i32
    return %c0_i32, %c0_i32_0, %c0_i32_1 : i32, i32, i32
  }
  func.func @transform_3(%arg0: i32, %arg1: memref<1xi32, #tpu.memory_space<smem>>) -> (i32, i32) {
    %c0_i32 = arith.constant 0 : i32
    %c0_i32_0 = arith.constant 0 : i32
    %c0_i32_1 = arith.constant 0 : i32
    return %c0_i32, %c0_i32_0 : i32, i32
  }
  func.func @transform_4(%arg0: i32, %arg1: memref<1xi32, #tpu.memory_space<smem>>) -> (i32, i32) {
    %c0_i32 = arith.constant 0 : i32
    %c0_i32_0 = arith.constant 0 : i32
    %c0_i32_1 = arith.constant 0 : i32
    return %c0_i32, %c0_i32_0 : i32, i32
  }
  func.func @transform_5(%arg0: i32, %arg1: memref<1xi32, #tpu.memory_space<smem>>) -> (i32, i32, i32) {
    %c0_i32 = arith.constant 0 : i32
    %c0_i32_0 = arith.constant 0 : i32
    %c0_i32_1 = arith.constant 0 : i32
    %c0_i32_2 = arith.constant 0 : i32
    return %c0_i32, %c0_i32_0, %c0_i32_1 : i32, i32, i32
  }
  func.func @transform_6(%arg0: i32, %arg1: memref<1xi32, #tpu.memory_space<smem>>) -> (i32, i32, i32) {
    %c0_i32 = arith.constant 0 : i32
    %c0_i32_0 = arith.constant 0 : i32
    %c0_i32_1 = arith.constant 0 : i32
    %c0_i32_2 = arith.constant 0 : i32
    return %c0_i32, %c0_i32_0, %c0_i32_1 : i32, i32, i32
  }
  func.func @transform_7(%arg0: i32, %arg1: memref<1xi32, #tpu.memory_space<smem>>) -> (i32, i32) {
    %c0_i32 = arith.constant 0 : i32
    %c0_i32_0 = arith.constant 0 : i32
    %c0_i32_1 = arith.constant 0 : i32
    return %c0_i32, %c0_i32_0 : i32, i32
  }
  func.func @transform_8(%arg0: i32, %arg1: memref<1xi32, #tpu.memory_space<smem>>) -> (i32, i32) {
    %c0_i32 = arith.constant 0 : i32
    %c0_i32_0 = arith.constant 0 : i32
    %c0_i32_1 = arith.constant 0 : i32
    return %c0_i32, %c0_i32_0 : i32, i32
  }
  func.func @transform_9(%arg0: i32, %arg1: memref<1xi32, #tpu.memory_space<smem>>) -> (i32, i32) {
    %c0_i32 = arith.constant 0 : i32
    %c0_i32_0 = arith.constant 0 : i32
    %c0_i32_1 = arith.constant 0 : i32
    return %c0_i32, %c0_i32_0 : i32, i32
  }
  func.func @transform_10(%arg0: i32, %arg1: memref<1xi32, #tpu.memory_space<smem>>) -> (i32, i32) {
    %c0_i32 = arith.constant 0 : i32
    %c0_i32_0 = arith.constant 0 : i32
    %c0_i32_1 = arith.constant 0 : i32
    return %c0_i32, %c0_i32_0 : i32, i32
  }
  func.func @transform_11(%arg0: i32, %arg1: memref<1xi32, #tpu.memory_space<smem>>) -> (i32, i32) {
    %c0_i32 = arith.constant 0 : i32
    %c0_i32_0 = arith.constant 0 : i32
    %c0_i32_1 = arith.constant 0 : i32
    return %c0_i32, %c0_i32_0 : i32, i32
  }
  func.func @transform_12(%arg0: i32, %arg1: memref<1xi32, #tpu.memory_space<smem>>) -> (i32, i32) {
    %c0_i32 = arith.constant 0 : i32
    %c0_i32_0 = arith.constant 0 : i32
    %c0_i32_1 = arith.constant 0 : i32
    return %c0_i32, %c0_i32_0 : i32, i32
  }
  func.func @transform_13(%arg0: i32, %arg1: memref<1xi32, #tpu.memory_space<smem>>) -> (i32, i32) {
    %c0_i32 = arith.constant 0 : i32
    %c0_i32_0 = arith.constant 0 : i32
    %c0_i32_1 = arith.constant 0 : i32
    return %c0_i32, %c0_i32_0 : i32, i32
  }
  func.func @transform_14(%arg0: i32, %arg1: memref<1xi32, #tpu.memory_space<smem>>) -> (i32, i32) {
    %c0_i32 = arith.constant 0 : i32
    %c0_i32_0 = arith.constant 0 : i32
    %c0_i32_1 = arith.constant 0 : i32
    return %c0_i32, %c0_i32_0 : i32, i32
  }
}

</mosaic_0001>

<sc_bundles>
// kernel: kernel.4.cloned.1.call-start
scs
__scs_entry_jumppad:
0x0: {  	(pc) =	sbr.rel $0x88, $3  }
0x1: {  	(tag) =	ssettag $0x0;
	lr =	simm.s32 $0x1  }
0x2: {  	[smem:$0x3F92] =	sst lr;
	_ =	strace $0xD0000000  }
0x3: {  	_ = 	snop  }
0x4: {  	_ = 	snop  }
0x5: {  	_ = 	snop  }
0x6: {  	_ = 	snop  }
0x7: {  	_ = 	snop  }
__scs_overlays_trampoline_lowered:
0x8: {  	[smem:$0x3FA1] =	sst s0  }
0x9: {  	[smem:$0x3FA2] =	sst s1  }
0xa: {  	[smem:$0x3FA3] =	sst s2  }
0xb: {  	[smem:$0x3FA4] =	sst s3  }
0xc: {  	[smem:$0x3FA5] =	sst s4  }
0xd: {  	[smem:$0x3FA6] =	sst s5  }
0xe: {  	[smem:$0x3FA7] =	sst s6  }
0xf: {  	[smem:$0x3FA8] =	sst s7  }
0x10: {  	[smem:$0x3FA9] =	sst s8  }
0x11: {  	[smem:$0x3FAA] =	sst s9;
	s0 =	simm.s32 @!p0 $0x0  }
0x12: {  	s1 =	sld [smem:$0x3F90];
	s0 =	simm.s32 @p0 $0x1  }
0x13: {  	[smem:$0x3FAB] =	sst s0;
	s0 =	simm.s32 @!p1 $0x0  }
0x14: {  	s2 =	sld [smem:$0x3F8F];
	s0 =	simm.s32 @p1 $0x1  }
0x15: {  	[smem:$0x3FAC] =	sst s0;
	s0 =	simm.s32 @!p2 $0x0  }
0x16: {  	s3 =	sld [smem:$0x3FDB];
	s0 =	simm.s32 @p2 $0x1  }
0x17: {  	s4 =	simm.s32 $0x1BF5;
	[smem:$0x3FAE] =	sst s0  }
0x18: {  	s0 =	sld [smem:$0x3F91];
	_ =	swait.ge [sflag:s4], $0x0  }
0x19: {  	s7 =	sld [smem:$0x3F92]  }
0x1a: {  	s8 =	sadd.s32 $0xFFFFE003, lr  }
0x1b: {  	s9 =	sadd.s32 $0xFFFFFEF7, lr;
	s5 =	simm.s32 $0xFFFFFFFF;
	p2 =	slt.u32 s8, $0xFFFFF086  }
0x1c: {  	p1 =	slt.u32 s9, $0xF7A;
	s5 =	simm.s32 @!p2 $0x0  }
0x1d: {  	s5 =	simm.s32 @p1 $0x1;
	p0 =	seq.s32 s7, s2  }
0x1e: {  	s7 =	smul.u32 @!p0 $0xF7A, s2;
	p2 =	seq.s32 @!p0 s5, $0x0  }
0x1f: {  	s9 =	smul.u32 $0xF7A, s1;
	s8 =	simm.s32 @!p0 $0x1BF5;
	p2 =	por !p2, p0  }
0x20: {  	[sflag:s8] =	ssyncset.s32 @!p0 $0xFFFFF086;
	s6 =	sadd.s32 @!p0 s3, s7;
	s7 =	simm.s32 @!p0 $0x108  }
0x21: {  	s3 =	sadd.s32 s3, s9;
	s6 =	sadd.s32 @!p0 $0x88, s6;
	s7 =	simm.s32 @p2 $0x1082  }
0x22: {  	[simem:s7], [sflag:s8] =	dma.local @!p0 [hbm:s6], $0xF7A  }
0x23: {  	s9 =	sor.u32 $0xD0000000, s2;
	s6 =	simm.s32 $0x108;
	_ =	swait.ge @!p0 [sflag:s8], $0x0  }
0x24: {  	s3 =	sadd.s32 $0x88, s3;
	s6 =	simm.s32 @!p1 $0x1082;
	[sflag:s4] =	ssyncset.s32 $0xFFFFF086  }
0x25: {  	[simem:s6], [sflag:s4] =	dma.local [hbm:s3], $0xF7A  }
0x26: {  	[smem:$0x3F92] =	sst s1;
	(tag) =	ssettag s2;
	_ =	strace s9  }
0x27: {  	s1 =	sld [smem:$0x3FA2]  }
0x28: {  	s2 =	sld [smem:$0x3FA3]  }
0x29: {  	s4 =	sld [smem:$0x3FA5]  }
0x2a: {  	p0 =	seq.s32 s5, $0x0;
	s5 =	sld [smem:$0x3FA6]  }
0x2b: {  	s6 =	sld [smem:$0x3FA7]  }
0x2c: {  	s7 =	sld [smem:$0x3FA8]  }
0x2d: {  	s3 =	simm.s32 $0x108;
	s8 =	sld [smem:$0x3FA9]  }
0x2e: {  	s3 =	simm.s32 @!p0 $0x1082;
	s9 =	sld [smem:$0x3FAA]  }
0x2f: {  	lr =	sadd.s32 s0, s3;
	s0 =	sld [smem:$0x3FA1]  }
0x30: {  	s3 =	sld [smem:$0x3FA4]  }
0x31: {  	[smem:$0x3FAD] =	sst s10  }
0x32: {  	s10 =	sld [smem:$0x3FAB];
	_ =	sdelay $0x3  }
0x33: {  	p0 =	seq.s32 s10, $0x1;
	s10 =	sld [smem:$0x3FAD];
	_ =	sdelay $0x3  }
0x34: {  	[smem:$0x3FAD] =	sst s10  }
0x35: {  	s10 =	sld [smem:$0x3FAC];
	_ =	sdelay $0x3  }
0x36: {  	p1 =	seq.s32 s10, $0x1;
	s10 =	sld [smem:$0x3FAD];
	_ =	sdelay $0x3  }
0x37: {  	[smem:$0x3FAD] =	sst s10  }
0x38: {  	s10 =	sld [smem:$0x3FAE]  }
0x39: {  	_ = 	snop;
	(pc) =	sbr.ind lr, $3  }
0x3a: {  	_ = 	snop  }
0x3b: {  	_ = 	snop  }
0x3c: {  	p2 =	seq.s32 s10, $0x1;
	s10 =	sld [smem:$0x3FAD]  }
0x3d: {  	_ =	shalt  }
0x3e: {  	_ =	shalt  }
0x3f: {  	_ =	shalt  }
0x40: {  	_ =	shalt  }
0x41: {  	_ =	shalt  }
0x42: {  	_ =	shalt  }
0x43: {  	_ =	shalt  }
0x44: {  	_ =	shalt  }
0x45: {  	_ =	shalt  }
0x46: {  	_ =	shalt  }
0x47: {  	_ =	shalt  }
0x48: {  	_ =	shalt  }
0x49: {  	_ =	shalt  }
0x4a: {  	_ =	shalt  }
0x4b: {  	_ =	shalt  }
0x4c: {  	_ =	shalt  }
0x4d: {  	_ =	shalt  }
0x4e: {  	_ =	shalt  }
0x4f: {  	_ =	shalt  }
0x50: {  	_ =	shalt  }
0x51: {  	_ =	shalt  }
0x52: {  	_ =	shalt  }
0x53: {  	_ =	shalt  }
0x54: {  	_ =	shalt  }
0x55: {  	_ =	shalt  }
0x56: {  	_ =	shalt  }
0x57: {  	_ =	shalt  }
0x58: {  	_ =	shalt  }
0x59: {  	_ =	shalt  }
0x5a: {  	_ =	shalt  }
0x5b: {  	_ =	shalt  }
0x5c: {  	_ =	shalt  }
0x5d: {  	_ =	shalt  }
0x5e: {  	_ =	shalt  }
0x5f: {  	_ =	shalt  }
0x60: {  	_ =	shalt  }
0x61: {  	_ =	shalt  }
0x62: {  	_ =	shalt  }
0x63: {  	_ =	shalt  }
0x64: {  	_ =	shalt  }
0x65: {  	_ =	shalt  }
0x66: {  	_ =	shalt  }
0x67: {  	_ =	shalt  }
0x68: {  	_ =	shalt  }
0x69: {  	_ =	shalt  }
0x6a: {  	_ =	shalt  }
0x6b: {  	_ =	shalt  }
0x6c: {  	_ =	shalt  }
0x6d: {  	_ =	shalt  }
0x6e: {  	_ =	shalt  }
0x6f: {  	_ =	shalt  }
0x70: {  	_ =	shalt  }
0x71: {  	_ =	shalt  }
0x72: {  	_ =	shalt  }
0x73: {  	_ =	shalt  }
0x74: {  	_ =	shalt  }
0x75: {  	_ =	shalt  }
0x76: {  	_ =	shalt  }
0x77: {  	_ =	shalt  }
0x78: {  	_ =	shalt  }
0x79: {  	_ =	shalt  }
0x7a: {  	_ =	shalt  }
0x7b: {  	_ =	shalt  }
0x7c: {  	_ =	shalt  }
0x7d: {  	_ =	shalt  }
0x7e: {  	_ =	shalt  }
0x7f: {  	_ =	shalt  }
0x80: {  	_ =	shalt  }
0x81: {  	_ =	shalt  }
0x82: {  	_ =	shalt  }
0x83: {  	_ =	shalt  }
0x84: {  	_ =	shalt  }
0x85: {  	_ =	shalt  }
0x86: {  	_ =	shalt  }
0x87: {  	_ =	shalt  }
.Lfunc_end0:
.L_simem_size_0:
called_computation_lowered:
.L_overlay_start_0:
0x88: {  	s2 =	sld [smem:$0x3FD9]  }
0x89: {  	s3 =	sld [smem:$0x3FFE];
	_ =	sdelay $0x1  }
0x8a: {  	s1 =	srdreg.scid  }
0x8b: {  	s0 =	sand.u32 $0x1, s1  }
0x8c: {  	s17 =	sshll.u32 s0, $0xA;
	s2 =	sadd.s32 s3, s2  }
0x8d: {  	s2 =	sadd.s32 s2, s17  }
0x8e: {  	[smem:$0x3FB9] =	sst s2  }
0x8f: {  	_ = 	snop  }
0x90: {  	s2 =	sld [smem:$0x3FC2];
	(tm) =	ssettm $0x1  }
0x91: {  	s18 =	sld [smem:$0x3FFB];
	_ =	sdelay $0x3  }
0x92: {  	_ =	strace s18  }
0x93: {  	s3 =	sld [smem:$0x3FFC];
	_ =	sdelay $0x3  }
0x94: {  	_ =	strace s3  }
0x95: {  	s3 =	sld [smem:$0x3FFD];
	_ =	sdelay $0x3  }
0x96: {  	_ =	strace s3  }
0x97: {  	_ =	strace $0x8FFFFFFF  }
0x98: {  	s19 =	sld [smem:$0x3FDB];
	_ =	sdelay $0x1  }
0x99: {  	s4 =	simm.s32 $_scs_section_size  }
0x9a: {  	s5 =	simm.s32 $_size__tile_overlayer_lowered;
	s6 =	simm.s32 $_tile_overlayer_lowered  }
0x9b: {  	s22 =	simm.s32 $0x1BFF;
	s21 =	sshll.u32 s6, $0x1;
	s3 =	sadd.s32 s4, s19  }
0x9c: {  	s7 =	simm.s32 $0x0;
	s20 =	sshll.u32 s5, $0x1;
	s5 =	sadd.s32 s21, s3  }
0x9d: {  	[timem:s7], [sflag:s22] =	dma.local [hbm:s5], s20  }
0x9e: {  	_ =	swait.ge [sflag:s22], s20  }
0x9f: {  	s4 =	ssub.s32 $0x0, s20;
	[sflag:s22] =	ssyncset.done $0x0  }
0xa0: {  	[sflag:s22] =	ssyncadd.s32 s4;
	_ =	sdelay $0x1  }
0xa1: {  	s23 =	simm.s32 $0x1B8B  }
0xa2: {  	_ =	swait.ge [sflag:s23], $0x1  }
0xa3: {  	[sflag:s23] =	ssyncset.done $0x0  }
0xa4: {  	s25 =	simm.s32 $0x1B8E;
	s24 =	sld [smem:$0x3FFE];
	[sflag:s23] =	ssyncadd.s32 $0xFFFFFFFF  }
0xa5: {  	s26 =	simm.s32 $execute0_lowered;
	[smem:$0x3FD2] =	sst s25  }
0xa6: {  	s5 =	sshll.u32 s26, $0x1;
	_ =	strace $0x80000046;
	[dreg:$0x1] =	wrdreg $0xFFFFFFFF  }
0xa7: {  	s28 =	simm.s32 $_size_execute0_lowered;
	s3 =	sadd.s32 s3, s5;
	[dreg:$0x0] =	wrdreg $0x0  }
0xa8: {  	s5 =	sshll.u32 s28, $0x1;
	[dreg:$0x2] =	wrdreg s3  }
0xa9: {  	[dreg:$0x3] =	wrdreg s5  }
0xaa: {  	[dreg:$0x4] =	wrdreg $0xC0  }
0xab: {  	_ =	task [dreg:s7], $0x5FFFF  }
0xac: {  	[dreg:$0x1] =	wrdreg $0xFFFFFFFF  }
0xad: {  	[dreg:$0x0] =	wrdreg $0x60  }
0xae: {  	[dreg:$0x2] =	wrdreg s2  }
0xaf: {  	[dreg:$0x3] =	wrdreg s24  }
0xb0: {  	[dreg:$0x4] =	wrdreg $0x9  }
0xb1: {  	_ =	task.clear_ibuf [dreg:s7], $0x5FFFF;
	_ =	strace $0x90000046  }
0xb2: {  	s29 =	simm.s32 $0x9;
	_ =	strace $0x80000048  }
0xb3: {  	_ =	swait.ge [sflag:s29], $0x1  }
0xb4: {  	[sflag:s29] =	ssyncadd.s32 $0xFFFFFFFF  }
0xb5: {  	_ =	strace $0x90000048  }
0xb6: {  	_ =	sfence  }
0xb7: {  	s30 =	sld [smem:$0x0];
	_ =	sdelay $0x2  }
0xb8: {  	s31 =	sshll.u32 s1, $0xD;
	s1 =	sshrl.u32 s1, $0x2  }
0xb9: {  	s3 =	sand.u32 $0x4000, s31;
	s1 =	sadd.s32 s1, s30  }
0xba: {  	s0 =	sor.u32 s3, s0;
	s1 =	sshll.u32 s1, $0x11  }
0xbb: {  	s0 =	sor.u32 s1, s0  }
0xbc: {  	s0 =	sadd.s32 $0x8F2B, s0  }
0xbd: {  	[sflag:s0] =	ssyncadd.remote.s32 $0x1  }
0xbe: {  	_ =	sfence.sel $0xFFFF  }
0xbf: {  	[dreg:$0x0] =	wrdreg $0xFFFFFFFF;
	(pc) =	sbr.abs _section_cstart, $3  }
0xc0: {  	[dreg:$0x1] =	wrdreg $0xFFFFFFFF  }
0xc1: {  	_ =	task.clear_ibuf [dreg:s7], $0x2FFFF;
	_ =	strace $0x9FFFFFFF  }
0xc2: {  	(tm) =	ssettm $0x7FFFFFFF  }
0xc3: {  	_ =	shalt  }
tec
execute0_lowered:
.L_overlay_start_1:
0x0: {  	(tag) =	ssettag $0x1  }
0x1: {  	s1 =	rddreg [dreg:$0x0]  }
0x2: {  	s0 =	rddreg [dreg:$0x1]  }
0x3: {  	s2 =	simm.s32 $0x0;
	s3 =	srdreg.scid;
	s7 =	stileid.u32  }
0x4: {  	s8 =	simm.s32 $0x2;
	s15 =	simm.s32 $0x1;
	s29 =	simm.s32 $0x5900  }
0x5: {  	s30 =	simm.s32 $0x6100;
	s31 =	simm.s32 $0x6900;
	s9 =	simm.s32 $0x8900  }
0x6: {  	s10 =	simm.s32 $0x9100;
	s11 =	simm.s32 $0x9900;
	s12 =	simm.s32 $0xA100  }
0x7: {  	s13 =	simm.s32 $0xA900;
	s14 =	simm.s32 $0xB100;
	s18 =	simm.s32 $0xB900  }
0x8: {  	s19 =	simm.s32 $0xC100;
	s20 =	simm.s32 $0xC900;
	s21 =	simm.s32 $0xD100  }
0x9: {  	s22 =	simm.s32 $0xD900;
	s23 =	simm.s32 $0xE100;
	s24 =	simm.s32 $0xE900  }
0xa: {  	s25 =	simm.s32 $0xF100;
	[smem:$0x7FF] =	sst s2;
	s3 =	sand.u32 $0x1, s3  }
0xb: {  	s4 =	sadd.s32 $0x1C00, s0;
	s5 =	sadd.s32 $0x2400, s0;
	s6 =	ssub.s32 $0x2, s3  }
0xc: {  	s28 =	sshll.u32 s7, $0xA;
	s7 =	simm.s32 $0x8100;
	s26 =	sshrl.u32 s6, $0x1  }
0xd: {  	v2 =	vlaneseq.u32;
	_ =	strace $0x80000047;
	s3 =	sshll.u32 s3, $0x9;
	s0 =	ssub.s32 s6, s26  }
0xe: {  	vm0 =	vmmov $0xffff;
	v1 =	vshrl.u32 v2, $0x3;
	s6 =	sor.u32 s3, s28;
	s3 =	simm.s32 $0x7900;
	s0 =	smax.u32 s0, $0x1  }
0xf: {  	v0 =	vand.u32 $0x7, v2;
	v2 =	vor.u32 $0x8, v2;
	v1 =	vmul.u32 $0x8, v1;
	s26 =	simm.s32 $0xF900;
	[dreg:$0x3] =	wrdreg s0;
	s0 =	simm.s32 $0x0  }
.LBB2_1:
0x10: {  	[dreg:$0x4] =	wrdreg s0  }
0x11: {  	p0 =	por $0x1, $0x1;
	s17 =	simm.s32 $0x0;
	s0 =	simm.s32 $0x7100  }
.LBB2_2:
0x12: {  	s16 =	sor.u32 s6, s17  }
0x13: {  	s17 =	sshrl.u32 s16, $0x3  }
0x14: {  	s17 =	sadd.s32 s4, s17  }
0x15: {  	[tilespmem:s2], [sflag:$0x2] =	stream.linear.gather [hbm4b:s17+s2], $0x100, $0x38;
	[tilespmem:$0x10100] =	vst v63  }
0x16: {  	_ =	swait.ge [sflag:s8], $0x100  }
0x17: {  	[sflag:s8] =	ssyncset.done $0x0  }
0x18: {  	[sflag:s8] =	ssyncadd.s32 $0xFFFFFF00  }
0x19: {  	v3 =	vld [tilespmem:$0x0];
	_ =	sdelay $0x4  }
0x1a: {  	v4 =	vshll.u32 v3, $0x1  }
0x1b: {  	v3 =	vand.u32 $0x7, v3;
	v4 =	vand.u32 $0xFFFFFFF0, v4  }
0x1c: {  	v3 =	vor.u32 v3, v4  }
0x1d: {  	v4 =	vperm.xlane v3, v0;
	_ =	sdelay $0x1  }
0x1e: {  	v3 =	vperm.xlane v3, v2;
	v4 =	vadd.s32 v1, v4;
	_ =	sdelay $0x1  }
0x1f: {  	v3 =	vadd.s32 v1, v3;
	_ =	sdelay $0x1  }
0x20: {  	s17 =	simm.s32 $0x100  }
0x21: {  	[tilespmem:s17], [sflag:$0x1] =	stream.indirect_vreg.gather [hbm4b:s1+s2], $0x80, v4, vm0, $0xb8;
	[tilespmem:$0x10100] =	vst v63  }
0x22: {  	s28 =	simm.s32 $0x900  }
0x23: {  	[tilespmem:s28], [sflag:$0x1] =	stream.indirect_vreg.gather [hbm4b:s1+s2], $0x80, v3, vm0, $0xb8;
	[tilespmem:$0x10100] =	vst v63  }
0x24: {  	v3 =	vld [tilespmem:$0x10];
	_ =	sdelay $0x4  }
0x25: {  	v49 =	vshll.u32 v3, $0x1  }
0x26: {  	v3 =	vand.u32 $0x7, v3;
	v4 =	vand.u32 $0xFFFFFFF0, v49  }
0x27: {  	v3 =	vor.u32 v3, v4  }
0x28: {  	v4 =	vperm.xlane v3, v0;
	_ =	sdelay $0x1  }
0x29: {  	v3 =	vperm.xlane v3, v2;
	v4 =	vadd.s32 v1, v4;
	_ =	sdelay $0x1  }
0x2a: {  	v3 =	vadd.s32 v1, v3;
	_ =	sdelay $0x1  }
0x2b: {  	s28 =	simm.s32 $0x1100  }
0x2c: {  	[tilespmem:s28], [sflag:$0x1] =	stream.indirect_vreg.gather [hbm4b:s1+s2], $0x80, v4, vm0, $0xb8;
	[tilespmem:$0x10100] =	vst v63  }
0x2d: {  	s28 =	simm.s32 $0x1900  }
0x2e: {  	[tilespmem:s28], [sflag:$0x1] =	stream.indirect_vreg.gather [hbm4b:s1+s2], $0x80, v3, vm0, $0xb8;
	[tilespmem:$0x10100] =	vst v63  }
0x2f: {  	v3 =	vld [tilespmem:$0x20];
	_ =	sdelay $0x4  }
0x30: {  	v50 =	vshll.u32 v3, $0x1  }
0x31: {  	v3 =	vand.u32 $0x7, v3;
	v4 =	vand.u32 $0xFFFFFFF0, v50  }
0x32: {  	v3 =	vor.u32 v3, v4  }
0x33: {  	v4 =	vperm.xlane v3, v0;
	_ =	sdelay $0x1  }
0x34: {  	v3 =	vperm.xlane v3, v2;
	v4 =	vadd.s32 v1, v4;
	_ =	sdelay $0x1  }
0x35: {  	v3 =	vadd.s32 v1, v3;
	_ =	sdelay $0x1  }
0x36: {  	s28 =	simm.s32 $0x2100  }
0x37: {  	[tilespmem:s28], [sflag:$0x1] =	stream.indirect_vreg.gather [hbm4b:s1+s2], $0x80, v4, vm0, $0xb8;
	[tilespmem:$0x10100] =	vst v63  }
0x38: {  	s28 =	simm.s32 $0x2900  }
0x39: {  	[tilespmem:s28], [sflag:$0x1] =	stream.indirect_vreg.gather [hbm4b:s1+s2], $0x80, v3, vm0, $0xb8;
	[tilespmem:$0x10100] =	vst v63  }
0x3a: {  	v3 =	vld [tilespmem:$0x30];
	_ =	sdelay $0x4  }
0x3b: {  	v51 =	vshll.u32 v3, $0x1  }
0x3c: {  	v3 =	vand.u32 $0x7, v3;
	v4 =	vand.u32 $0xFFFFFFF0, v51  }
0x3d: {  	v3 =	vor.u32 v3, v4  }
0x3e: {  	v4 =	vperm.xlane v3, v0;
	_ =	sdelay $0x1  }
0x3f: {  	v3 =	vperm.xlane v3, v2;
	v4 =	vadd.s32 v1, v4;
	_ =	sdelay $0x1  }
0x40: {  	v3 =	vadd.s32 v1, v3;
	_ =	sdelay $0x1  }
0x41: {  	s28 =	simm.s32 $0x3100  }
0x42: {  	[tilespmem:s28], [sflag:$0x1] =	stream.indirect_vreg.gather [hbm4b:s1+s2], $0x80, v4, vm0, $0xb8;
	[tilespmem:$0x10100] =	vst v63  }
0x43: {  	s28 =	simm.s32 $0x3900  }
0x44: {  	[tilespmem:s28], [sflag:$0x1] =	stream.indirect_vreg.gather [hbm4b:s1+s2], $0x80, v3, vm0, $0xb8;
	[tilespmem:$0x10100] =	vst v63  }
0x45: {  	v3 =	vld [tilespmem:$0x40];
	_ =	sdelay $0x4  }
0x46: {  	v52 =	vshll.u32 v3, $0x1  }
0x47: {  	v3 =	vand.u32 $0x7, v3;
	v4 =	vand.u32 $0xFFFFFFF0, v52  }
0x48: {  	v3 =	vor.u32 v3, v4  }
0x49: {  	v4 =	vperm.xlane v3, v0;
	_ =	sdelay $0x1  }
0x4a: {  	v3 =	vperm.xlane v3, v2;
	v4 =	vadd.s32 v1, v4;
	_ =	sdelay $0x1  }
0x4b: {  	v3 =	vadd.s32 v1, v3;
	_ =	sdelay $0x1  }
0x4c: {  	s28 =	simm.s32 $0x4100  }
0x4d: {  	[tilespmem:s28], [sflag:$0x1] =	stream.indirect_vreg.gather [hbm4b:s1+s2], $0x80, v4, vm0, $0xb8;
	[tilespmem:$0x10100] =	vst v63  }
0x4e: {  	s28 =	simm.s32 $0x4900  }
0x4f: {  	[tilespmem:s28], [sflag:$0x1] =	stream.indirect_vreg.gather [hbm4b:s1+s2], $0x80, v3, vm0, $0xb8;
	[tilespmem:$0x10100] =	vst v63  }
0x50: {  	v3 =	vld [tilespmem:$0x50];
	_ =	sdelay $0x4  }
0x51: {  	v53 =	vshll.u32 v3, $0x1  }
0x52: {  	v3 =	vand.u32 $0x7, v3;
	v4 =	vand.u32 $0xFFFFFFF0, v53  }
0x53: {  	v3 =	vor.u32 v3, v4  }
0x54: {  	v4 =	vperm.xlane v3, v0;
	_ =	sdelay $0x1  }
0x55: {  	v3 =	vperm.xlane v3, v2;
	v4 =	vadd.s32 v1, v4;
	_ =	sdelay $0x1  }
0x56: {  	v3 =	vadd.s32 v1, v3;
	_ =	sdelay $0x1  }
0x57: {  	s28 =	simm.s32 $0x5100  }
0x58: {  	[tilespmem:s28], [sflag:$0x1] =	stream.indirect_vreg.gather [hbm4b:s1+s2], $0x80, v4, vm0, $0xb8;
	[tilespmem:$0x10100] =	vst v63  }
0x59: {  	_ = 	snop  }
0x5a: {  	[tilespmem:s29], [sflag:$0x1] =	stream.indirect_vreg.gather [hbm4b:s1+s2], $0x80, v3, vm0, $0xb8;
	[tilespmem:$0x10100] =	vst v63  }
0x5b: {  	v3 =	vld [tilespmem:$0x60];
	_ =	sdelay $0x4  }
0x5c: {  	v54 =	vshll.u32 v3, $0x1  }
0x5d: {  	v3 =	vand.u32 $0x7, v3;
	v4 =	vand.u32 $0xFFFFFFF0, v54  }
0x5e: {  	v3 =	vor.u32 v3, v4  }
0x5f: {  	v4 =	vperm.xlane v3, v0;
	_ =	sdelay $0x1  }
0x60: {  	v3 =	vperm.xlane v3, v2;
	v4 =	vadd.s32 v1, v4;
	_ =	sdelay $0x1  }
0x61: {  	v3 =	vadd.s32 v1, v3;
	_ =	sdelay $0x2  }
0x62: {  	[tilespmem:s30], [sflag:$0x1] =	stream.indirect_vreg.gather [hbm4b:s1+s2], $0x80, v4, vm0, $0xb8;
	[tilespmem:$0x10100] =	vst v63  }
0x63: {  	_ = 	snop  }
0x64: {  	[tilespmem:s31], [sflag:$0x1] =	stream.indirect_vreg.gather [hbm4b:s1+s2], $0x80, v3, vm0, $0xb8;
	[tilespmem:$0x10100] =	vst v63  }
0x65: {  	v3 =	vld [tilespmem:$0x70];
	_ =	sdelay $0x4  }
0x66: {  	v55 =	vshll.u32 v3, $0x1  }
0x67: {  	v3 =	vand.u32 $0x7, v3;
	v4 =	vand.u32 $0xFFFFFFF0, v55  }
0x68: {  	v3 =	vor.u32 v3, v4  }
0x69: {  	v4 =	vperm.xlane v3, v0;
	_ =	sdelay $0x1  }
0x6a: {  	v3 =	vperm.xlane v3, v2;
	v4 =	vadd.s32 v1, v4;
	_ =	sdelay $0x1  }
0x6b: {  	v3 =	vadd.s32 v1, v3;
	_ =	sdelay $0x2  }
0x6c: {  	[tilespmem:s0], [sflag:$0x1] =	stream.indirect_vreg.gather [hbm4b:s1+s2], $0x80, v4, vm0, $0xb8;
	[tilespmem:$0x10100] =	vst v63  }
0x6d: {  	_ = 	snop  }
0x6e: {  	[tilespmem:s3], [sflag:$0x1] =	stream.indirect_vreg.gather [hbm4b:s1+s2], $0x80, v3, vm0, $0xb8;
	[tilespmem:$0x10100] =	vst v63  }
0x6f: {  	v3 =	vld [tilespmem:$0x80];
	_ =	sdelay $0x4  }
0x70: {  	v56 =	vshll.u32 v3, $0x1  }
0x71: {  	v3 =	vand.u32 $0x7, v3;
	v4 =	vand.u32 $0xFFFFFFF0, v56  }
0x72: {  	v3 =	vor.u32 v3, v4  }
0x73: {  	v4 =	vperm.xlane v3, v0;
	_ =	sdelay $0x1  }
0x74: {  	v3 =	vperm.xlane v3, v2;
	v4 =	vadd.s32 v1, v4;
	_ =	sdelay $0x1  }
0x75: {  	v3 =	vadd.s32 v1, v3;
	_ =	sdelay $0x2  }
0x76: {  	[tilespmem:s7], [sflag:$0x1] =	stream.indirect_vreg.gather [hbm4b:s1+s2], $0x80, v4, vm0, $0xb8;
	[tilespmem:$0x10100] =	vst v63  }
0x77: {  	_ = 	snop  }
0x78: {  	[tilespmem:s9], [sflag:$0x1] =	stream.indirect_vreg.gather [hbm4b:s1+s2], $0x80, v3, vm0, $0xb8;
	[tilespmem:$0x10100] =	vst v63  }
0x79: {  	v3 =	vld [tilespmem:$0x90];
	_ =	sdelay $0x4  }
0x7a: {  	v57 =	vshll.u32 v3, $0x1  }
0x7b: {  	v3 =	vand.u32 $0x7, v3;
	v4 =	vand.u32 $0xFFFFFFF0, v57  }
0x7c: {  	v3 =	vor.u32 v3, v4  }
0x7d: {  	v4 =	vperm.xlane v3, v0;
	_ =	sdelay $0x1  }
0x7e: {  	v3 =	vperm.xlane v3, v2;
	v4 =	vadd.s32 v1, v4;
	_ =	sdelay $0x1  }
0x7f: {  	v3 =	vadd.s32 v1, v3;
	_ =	sdelay $0x2  }
0x80: {  	[tilespmem:s10], [sflag:$0x1] =	stream.indirect_vreg.gather [hbm4b:s1+s2], $0x80, v4, vm0, $0xb8;
	[tilespmem:$0x10100] =	vst v63  }
0x81: {  	_ = 	snop  }
0x82: {  	[tilespmem:s11], [sflag:$0x1] =	stream.indirect_vreg.gather [hbm4b:s1+s2], $0x80, v3, vm0, $0xb8;
	[tilespmem:$0x10100] =	vst v63  }
0x83: {  	v3 =	vld [tilespmem:$0xA0];
	_ =	sdelay $0x4  }
0x84: {  	v58 =	vshll.u32 v3, $0x1  }
0x85: {  	v3 =	vand.u32 $0x7, v3;
	v4 =	vand.u32 $0xFFFFFFF0, v58  }
0x86: {  	v3 =	vor.u32 v3, v4  }
0x87: {  	v4 =	vperm.xlane v3, v0;
	_ =	sdelay $0x1  }
0x88: {  	v3 =	vperm.xlane v3, v2;
	v4 =	vadd.s32 v1, v4;
	_ =	sdelay $0x1  }
0x89: {  	v3 =	vadd.s32 v1, v3;
	_ =	sdelay $0x2  }
0x8a: {  	[tilespmem:s12], [sflag:$0x1] =	stream.indirect_vreg.gather [hbm4b:s1+s2], $0x80, v4, vm0, $0xb8;
	[tilespmem:$0x10100] =	vst v63  }
0x8b: {  	_ = 	snop  }
0x8c: {  	[tilespmem:s13], [sflag:$0x1] =	stream.indirect_vreg.gather [hbm4b:s1+s2], $0x80, v3, vm0, $0xb8;
	[tilespmem:$0x10100] =	vst v63  }
0x8d: {  	v3 =	vld [tilespmem:$0xB0];
	_ =	sdelay $0x4  }
0x8e: {  	v59 =	vshll.u32 v3, $0x1  }
0x8f: {  	v3 =	vand.u32 $0x7, v3;
	v4 =	vand.u32 $0xFFFFFFF0, v59  }
0x90: {  	v3 =	vor.u32 v3, v4  }
0x91: {  	v4 =	vperm.xlane v3, v0;
	_ =	sdelay $0x1  }
0x92: {  	v3 =	vperm.xlane v3, v2;
	v4 =	vadd.s32 v1, v4;
	_ =	sdelay $0x1  }
0x93: {  	v3 =	vadd.s32 v1, v3;
	_ =	sdelay $0x2  }
0x94: {  	[tilespmem:s14], [sflag:$0x1] =	stream.indirect_vreg.gather [hbm4b:s1+s2], $0x80, v4, vm0, $0xb8;
	[tilespmem:$0x10100] =	vst v63  }
0x95: {  	_ = 	snop  }
0x96: {  	[tilespmem:s18], [sflag:$0x1] =	stream.indirect_vreg.gather [hbm4b:s1+s2], $0x80, v3, vm0, $0xb8;
	[tilespmem:$0x10100] =	vst v63  }
0x97: {  	v3 =	vld [tilespmem:$0xC0];
	_ =	sdelay $0x4  }
0x98: {  	v60 =	vshll.u32 v3, $0x1  }
0x99: {  	v3 =	vand.u32 $0x7, v3;
	v4 =	vand.u32 $0xFFFFFFF0, v60  }
0x9a: {  	v3 =	vor.u32 v3, v4  }
0x9b: {  	v4 =	vperm.xlane v3, v0;
	_ =	sdelay $0x1  }
0x9c: {  	v3 =	vperm.xlane v3, v2;
	v4 =	vadd.s32 v1, v4;
	_ =	sdelay $0x1  }
0x9d: {  	v3 =	vadd.s32 v1, v3;
	_ =	sdelay $0x2  }
0x9e: {  	[tilespmem:s19], [sflag:$0x1] =	stream.indirect_vreg.gather [hbm4b:s1+s2], $0x80, v4, vm0, $0xb8;
	[tilespmem:$0x10100] =	vst v63  }
0x9f: {  	_ = 	snop  }
0xa0: {  	[tilespmem:s20], [sflag:$0x1] =	stream.indirect_vreg.gather [hbm4b:s1+s2], $0x80, v3, vm0, $0xb8;
	[tilespmem:$0x10100] =	vst v63  }
0xa1: {  	v3 =	vld [tilespmem:$0xD0];
	_ =	sdelay $0x4  }
0xa2: {  	v61 =	vshll.u32 v3, $0x1  }
0xa3: {  	v3 =	vand.u32 $0x7, v3;
	v4 =	vand.u32 $0xFFFFFFF0, v61  }
0xa4: {  	v3 =	vor.u32 v3, v4  }
0xa5: {  	v4 =	vperm.xlane v3, v0;
	_ =	sdelay $0x1  }
0xa6: {  	v3 =	vperm.xlane v3, v2;
	v4 =	vadd.s32 v1, v4;
	_ =	sdelay $0x1  }
0xa7: {  	v3 =	vadd.s32 v1, v3;
	_ =	sdelay $0x2  }
0xa8: {  	[tilespmem:s21], [sflag:$0x1] =	stream.indirect_vreg.gather [hbm4b:s1+s2], $0x80, v4, vm0, $0xb8;
	[tilespmem:$0x10100] =	vst v63  }
0xa9: {  	_ = 	snop  }
0xaa: {  	[tilespmem:s22], [sflag:$0x1] =	stream.indirect_vreg.gather [hbm4b:s1+s2], $0x80, v3, vm0, $0xb8;
	[tilespmem:$0x10100] =	vst v63  }
0xab: {  	v3 =	vld [tilespmem:$0xE0];
	_ =	sdelay $0x4  }
0xac: {  	v62 =	vshll.u32 v3, $0x1  }
0xad: {  	v3 =	vand.u32 $0x7, v3;
	v4 =	vand.u32 $0xFFFFFFF0, v62  }
0xae: {  	v3 =	vor.u32 v3, v4  }
0xaf: {  	v4 =	vperm.xlane v3, v0;
	_ =	sdelay $0x1  }
0xb0: {  	v3 =	vperm.xlane v3, v2;
	v4 =	vadd.s32 v1, v4;
	_ =	sdelay $0x1  }
0xb1: {  	v3 =	vadd.s32 v1, v3;
	_ =	sdelay $0x2  }
0xb2: {  	[tilespmem:s23], [sflag:$0x1] =	stream.indirect_vreg.gather [hbm4b:s1+s2], $0x80, v4, vm0, $0xb8;
	[tilespmem:$0x10100] =	vst v63  }
0xb3: {  	_ = 	snop  }
0xb4: {  	[tilespmem:s24], [sflag:$0x1] =	stream.indirect_vreg.gather [hbm4b:s1+s2], $0x80, v3, vm0, $0xb8;
	[tilespmem:$0x10100] =	vst v63  }
0xb5: {  	v3 =	vld [tilespmem:$0xF0];
	_ =	sdelay $0x4  }
0xb6: {  	v63 =	vshll.u32 v3, $0x1  }
0xb7: {  	v3 =	vand.u32 $0x7, v3;
	v4 =	vand.u32 $0xFFFFFFF0, v63  }
0xb8: {  	v3 =	vor.u32 v3, v4  }
0xb9: {  	v4 =	vperm.xlane v3, v0;
	_ =	sdelay $0x1  }
0xba: {  	v3 =	vperm.xlane v3, v2;
	v4 =	vadd.s32 v1, v4;
	_ =	sdelay $0x1  }
0xbb: {  	v3 =	vadd.s32 v1, v3;
	_ =	sdelay $0x2  }
0xbc: {  	[tilespmem:s25], [sflag:$0x1] =	stream.indirect_vreg.gather [hbm4b:s1+s2], $0x80, v4, vm0, $0xb8;
	[tilespmem:$0x10100] =	vst v63  }
0xbd: {  	_ = 	snop  }
0xbe: {  	[tilespmem:s26], [sflag:$0x1] =	stream.indirect_vreg.gather [hbm4b:s1+s2], $0x80, v3, vm0, $0xb8;
	[tilespmem:$0x10100] =	vst v63  }
0xbf: {  	_ =	swait.ge [sflag:s15], $0x10000  }
0xc0: {  	p1 =	por p0, p0;
	s16 =	sshll.u32 s16, $0x5;
	[sflag:s15] =	ssyncset.done $0x0  }
.Ltmp0:
0xc1: {  	s16 =	sadd.s32 s5, s16;
	[sflag:s15] =	ssyncadd.s32 $0xFFFF0000;
	(pc) =	sbr.rel @p1 .LBB2_2-.Ltmp0, $4  }
0xc2: {  	[hbm4b:s16+s2] =	stream.linear.scatter [tilespmem:s17], [sflag:$0x2], $0x10000, $0x38;
	[tilespmem:$0x10100] =	vst v63  }
0xc3: {  	_ =	swait.ge [sflag:s8], $0x10000  }
0xc4: {  	[sflag:s8] =	ssyncset.done $0x0  }
0xc5: {  	p0 =	por $0x0, $0x0;
	[sflag:s8] =	ssyncadd.s32 $0xFFFF0000  }
0xc6: {  	s0 =	rddreg [dreg:$0x4]  }
0xc7: {  	s16 =	rddreg [dreg:$0x3];
	s0 =	sadd.s32 $0x1, s0  }
0xc8: {  	p0 =	sne.s32 s0, s16  }
.Ltmp1:
0xc9: {  	_ = 	snop;
	(pc) =	sbr.rel @p0 .LBB2_1-.Ltmp1, $1  }
0xca: {  	_ =	sdelay $0x3  }
0xcb: {  	_ =	sfence.sel $0x180000  }
0xcc: {  	[bflag:$0x0] =	sbarrier.arrive $0xFFFF  }
0xcd: {  	_ =	strace $0x90000047  }
0xce: {  	s0 =	stileid.u32;
	[bflag:$0x2] =	sbarrier.arrive $0xFFFF  }
0xcf: {  	p0 =	sne.s32 s0, $0x0;
	s0 =	rddreg [dreg:$0x2]  }
0xd0: {  	s0 =	sadd.s32 @!p0 $0x100000, s0  }
0xd1: {  	[sflag:s0] =	ssyncadd.tile.s32 @!p0 $0x1;
	_ =	shalt  }
.Lfunc_end2:
_tile_overlayer_lowered:
.L_overlay_start_2:
0xd2: {  	(tag) =	ssettag $0x2  }
0xd3: {  	s0 =	rddreg [dreg:$0x0];
	s2 =	stileid.u32  }
0xd4: {  	s1 =	rddreg [dreg:$0x1];
	p0 =	sne.s32 s2, $0x0  }
0xd5: {  	s3 =	rddreg [dreg:$0x2];
	[bflag:$0x3] =	sbarrier.arrive $0xFFFF;
	s2 =	simm.s32 @!p0 $0x1C02  }
0xd6: {  	[timem:s3], [sflag:s2] =	dma.local @!p0 [hbm:s0], s1  }
0xd7: {  	s0 =	simm.s32 @!p0 $0x2  }
0xd8: {  	_ =	swait.ge @!p0 [sflag:s0], s1  }
0xd9: {  	s1 =	ssub.s32 @!p0 $0x0, s1;
	[sflag:s0] =	ssyncset.done @!p0 $0x0  }
0xda: {  	[sflag:s0] =	ssyncadd.s32 @!p0 s1  }
0xdb: {  	[bflag:$0x3] =	sbarrier.arrive $0xFFFF  }
0xdc: {  	_ =	shalt  }

</sc_bundles>
